<compile_context>
chip_gen: v7x
topology: tpu7x:2x2x1
jax: 0.10.2.dev20260603
libtpu: 0.0.44.dev20260713+nightly
codegen_flags: <defaults>
</compile_context>

<pallas_src>
import functools

import jax
import jax.numpy as jnp
from jax import lax
from jax.experimental import pallas as pl
from jax.experimental.pallas import tpu as pltpu
from jax.experimental.pallas import tpu_sc as plsc

N = 10000
E = 160000
F = 256
HALF = 128
NS = 16
CHUNK = 32
EDGES_PER_TILE = 10240
NCHUNK = EDGES_PER_TILE // CHUNK
EP = EDGES_PER_TILE * NS
JUNK_ROW = N
ACC_ROWS = 10112
ZROWS = ACC_ROWS // NS
CP = 80
NCP = N // CP
CP_ITERS = -(-NCP // NS)

RB = 2000
NRB = N // RB


def _mm1_body(x_ref, w_ref, o_ref):
    o_ref[...] = jax.lax.dot_general(
        x_ref[...], w_ref[...], (((1,), (0,)), ((), ())),
        precision=jax.lax.Precision.HIGHEST,
        preferred_element_type=jnp.float32)


def _tc_matmul1(x, W1):
    return pl.pallas_call(
        _mm1_body,
        grid=(NRB, 2),
        in_specs=[pl.BlockSpec((RB, F), lambda i, j: (i, 0)),
                  pl.BlockSpec((F, HALF), lambda i, j: (0, j))],
        out_specs=pl.BlockSpec((RB, HALF), lambda i, j: (j * NRB + i, 0)),
        out_shape=jax.ShapeDtypeStruct((2 * N, HALF), jnp.float32),
    )(x, W1)


def _mm2_body(a0_ref, a1_ref, w_ref, o_ref):
    a0 = jnp.maximum(a0_ref[...], 0.0)
    a1 = jnp.maximum(a1_ref[...], 0.0)
    dot = functools.partial(
        jax.lax.dot_general,
        dimension_numbers=(((1,), (0,)), ((), ())),
        precision=jax.lax.Precision.HIGHEST,
        preferred_element_type=jnp.float32)
    o_ref[...] = dot(a0, w_ref[:HALF, :]) + dot(a1, w_ref[HALF:, :])


def _tc_matmul2(agg, W2):
    return pl.pallas_call(
        _mm2_body,
        grid=(NRB, 2),
        in_specs=[pl.BlockSpec((RB, HALF), lambda i, j: (i, 0)),
                  pl.BlockSpec((RB, HALF), lambda i, j: (NRB + i, 0)),
                  pl.BlockSpec((F, HALF), lambda i, j: (0, j))],
        out_specs=pl.BlockSpec((RB, HALF), lambda i, j: (j * NRB + i, 0)),
        out_shape=jax.ShapeDtypeStruct((2 * N, HALF), jnp.float32),
    )(agg, agg, W2)


NBUF = 7
KA = NBUF - 1
CPR = 128 // CHUNK
IDXR = NCHUNK // CPR
NG = NCHUNK // NBUF
NTAIL = NCHUNK - NG * NBUF


def _make_sc_aggregate(strided_out: bool):
    mesh = plsc.VectorSubcoreMesh(core_axis_name="c", subcore_axis_name="s")
    out_shape = (N, F) if strided_out else (2 * N, HALF)

    @functools.partial(
        pl.kernel,
        out_type=jax.ShapeDtypeStruct(out_shape, jnp.float32),
        mesh=mesh,
        scratch_types=[
            pltpu.VMEM((IDXR, 128), jnp.int32),
            pltpu.VMEM((IDXR, 128), jnp.int32),
            pltpu.VMEM_SHARED((ACC_ROWS, HALF), jnp.float32),
        ] + [pltpu.VMEM((CHUNK, HALF), jnp.float32)] * NBUF
          + [pltpu.SemaphoreType.DMA] * (2 * NBUF),
    )
    def agg(h_hbm, src_hbm, dst_hbm, z_hbm, o_hbm, sidx, didx, acc, *bufs):
        rows = bufs[:NBUF]
        gsem = bufs[NBUF:2 * NBUF]
        ssem = bufs[2 * NBUF:]
        c = lax.axis_index("c")
        s = lax.axis_index("s")

        z0 = pltpu.async_copy(z_hbm.at[pl.ds(s * ZROWS, ZROWS)],
                              acc.at[pl.ds(s * ZROWS, ZROWS)], gsem[0])
        z1 = pltpu.async_copy(src_hbm.at[pl.ds((c * NS + s) * IDXR, IDXR)],
                              sidx, gsem[1])
        z2 = pltpu.async_copy(dst_hbm.at[pl.ds(s * IDXR, IDXR)], didx,
                              gsem[2])
        z0.wait()
        z1.wait()
        z2.wait()
        plsc.subcore_barrier()

        def gather_desc(b, cc):
            idx = sidx.at[cc // CPR, pl.ds((cc % CPR) * CHUNK, CHUNK)]
            return pltpu.make_async_copy(h_hbm.at[idx], rows[b], gsem[b])

        def scatter_desc(b, cc):
            idx = didx.at[cc // CPR, pl.ds((cc % CPR) * CHUNK, CHUNK)]
            return pltpu.make_async_copy(rows[b], acc.at[idx], ssem[b])

        for b in range(KA):
            gather_desc(b, b).start()

        @pl.loop(0, NG)
        def _(g):
            for b in range(NBUF):
                cc = g * NBUF + b
                gather_desc(b, cc).wait()
                scatter_desc(b, cc).start(add=True)

                def _drain(b=b, cc=cc):
                    scatter_desc((b - 1) % NBUF, cc - 1).wait()

                if b >= 1:
                    _drain()
                else:
                    pl.when(g >= 1)(_drain)

                @pl.when(cc + KA < NCHUNK)
                def _():
                    gather_desc((b + KA) % NBUF, cc + KA).start()

        for t in range(NTAIL):
            cc = NG * NBUF + t
            gather_desc(cc % NBUF, cc).wait()
            scatter_desc(cc % NBUF, cc).start(add=True)
            scatter_desc((cc - 1) % NBUF, cc - 1).wait()
        scatter_desc((NCHUNK - 1) % NBUF, NCHUNK - 1).wait()
        plsc.subcore_barrier()

        def out_desc(q):
            r0 = q * CP
            if strided_out:
                return pltpu.make_async_copy(
                    acc.at[pl.ds(r0, CP)],
                    o_hbm.at[pl.ds(r0, CP), pl.ds(c * HALF, HALF)], gsem[0])
            return pltpu.make_async_copy(
                acc.at[pl.ds(r0, CP)], o_hbm.at[pl.ds(c * N + r0, CP)],
                gsem[0])

        @pl.loop(0, CP_ITERS)
        def _(j):
            q = s + NS * j

            @pl.when(q < NCP)
            def _():
                out_desc(q).start()

        @pl.loop(0, CP_ITERS)
        def _(j):
            q = s + NS * j

            @pl.when(q < NCP)
            def _():
                out_desc(q).wait()

    return agg


_sc_agg_mid = _make_sc_aggregate(strided_out=False)
_sc_agg_out = _make_sc_aggregate(strided_out=True)


def kernel(x, edge_index, W1, W2):
    ei = edge_index.astype(jnp.int32)
    src = ei[0]
    dst = ei[1]
    pad = EP - E
    src_p = jnp.concatenate([src, jnp.zeros((pad,), jnp.int32)])
    dst_p = jnp.concatenate([dst, jnp.full((pad,), JUNK_ROW, jnp.int32)])
    src2 = jnp.concatenate([src_p, src_p + N]).reshape(2 * NS * IDXR, 128)
    dst_p = dst_p.reshape(NS * IDXR, 128)
    zeros_acc = jnp.zeros((ACC_ROWS, HALF), jnp.float32)

    h1 = _tc_matmul1(x.astype(jnp.float32), W1)
    agg1 = _sc_agg_mid(h1, src2, dst_p, zeros_acc)
    h2 = _tc_matmul2(agg1, W2)
    out = _sc_agg_out(h2, src2, dst_p, zeros_acc)
    return out

# --- scband reference (transcript-rebuilt; emitter-appended) ---
"""Pipeline reference for scband-net-link-48086453846026 (READ-ONLY COPY).

The authoritative reference and input builder live on the scoring server;
editing this copy changes nothing except your own understanding.
"""

import jax, jax.numpy as jnp
import numpy as np

N_NODES = 10000
N_EDGES = 160000
NFEAT = 256
NHID = 256


def _gcn_conv(x, W, edge_index):
    # x @ W followed by sum-aggregation of source-node messages at destination nodes
    h = x @ W
    src = edge_index[0]
    dst = edge_index[1]
    msgs = h[src]
    out = jnp.zeros_like(h).at[dst].add(msgs)
    return out


def setup_inputs(seed: int = 0) -> dict:
    key = jax.random.key(seed)
    k_x, k_ei, k_w1, k_w2 = jax.random.split(key, 4)
    x = jax.random.normal(k_x, (N_NODES, NFEAT), dtype=jnp.float32)
    edge_index = jax.random.randint(k_ei, (2, N_EDGES), 0, N_NODES, dtype=jnp.int64)
    stdv1 = 1.0 / np.sqrt(NHID)
    W1 = jax.random.uniform(k_w1, (NFEAT, NHID), minval=-stdv1, maxval=stdv1, dtype=jnp.float32)
    stdv2 = 1.0 / np.sqrt(NHID)
    W2 = jax.random.uniform(k_w2, (NHID, NHID), minval=-stdv2, maxval=stdv2, dtype=jnp.float32)
    return {"x": x, "edge_index": edge_index, "W1": W1, "W2": W2}


def reference(x, edge_index, W1, W2):
    # Net_link.encode: conv1 -> relu -> conv2
    h = _gcn_conv(x.astype(jnp.float32), W1, edge_index)
    h = jax.nn.relu(h)
    out = _gcn_conv(h, W2, edge_index)
    return out

if __name__ == "__main__":
    import jax
    _d = setup_inputs()
    print(jax.jit(kernel)(*tuple(_d.values())))

</pallas_src>

<mosaic_0001>
#map = affine_map<(d0, d1) -> (0, 0)>
module attributes {stable_mosaic.version = 14 : i64} {
  func.func @agg(%arg0: i32, %arg1: i32, %arg2: memref<20000x128xf32, #tpu.memory_space<hbm>>, %arg3: memref<2560x128xi32, #tpu.memory_space<hbm>>, %arg4: memref<1280x128xi32, #tpu.memory_space<hbm>>, %arg5: memref<10112x128xf32, #tpu.memory_space<hbm>>, %arg6: memref<20000x128xf32, #tpu.memory_space<hbm>>, %arg7: memref<80x128xi32, #tpu.memory_space<vmem>>, %arg8: memref<80x128xi32, #tpu.memory_space<vmem>>, %arg9: memref<10112x128xf32, #tpu.memory_space<vmem_shared>>, %arg10: memref<32x128xf32, #tpu.memory_space<vmem>>, %arg11: memref<32x128xf32, #tpu.memory_space<vmem>>, %arg12: memref<32x128xf32, #tpu.memory_space<vmem>>, %arg13: memref<32x128xf32, #tpu.memory_space<vmem>>, %arg14: memref<32x128xf32, #tpu.memory_space<vmem>>, %arg15: memref<32x128xf32, #tpu.memory_space<vmem>>, %arg16: memref<32x128xf32, #tpu.memory_space<vmem>>, %arg17: memref<!tpu.dma_semaphore, #tpu.memory_space<semaphore_mem>>, %arg18: memref<!tpu.dma_semaphore, #tpu.memory_space<semaphore_mem>>, %arg19: memref<!tpu.dma_semaphore, #tpu.memory_space<semaphore_mem>>, %arg20: memref<!tpu.dma_semaphore, #tpu.memory_space<semaphore_mem>>, %arg21: memref<!tpu.dma_semaphore, #tpu.memory_space<semaphore_mem>>, %arg22: memref<!tpu.dma_semaphore, #tpu.memory_space<semaphore_mem>>, %arg23: memref<!tpu.dma_semaphore, #tpu.memory_space<semaphore_mem>>, %arg24: memref<!tpu.dma_semaphore, #tpu.memory_space<semaphore_mem>>, %arg25: memref<!tpu.dma_semaphore, #tpu.memory_space<semaphore_mem>>, %arg26: memref<!tpu.dma_semaphore, #tpu.memory_space<semaphore_mem>>, %arg27: memref<!tpu.dma_semaphore, #tpu.memory_space<semaphore_mem>>, %arg28: memref<!tpu.dma_semaphore, #tpu.memory_space<semaphore_mem>>, %arg29: memref<!tpu.dma_semaphore, #tpu.memory_space<semaphore_mem>>, %arg30: memref<!tpu.dma_semaphore, #tpu.memory_space<semaphore_mem>>) attributes {dimension_semantics = [#tpu.dimension_semantics<core_parallel>, #tpu.dimension_semantics<subcore_parallel>], iteration_bounds = array<i64: 2, 16>, scalar_prefetch = 0 : i64, scratch_operands = 24 : i64, tpu.core_type = #tpu.core_type<sc_vector_subcore>, window_params = [{transform_indices = #map}, {transform_indices = #map}, {transform_indices = #map}, {transform_indices = #map}, {transform_indices = #map}]} {
    %mul3A = arith.constant 632 : i32
    %mul3A_0 = arith.muli %arg1, %mul3A : i32
    %mul3A_1 = arith.constant 632 : i32
    %mul3A_2 = arith.muli %arg1, %mul3A_1 : i32
    %dma_start3A = arith.constant 0 : i32
    %dma_start3A_3 = tpu.memref_slice %arg9[%mul3A_2, %dma_start3A] : memref<10112x128xf32, #tpu.memory_space<vmem_shared>> -> memref<632x128xf32, #tpu.memory_space<vmem_shared>>
    %dma_start3A_4 = arith.constant 0 : i32
    %dma_start3A_5 = tpu.memref_slice %arg5[%mul3A_0, %dma_start3A_4] : memref<10112x128xf32, #tpu.memory_space<hbm>> -> memref<632x128xf32, #tpu.memory_space<hbm>>
    tpu.enqueue_dma source(%dma_start3A_5 : memref<632x128xf32, #tpu.memory_space<hbm>>) target(%dma_start3A_3 : memref<632x128xf32, #tpu.memory_space<vmem_shared>>) target_semaphore(%arg17 : memref<!tpu.dma_semaphore, #tpu.memory_space<semaphore_mem>>)
    %mul3A_6 = arith.constant 16 : i32
    %mul3A_7 = arith.muli %arg0, %mul3A_6 : i32
    %add3A = arith.addi %mul3A_7, %arg1 : i32
    %mul3A_8 = arith.constant 80 : i32
    %mul3A_9 = arith.muli %add3A, %mul3A_8 : i32
    %dma_start3A_10 = arith.constant 0 : i32
    %dma_start3A_11 = tpu.memref_slice %arg3[%mul3A_9, %dma_start3A_10] : memref<2560x128xi32, #tpu.memory_space<hbm>> -> memref<80x128xi32, #tpu.memory_space<hbm>>
    %dma_start3A_12 = arith.constant 0 : i32
    %dma_start3A_13 = tpu.memref_slice %arg3[%mul3A_9, %dma_start3A_12] : memref<2560x128xi32, #tpu.memory_space<hbm>> -> memref<80x128xi32, #tpu.memory_space<hbm>>
    tpu.enqueue_dma source(%dma_start3A_13 : memref<80x128xi32, #tpu.memory_space<hbm>>) target(%arg7 : memref<80x128xi32, #tpu.memory_space<vmem>>) target_semaphore(%arg18 : memref<!tpu.dma_semaphore, #tpu.memory_space<semaphore_mem>>)
    %mul3A_14 = arith.constant 80 : i32
    %mul3A_15 = arith.muli %arg1, %mul3A_14 : i32
    %dma_start3A_16 = arith.constant 0 : i32
    %dma_start3A_17 = tpu.memref_slice %arg4[%mul3A_15, %dma_start3A_16] : memref<1280x128xi32, #tpu.memory_space<hbm>> -> memref<80x128xi32, #tpu.memory_space<hbm>>
    %dma_start3A_18 = arith.constant 0 : i32
    %dma_start3A_19 = tpu.memref_slice %arg4[%mul3A_15, %dma_start3A_18] : memref<1280x128xi32, #tpu.memory_space<hbm>> -> memref<80x128xi32, #tpu.memory_space<hbm>>
    tpu.enqueue_dma source(%dma_start3A_19 : memref<80x128xi32, #tpu.memory_space<hbm>>) target(%arg8 : memref<80x128xi32, #tpu.memory_space<vmem>>) target_semaphore(%arg19 : memref<!tpu.dma_semaphore, #tpu.memory_space<semaphore_mem>>)
    %dma_wait3A = arith.constant 0 : i32
    %dma_wait3A_20 = tpu.memref_slice %arg9[%mul3A_2, %dma_wait3A] : memref<10112x128xf32, #tpu.memory_space<vmem_shared>> -> memref<632x128xf32, #tpu.memory_space<vmem_shared>>
    %dma_wait3A_21 = arith.constant 0 : i32
    %dma_wait3A_22 = tpu.memref_slice %arg5[%mul3A_0, %dma_wait3A_21] : memref<10112x128xf32, #tpu.memory_space<hbm>> -> memref<632x128xf32, #tpu.memory_space<hbm>>
    tpu.wait_dma2 semaphore(%arg17 : memref<!tpu.dma_semaphore, #tpu.memory_space<semaphore_mem>>) src(%dma_wait3A_22 : memref<632x128xf32, #tpu.memory_space<hbm>>) dst(%dma_wait3A_20 : memref<632x128xf32, #tpu.memory_space<vmem_shared>>)
    %dma_wait3A_23 = arith.constant 0 : i32
    %dma_wait3A_24 = tpu.memref_slice %arg3[%mul3A_9, %dma_wait3A_23] : memref<2560x128xi32, #tpu.memory_space<hbm>> -> memref<80x128xi32, #tpu.memory_space<hbm>>
    %dma_wait3A_25 = arith.constant 0 : i32
    %dma_wait3A_26 = tpu.memref_slice %arg3[%mul3A_9, %dma_wait3A_25] : memref<2560x128xi32, #tpu.memory_space<hbm>> -> memref<80x128xi32, #tpu.memory_space<hbm>>
    tpu.wait_dma2 semaphore(%arg18 : memref<!tpu.dma_semaphore, #tpu.memory_space<semaphore_mem>>) src(%dma_wait3A_26 : memref<80x128xi32, #tpu.memory_space<hbm>>) dst(%arg7 : memref<80x128xi32, #tpu.memory_space<vmem>>)
    %dma_wait3A_27 = arith.constant 0 : i32
    %dma_wait3A_28 = tpu.memref_slice %arg4[%mul3A_15, %dma_wait3A_27] : memref<1280x128xi32, #tpu.memory_space<hbm>> -> memref<80x128xi32, #tpu.memory_space<hbm>>
    %dma_wait3A_29 = arith.constant 0 : i32
    %dma_wait3A_30 = tpu.memref_slice %arg4[%mul3A_15, %dma_wait3A_29] : memref<1280x128xi32, #tpu.memory_space<hbm>> -> memref<80x128xi32, #tpu.memory_space<hbm>>
    tpu.wait_dma2 semaphore(%arg19 : memref<!tpu.dma_semaphore, #tpu.memory_space<semaphore_mem>>) src(%dma_wait3A_30 : memref<80x128xi32, #tpu.memory_space<hbm>>) dst(%arg8 : memref<80x128xi32, #tpu.memory_space<vmem>>)
    %barrier3A = arith.constant 0 : index
    tpu.barrier barrier_id(%barrier3A)
    %dma_start3A_31 = arith.constant 0 : i32
    %dma_start3A_32 = arith.constant 0 : i32
    %dma_start3A_33 = tpu.memref_slice %arg7[%dma_start3A_31, %dma_start3A_32] : memref<80x128xi32, #tpu.memory_space<vmem>> -> memref<1x32xi32, #tpu.memory_space<vmem>>
    %dma_start3A_34 = tpu.memref_squeeze %dma_start3A_33 : memref<1x32xi32, #tpu.memory_space<vmem>> -> memref<32xi32, #tpu.memory_space<vmem>>
    %dma_start3A_35 = arith.constant 0 : i32
    %dma_start3A_36 = arith.constant 0 : i32
    %dma_start3A_37 = tpu.memref_slice %arg2[%dma_start3A_35, %dma_start3A_36] : memref<20000x128xf32, #tpu.memory_space<hbm>> -> memref<20000x128xf32, #tpu.memory_space<hbm>>
    tpu.enqueue_indirect_dma source(%dma_start3A_37 : memref<20000x128xf32, #tpu.memory_space<hbm>>) target(%arg10 : memref<32x128xf32, #tpu.memory_space<vmem>>) offsets(%dma_start3A_34 : memref<32xi32, #tpu.memory_space<vmem>>) semaphore(%arg17 : memref<!tpu.dma_semaphore, #tpu.memory_space<semaphore_mem>>)
    %dma_start3A_38 = arith.constant 0 : i32
    %dma_start3A_39 = arith.constant 32 : i32
    %dma_start3A_40 = tpu.memref_slice %arg7[%dma_start3A_38, %dma_start3A_39] : memref<80x128xi32, #tpu.memory_space<vmem>> -> memref<1x32xi32, #tpu.memory_space<vmem>>
    %dma_start3A_41 = tpu.memref_squeeze %dma_start3A_40 : memref<1x32xi32, #tpu.memory_space<vmem>> -> memref<32xi32, #tpu.memory_space<vmem>>
    %dma_start3A_42 = arith.constant 0 : i32
    %dma_start3A_43 = arith.constant 0 : i32
    %dma_start3A_44 = tpu.memref_slice %arg2[%dma_start3A_42, %dma_start3A_43] : memref<20000x128xf32, #tpu.memory_space<hbm>> -> memref<20000x128xf32, #tpu.memory_space<hbm>>
    tpu.enqueue_indirect_dma source(%dma_start3A_44 : memref<20000x128xf32, #tpu.memory_space<hbm>>) target(%arg11 : memref<32x128xf32, #tpu.memory_space<vmem>>) offsets(%dma_start3A_41 : memref<32xi32, #tpu.memory_space<vmem>>) semaphore(%arg18 : memref<!tpu.dma_semaphore, #tpu.memory_space<semaphore_mem>>)
    %dma_start3A_45 = arith.constant 0 : i32
    %dma_start3A_46 = arith.constant 64 : i32
    %dma_start3A_47 = tpu.memref_slice %arg7[%dma_start3A_45, %dma_start3A_46] : memref<80x128xi32, #tpu.memory_space<vmem>> -> memref<1x32xi32, #tpu.memory_space<vmem>>
    %dma_start3A_48 = tpu.memref_squeeze %dma_start3A_47 : memref<1x32xi32, #tpu.memory_space<vmem>> -> memref<32xi32, #tpu.memory_space<vmem>>
    %dma_start3A_49 = arith.constant 0 : i32
    %dma_start3A_50 = arith.constant 0 : i32
    %dma_start3A_51 = tpu.memref_slice %arg2[%dma_start3A_49, %dma_start3A_50] : memref<20000x128xf32, #tpu.memory_space<hbm>> -> memref<20000x128xf32, #tpu.memory_space<hbm>>
    tpu.enqueue_indirect_dma source(%dma_start3A_51 : memref<20000x128xf32, #tpu.memory_space<hbm>>) target(%arg12 : memref<32x128xf32, #tpu.memory_space<vmem>>) offsets(%dma_start3A_48 : memref<32xi32, #tpu.memory_space<vmem>>) semaphore(%arg19 : memref<!tpu.dma_semaphore, #tpu.memory_space<semaphore_mem>>)
    %dma_start3A_52 = arith.constant 0 : i32
    %dma_start3A_53 = arith.constant 96 : i32
    %dma_start3A_54 = tpu.memref_slice %arg7[%dma_start3A_52, %dma_start3A_53] : memref<80x128xi32, #tpu.memory_space<vmem>> -> memref<1x32xi32, #tpu.memory_space<vmem>>
    %dma_start3A_55 = tpu.memref_squeeze %dma_start3A_54 : memref<1x32xi32, #tpu.memory_space<vmem>> -> memref<32xi32, #tpu.memory_space<vmem>>
    %dma_start3A_56 = arith.constant 0 : i32
    %dma_start3A_57 = arith.constant 0 : i32
    %dma_start3A_58 = tpu.memref_slice %arg2[%dma_start3A_56, %dma_start3A_57] : memref<20000x128xf32, #tpu.memory_space<hbm>> -> memref<20000x128xf32, #tpu.memory_space<hbm>>
    tpu.enqueue_indirect_dma source(%dma_start3A_58 : memref<20000x128xf32, #tpu.memory_space<hbm>>) target(%arg13 : memref<32x128xf32, #tpu.memory_space<vmem>>) offsets(%dma_start3A_55 : memref<32xi32, #tpu.memory_space<vmem>>) semaphore(%arg20 : memref<!tpu.dma_semaphore, #tpu.memory_space<semaphore_mem>>)
    %dma_start3A_59 = arith.constant 1 : i32
    %dma_start3A_60 = arith.constant 0 : i32
    %dma_start3A_61 = tpu.memref_slice %arg7[%dma_start3A_59, %dma_start3A_60] : memref<80x128xi32, #tpu.memory_space<vmem>> -> memref<1x32xi32, #tpu.memory_space<vmem>>
    %dma_start3A_62 = tpu.memref_squeeze %dma_start3A_61 : memref<1x32xi32, #tpu.memory_space<vmem>> -> memref<32xi32, #tpu.memory_space<vmem>>
    %dma_start3A_63 = arith.constant 0 : i32
    %dma_start3A_64 = arith.constant 0 : i32
    %dma_start3A_65 = tpu.memref_slice %arg2[%dma_start3A_63, %dma_start3A_64] : memref<20000x128xf32, #tpu.memory_space<hbm>> -> memref<20000x128xf32, #tpu.memory_space<hbm>>
    tpu.enqueue_indirect_dma source(%dma_start3A_65 : memref<20000x128xf32, #tpu.memory_space<hbm>>) target(%arg14 : memref<32x128xf32, #tpu.memory_space<vmem>>) offsets(%dma_start3A_62 : memref<32xi32, #tpu.memory_space<vmem>>) semaphore(%arg21 : memref<!tpu.dma_semaphore, #tpu.memory_space<semaphore_mem>>)
    %dma_start3A_66 = arith.constant 1 : i32
    %dma_start3A_67 = arith.constant 32 : i32
    %dma_start3A_68 = tpu.memref_slice %arg7[%dma_start3A_66, %dma_start3A_67] : memref<80x128xi32, #tpu.memory_space<vmem>> -> memref<1x32xi32, #tpu.memory_space<vmem>>
    %dma_start3A_69 = tpu.memref_squeeze %dma_start3A_68 : memref<1x32xi32, #tpu.memory_space<vmem>> -> memref<32xi32, #tpu.memory_space<vmem>>
    %dma_start3A_70 = arith.constant 0 : i32
    %dma_start3A_71 = arith.constant 0 : i32
    %dma_start3A_72 = tpu.memref_slice %arg2[%dma_start3A_70, %dma_start3A_71] : memref<20000x128xf32, #tpu.memory_space<hbm>> -> memref<20000x128xf32, #tpu.memory_space<hbm>>
    tpu.enqueue_indirect_dma source(%dma_start3A_72 : memref<20000x128xf32, #tpu.memory_space<hbm>>) target(%arg15 : memref<32x128xf32, #tpu.memory_space<vmem>>) offsets(%dma_start3A_69 : memref<32xi32, #tpu.memory_space<vmem>>) semaphore(%arg22 : memref<!tpu.dma_semaphore, #tpu.memory_space<semaphore_mem>>)
    %scan3A = arith.constant 0 : i32
    %scan3A_73 = arith.constant 45 : i32
    %scan3A_74 = arith.addi %scan3A, %scan3A_73 : i32
    %scan3A_75 = arith.constant 1 : i32
    scf.for %scan3A_200 = %scan3A to %scan3A_74 step %scan3A_75  : i32 {
      %mul3A_201 = arith.constant 1 : i32
      %mul3A_202 = arith.muli %scan3A_200, %mul3A_201 : i32
      %add3A_203 = arith.constant 0 : i32
      %add3A_204 = arith.addi %add3A_203, %mul3A_202 : i32
      %mul3A_205 = arith.constant 7 : i32
      %mul3A_206 = arith.muli %add3A_204, %mul3A_205 : i32
      %add3A_207 = arith.constant 0 : i32
      %add3A_208 = arith.addi %mul3A_206, %add3A_207 : i32
      %jit3A = arith.constant 4 : i32
      %div3A = arith.divsi %add3A_208, %jit3A : i32
      %sign3A = arith.constant 0 : i32
      %sign3A_209 = arith.cmpi sgt, %add3A_208, %sign3A : i32
      %sign3A_210 = arith.extui %sign3A_209 : i1 to i32
      %sign3A_211 = arith.constant 0 : i32
      %sign3A_212 = arith.cmpi slt, %add3A_208, %sign3A_211 : i32
      %sign3A_213 = arith.extui %sign3A_212 : i1 to i32
      %sign3A_214 = arith.subi %sign3A_210, %sign3A_213 : i32
      %sign3A_215 = arith.constant 0 : i32
      %sign3A_216 = arith.cmpi sgt, %jit3A, %sign3A_215 : i32
      %sign3A_217 = arith.extui %sign3A_216 : i1 to i32
      %sign3A_218 = arith.constant 0 : i32
      %sign3A_219 = arith.cmpi slt, %jit3A, %sign3A_218 : i32
      %sign3A_220 = arith.extui %sign3A_219 : i1 to i32
      %sign3A_221 = arith.subi %sign3A_217, %sign3A_220 : i32
      %ne3A = arith.cmpi ne, %sign3A_214, %sign3A_221 : i32
      %rem3A = arith.remsi %add3A_208, %jit3A : i32
      %ne3A_222 = arith.constant 0 : i32
      %ne3A_223 = arith.cmpi ne, %rem3A, %ne3A_222 : i32
      %and3A = arith.andi %ne3A, %ne3A_223 : i1
      %sub3A = arith.constant 1 : i32
      %sub3A_224 = arith.subi %div3A, %sub3A : i32
      %select_n3A = arith.select %and3A, %sub3A_224, %div3A : i32
      %jit3A_225 = arith.constant 4 : i32
      %eq3A = arith.constant 0 : i32
      %eq3A_226 = arith.cmpi eq, %jit3A_225, %eq3A : i32
      %jit3A_227 = arith.constant 1 : i32
      %select_n3A_228 = arith.select %eq3A_226, %jit3A_227, %jit3A_225 : i32
      %rem3A_229 = arith.remsi %add3A_208, %select_n3A_228 : i32
      %ne3A_230 = arith.constant 0 : i32
      %ne3A_231 = arith.cmpi ne, %rem3A_229, %ne3A_230 : i32
      %lt3A = arith.constant 0 : i32
      %lt3A_232 = arith.cmpi slt, %rem3A_229, %lt3A : i32
      %lt3A_233 = arith.constant 0 : i32
      %lt3A_234 = arith.cmpi slt, %select_n3A_228, %lt3A_233 : i32
      %ne3A_235 = arith.xori %lt3A_232, %lt3A_234 : i1
      %and3A_236 = arith.andi %ne3A_235, %ne3A_231 : i1
      %add3A_237 = arith.addi %rem3A_229, %select_n3A_228 : i32
      %select_n3A_238 = arith.select %and3A_236, %add3A_237, %rem3A_229 : i32
      %mul3A_239 = arith.constant 32 : i32
      %mul3A_240 = arith.muli %select_n3A_238, %mul3A_239 : i32
      %dma_wait3A_241 = tpu.memref_slice %arg7[%select_n3A, %mul3A_240] : memref<80x128xi32, #tpu.memory_space<vmem>> -> memref<1x32xi32, #tpu.memory_space<vmem>>
      %dma_wait3A_242 = tpu.memref_squeeze %dma_wait3A_241 : memref<1x32xi32, #tpu.memory_space<vmem>> -> memref<32xi32, #tpu.memory_space<vmem>>
      %dma_wait3A_243 = arith.constant 0 : i32
      %dma_wait3A_244 = arith.constant 0 : i32
      %dma_wait3A_245 = tpu.memref_slice %arg2[%dma_wait3A_243, %dma_wait3A_244] : memref<20000x128xf32, #tpu.memory_space<hbm>> -> memref<20000x128xf32, #tpu.memory_space<hbm>>
      tpu.wait_indirect_dma semaphore(%arg17 : memref<!tpu.dma_semaphore, #tpu.memory_space<semaphore_mem>>) src(%dma_wait3A_245 : memref<20000x128xf32, #tpu.memory_space<hbm>>) dst(%arg10 : memref<32x128xf32, #tpu.memory_space<vmem>>)
      %jit3A_246 = arith.constant 4 : i32
      %div3A_247 = arith.divsi %add3A_208, %jit3A_246 : i32
      %sign3A_248 = arith.constant 0 : i32
      %sign3A_249 = arith.cmpi sgt, %add3A_208, %sign3A_248 : i32
      %sign3A_250 = arith.extui %sign3A_249 : i1 to i32
      %sign3A_251 = arith.constant 0 : i32
      %sign3A_252 = arith.cmpi slt, %add3A_208, %sign3A_251 : i32
      %sign3A_253 = arith.extui %sign3A_252 : i1 to i32
      %sign3A_254 = arith.subi %sign3A_250, %sign3A_253 : i32
      %sign3A_255 = arith.constant 0 : i32
      %sign3A_256 = arith.cmpi sgt, %jit3A_246, %sign3A_255 : i32
      %sign3A_257 = arith.extui %sign3A_256 : i1 to i32
      %sign3A_258 = arith.constant 0 : i32
      %sign3A_259 = arith.cmpi slt, %jit3A_246, %sign3A_258 : i32
      %sign3A_260 = arith.extui %sign3A_259 : i1 to i32
      %sign3A_261 = arith.subi %sign3A_257, %sign3A_260 : i32
      %ne3A_262 = arith.cmpi ne, %sign3A_254, %sign3A_261 : i32
      %rem3A_263 = arith.remsi %add3A_208, %jit3A_246 : i32
      %ne3A_264 = arith.constant 0 : i32
      %ne3A_265 = arith.cmpi ne, %rem3A_263, %ne3A_264 : i32
      %and3A_266 = arith.andi %ne3A_262, %ne3A_265 : i1
      %sub3A_267 = arith.constant 1 : i32
      %sub3A_268 = arith.subi %div3A_247, %sub3A_267 : i32
      %select_n3A_269 = arith.select %and3A_266, %sub3A_268, %div3A_247 : i32
      %jit3A_270 = arith.constant 4 : i32
      %eq3A_271 = arith.constant 0 : i32
      %eq3A_272 = arith.cmpi eq, %jit3A_270, %eq3A_271 : i32
      %jit3A_273 = arith.constant 1 : i32
      %select_n3A_274 = arith.select %eq3A_272, %jit3A_273, %jit3A_270 : i32
      %rem3A_275 = arith.remsi %add3A_208, %select_n3A_274 : i32
      %ne3A_276 = arith.constant 0 : i32
      %ne3A_277 = arith.cmpi ne, %rem3A_275, %ne3A_276 : i32
      %lt3A_278 = arith.constant 0 : i32
      %lt3A_279 = arith.cmpi slt, %rem3A_275, %lt3A_278 : i32
      %lt3A_280 = arith.constant 0 : i32
      %lt3A_281 = arith.cmpi slt, %select_n3A_274, %lt3A_280 : i32
      %ne3A_282 = arith.xori %lt3A_279, %lt3A_281 : i1
      %and3A_283 = arith.andi %ne3A_282, %ne3A_277 : i1
      %add3A_284 = arith.addi %rem3A_275, %select_n3A_274 : i32
      %select_n3A_285 = arith.select %and3A_283, %add3A_284, %rem3A_275 : i32
      %mul3A_286 = arith.constant 32 : i32
      %mul3A_287 = arith.muli %select_n3A_285, %mul3A_286 : i32
      %dma_start3A_288 = tpu.memref_slice %arg8[%select_n3A_269, %mul3A_287] : memref<80x128xi32, #tpu.memory_space<vmem>> -> memref<1x32xi32, #tpu.memory_space<vmem>>
      %dma_start3A_289 = tpu.memref_squeeze %dma_start3A_288 : memref<1x32xi32, #tpu.memory_space<vmem>> -> memref<32xi32, #tpu.memory_space<vmem>>
      %dma_start3A_290 = arith.constant 0 : i32
      %dma_start3A_291 = arith.constant 0 : i32
      %dma_start3A_292 = tpu.memref_slice %arg9[%dma_start3A_290, %dma_start3A_291] : memref<10112x128xf32, #tpu.memory_space<vmem_shared>> -> memref<10112x128xf32, #tpu.memory_space<vmem_shared>>
      tpu.enqueue_indirect_dma source(%arg10 : memref<32x128xf32, #tpu.memory_space<vmem>>) target(%dma_start3A_292 : memref<10112x128xf32, #tpu.memory_space<vmem_shared>>) offsets(%dma_start3A_289 : memref<32xi32, #tpu.memory_space<vmem>>) semaphore(%arg24 : memref<!tpu.dma_semaphore, #tpu.memory_space<semaphore_mem>>) {add = true}
      %ge3A = arith.constant 1 : i32
      %ge3A_293 = arith.cmpi sge, %add3A_204, %ge3A : i32
      %convert_element_type3A = arith.extui %ge3A_293 : i1 to i32
      %cond3A = arith.constant 0 : i32
      %cond3A_294 = arith.cmpi ne, %convert_element_type3A, %cond3A : i32
      scf.if %cond3A_294 {
        %sub3A_1226 = arith.constant 1 : i32
        %sub3A_1227 = arith.subi %add3A_208, %sub3A_1226 : i32
        %jit3A_1228 = arith.constant 4 : i32
        %div3A_1229 = arith.divsi %sub3A_1227, %jit3A_1228 : i32
        %sign3A_1230 = arith.constant 0 : i32
        %sign3A_1231 = arith.cmpi sgt, %sub3A_1227, %sign3A_1230 : i32
        %sign3A_1232 = arith.extui %sign3A_1231 : i1 to i32
        %sign3A_1233 = arith.constant 0 : i32
        %sign3A_1234 = arith.cmpi slt, %sub3A_1227, %sign3A_1233 : i32
        %sign3A_1235 = arith.extui %sign3A_1234 : i1 to i32
        %sign3A_1236 = arith.subi %sign3A_1232, %sign3A_1235 : i32
        %sign3A_1237 = arith.constant 0 : i32
        %sign3A_1238 = arith.cmpi sgt, %jit3A_1228, %sign3A_1237 : i32
        %sign3A_1239 = arith.extui %sign3A_1238 : i1 to i32
        %sign3A_1240 = arith.constant 0 : i32
        %sign3A_1241 = arith.cmpi slt, %jit3A_1228, %sign3A_1240 : i32
        %sign3A_1242 = arith.extui %sign3A_1241 : i1 to i32
        %sign3A_1243 = arith.subi %sign3A_1239, %sign3A_1242 : i32
        %ne3A_1244 = arith.cmpi ne, %sign3A_1236, %sign3A_1243 : i32
        %rem3A_1245 = arith.remsi %sub3A_1227, %jit3A_1228 : i32
        %ne3A_1246 = arith.constant 0 : i32
        %ne3A_1247 = arith.cmpi ne, %rem3A_1245, %ne3A_1246 : i32
        %and3A_1248 = arith.andi %ne3A_1244, %ne3A_1247 : i1
        %sub3A_1249 = arith.constant 1 : i32
        %sub3A_1250 = arith.subi %div3A_1229, %sub3A_1249 : i32
        %select_n3A_1251 = arith.select %and3A_1248, %sub3A_1250, %div3A_1229 : i32
        %jit3A_1252 = arith.constant 4 : i32
        %eq3A_1253 = arith.constant 0 : i32
        %eq3A_1254 = arith.cmpi eq, %jit3A_1252, %eq3A_1253 : i32
        %jit3A_1255 = arith.constant 1 : i32
        %select_n3A_1256 = arith.select %eq3A_1254, %jit3A_1255, %jit3A_1252 : i32
        %rem3A_1257 = arith.remsi %sub3A_1227, %select_n3A_1256 : i32
        %ne3A_1258 = arith.constant 0 : i32
        %ne3A_1259 = arith.cmpi ne, %rem3A_1257, %ne3A_1258 : i32
        %lt3A_1260 = arith.constant 0 : i32
        %lt3A_1261 = arith.cmpi slt, %rem3A_1257, %lt3A_1260 : i32
        %lt3A_1262 = arith.constant 0 : i32
        %lt3A_1263 = arith.cmpi slt, %select_n3A_1256, %lt3A_1262 : i32
        %ne3A_1264 = arith.xori %lt3A_1261, %lt3A_1263 : i1
        %and3A_1265 = arith.andi %ne3A_1264, %ne3A_1259 : i1
        %add3A_1266 = arith.addi %rem3A_1257, %select_n3A_1256 : i32
        %select_n3A_1267 = arith.select %and3A_1265, %add3A_1266, %rem3A_1257 : i32
        %mul3A_1268 = arith.constant 32 : i32
        %mul3A_1269 = arith.muli %select_n3A_1267, %mul3A_1268 : i32
        %dma_wait3A_1270 = tpu.memref_slice %arg8[%select_n3A_1251, %mul3A_1269] : memref<80x128xi32, #tpu.memory_space<vmem>> -> memref<1x32xi32, #tpu.memory_space<vmem>>
        %dma_wait3A_1271 = tpu.memref_squeeze %dma_wait3A_1270 : memref<1x32xi32, #tpu.memory_space<vmem>> -> memref<32xi32, #tpu.memory_space<vmem>>
        %dma_wait3A_1272 = arith.constant 0 : i32
        %dma_wait3A_1273 = arith.constant 0 : i32
        %dma_wait3A_1274 = tpu.memref_slice %arg9[%dma_wait3A_1272, %dma_wait3A_1273] : memref<10112x128xf32, #tpu.memory_space<vmem_shared>> -> memref<10112x128xf32, #tpu.memory_space<vmem_shared>>
        tpu.wait_indirect_dma semaphore(%arg30 : memref<!tpu.dma_semaphore, #tpu.memory_space<semaphore_mem>>) src(%arg16 : memref<32x128xf32, #tpu.memory_space<vmem>>) dst(%dma_wait3A_1274 : memref<10112x128xf32, #tpu.memory_space<vmem_shared>>)
      } else {
      }
      %add3A_295 = arith.constant 6 : i32
      %add3A_296 = arith.addi %add3A_208, %add3A_295 : i32
      %lt3A_297 = arith.constant 320 : i32
      %lt3A_298 = arith.cmpi slt, %add3A_296, %lt3A_297 : i32
      %convert_element_type3A_299 = arith.extui %lt3A_298 : i1 to i32
      %cond3A_300 = arith.constant 0 : i32
      %cond3A_301 = arith.cmpi ne, %convert_element_type3A_299, %cond3A_300 : i32
      scf.if %cond3A_301 {
        %add3A_1226 = arith.constant 6 : i32
        %add3A_1227 = arith.addi %add3A_208, %add3A_1226 : i32
        %jit3A_1228 = arith.constant 4 : i32
        %div3A_1229 = arith.divsi %add3A_1227, %jit3A_1228 : i32
        %sign3A_1230 = arith.constant 0 : i32
        %sign3A_1231 = arith.cmpi sgt, %add3A_1227, %sign3A_1230 : i32
        %sign3A_1232 = arith.extui %sign3A_1231 : i1 to i32
        %sign3A_1233 = arith.constant 0 : i32
        %sign3A_1234 = arith.cmpi slt, %add3A_1227, %sign3A_1233 : i32
        %sign3A_1235 = arith.extui %sign3A_1234 : i1 to i32
        %sign3A_1236 = arith.subi %sign3A_1232, %sign3A_1235 : i32
        %sign3A_1237 = arith.constant 0 : i32
        %sign3A_1238 = arith.cmpi sgt, %jit3A_1228, %sign3A_1237 : i32
        %sign3A_1239 = arith.extui %sign3A_1238 : i1 to i32
        %sign3A_1240 = arith.constant 0 : i32
        %sign3A_1241 = arith.cmpi slt, %jit3A_1228, %sign3A_1240 : i32
        %sign3A_1242 = arith.extui %sign3A_1241 : i1 to i32
        %sign3A_1243 = arith.subi %sign3A_1239, %sign3A_1242 : i32
        %ne3A_1244 = arith.cmpi ne, %sign3A_1236, %sign3A_1243 : i32
        %rem3A_1245 = arith.remsi %add3A_1227, %jit3A_1228 : i32
        %ne3A_1246 = arith.constant 0 : i32
        %ne3A_1247 = arith.cmpi ne, %rem3A_1245, %ne3A_1246 : i32
        %and3A_1248 = arith.andi %ne3A_1244, %ne3A_1247 : i1
        %sub3A_1249 = arith.constant 1 : i32
        %sub3A_1250 = arith.subi %div3A_1229, %sub3A_1249 : i32
        %select_n3A_1251 = arith.select %and3A_1248, %sub3A_1250, %div3A_1229 : i32
        %jit3A_1252 = arith.constant 4 : i32
        %eq3A_1253 = arith.constant 0 : i32
        %eq3A_1254 = arith.cmpi eq, %jit3A_1252, %eq3A_1253 : i32
        %jit3A_1255 = arith.constant 1 : i32
        %select_n3A_1256 = arith.select %eq3A_1254, %jit3A_1255, %jit3A_1252 : i32
        %rem3A_1257 = arith.remsi %add3A_1227, %select_n3A_1256 : i32
        %ne3A_1258 = arith.constant 0 : i32
        %ne3A_1259 = arith.cmpi ne, %rem3A_1257, %ne3A_1258 : i32
        %lt3A_1260 = arith.constant 0 : i32
        %lt3A_1261 = arith.cmpi slt, %rem3A_1257, %lt3A_1260 : i32
        %lt3A_1262 = arith.constant 0 : i32
        %lt3A_1263 = arith.cmpi slt, %select_n3A_1256, %lt3A_1262 : i32
        %ne3A_1264 = arith.xori %lt3A_1261, %lt3A_1263 : i1
        %and3A_1265 = arith.andi %ne3A_1264, %ne3A_1259 : i1
        %add3A_1266 = arith.addi %rem3A_1257, %select_n3A_1256 : i32
        %select_n3A_1267 = arith.select %and3A_1265, %add3A_1266, %rem3A_1257 : i32
        %mul3A_1268 = arith.constant 32 : i32
        %mul3A_1269 = arith.muli %select_n3A_1267, %mul3A_1268 : i32
        %dma_start3A_1270 = tpu.memref_slice %arg7[%select_n3A_1251, %mul3A_1269] : memref<80x128xi32, #tpu.memory_space<vmem>> -> memref<1x32xi32, #tpu.memory_space<vmem>>
        %dma_start3A_1271 = tpu.memref_squeeze %dma_start3A_1270 : memref<1x32xi32, #tpu.memory_space<vmem>> -> memref<32xi32, #tpu.memory_space<vmem>>
        %dma_start3A_1272 = arith.constant 0 : i32
        %dma_start3A_1273 = arith.constant 0 : i32
        %dma_start3A_1274 = tpu.memref_slice %arg2[%dma_start3A_1272, %dma_start3A_1273] : memref<20000x128xf32, #tpu.memory_space<hbm>> -> memref<20000x128xf32, #tpu.memory_space<hbm>>
        tpu.enqueue_indirect_dma source(%dma_start3A_1274 : memref<20000x128xf32, #tpu.memory_space<hbm>>) target(%arg16 : memref<32x128xf32, #tpu.memory_space<vmem>>) offsets(%dma_start3A_1271 : memref<32xi32, #tpu.memory_space<vmem>>) semaphore(%arg23 : memref<!tpu.dma_semaphore, #tpu.memory_space<semaphore_mem>>)
      } else {
      }
      %mul3A_302 = arith.constant 7 : i32
      %mul3A_303 = arith.muli %add3A_204, %mul3A_302 : i32
      %add3A_304 = arith.constant 1 : i32
      %add3A_305 = arith.addi %mul3A_303, %add3A_304 : i32
      %jit3A_306 = arith.constant 4 : i32
      %div3A_307 = arith.divsi %add3A_305, %jit3A_306 : i32
      %sign3A_308 = arith.constant 0 : i32
      %sign3A_309 = arith.cmpi sgt, %add3A_305, %sign3A_308 : i32
      %sign3A_310 = arith.extui %sign3A_309 : i1 to i32
      %sign3A_311 = arith.constant 0 : i32
      %sign3A_312 = arith.cmpi slt, %add3A_305, %sign3A_311 : i32
      %sign3A_313 = arith.extui %sign3A_312 : i1 to i32
      %sign3A_314 = arith.subi %sign3A_310, %sign3A_313 : i32
      %sign3A_315 = arith.constant 0 : i32
      %sign3A_316 = arith.cmpi sgt, %jit3A_306, %sign3A_315 : i32
      %sign3A_317 = arith.extui %sign3A_316 : i1 to i32
      %sign3A_318 = arith.constant 0 : i32
      %sign3A_319 = arith.cmpi slt, %jit3A_306, %sign3A_318 : i32
      %sign3A_320 = arith.extui %sign3A_319 : i1 to i32
      %sign3A_321 = arith.subi %sign3A_317, %sign3A_320 : i32
      %ne3A_322 = arith.cmpi ne, %sign3A_314, %sign3A_321 : i32
      %rem3A_323 = arith.remsi %add3A_305, %jit3A_306 : i32
      %ne3A_324 = arith.constant 0 : i32
      %ne3A_325 = arith.cmpi ne, %rem3A_323, %ne3A_324 : i32
      %and3A_326 = arith.andi %ne3A_322, %ne3A_325 : i1
      %sub3A_327 = arith.constant 1 : i32
      %sub3A_328 = arith.subi %div3A_307, %sub3A_327 : i32
      %select_n3A_329 = arith.select %and3A_326, %sub3A_328, %div3A_307 : i32
      %jit3A_330 = arith.constant 4 : i32
      %eq3A_331 = arith.constant 0 : i32
      %eq3A_332 = arith.cmpi eq, %jit3A_330, %eq3A_331 : i32
      %jit3A_333 = arith.constant 1 : i32
      %select_n3A_334 = arith.select %eq3A_332, %jit3A_333, %jit3A_330 : i32
      %rem3A_335 = arith.remsi %add3A_305, %select_n3A_334 : i32
      %ne3A_336 = arith.constant 0 : i32
      %ne3A_337 = arith.cmpi ne, %rem3A_335, %ne3A_336 : i32
      %lt3A_338 = arith.constant 0 : i32
      %lt3A_339 = arith.cmpi slt, %rem3A_335, %lt3A_338 : i32
      %lt3A_340 = arith.constant 0 : i32
      %lt3A_341 = arith.cmpi slt, %select_n3A_334, %lt3A_340 : i32
      %ne3A_342 = arith.xori %lt3A_339, %lt3A_341 : i1
      %and3A_343 = arith.andi %ne3A_342, %ne3A_337 : i1
      %add3A_344 = arith.addi %rem3A_335, %select_n3A_334 : i32
      %select_n3A_345 = arith.select %and3A_343, %add3A_344, %rem3A_335 : i32
      %mul3A_346 = arith.constant 32 : i32
      %mul3A_347 = arith.muli %select_n3A_345, %mul3A_346 : i32
      %dma_wait3A_348 = tpu.memref_slice %arg7[%select_n3A_329, %mul3A_347] : memref<80x128xi32, #tpu.memory_space<vmem>> -> memref<1x32xi32, #tpu.memory_space<vmem>>
      %dma_wait3A_349 = tpu.memref_squeeze %dma_wait3A_348 : memref<1x32xi32, #tpu.memory_space<vmem>> -> memref<32xi32, #tpu.memory_space<vmem>>
      %dma_wait3A_350 = arith.constant 0 : i32
      %dma_wait3A_351 = arith.constant 0 : i32
      %dma_wait3A_352 = tpu.memref_slice %arg2[%dma_wait3A_350, %dma_wait3A_351] : memref<20000x128xf32, #tpu.memory_space<hbm>> -> memref<20000x128xf32, #tpu.memory_space<hbm>>
      tpu.wait_indirect_dma semaphore(%arg18 : memref<!tpu.dma_semaphore, #tpu.memory_space<semaphore_mem>>) src(%dma_wait3A_352 : memref<20000x128xf32, #tpu.memory_space<hbm>>) dst(%arg11 : memref<32x128xf32, #tpu.memory_space<vmem>>)
      %jit3A_353 = arith.constant 4 : i32
      %div3A_354 = arith.divsi %add3A_305, %jit3A_353 : i32
      %sign3A_355 = arith.constant 0 : i32
      %sign3A_356 = arith.cmpi sgt, %add3A_305, %sign3A_355 : i32
      %sign3A_357 = arith.extui %sign3A_356 : i1 to i32
      %sign3A_358 = arith.constant 0 : i32
      %sign3A_359 = arith.cmpi slt, %add3A_305, %sign3A_358 : i32
      %sign3A_360 = arith.extui %sign3A_359 : i1 to i32
      %sign3A_361 = arith.subi %sign3A_357, %sign3A_360 : i32
      %sign3A_362 = arith.constant 0 : i32
      %sign3A_363 = arith.cmpi sgt, %jit3A_353, %sign3A_362 : i32
      %sign3A_364 = arith.extui %sign3A_363 : i1 to i32
      %sign3A_365 = arith.constant 0 : i32
      %sign3A_366 = arith.cmpi slt, %jit3A_353, %sign3A_365 : i32
      %sign3A_367 = arith.extui %sign3A_366 : i1 to i32
      %sign3A_368 = arith.subi %sign3A_364, %sign3A_367 : i32
      %ne3A_369 = arith.cmpi ne, %sign3A_361, %sign3A_368 : i32
      %rem3A_370 = arith.remsi %add3A_305, %jit3A_353 : i32
      %ne3A_371 = arith.constant 0 : i32
      %ne3A_372 = arith.cmpi ne, %rem3A_370, %ne3A_371 : i32
      %and3A_373 = arith.andi %ne3A_369, %ne3A_372 : i1
      %sub3A_374 = arith.constant 1 : i32
      %sub3A_375 = arith.subi %div3A_354, %sub3A_374 : i32
      %select_n3A_376 = arith.select %and3A_373, %sub3A_375, %div3A_354 : i32
      %jit3A_377 = arith.constant 4 : i32
      %eq3A_378 = arith.constant 0 : i32
      %eq3A_379 = arith.cmpi eq, %jit3A_377, %eq3A_378 : i32
      %jit3A_380 = arith.constant 1 : i32
      %select_n3A_381 = arith.select %eq3A_379, %jit3A_380, %jit3A_377 : i32
      %rem3A_382 = arith.remsi %add3A_305, %select_n3A_381 : i32
      %ne3A_383 = arith.constant 0 : i32
      %ne3A_384 = arith.cmpi ne, %rem3A_382, %ne3A_383 : i32
      %lt3A_385 = arith.constant 0 : i32
      %lt3A_386 = arith.cmpi slt, %rem3A_382, %lt3A_385 : i32
      %lt3A_387 = arith.constant 0 : i32
      %lt3A_388 = arith.cmpi slt, %select_n3A_381, %lt3A_387 : i32
      %ne3A_389 = arith.xori %lt3A_386, %lt3A_388 : i1
      %and3A_390 = arith.andi %ne3A_389, %ne3A_384 : i1
      %add3A_391 = arith.addi %rem3A_382, %select_n3A_381 : i32
      %select_n3A_392 = arith.select %and3A_390, %add3A_391, %rem3A_382 : i32
      %mul3A_393 = arith.constant 32 : i32
      %mul3A_394 = arith.muli %select_n3A_392, %mul3A_393 : i32
      %dma_start3A_395 = tpu.memref_slice %arg8[%select_n3A_376, %mul3A_394] : memref<80x128xi32, #tpu.memory_space<vmem>> -> memref<1x32xi32, #tpu.memory_space<vmem>>
      %dma_start3A_396 = tpu.memref_squeeze %dma_start3A_395 : memref<1x32xi32, #tpu.memory_space<vmem>> -> memref<32xi32, #tpu.memory_space<vmem>>
      %dma_start3A_397 = arith.constant 0 : i32
      %dma_start3A_398 = arith.constant 0 : i32
      %dma_start3A_399 = tpu.memref_slice %arg9[%dma_start3A_397, %dma_start3A_398] : memref<10112x128xf32, #tpu.memory_space<vmem_shared>> -> memref<10112x128xf32, #tpu.memory_space<vmem_shared>>
      tpu.enqueue_indirect_dma source(%arg11 : memref<32x128xf32, #tpu.memory_space<vmem>>) target(%dma_start3A_399 : memref<10112x128xf32, #tpu.memory_space<vmem_shared>>) offsets(%dma_start3A_396 : memref<32xi32, #tpu.memory_space<vmem>>) semaphore(%arg25 : memref<!tpu.dma_semaphore, #tpu.memory_space<semaphore_mem>>) {add = true}
      %sub3A_400 = arith.constant 1 : i32
      %sub3A_401 = arith.subi %add3A_305, %sub3A_400 : i32
      %jit3A_402 = arith.constant 4 : i32
      %div3A_403 = arith.divsi %sub3A_401, %jit3A_402 : i32
      %sign3A_404 = arith.constant 0 : i32
      %sign3A_405 = arith.cmpi sgt, %sub3A_401, %sign3A_404 : i32
      %sign3A_406 = arith.extui %sign3A_405 : i1 to i32
      %sign3A_407 = arith.constant 0 : i32
      %sign3A_408 = arith.cmpi slt, %sub3A_401, %sign3A_407 : i32
      %sign3A_409 = arith.extui %sign3A_408 : i1 to i32
      %sign3A_410 = arith.subi %sign3A_406, %sign3A_409 : i32
      %sign3A_411 = arith.constant 0 : i32
      %sign3A_412 = arith.cmpi sgt, %jit3A_402, %sign3A_411 : i32
      %sign3A_413 = arith.extui %sign3A_412 : i1 to i32
      %sign3A_414 = arith.constant 0 : i32
      %sign3A_415 = arith.cmpi slt, %jit3A_402, %sign3A_414 : i32
      %sign3A_416 = arith.extui %sign3A_415 : i1 to i32
      %sign3A_417 = arith.subi %sign3A_413, %sign3A_416 : i32
      %ne3A_418 = arith.cmpi ne, %sign3A_410, %sign3A_417 : i32
      %rem3A_419 = arith.remsi %sub3A_401, %jit3A_402 : i32
      %ne3A_420 = arith.constant 0 : i32
      %ne3A_421 = arith.cmpi ne, %rem3A_419, %ne3A_420 : i32
      %and3A_422 = arith.andi %ne3A_418, %ne3A_421 : i1
      %sub3A_423 = arith.constant 1 : i32
      %sub3A_424 = arith.subi %div3A_403, %sub3A_423 : i32
      %select_n3A_425 = arith.select %and3A_422, %sub3A_424, %div3A_403 : i32
      %jit3A_426 = arith.constant 4 : i32
      %eq3A_427 = arith.constant 0 : i32
      %eq3A_428 = arith.cmpi eq, %jit3A_426, %eq3A_427 : i32
      %jit3A_429 = arith.constant 1 : i32
      %select_n3A_430 = arith.select %eq3A_428, %jit3A_429, %jit3A_426 : i32
      %rem3A_431 = arith.remsi %sub3A_401, %select_n3A_430 : i32
      %ne3A_432 = arith.constant 0 : i32
      %ne3A_433 = arith.cmpi ne, %rem3A_431, %ne3A_432 : i32
      %lt3A_434 = arith.constant 0 : i32
      %lt3A_435 = arith.cmpi slt, %rem3A_431, %lt3A_434 : i32
      %lt3A_436 = arith.constant 0 : i32
      %lt3A_437 = arith.cmpi slt, %select_n3A_430, %lt3A_436 : i32
      %ne3A_438 = arith.xori %lt3A_435, %lt3A_437 : i1
      %and3A_439 = arith.andi %ne3A_438, %ne3A_433 : i1
      %add3A_440 = arith.addi %rem3A_431, %select_n3A_430 : i32
      %select_n3A_441 = arith.select %and3A_439, %add3A_440, %rem3A_431 : i32
      %mul3A_442 = arith.constant 32 : i32
      %mul3A_443 = arith.muli %select_n3A_441, %mul3A_442 : i32
      %dma_wait3A_444 = tpu.memref_slice %arg8[%select_n3A_425, %mul3A_443] : memref<80x128xi32, #tpu.memory_space<vmem>> -> memref<1x32xi32, #tpu.memory_space<vmem>>
      %dma_wait3A_445 = tpu.memref_squeeze %dma_wait3A_444 : memref<1x32xi32, #tpu.memory_space<vmem>> -> memref<32xi32, #tpu.memory_space<vmem>>
      %dma_wait3A_446 = arith.constant 0 : i32
      %dma_wait3A_447 = arith.constant 0 : i32
      %dma_wait3A_448 = tpu.memref_slice %arg9[%dma_wait3A_446, %dma_wait3A_447] : memref<10112x128xf32, #tpu.memory_space<vmem_shared>> -> memref<10112x128xf32, #tpu.memory_space<vmem_shared>>
      tpu.wait_indirect_dma semaphore(%arg24 : memref<!tpu.dma_semaphore, #tpu.memory_space<semaphore_mem>>) src(%arg10 : memref<32x128xf32, #tpu.memory_space<vmem>>) dst(%dma_wait3A_448 : memref<10112x128xf32, #tpu.memory_space<vmem_shared>>)
      %add3A_449 = arith.constant 6 : i32
      %add3A_450 = arith.addi %add3A_305, %add3A_449 : i32
      %lt3A_451 = arith.constant 320 : i32
      %lt3A_452 = arith.cmpi slt, %add3A_450, %lt3A_451 : i32
      %convert_element_type3A_453 = arith.extui %lt3A_452 : i1 to i32
      %cond3A_454 = arith.constant 0 : i32
      %cond3A_455 = arith.cmpi ne, %convert_element_type3A_453, %cond3A_454 : i32
      scf.if %cond3A_455 {
        %add3A_1226 = arith.constant 6 : i32
        %add3A_1227 = arith.addi %add3A_305, %add3A_1226 : i32
        %jit3A_1228 = arith.constant 4 : i32
        %div3A_1229 = arith.divsi %add3A_1227, %jit3A_1228 : i32
        %sign3A_1230 = arith.constant 0 : i32
        %sign3A_1231 = arith.cmpi sgt, %add3A_1227, %sign3A_1230 : i32
        %sign3A_1232 = arith.extui %sign3A_1231 : i1 to i32
        %sign3A_1233 = arith.constant 0 : i32
        %sign3A_1234 = arith.cmpi slt, %add3A_1227, %sign3A_1233 : i32
        %sign3A_1235 = arith.extui %sign3A_1234 : i1 to i32
        %sign3A_1236 = arith.subi %sign3A_1232, %sign3A_1235 : i32
        %sign3A_1237 = arith.constant 0 : i32
        %sign3A_1238 = arith.cmpi sgt, %jit3A_1228, %sign3A_1237 : i32
        %sign3A_1239 = arith.extui %sign3A_1238 : i1 to i32
        %sign3A_1240 = arith.constant 0 : i32
        %sign3A_1241 = arith.cmpi slt, %jit3A_1228, %sign3A_1240 : i32
        %sign3A_1242 = arith.extui %sign3A_1241 : i1 to i32
        %sign3A_1243 = arith.subi %sign3A_1239, %sign3A_1242 : i32
        %ne3A_1244 = arith.cmpi ne, %sign3A_1236, %sign3A_1243 : i32
        %rem3A_1245 = arith.remsi %add3A_1227, %jit3A_1228 : i32
        %ne3A_1246 = arith.constant 0 : i32
        %ne3A_1247 = arith.cmpi ne, %rem3A_1245, %ne3A_1246 : i32
        %and3A_1248 = arith.andi %ne3A_1244, %ne3A_1247 : i1
        %sub3A_1249 = arith.constant 1 : i32
        %sub3A_1250 = arith.subi %div3A_1229, %sub3A_1249 : i32
        %select_n3A_1251 = arith.select %and3A_1248, %sub3A_1250, %div3A_1229 : i32
        %jit3A_1252 = arith.constant 4 : i32
        %eq3A_1253 = arith.constant 0 : i32
        %eq3A_1254 = arith.cmpi eq, %jit3A_1252, %eq3A_1253 : i32
        %jit3A_1255 = arith.constant 1 : i32
        %select_n3A_1256 = arith.select %eq3A_1254, %jit3A_1255, %jit3A_1252 : i32
        %rem3A_1257 = arith.remsi %add3A_1227, %select_n3A_1256 : i32
        %ne3A_1258 = arith.constant 0 : i32
        %ne3A_1259 = arith.cmpi ne, %rem3A_1257, %ne3A_1258 : i32
        %lt3A_1260 = arith.constant 0 : i32
        %lt3A_1261 = arith.cmpi slt, %rem3A_1257, %lt3A_1260 : i32
        %lt3A_1262 = arith.constant 0 : i32
        %lt3A_1263 = arith.cmpi slt, %select_n3A_1256, %lt3A_1262 : i32
        %ne3A_1264 = arith.xori %lt3A_1261, %lt3A_1263 : i1
        %and3A_1265 = arith.andi %ne3A_1264, %ne3A_1259 : i1
        %add3A_1266 = arith.addi %rem3A_1257, %select_n3A_1256 : i32
        %select_n3A_1267 = arith.select %and3A_1265, %add3A_1266, %rem3A_1257 : i32
        %mul3A_1268 = arith.constant 32 : i32
        %mul3A_1269 = arith.muli %select_n3A_1267, %mul3A_1268 : i32
        %dma_start3A_1270 = tpu.memref_slice %arg7[%select_n3A_1251, %mul3A_1269] : memref<80x128xi32, #tpu.memory_space<vmem>> -> memref<1x32xi32, #tpu.memory_space<vmem>>
        %dma_start3A_1271 = tpu.memref_squeeze %dma_start3A_1270 : memref<1x32xi32, #tpu.memory_space<vmem>> -> memref<32xi32, #tpu.memory_space<vmem>>
        %dma_start3A_1272 = arith.constant 0 : i32
        %dma_start3A_1273 = arith.constant 0 : i32
        %dma_start3A_1274 = tpu.memref_slice %arg2[%dma_start3A_1272, %dma_start3A_1273] : memref<20000x128xf32, #tpu.memory_space<hbm>> -> memref<20000x128xf32, #tpu.memory_space<hbm>>
        tpu.enqueue_indirect_dma source(%dma_start3A_1274 : memref<20000x128xf32, #tpu.memory_space<hbm>>) target(%arg10 : memref<32x128xf32, #tpu.memory_space<vmem>>) offsets(%dma_start3A_1271 : memref<32xi32, #tpu.memory_space<vmem>>) semaphore(%arg17 : memref<!tpu.dma_semaphore, #tpu.memory_space<semaphore_mem>>)
      } else {
      }
      %mul3A_456 = arith.constant 7 : i32
      %mul3A_457 = arith.muli %add3A_204, %mul3A_456 : i32
      %add3A_458 = arith.constant 2 : i32
      %add3A_459 = arith.addi %mul3A_457, %add3A_458 : i32
      %jit3A_460 = arith.constant 4 : i32
      %div3A_461 = arith.divsi %add3A_459, %jit3A_460 : i32
      %sign3A_462 = arith.constant 0 : i32
      %sign3A_463 = arith.cmpi sgt, %add3A_459, %sign3A_462 : i32
      %sign3A_464 = arith.extui %sign3A_463 : i1 to i32
      %sign3A_465 = arith.constant 0 : i32
      %sign3A_466 = arith.cmpi slt, %add3A_459, %sign3A_465 : i32
      %sign3A_467 = arith.extui %sign3A_466 : i1 to i32
      %sign3A_468 = arith.subi %sign3A_464, %sign3A_467 : i32
      %sign3A_469 = arith.constant 0 : i32
      %sign3A_470 = arith.cmpi sgt, %jit3A_460, %sign3A_469 : i32
      %sign3A_471 = arith.extui %sign3A_470 : i1 to i32
      %sign3A_472 = arith.constant 0 : i32
      %sign3A_473 = arith.cmpi slt, %jit3A_460, %sign3A_472 : i32
      %sign3A_474 = arith.extui %sign3A_473 : i1 to i32
      %sign3A_475 = arith.subi %sign3A_471, %sign3A_474 : i32
      %ne3A_476 = arith.cmpi ne, %sign3A_468, %sign3A_475 : i32
      %rem3A_477 = arith.remsi %add3A_459, %jit3A_460 : i32
      %ne3A_478 = arith.constant 0 : i32
      %ne3A_479 = arith.cmpi ne, %rem3A_477, %ne3A_478 : i32
      %and3A_480 = arith.andi %ne3A_476, %ne3A_479 : i1
      %sub3A_481 = arith.constant 1 : i32
      %sub3A_482 = arith.subi %div3A_461, %sub3A_481 : i32
      %select_n3A_483 = arith.select %and3A_480, %sub3A_482, %div3A_461 : i32
      %jit3A_484 = arith.constant 4 : i32
      %eq3A_485 = arith.constant 0 : i32
      %eq3A_486 = arith.cmpi eq, %jit3A_484, %eq3A_485 : i32
      %jit3A_487 = arith.constant 1 : i32
      %select_n3A_488 = arith.select %eq3A_486, %jit3A_487, %jit3A_484 : i32
      %rem3A_489 = arith.remsi %add3A_459, %select_n3A_488 : i32
      %ne3A_490 = arith.constant 0 : i32
      %ne3A_491 = arith.cmpi ne, %rem3A_489, %ne3A_490 : i32
      %lt3A_492 = arith.constant 0 : i32
      %lt3A_493 = arith.cmpi slt, %rem3A_489, %lt3A_492 : i32
      %lt3A_494 = arith.constant 0 : i32
      %lt3A_495 = arith.cmpi slt, %select_n3A_488, %lt3A_494 : i32
      %ne3A_496 = arith.xori %lt3A_493, %lt3A_495 : i1
      %and3A_497 = arith.andi %ne3A_496, %ne3A_491 : i1
      %add3A_498 = arith.addi %rem3A_489, %select_n3A_488 : i32
      %select_n3A_499 = arith.select %and3A_497, %add3A_498, %rem3A_489 : i32
      %mul3A_500 = arith.constant 32 : i32
      %mul3A_501 = arith.muli %select_n3A_499, %mul3A_500 : i32
      %dma_wait3A_502 = tpu.memref_slice %arg7[%select_n3A_483, %mul3A_501] : memref<80x128xi32, #tpu.memory_space<vmem>> -> memref<1x32xi32, #tpu.memory_space<vmem>>
      %dma_wait3A_503 = tpu.memref_squeeze %dma_wait3A_502 : memref<1x32xi32, #tpu.memory_space<vmem>> -> memref<32xi32, #tpu.memory_space<vmem>>
      %dma_wait3A_504 = arith.constant 0 : i32
      %dma_wait3A_505 = arith.constant 0 : i32
      %dma_wait3A_506 = tpu.memref_slice %arg2[%dma_wait3A_504, %dma_wait3A_505] : memref<20000x128xf32, #tpu.memory_space<hbm>> -> memref<20000x128xf32, #tpu.memory_space<hbm>>
      tpu.wait_indirect_dma semaphore(%arg19 : memref<!tpu.dma_semaphore, #tpu.memory_space<semaphore_mem>>) src(%dma_wait3A_506 : memref<20000x128xf32, #tpu.memory_space<hbm>>) dst(%arg12 : memref<32x128xf32, #tpu.memory_space<vmem>>)
      %jit3A_507 = arith.constant 4 : i32
      %div3A_508 = arith.divsi %add3A_459, %jit3A_507 : i32
      %sign3A_509 = arith.constant 0 : i32
      %sign3A_510 = arith.cmpi sgt, %add3A_459, %sign3A_509 : i32
      %sign3A_511 = arith.extui %sign3A_510 : i1 to i32
      %sign3A_512 = arith.constant 0 : i32
      %sign3A_513 = arith.cmpi slt, %add3A_459, %sign3A_512 : i32
      %sign3A_514 = arith.extui %sign3A_513 : i1 to i32
      %sign3A_515 = arith.subi %sign3A_511, %sign3A_514 : i32
      %sign3A_516 = arith.constant 0 : i32
      %sign3A_517 = arith.cmpi sgt, %jit3A_507, %sign3A_516 : i32
      %sign3A_518 = arith.extui %sign3A_517 : i1 to i32
      %sign3A_519 = arith.constant 0 : i32
      %sign3A_520 = arith.cmpi slt, %jit3A_507, %sign3A_519 : i32
      %sign3A_521 = arith.extui %sign3A_520 : i1 to i32
      %sign3A_522 = arith.subi %sign3A_518, %sign3A_521 : i32
      %ne3A_523 = arith.cmpi ne, %sign3A_515, %sign3A_522 : i32
      %rem3A_524 = arith.remsi %add3A_459, %jit3A_507 : i32
      %ne3A_525 = arith.constant 0 : i32
      %ne3A_526 = arith.cmpi ne, %rem3A_524, %ne3A_525 : i32
      %and3A_527 = arith.andi %ne3A_523, %ne3A_526 : i1
      %sub3A_528 = arith.constant 1 : i32
      %sub3A_529 = arith.subi %div3A_508, %sub3A_528 : i32
      %select_n3A_530 = arith.select %and3A_527, %sub3A_529, %div3A_508 : i32
      %jit3A_531 = arith.constant 4 : i32
      %eq3A_532 = arith.constant 0 : i32
      %eq3A_533 = arith.cmpi eq, %jit3A_531, %eq3A_532 : i32
      %jit3A_534 = arith.constant 1 : i32
      %select_n3A_535 = arith.select %eq3A_533, %jit3A_534, %jit3A_531 : i32
      %rem3A_536 = arith.remsi %add3A_459, %select_n3A_535 : i32
      %ne3A_537 = arith.constant 0 : i32
      %ne3A_538 = arith.cmpi ne, %rem3A_536, %ne3A_537 : i32
      %lt3A_539 = arith.constant 0 : i32
      %lt3A_540 = arith.cmpi slt, %rem3A_536, %lt3A_539 : i32
      %lt3A_541 = arith.constant 0 : i32
      %lt3A_542 = arith.cmpi slt, %select_n3A_535, %lt3A_541 : i32
      %ne3A_543 = arith.xori %lt3A_540, %lt3A_542 : i1
      %and3A_544 = arith.andi %ne3A_543, %ne3A_538 : i1
      %add3A_545 = arith.addi %rem3A_536, %select_n3A_535 : i32
      %select_n3A_546 = arith.select %and3A_544, %add3A_545, %rem3A_536 : i32
      %mul3A_547 = arith.constant 32 : i32
      %mul3A_548 = arith.muli %select_n3A_546, %mul3A_547 : i32
      %dma_start3A_549 = tpu.memref_slice %arg8[%select_n3A_530, %mul3A_548] : memref<80x128xi32, #tpu.memory_space<vmem>> -> memref<1x32xi32, #tpu.memory_space<vmem>>
      %dma_start3A_550 = tpu.memref_squeeze %dma_start3A_549 : memref<1x32xi32, #tpu.memory_space<vmem>> -> memref<32xi32, #tpu.memory_space<vmem>>
      %dma_start3A_551 = arith.constant 0 : i32
      %dma_start3A_552 = arith.constant 0 : i32
      %dma_start3A_553 = tpu.memref_slice %arg9[%dma_start3A_551, %dma_start3A_552] : memref<10112x128xf32, #tpu.memory_space<vmem_shared>> -> memref<10112x128xf32, #tpu.memory_space<vmem_shared>>
      tpu.enqueue_indirect_dma source(%arg12 : memref<32x128xf32, #tpu.memory_space<vmem>>) target(%dma_start3A_553 : memref<10112x128xf32, #tpu.memory_space<vmem_shared>>) offsets(%dma_start3A_550 : memref<32xi32, #tpu.memory_space<vmem>>) semaphore(%arg26 : memref<!tpu.dma_semaphore, #tpu.memory_space<semaphore_mem>>) {add = true}
      %sub3A_554 = arith.constant 1 : i32
      %sub3A_555 = arith.subi %add3A_459, %sub3A_554 : i32
      %jit3A_556 = arith.constant 4 : i32
      %div3A_557 = arith.divsi %sub3A_555, %jit3A_556 : i32
      %sign3A_558 = arith.constant 0 : i32
      %sign3A_559 = arith.cmpi sgt, %sub3A_555, %sign3A_558 : i32
      %sign3A_560 = arith.extui %sign3A_559 : i1 to i32
      %sign3A_561 = arith.constant 0 : i32
      %sign3A_562 = arith.cmpi slt, %sub3A_555, %sign3A_561 : i32
      %sign3A_563 = arith.extui %sign3A_562 : i1 to i32
      %sign3A_564 = arith.subi %sign3A_560, %sign3A_563 : i32
      %sign3A_565 = arith.constant 0 : i32
      %sign3A_566 = arith.cmpi sgt, %jit3A_556, %sign3A_565 : i32
      %sign3A_567 = arith.extui %sign3A_566 : i1 to i32
      %sign3A_568 = arith.constant 0 : i32
      %sign3A_569 = arith.cmpi slt, %jit3A_556, %sign3A_568 : i32
      %sign3A_570 = arith.extui %sign3A_569 : i1 to i32
      %sign3A_571 = arith.subi %sign3A_567, %sign3A_570 : i32
      %ne3A_572 = arith.cmpi ne, %sign3A_564, %sign3A_571 : i32
      %rem3A_573 = arith.remsi %sub3A_555, %jit3A_556 : i32
      %ne3A_574 = arith.constant 0 : i32
      %ne3A_575 = arith.cmpi ne, %rem3A_573, %ne3A_574 : i32
      %and3A_576 = arith.andi %ne3A_572, %ne3A_575 : i1
      %sub3A_577 = arith.constant 1 : i32
      %sub3A_578 = arith.subi %div3A_557, %sub3A_577 : i32
      %select_n3A_579 = arith.select %and3A_576, %sub3A_578, %div3A_557 : i32
      %jit3A_580 = arith.constant 4 : i32
      %eq3A_581 = arith.constant 0 : i32
      %eq3A_582 = arith.cmpi eq, %jit3A_580, %eq3A_581 : i32
      %jit3A_583 = arith.constant 1 : i32
      %select_n3A_584 = arith.select %eq3A_582, %jit3A_583, %jit3A_580 : i32
      %rem3A_585 = arith.remsi %sub3A_555, %select_n3A_584 : i32
      %ne3A_586 = arith.constant 0 : i32
      %ne3A_587 = arith.cmpi ne, %rem3A_585, %ne3A_586 : i32
      %lt3A_588 = arith.constant 0 : i32
      %lt3A_589 = arith.cmpi slt, %rem3A_585, %lt3A_588 : i32
      %lt3A_590 = arith.constant 0 : i32
      %lt3A_591 = arith.cmpi slt, %select_n3A_584, %lt3A_590 : i32
      %ne3A_592 = arith.xori %lt3A_589, %lt3A_591 : i1
      %and3A_593 = arith.andi %ne3A_592, %ne3A_587 : i1
      %add3A_594 = arith.addi %rem3A_585, %select_n3A_584 : i32
      %select_n3A_595 = arith.select %and3A_593, %add3A_594, %rem3A_585 : i32
      %mul3A_596 = arith.constant 32 : i32
      %mul3A_597 = arith.muli %select_n3A_595, %mul3A_596 : i32
      %dma_wait3A_598 = tpu.memref_slice %arg8[%select_n3A_579, %mul3A_597] : memref<80x128xi32, #tpu.memory_space<vmem>> -> memref<1x32xi32, #tpu.memory_space<vmem>>
      %dma_wait3A_599 = tpu.memref_squeeze %dma_wait3A_598 : memref<1x32xi32, #tpu.memory_space<vmem>> -> memref<32xi32, #tpu.memory_space<vmem>>
      %dma_wait3A_600 = arith.constant 0 : i32
      %dma_wait3A_601 = arith.constant 0 : i32
      %dma_wait3A_602 = tpu.memref_slice %arg9[%dma_wait3A_600, %dma_wait3A_601] : memref<10112x128xf32, #tpu.memory_space<vmem_shared>> -> memref<10112x128xf32, #tpu.memory_space<vmem_shared>>
      tpu.wait_indirect_dma semaphore(%arg25 : memref<!tpu.dma_semaphore, #tpu.memory_space<semaphore_mem>>) src(%arg11 : memref<32x128xf32, #tpu.memory_space<vmem>>) dst(%dma_wait3A_602 : memref<10112x128xf32, #tpu.memory_space<vmem_shared>>)
      %add3A_603 = arith.constant 6 : i32
      %add3A_604 = arith.addi %add3A_459, %add3A_603 : i32
      %lt3A_605 = arith.constant 320 : i32
      %lt3A_606 = arith.cmpi slt, %add3A_604, %lt3A_605 : i32
      %convert_element_type3A_607 = arith.extui %lt3A_606 : i1 to i32
      %cond3A_608 = arith.constant 0 : i32
      %cond3A_609 = arith.cmpi ne, %convert_element_type3A_607, %cond3A_608 : i32
      scf.if %cond3A_609 {
        %add3A_1226 = arith.constant 6 : i32
        %add3A_1227 = arith.addi %add3A_459, %add3A_1226 : i32
        %jit3A_1228 = arith.constant 4 : i32
        %div3A_1229 = arith.divsi %add3A_1227, %jit3A_1228 : i32
        %sign3A_1230 = arith.constant 0 : i32
        %sign3A_1231 = arith.cmpi sgt, %add3A_1227, %sign3A_1230 : i32
        %sign3A_1232 = arith.extui %sign3A_1231 : i1 to i32
        %sign3A_1233 = arith.constant 0 : i32
        %sign3A_1234 = arith.cmpi slt, %add3A_1227, %sign3A_1233 : i32
        %sign3A_1235 = arith.extui %sign3A_1234 : i1 to i32
        %sign3A_1236 = arith.subi %sign3A_1232, %sign3A_1235 : i32
        %sign3A_1237 = arith.constant 0 : i32
        %sign3A_1238 = arith.cmpi sgt, %jit3A_1228, %sign3A_1237 : i32
        %sign3A_1239 = arith.extui %sign3A_1238 : i1 to i32
        %sign3A_1240 = arith.constant 0 : i32
        %sign3A_1241 = arith.cmpi slt, %jit3A_1228, %sign3A_1240 : i32
        %sign3A_1242 = arith.extui %sign3A_1241 : i1 to i32
        %sign3A_1243 = arith.subi %sign3A_1239, %sign3A_1242 : i32
        %ne3A_1244 = arith.cmpi ne, %sign3A_1236, %sign3A_1243 : i32
        %rem3A_1245 = arith.remsi %add3A_1227, %jit3A_1228 : i32
        %ne3A_1246 = arith.constant 0 : i32
        %ne3A_1247 = arith.cmpi ne, %rem3A_1245, %ne3A_1246 : i32
        %and3A_1248 = arith.andi %ne3A_1244, %ne3A_1247 : i1
        %sub3A_1249 = arith.constant 1 : i32
        %sub3A_1250 = arith.subi %div3A_1229, %sub3A_1249 : i32
        %select_n3A_1251 = arith.select %and3A_1248, %sub3A_1250, %div3A_1229 : i32
        %jit3A_1252 = arith.constant 4 : i32
        %eq3A_1253 = arith.constant 0 : i32
        %eq3A_1254 = arith.cmpi eq, %jit3A_1252, %eq3A_1253 : i32
        %jit3A_1255 = arith.constant 1 : i32
        %select_n3A_1256 = arith.select %eq3A_1254, %jit3A_1255, %jit3A_1252 : i32
        %rem3A_1257 = arith.remsi %add3A_1227, %select_n3A_1256 : i32
        %ne3A_1258 = arith.constant 0 : i32
        %ne3A_1259 = arith.cmpi ne, %rem3A_1257, %ne3A_1258 : i32
        %lt3A_1260 = arith.constant 0 : i32
        %lt3A_1261 = arith.cmpi slt, %rem3A_1257, %lt3A_1260 : i32
        %lt3A_1262 = arith.constant 0 : i32
        %lt3A_1263 = arith.cmpi slt, %select_n3A_1256, %lt3A_1262 : i32
        %ne3A_1264 = arith.xori %lt3A_1261, %lt3A_1263 : i1
        %and3A_1265 = arith.andi %ne3A_1264, %ne3A_1259 : i1
        %add3A_1266 = arith.addi %rem3A_1257, %select_n3A_1256 : i32
        %select_n3A_1267 = arith.select %and3A_1265, %add3A_1266, %rem3A_1257 : i32
        %mul3A_1268 = arith.constant 32 : i32
        %mul3A_1269 = arith.muli %select_n3A_1267, %mul3A_1268 : i32
        %dma_start3A_1270 = tpu.memref_slice %arg7[%select_n3A_1251, %mul3A_1269] : memref<80x128xi32, #tpu.memory_space<vmem>> -> memref<1x32xi32, #tpu.memory_space<vmem>>
        %dma_start3A_1271 = tpu.memref_squeeze %dma_start3A_1270 : memref<1x32xi32, #tpu.memory_space<vmem>> -> memref<32xi32, #tpu.memory_space<vmem>>
        %dma_start3A_1272 = arith.constant 0 : i32
        %dma_start3A_1273 = arith.constant 0 : i32
        %dma_start3A_1274 = tpu.memref_slice %arg2[%dma_start3A_1272, %dma_start3A_1273] : memref<20000x128xf32, #tpu.memory_space<hbm>> -> memref<20000x128xf32, #tpu.memory_space<hbm>>
        tpu.enqueue_indirect_dma source(%dma_start3A_1274 : memref<20000x128xf32, #tpu.memory_space<hbm>>) target(%arg11 : memref<32x128xf32, #tpu.memory_space<vmem>>) offsets(%dma_start3A_1271 : memref<32xi32, #tpu.memory_space<vmem>>) semaphore(%arg18 : memref<!tpu.dma_semaphore, #tpu.memory_space<semaphore_mem>>)
      } else {
      }
      %mul3A_610 = arith.constant 7 : i32
      %mul3A_611 = arith.muli %add3A_204, %mul3A_610 : i32
      %add3A_612 = arith.constant 3 : i32
      %add3A_613 = arith.addi %mul3A_611, %add3A_612 : i32
      %jit3A_614 = arith.constant 4 : i32
      %div3A_615 = arith.divsi %add3A_613, %jit3A_614 : i32
      %sign3A_616 = arith.constant 0 : i32
      %sign3A_617 = arith.cmpi sgt, %add3A_613, %sign3A_616 : i32
      %sign3A_618 = arith.extui %sign3A_617 : i1 to i32
      %sign3A_619 = arith.constant 0 : i32
      %sign3A_620 = arith.cmpi slt, %add3A_613, %sign3A_619 : i32
      %sign3A_621 = arith.extui %sign3A_620 : i1 to i32
      %sign3A_622 = arith.subi %sign3A_618, %sign3A_621 : i32
      %sign3A_623 = arith.constant 0 : i32
      %sign3A_624 = arith.cmpi sgt, %jit3A_614, %sign3A_623 : i32
      %sign3A_625 = arith.extui %sign3A_624 : i1 to i32
      %sign3A_626 = arith.constant 0 : i32
      %sign3A_627 = arith.cmpi slt, %jit3A_614, %sign3A_626 : i32
      %sign3A_628 = arith.extui %sign3A_627 : i1 to i32
      %sign3A_629 = arith.subi %sign3A_625, %sign3A_628 : i32
      %ne3A_630 = arith.cmpi ne, %sign3A_622, %sign3A_629 : i32
      %rem3A_631 = arith.remsi %add3A_613, %jit3A_614 : i32
      %ne3A_632 = arith.constant 0 : i32
      %ne3A_633 = arith.cmpi ne, %rem3A_631, %ne3A_632 : i32
      %and3A_634 = arith.andi %ne3A_630, %ne3A_633 : i1
      %sub3A_635 = arith.constant 1 : i32
      %sub3A_636 = arith.subi %div3A_615, %sub3A_635 : i32
      %select_n3A_637 = arith.select %and3A_634, %sub3A_636, %div3A_615 : i32
      %jit3A_638 = arith.constant 4 : i32
      %eq3A_639 = arith.constant 0 : i32
      %eq3A_640 = arith.cmpi eq, %jit3A_638, %eq3A_639 : i32
      %jit3A_641 = arith.constant 1 : i32
      %select_n3A_642 = arith.select %eq3A_640, %jit3A_641, %jit3A_638 : i32
      %rem3A_643 = arith.remsi %add3A_613, %select_n3A_642 : i32
      %ne3A_644 = arith.constant 0 : i32
      %ne3A_645 = arith.cmpi ne, %rem3A_643, %ne3A_644 : i32
      %lt3A_646 = arith.constant 0 : i32
      %lt3A_647 = arith.cmpi slt, %rem3A_643, %lt3A_646 : i32
      %lt3A_648 = arith.constant 0 : i32
      %lt3A_649 = arith.cmpi slt, %select_n3A_642, %lt3A_648 : i32
      %ne3A_650 = arith.xori %lt3A_647, %lt3A_649 : i1
      %and3A_651 = arith.andi %ne3A_650, %ne3A_645 : i1
      %add3A_652 = arith.addi %rem3A_643, %select_n3A_642 : i32
      %select_n3A_653 = arith.select %and3A_651, %add3A_652, %rem3A_643 : i32
      %mul3A_654 = arith.constant 32 : i32
      %mul3A_655 = arith.muli %select_n3A_653, %mul3A_654 : i32
      %dma_wait3A_656 = tpu.memref_slice %arg7[%select_n3A_637, %mul3A_655] : memref<80x128xi32, #tpu.memory_space<vmem>> -> memref<1x32xi32, #tpu.memory_space<vmem>>
      %dma_wait3A_657 = tpu.memref_squeeze %dma_wait3A_656 : memref<1x32xi32, #tpu.memory_space<vmem>> -> memref<32xi32, #tpu.memory_space<vmem>>
      %dma_wait3A_658 = arith.constant 0 : i32
      %dma_wait3A_659 = arith.constant 0 : i32
      %dma_wait3A_660 = tpu.memref_slice %arg2[%dma_wait3A_658, %dma_wait3A_659] : memref<20000x128xf32, #tpu.memory_space<hbm>> -> memref<20000x128xf32, #tpu.memory_space<hbm>>
      tpu.wait_indirect_dma semaphore(%arg20 : memref<!tpu.dma_semaphore, #tpu.memory_space<semaphore_mem>>) src(%dma_wait3A_660 : memref<20000x128xf32, #tpu.memory_space<hbm>>) dst(%arg13 : memref<32x128xf32, #tpu.memory_space<vmem>>)
      %jit3A_661 = arith.constant 4 : i32
      %div3A_662 = arith.divsi %add3A_613, %jit3A_661 : i32
      %sign3A_663 = arith.constant 0 : i32
      %sign3A_664 = arith.cmpi sgt, %add3A_613, %sign3A_663 : i32
      %sign3A_665 = arith.extui %sign3A_664 : i1 to i32
      %sign3A_666 = arith.constant 0 : i32
      %sign3A_667 = arith.cmpi slt, %add3A_613, %sign3A_666 : i32
      %sign3A_668 = arith.extui %sign3A_667 : i1 to i32
      %sign3A_669 = arith.subi %sign3A_665, %sign3A_668 : i32
      %sign3A_670 = arith.constant 0 : i32
      %sign3A_671 = arith.cmpi sgt, %jit3A_661, %sign3A_670 : i32
      %sign3A_672 = arith.extui %sign3A_671 : i1 to i32
      %sign3A_673 = arith.constant 0 : i32
      %sign3A_674 = arith.cmpi slt, %jit3A_661, %sign3A_673 : i32
      %sign3A_675 = arith.extui %sign3A_674 : i1 to i32
      %sign3A_676 = arith.subi %sign3A_672, %sign3A_675 : i32
      %ne3A_677 = arith.cmpi ne, %sign3A_669, %sign3A_676 : i32
      %rem3A_678 = arith.remsi %add3A_613, %jit3A_661 : i32
      %ne3A_679 = arith.constant 0 : i32
      %ne3A_680 = arith.cmpi ne, %rem3A_678, %ne3A_679 : i32
      %and3A_681 = arith.andi %ne3A_677, %ne3A_680 : i1
      %sub3A_682 = arith.constant 1 : i32
      %sub3A_683 = arith.subi %div3A_662, %sub3A_682 : i32
      %select_n3A_684 = arith.select %and3A_681, %sub3A_683, %div3A_662 : i32
      %jit3A_685 = arith.constant 4 : i32
      %eq3A_686 = arith.constant 0 : i32
      %eq3A_687 = arith.cmpi eq, %jit3A_685, %eq3A_686 : i32
      %jit3A_688 = arith.constant 1 : i32
      %select_n3A_689 = arith.select %eq3A_687, %jit3A_688, %jit3A_685 : i32
      %rem3A_690 = arith.remsi %add3A_613, %select_n3A_689 : i32
      %ne3A_691 = arith.constant 0 : i32
      %ne3A_692 = arith.cmpi ne, %rem3A_690, %ne3A_691 : i32
      %lt3A_693 = arith.constant 0 : i32
      %lt3A_694 = arith.cmpi slt, %rem3A_690, %lt3A_693 : i32
      %lt3A_695 = arith.constant 0 : i32
      %lt3A_696 = arith.cmpi slt, %select_n3A_689, %lt3A_695 : i32
      %ne3A_697 = arith.xori %lt3A_694, %lt3A_696 : i1
      %and3A_698 = arith.andi %ne3A_697, %ne3A_692 : i1
      %add3A_699 = arith.addi %rem3A_690, %select_n3A_689 : i32
      %select_n3A_700 = arith.select %and3A_698, %add3A_699, %rem3A_690 : i32
      %mul3A_701 = arith.constant 32 : i32
      %mul3A_702 = arith.muli %select_n3A_700, %mul3A_701 : i32
      %dma_start3A_703 = tpu.memref_slice %arg8[%select_n3A_684, %mul3A_702] : memref<80x128xi32, #tpu.memory_space<vmem>> -> memref<1x32xi32, #tpu.memory_space<vmem>>
      %dma_start3A_704 = tpu.memref_squeeze %dma_start3A_703 : memref<1x32xi32, #tpu.memory_space<vmem>> -> memref<32xi32, #tpu.memory_space<vmem>>
      %dma_start3A_705 = arith.constant 0 : i32
      %dma_start3A_706 = arith.constant 0 : i32
      %dma_start3A_707 = tpu.memref_slice %arg9[%dma_start3A_705, %dma_start3A_706] : memref<10112x128xf32, #tpu.memory_space<vmem_shared>> -> memref<10112x128xf32, #tpu.memory_space<vmem_shared>>
      tpu.enqueue_indirect_dma source(%arg13 : memref<32x128xf32, #tpu.memory_space<vmem>>) target(%dma_start3A_707 : memref<10112x128xf32, #tpu.memory_space<vmem_shared>>) offsets(%dma_start3A_704 : memref<32xi32, #tpu.memory_space<vmem>>) semaphore(%arg27 : memref<!tpu.dma_semaphore, #tpu.memory_space<semaphore_mem>>) {add = true}
      %sub3A_708 = arith.constant 1 : i32
      %sub3A_709 = arith.subi %add3A_613, %sub3A_708 : i32
      %jit3A_710 = arith.constant 4 : i32
      %div3A_711 = arith.divsi %sub3A_709, %jit3A_710 : i32
      %sign3A_712 = arith.constant 0 : i32
      %sign3A_713 = arith.cmpi sgt, %sub3A_709, %sign3A_712 : i32
      %sign3A_714 = arith.extui %sign3A_713 : i1 to i32
      %sign3A_715 = arith.constant 0 : i32
      %sign3A_716 = arith.cmpi slt, %sub3A_709, %sign3A_715 : i32
      %sign3A_717 = arith.extui %sign3A_716 : i1 to i32
      %sign3A_718 = arith.subi %sign3A_714, %sign3A_717 : i32
      %sign3A_719 = arith.constant 0 : i32
      %sign3A_720 = arith.cmpi sgt, %jit3A_710, %sign3A_719 : i32
      %sign3A_721 = arith.extui %sign3A_720 : i1 to i32
      %sign3A_722 = arith.constant 0 : i32
      %sign3A_723 = arith.cmpi slt, %jit3A_710, %sign3A_722 : i32
      %sign3A_724 = arith.extui %sign3A_723 : i1 to i32
      %sign3A_725 = arith.subi %sign3A_721, %sign3A_724 : i32
      %ne3A_726 = arith.cmpi ne, %sign3A_718, %sign3A_725 : i32
      %rem3A_727 = arith.remsi %sub3A_709, %jit3A_710 : i32
      %ne3A_728 = arith.constant 0 : i32
      %ne3A_729 = arith.cmpi ne, %rem3A_727, %ne3A_728 : i32
      %and3A_730 = arith.andi %ne3A_726, %ne3A_729 : i1
      %sub3A_731 = arith.constant 1 : i32
      %sub3A_732 = arith.subi %div3A_711, %sub3A_731 : i32
      %select_n3A_733 = arith.select %and3A_730, %sub3A_732, %div3A_711 : i32
      %jit3A_734 = arith.constant 4 : i32
      %eq3A_735 = arith.constant 0 : i32
      %eq3A_736 = arith.cmpi eq, %jit3A_734, %eq3A_735 : i32
      %jit3A_737 = arith.constant 1 : i32
      %select_n3A_738 = arith.select %eq3A_736, %jit3A_737, %jit3A_734 : i32
      %rem3A_739 = arith.remsi %sub3A_709, %select_n3A_738 : i32
      %ne3A_740 = arith.constant 0 : i32
      %ne3A_741 = arith.cmpi ne, %rem3A_739, %ne3A_740 : i32
      %lt3A_742 = arith.constant 0 : i32
      %lt3A_743 = arith.cmpi slt, %rem3A_739, %lt3A_742 : i32
      %lt3A_744 = arith.constant 0 : i32
      %lt3A_745 = arith.cmpi slt, %select_n3A_738, %lt3A_744 : i32
      %ne3A_746 = arith.xori %lt3A_743, %lt3A_745 : i1
      %and3A_747 = arith.andi %ne3A_746, %ne3A_741 : i1
      %add3A_748 = arith.addi %rem3A_739, %select_n3A_738 : i32
      %select_n3A_749 = arith.select %and3A_747, %add3A_748, %rem3A_739 : i32
      %mul3A_750 = arith.constant 32 : i32
      %mul3A_751 = arith.muli %select_n3A_749, %mul3A_750 : i32
      %dma_wait3A_752 = tpu.memref_slice %arg8[%select_n3A_733, %mul3A_751] : memref<80x128xi32, #tpu.memory_space<vmem>> -> memref<1x32xi32, #tpu.memory_space<vmem>>
      %dma_wait3A_753 = tpu.memref_squeeze %dma_wait3A_752 : memref<1x32xi32, #tpu.memory_space<vmem>> -> memref<32xi32, #tpu.memory_space<vmem>>
      %dma_wait3A_754 = arith.constant 0 : i32
      %dma_wait3A_755 = arith.constant 0 : i32
      %dma_wait3A_756 = tpu.memref_slice %arg9[%dma_wait3A_754, %dma_wait3A_755] : memref<10112x128xf32, #tpu.memory_space<vmem_shared>> -> memref<10112x128xf32, #tpu.memory_space<vmem_shared>>
      tpu.wait_indirect_dma semaphore(%arg26 : memref<!tpu.dma_semaphore, #tpu.memory_space<semaphore_mem>>) src(%arg12 : memref<32x128xf32, #tpu.memory_space<vmem>>) dst(%dma_wait3A_756 : memref<10112x128xf32, #tpu.memory_space<vmem_shared>>)
      %add3A_757 = arith.constant 6 : i32
      %add3A_758 = arith.addi %add3A_613, %add3A_757 : i32
      %lt3A_759 = arith.constant 320 : i32
      %lt3A_760 = arith.cmpi slt, %add3A_758, %lt3A_759 : i32
      %convert_element_type3A_761 = arith.extui %lt3A_760 : i1 to i32
      %cond3A_762 = arith.constant 0 : i32
      %cond3A_763 = arith.cmpi ne, %convert_element_type3A_761, %cond3A_762 : i32
      scf.if %cond3A_763 {
        %add3A_1226 = arith.constant 6 : i32
        %add3A_1227 = arith.addi %add3A_613, %add3A_1226 : i32
        %jit3A_1228 = arith.constant 4 : i32
        %div3A_1229 = arith.divsi %add3A_1227, %jit3A_1228 : i32
        %sign3A_1230 = arith.constant 0 : i32
        %sign3A_1231 = arith.cmpi sgt, %add3A_1227, %sign3A_1230 : i32
        %sign3A_1232 = arith.extui %sign3A_1231 : i1 to i32
        %sign3A_1233 = arith.constant 0 : i32
        %sign3A_1234 = arith.cmpi slt, %add3A_1227, %sign3A_1233 : i32
        %sign3A_1235 = arith.extui %sign3A_1234 : i1 to i32
        %sign3A_1236 = arith.subi %sign3A_1232, %sign3A_1235 : i32
        %sign3A_1237 = arith.constant 0 : i32
        %sign3A_1238 = arith.cmpi sgt, %jit3A_1228, %sign3A_1237 : i32
        %sign3A_1239 = arith.extui %sign3A_1238 : i1 to i32
        %sign3A_1240 = arith.constant 0 : i32
        %sign3A_1241 = arith.cmpi slt, %jit3A_1228, %sign3A_1240 : i32
        %sign3A_1242 = arith.extui %sign3A_1241 : i1 to i32
        %sign3A_1243 = arith.subi %sign3A_1239, %sign3A_1242 : i32
        %ne3A_1244 = arith.cmpi ne, %sign3A_1236, %sign3A_1243 : i32
        %rem3A_1245 = arith.remsi %add3A_1227, %jit3A_1228 : i32
        %ne3A_1246 = arith.constant 0 : i32
        %ne3A_1247 = arith.cmpi ne, %rem3A_1245, %ne3A_1246 : i32
        %and3A_1248 = arith.andi %ne3A_1244, %ne3A_1247 : i1
        %sub3A_1249 = arith.constant 1 : i32
        %sub3A_1250 = arith.subi %div3A_1229, %sub3A_1249 : i32
        %select_n3A_1251 = arith.select %and3A_1248, %sub3A_1250, %div3A_1229 : i32
        %jit3A_1252 = arith.constant 4 : i32
        %eq3A_1253 = arith.constant 0 : i32
        %eq3A_1254 = arith.cmpi eq, %jit3A_1252, %eq3A_1253 : i32
        %jit3A_1255 = arith.constant 1 : i32
        %select_n3A_1256 = arith.select %eq3A_1254, %jit3A_1255, %jit3A_1252 : i32
        %rem3A_1257 = arith.remsi %add3A_1227, %select_n3A_1256 : i32
        %ne3A_1258 = arith.constant 0 : i32
        %ne3A_1259 = arith.cmpi ne, %rem3A_1257, %ne3A_1258 : i32
        %lt3A_1260 = arith.constant 0 : i32
        %lt3A_1261 = arith.cmpi slt, %rem3A_1257, %lt3A_1260 : i32
        %lt3A_1262 = arith.constant 0 : i32
        %lt3A_1263 = arith.cmpi slt, %select_n3A_1256, %lt3A_1262 : i32
        %ne3A_1264 = arith.xori %lt3A_1261, %lt3A_1263 : i1
        %and3A_1265 = arith.andi %ne3A_1264, %ne3A_1259 : i1
        %add3A_1266 = arith.addi %rem3A_1257, %select_n3A_1256 : i32
        %select_n3A_1267 = arith.select %and3A_1265, %add3A_1266, %rem3A_1257 : i32
        %mul3A_1268 = arith.constant 32 : i32
        %mul3A_1269 = arith.muli %select_n3A_1267, %mul3A_1268 : i32
        %dma_start3A_1270 = tpu.memref_slice %arg7[%select_n3A_1251, %mul3A_1269] : memref<80x128xi32, #tpu.memory_space<vmem>> -> memref<1x32xi32, #tpu.memory_space<vmem>>
        %dma_start3A_1271 = tpu.memref_squeeze %dma_start3A_1270 : memref<1x32xi32, #tpu.memory_space<vmem>> -> memref<32xi32, #tpu.memory_space<vmem>>
        %dma_start3A_1272 = arith.constant 0 : i32
        %dma_start3A_1273 = arith.constant 0 : i32
        %dma_start3A_1274 = tpu.memref_slice %arg2[%dma_start3A_1272, %dma_start3A_1273] : memref<20000x128xf32, #tpu.memory_space<hbm>> -> memref<20000x128xf32, #tpu.memory_space<hbm>>
        tpu.enqueue_indirect_dma source(%dma_start3A_1274 : memref<20000x128xf32, #tpu.memory_space<hbm>>) target(%arg12 : memref<32x128xf32, #tpu.memory_space<vmem>>) offsets(%dma_start3A_1271 : memref<32xi32, #tpu.memory_space<vmem>>) semaphore(%arg19 : memref<!tpu.dma_semaphore, #tpu.memory_space<semaphore_mem>>)
      } else {
      }
      %mul3A_764 = arith.constant 7 : i32
      %mul3A_765 = arith.muli %add3A_204, %mul3A_764 : i32
      %add3A_766 = arith.constant 4 : i32
      %add3A_767 = arith.addi %mul3A_765, %add3A_766 : i32
      %jit3A_768 = arith.constant 4 : i32
      %div3A_769 = arith.divsi %add3A_767, %jit3A_768 : i32
      %sign3A_770 = arith.constant 0 : i32
      %sign3A_771 = arith.cmpi sgt, %add3A_767, %sign3A_770 : i32
      %sign3A_772 = arith.extui %sign3A_771 : i1 to i32
      %sign3A_773 = arith.constant 0 : i32
      %sign3A_774 = arith.cmpi slt, %add3A_767, %sign3A_773 : i32
      %sign3A_775 = arith.extui %sign3A_774 : i1 to i32
      %sign3A_776 = arith.subi %sign3A_772, %sign3A_775 : i32
      %sign3A_777 = arith.constant 0 : i32
      %sign3A_778 = arith.cmpi sgt, %jit3A_768, %sign3A_777 : i32
      %sign3A_779 = arith.extui %sign3A_778 : i1 to i32
      %sign3A_780 = arith.constant 0 : i32
      %sign3A_781 = arith.cmpi slt, %jit3A_768, %sign3A_780 : i32
      %sign3A_782 = arith.extui %sign3A_781 : i1 to i32
      %sign3A_783 = arith.subi %sign3A_779, %sign3A_782 : i32
      %ne3A_784 = arith.cmpi ne, %sign3A_776, %sign3A_783 : i32
      %rem3A_785 = arith.remsi %add3A_767, %jit3A_768 : i32
      %ne3A_786 = arith.constant 0 : i32
      %ne3A_787 = arith.cmpi ne, %rem3A_785, %ne3A_786 : i32
      %and3A_788 = arith.andi %ne3A_784, %ne3A_787 : i1
      %sub3A_789 = arith.constant 1 : i32
      %sub3A_790 = arith.subi %div3A_769, %sub3A_789 : i32
      %select_n3A_791 = arith.select %and3A_788, %sub3A_790, %div3A_769 : i32
      %jit3A_792 = arith.constant 4 : i32
      %eq3A_793 = arith.constant 0 : i32
      %eq3A_794 = arith.cmpi eq, %jit3A_792, %eq3A_793 : i32
      %jit3A_795 = arith.constant 1 : i32
      %select_n3A_796 = arith.select %eq3A_794, %jit3A_795, %jit3A_792 : i32
      %rem3A_797 = arith.remsi %add3A_767, %select_n3A_796 : i32
      %ne3A_798 = arith.constant 0 : i32
      %ne3A_799 = arith.cmpi ne, %rem3A_797, %ne3A_798 : i32
      %lt3A_800 = arith.constant 0 : i32
      %lt3A_801 = arith.cmpi slt, %rem3A_797, %lt3A_800 : i32
      %lt3A_802 = arith.constant 0 : i32
      %lt3A_803 = arith.cmpi slt, %select_n3A_796, %lt3A_802 : i32
      %ne3A_804 = arith.xori %lt3A_801, %lt3A_803 : i1
      %and3A_805 = arith.andi %ne3A_804, %ne3A_799 : i1
      %add3A_806 = arith.addi %rem3A_797, %select_n3A_796 : i32
      %select_n3A_807 = arith.select %and3A_805, %add3A_806, %rem3A_797 : i32
      %mul3A_808 = arith.constant 32 : i32
      %mul3A_809 = arith.muli %select_n3A_807, %mul3A_808 : i32
      %dma_wait3A_810 = tpu.memref_slice %arg7[%select_n3A_791, %mul3A_809] : memref<80x128xi32, #tpu.memory_space<vmem>> -> memref<1x32xi32, #tpu.memory_space<vmem>>
      %dma_wait3A_811 = tpu.memref_squeeze %dma_wait3A_810 : memref<1x32xi32, #tpu.memory_space<vmem>> -> memref<32xi32, #tpu.memory_space<vmem>>
      %dma_wait3A_812 = arith.constant 0 : i32
      %dma_wait3A_813 = arith.constant 0 : i32
      %dma_wait3A_814 = tpu.memref_slice %arg2[%dma_wait3A_812, %dma_wait3A_813] : memref<20000x128xf32, #tpu.memory_space<hbm>> -> memref<20000x128xf32, #tpu.memory_space<hbm>>
      tpu.wait_indirect_dma semaphore(%arg21 : memref<!tpu.dma_semaphore, #tpu.memory_space<semaphore_mem>>) src(%dma_wait3A_814 : memref<20000x128xf32, #tpu.memory_space<hbm>>) dst(%arg14 : memref<32x128xf32, #tpu.memory_space<vmem>>)
      %jit3A_815 = arith.constant 4 : i32
      %div3A_816 = arith.divsi %add3A_767, %jit3A_815 : i32
      %sign3A_817 = arith.constant 0 : i32
      %sign3A_818 = arith.cmpi sgt, %add3A_767, %sign3A_817 : i32
      %sign3A_819 = arith.extui %sign3A_818 : i1 to i32
      %sign3A_820 = arith.constant 0 : i32
      %sign3A_821 = arith.cmpi slt, %add3A_767, %sign3A_820 : i32
      %sign3A_822 = arith.extui %sign3A_821 : i1 to i32
      %sign3A_823 = arith.subi %sign3A_819, %sign3A_822 : i32
      %sign3A_824 = arith.constant 0 : i32
      %sign3A_825 = arith.cmpi sgt, %jit3A_815, %sign3A_824 : i32
      %sign3A_826 = arith.extui %sign3A_825 : i1 to i32
      %sign3A_827 = arith.constant 0 : i32
      %sign3A_828 = arith.cmpi slt, %jit3A_815, %sign3A_827 : i32
      %sign3A_829 = arith.extui %sign3A_828 : i1 to i32
      %sign3A_830 = arith.subi %sign3A_826, %sign3A_829 : i32
      %ne3A_831 = arith.cmpi ne, %sign3A_823, %sign3A_830 : i32
      %rem3A_832 = arith.remsi %add3A_767, %jit3A_815 : i32
      %ne3A_833 = arith.constant 0 : i32
      %ne3A_834 = arith.cmpi ne, %rem3A_832, %ne3A_833 : i32
      %and3A_835 = arith.andi %ne3A_831, %ne3A_834 : i1
      %sub3A_836 = arith.constant 1 : i32
      %sub3A_837 = arith.subi %div3A_816, %sub3A_836 : i32
      %select_n3A_838 = arith.select %and3A_835, %sub3A_837, %div3A_816 : i32
      %jit3A_839 = arith.constant 4 : i32
      %eq3A_840 = arith.constant 0 : i32
      %eq3A_841 = arith.cmpi eq, %jit3A_839, %eq3A_840 : i32
      %jit3A_842 = arith.constant 1 : i32
      %select_n3A_843 = arith.select %eq3A_841, %jit3A_842, %jit3A_839 : i32
      %rem3A_844 = arith.remsi %add3A_767, %select_n3A_843 : i32
      %ne3A_845 = arith.constant 0 : i32
      %ne3A_846 = arith.cmpi ne, %rem3A_844, %ne3A_845 : i32
      %lt3A_847 = arith.constant 0 : i32
      %lt3A_848 = arith.cmpi slt, %rem3A_844, %lt3A_847 : i32
      %lt3A_849 = arith.constant 0 : i32
      %lt3A_850 = arith.cmpi slt, %select_n3A_843, %lt3A_849 : i32
      %ne3A_851 = arith.xori %lt3A_848, %lt3A_850 : i1
      %and3A_852 = arith.andi %ne3A_851, %ne3A_846 : i1
      %add3A_853 = arith.addi %rem3A_844, %select_n3A_843 : i32
      %select_n3A_854 = arith.select %and3A_852, %add3A_853, %rem3A_844 : i32
      %mul3A_855 = arith.constant 32 : i32
      %mul3A_856 = arith.muli %select_n3A_854, %mul3A_855 : i32
      %dma_start3A_857 = tpu.memref_slice %arg8[%select_n3A_838, %mul3A_856] : memref<80x128xi32, #tpu.memory_space<vmem>> -> memref<1x32xi32, #tpu.memory_space<vmem>>
      %dma_start3A_858 = tpu.memref_squeeze %dma_start3A_857 : memref<1x32xi32, #tpu.memory_space<vmem>> -> memref<32xi32, #tpu.memory_space<vmem>>
      %dma_start3A_859 = arith.constant 0 : i32
      %dma_start3A_860 = arith.constant 0 : i32
      %dma_start3A_861 = tpu.memref_slice %arg9[%dma_start3A_859, %dma_start3A_860] : memref<10112x128xf32, #tpu.memory_space<vmem_shared>> -> memref<10112x128xf32, #tpu.memory_space<vmem_shared>>
      tpu.enqueue_indirect_dma source(%arg14 : memref<32x128xf32, #tpu.memory_space<vmem>>) target(%dma_start3A_861 : memref<10112x128xf32, #tpu.memory_space<vmem_shared>>) offsets(%dma_start3A_858 : memref<32xi32, #tpu.memory_space<vmem>>) semaphore(%arg28 : memref<!tpu.dma_semaphore, #tpu.memory_space<semaphore_mem>>) {add = true}
      %sub3A_862 = arith.constant 1 : i32
      %sub3A_863 = arith.subi %add3A_767, %sub3A_862 : i32
      %jit3A_864 = arith.constant 4 : i32
      %div3A_865 = arith.divsi %sub3A_863, %jit3A_864 : i32
      %sign3A_866 = arith.constant 0 : i32
      %sign3A_867 = arith.cmpi sgt, %sub3A_863, %sign3A_866 : i32
      %sign3A_868 = arith.extui %sign3A_867 : i1 to i32
      %sign3A_869 = arith.constant 0 : i32
      %sign3A_870 = arith.cmpi slt, %sub3A_863, %sign3A_869 : i32
      %sign3A_871 = arith.extui %sign3A_870 : i1 to i32
      %sign3A_872 = arith.subi %sign3A_868, %sign3A_871 : i32
      %sign3A_873 = arith.constant 0 : i32
      %sign3A_874 = arith.cmpi sgt, %jit3A_864, %sign3A_873 : i32
      %sign3A_875 = arith.extui %sign3A_874 : i1 to i32
      %sign3A_876 = arith.constant 0 : i32
      %sign3A_877 = arith.cmpi slt, %jit3A_864, %sign3A_876 : i32
      %sign3A_878 = arith.extui %sign3A_877 : i1 to i32
      %sign3A_879 = arith.subi %sign3A_875, %sign3A_878 : i32
      %ne3A_880 = arith.cmpi ne, %sign3A_872, %sign3A_879 : i32
      %rem3A_881 = arith.remsi %sub3A_863, %jit3A_864 : i32
      %ne3A_882 = arith.constant 0 : i32
      %ne3A_883 = arith.cmpi ne, %rem3A_881, %ne3A_882 : i32
      %and3A_884 = arith.andi %ne3A_880, %ne3A_883 : i1
      %sub3A_885 = arith.constant 1 : i32
      %sub3A_886 = arith.subi %div3A_865, %sub3A_885 : i32
      %select_n3A_887 = arith.select %and3A_884, %sub3A_886, %div3A_865 : i32
      %jit3A_888 = arith.constant 4 : i32
      %eq3A_889 = arith.constant 0 : i32
      %eq3A_890 = arith.cmpi eq, %jit3A_888, %eq3A_889 : i32
      %jit3A_891 = arith.constant 1 : i32
      %select_n3A_892 = arith.select %eq3A_890, %jit3A_891, %jit3A_888 : i32
      %rem3A_893 = arith.remsi %sub3A_863, %select_n3A_892 : i32
      %ne3A_894 = arith.constant 0 : i32
      %ne3A_895 = arith.cmpi ne, %rem3A_893, %ne3A_894 : i32
      %lt3A_896 = arith.constant 0 : i32
      %lt3A_897 = arith.cmpi slt, %rem3A_893, %lt3A_896 : i32
      %lt3A_898 = arith.constant 0 : i32
      %lt3A_899 = arith.cmpi slt, %select_n3A_892, %lt3A_898 : i32
      %ne3A_900 = arith.xori %lt3A_897, %lt3A_899 : i1
      %and3A_901 = arith.andi %ne3A_900, %ne3A_895 : i1
      %add3A_902 = arith.addi %rem3A_893, %select_n3A_892 : i32
      %select_n3A_903 = arith.select %and3A_901, %add3A_902, %rem3A_893 : i32
      %mul3A_904 = arith.constant 32 : i32
      %mul3A_905 = arith.muli %select_n3A_903, %mul3A_904 : i32
      %dma_wait3A_906 = tpu.memref_slice %arg8[%select_n3A_887, %mul3A_905] : memref<80x128xi32, #tpu.memory_space<vmem>> -> memref<1x32xi32, #tpu.memory_space<vmem>>
      %dma_wait3A_907 = tpu.memref_squeeze %dma_wait3A_906 : memref<1x32xi32, #tpu.memory_space<vmem>> -> memref<32xi32, #tpu.memory_space<vmem>>
      %dma_wait3A_908 = arith.constant 0 : i32
      %dma_wait3A_909 = arith.constant 0 : i32
      %dma_wait3A_910 = tpu.memref_slice %arg9[%dma_wait3A_908, %dma_wait3A_909] : memref<10112x128xf32, #tpu.memory_space<vmem_shared>> -> memref<10112x128xf32, #tpu.memory_space<vmem_shared>>
      tpu.wait_indirect_dma semaphore(%arg27 : memref<!tpu.dma_semaphore, #tpu.memory_space<semaphore_mem>>) src(%arg13 : memref<32x128xf32, #tpu.memory_space<vmem>>) dst(%dma_wait3A_910 : memref<10112x128xf32, #tpu.memory_space<vmem_shared>>)
      %add3A_911 = arith.constant 6 : i32
      %add3A_912 = arith.addi %add3A_767, %add3A_911 : i32
      %lt3A_913 = arith.constant 320 : i32
      %lt3A_914 = arith.cmpi slt, %add3A_912, %lt3A_913 : i32
      %convert_element_type3A_915 = arith.extui %lt3A_914 : i1 to i32
      %cond3A_916 = arith.constant 0 : i32
      %cond3A_917 = arith.cmpi ne, %convert_element_type3A_915, %cond3A_916 : i32
      scf.if %cond3A_917 {
        %add3A_1226 = arith.constant 6 : i32
        %add3A_1227 = arith.addi %add3A_767, %add3A_1226 : i32
        %jit3A_1228 = arith.constant 4 : i32
        %div3A_1229 = arith.divsi %add3A_1227, %jit3A_1228 : i32
        %sign3A_1230 = arith.constant 0 : i32
        %sign3A_1231 = arith.cmpi sgt, %add3A_1227, %sign3A_1230 : i32
        %sign3A_1232 = arith.extui %sign3A_1231 : i1 to i32
        %sign3A_1233 = arith.constant 0 : i32
        %sign3A_1234 = arith.cmpi slt, %add3A_1227, %sign3A_1233 : i32
        %sign3A_1235 = arith.extui %sign3A_1234 : i1 to i32
        %sign3A_1236 = arith.subi %sign3A_1232, %sign3A_1235 : i32
        %sign3A_1237 = arith.constant 0 : i32
        %sign3A_1238 = arith.cmpi sgt, %jit3A_1228, %sign3A_1237 : i32
        %sign3A_1239 = arith.extui %sign3A_1238 : i1 to i32
        %sign3A_1240 = arith.constant 0 : i32
        %sign3A_1241 = arith.cmpi slt, %jit3A_1228, %sign3A_1240 : i32
        %sign3A_1242 = arith.extui %sign3A_1241 : i1 to i32
        %sign3A_1243 = arith.subi %sign3A_1239, %sign3A_1242 : i32
        %ne3A_1244 = arith.cmpi ne, %sign3A_1236, %sign3A_1243 : i32
        %rem3A_1245 = arith.remsi %add3A_1227, %jit3A_1228 : i32
        %ne3A_1246 = arith.constant 0 : i32
        %ne3A_1247 = arith.cmpi ne, %rem3A_1245, %ne3A_1246 : i32
        %and3A_1248 = arith.andi %ne3A_1244, %ne3A_1247 : i1
        %sub3A_1249 = arith.constant 1 : i32
        %sub3A_1250 = arith.subi %div3A_1229, %sub3A_1249 : i32
        %select_n3A_1251 = arith.select %and3A_1248, %sub3A_1250, %div3A_1229 : i32
        %jit3A_1252 = arith.constant 4 : i32
        %eq3A_1253 = arith.constant 0 : i32
        %eq3A_1254 = arith.cmpi eq, %jit3A_1252, %eq3A_1253 : i32
        %jit3A_1255 = arith.constant 1 : i32
        %select_n3A_1256 = arith.select %eq3A_1254, %jit3A_1255, %jit3A_1252 : i32
        %rem3A_1257 = arith.remsi %add3A_1227, %select_n3A_1256 : i32
        %ne3A_1258 = arith.constant 0 : i32
        %ne3A_1259 = arith.cmpi ne, %rem3A_1257, %ne3A_1258 : i32
        %lt3A_1260 = arith.constant 0 : i32
        %lt3A_1261 = arith.cmpi slt, %rem3A_1257, %lt3A_1260 : i32
        %lt3A_1262 = arith.constant 0 : i32
        %lt3A_1263 = arith.cmpi slt, %select_n3A_1256, %lt3A_1262 : i32
        %ne3A_1264 = arith.xori %lt3A_1261, %lt3A_1263 : i1
        %and3A_1265 = arith.andi %ne3A_1264, %ne3A_1259 : i1
        %add3A_1266 = arith.addi %rem3A_1257, %select_n3A_1256 : i32
        %select_n3A_1267 = arith.select %and3A_1265, %add3A_1266, %rem3A_1257 : i32
        %mul3A_1268 = arith.constant 32 : i32
        %mul3A_1269 = arith.muli %select_n3A_1267, %mul3A_1268 : i32
        %dma_start3A_1270 = tpu.memref_slice %arg7[%select_n3A_1251, %mul3A_1269] : memref<80x128xi32, #tpu.memory_space<vmem>> -> memref<1x32xi32, #tpu.memory_space<vmem>>
        %dma_start3A_1271 = tpu.memref_squeeze %dma_start3A_1270 : memref<1x32xi32, #tpu.memory_space<vmem>> -> memref<32xi32, #tpu.memory_space<vmem>>
        %dma_start3A_1272 = arith.constant 0 : i32
        %dma_start3A_1273 = arith.constant 0 : i32
        %dma_start3A_1274 = tpu.memref_slice %arg2[%dma_start3A_1272, %dma_start3A_1273] : memref<20000x128xf32, #tpu.memory_space<hbm>> -> memref<20000x128xf32, #tpu.memory_space<hbm>>
        tpu.enqueue_indirect_dma source(%dma_start3A_1274 : memref<20000x128xf32, #tpu.memory_space<hbm>>) target(%arg13 : memref<32x128xf32, #tpu.memory_space<vmem>>) offsets(%dma_start3A_1271 : memref<32xi32, #tpu.memory_space<vmem>>) semaphore(%arg20 : memref<!tpu.dma_semaphore, #tpu.memory_space<semaphore_mem>>)
      } else {
      }
      %mul3A_918 = arith.constant 7 : i32
      %mul3A_919 = arith.muli %add3A_204, %mul3A_918 : i32
      %add3A_920 = arith.constant 5 : i32
      %add3A_921 = arith.addi %mul3A_919, %add3A_920 : i32
      %jit3A_922 = arith.constant 4 : i32
      %div3A_923 = arith.divsi %add3A_921, %jit3A_922 : i32
      %sign3A_924 = arith.constant 0 : i32
      %sign3A_925 = arith.cmpi sgt, %add3A_921, %sign3A_924 : i32
      %sign3A_926 = arith.extui %sign3A_925 : i1 to i32
      %sign3A_927 = arith.constant 0 : i32
      %sign3A_928 = arith.cmpi slt, %add3A_921, %sign3A_927 : i32
      %sign3A_929 = arith.extui %sign3A_928 : i1 to i32
      %sign3A_930 = arith.subi %sign3A_926, %sign3A_929 : i32
      %sign3A_931 = arith.constant 0 : i32
      %sign3A_932 = arith.cmpi sgt, %jit3A_922, %sign3A_931 : i32
      %sign3A_933 = arith.extui %sign3A_932 : i1 to i32
      %sign3A_934 = arith.constant 0 : i32
      %sign3A_935 = arith.cmpi slt, %jit3A_922, %sign3A_934 : i32
      %sign3A_936 = arith.extui %sign3A_935 : i1 to i32
      %sign3A_937 = arith.subi %sign3A_933, %sign3A_936 : i32
      %ne3A_938 = arith.cmpi ne, %sign3A_930, %sign3A_937 : i32
      %rem3A_939 = arith.remsi %add3A_921, %jit3A_922 : i32
      %ne3A_940 = arith.constant 0 : i32
      %ne3A_941 = arith.cmpi ne, %rem3A_939, %ne3A_940 : i32
      %and3A_942 = arith.andi %ne3A_938, %ne3A_941 : i1
      %sub3A_943 = arith.constant 1 : i32
      %sub3A_944 = arith.subi %div3A_923, %sub3A_943 : i32
      %select_n3A_945 = arith.select %and3A_942, %sub3A_944, %div3A_923 : i32
      %jit3A_946 = arith.constant 4 : i32
      %eq3A_947 = arith.constant 0 : i32
      %eq3A_948 = arith.cmpi eq, %jit3A_946, %eq3A_947 : i32
      %jit3A_949 = arith.constant 1 : i32
      %select_n3A_950 = arith.select %eq3A_948, %jit3A_949, %jit3A_946 : i32
      %rem3A_951 = arith.remsi %add3A_921, %select_n3A_950 : i32
      %ne3A_952 = arith.constant 0 : i32
      %ne3A_953 = arith.cmpi ne, %rem3A_951, %ne3A_952 : i32
      %lt3A_954 = arith.constant 0 : i32
      %lt3A_955 = arith.cmpi slt, %rem3A_951, %lt3A_954 : i32
      %lt3A_956 = arith.constant 0 : i32
      %lt3A_957 = arith.cmpi slt, %select_n3A_950, %lt3A_956 : i32
      %ne3A_958 = arith.xori %lt3A_955, %lt3A_957 : i1
      %and3A_959 = arith.andi %ne3A_958, %ne3A_953 : i1
      %add3A_960 = arith.addi %rem3A_951, %select_n3A_950 : i32
      %select_n3A_961 = arith.select %and3A_959, %add3A_960, %rem3A_951 : i32
      %mul3A_962 = arith.constant 32 : i32
      %mul3A_963 = arith.muli %select_n3A_961, %mul3A_962 : i32
      %dma_wait3A_964 = tpu.memref_slice %arg7[%select_n3A_945, %mul3A_963] : memref<80x128xi32, #tpu.memory_space<vmem>> -> memref<1x32xi32, #tpu.memory_space<vmem>>
      %dma_wait3A_965 = tpu.memref_squeeze %dma_wait3A_964 : memref<1x32xi32, #tpu.memory_space<vmem>> -> memref<32xi32, #tpu.memory_space<vmem>>
      %dma_wait3A_966 = arith.constant 0 : i32
      %dma_wait3A_967 = arith.constant 0 : i32
      %dma_wait3A_968 = tpu.memref_slice %arg2[%dma_wait3A_966, %dma_wait3A_967] : memref<20000x128xf32, #tpu.memory_space<hbm>> -> memref<20000x128xf32, #tpu.memory_space<hbm>>
      tpu.wait_indirect_dma semaphore(%arg22 : memref<!tpu.dma_semaphore, #tpu.memory_space<semaphore_mem>>) src(%dma_wait3A_968 : memref<20000x128xf32, #tpu.memory_space<hbm>>) dst(%arg15 : memref<32x128xf32, #tpu.memory_space<vmem>>)
      %jit3A_969 = arith.constant 4 : i32
      %div3A_970 = arith.divsi %add3A_921, %jit3A_969 : i32
      %sign3A_971 = arith.constant 0 : i32
      %sign3A_972 = arith.cmpi sgt, %add3A_921, %sign3A_971 : i32
      %sign3A_973 = arith.extui %sign3A_972 : i1 to i32
      %sign3A_974 = arith.constant 0 : i32
      %sign3A_975 = arith.cmpi slt, %add3A_921, %sign3A_974 : i32
      %sign3A_976 = arith.extui %sign3A_975 : i1 to i32
      %sign3A_977 = arith.subi %sign3A_973, %sign3A_976 : i32
      %sign3A_978 = arith.constant 0 : i32
      %sign3A_979 = arith.cmpi sgt, %jit3A_969, %sign3A_978 : i32
      %sign3A_980 = arith.extui %sign3A_979 : i1 to i32
      %sign3A_981 = arith.constant 0 : i32
      %sign3A_982 = arith.cmpi slt, %jit3A_969, %sign3A_981 : i32
      %sign3A_983 = arith.extui %sign3A_982 : i1 to i32
      %sign3A_984 = arith.subi %sign3A_980, %sign3A_983 : i32
      %ne3A_985 = arith.cmpi ne, %sign3A_977, %sign3A_984 : i32
      %rem3A_986 = arith.remsi %add3A_921, %jit3A_969 : i32
      %ne3A_987 = arith.constant 0 : i32
      %ne3A_988 = arith.cmpi ne, %rem3A_986, %ne3A_987 : i32
      %and3A_989 = arith.andi %ne3A_985, %ne3A_988 : i1
      %sub3A_990 = arith.constant 1 : i32
      %sub3A_991 = arith.subi %div3A_970, %sub3A_990 : i32
      %select_n3A_992 = arith.select %and3A_989, %sub3A_991, %div3A_970 : i32
      %jit3A_993 = arith.constant 4 : i32
      %eq3A_994 = arith.constant 0 : i32
      %eq3A_995 = arith.cmpi eq, %jit3A_993, %eq3A_994 : i32
      %jit3A_996 = arith.constant 1 : i32
      %select_n3A_997 = arith.select %eq3A_995, %jit3A_996, %jit3A_993 : i32
      %rem3A_998 = arith.remsi %add3A_921, %select_n3A_997 : i32
      %ne3A_999 = arith.constant 0 : i32
      %ne3A_1000 = arith.cmpi ne, %rem3A_998, %ne3A_999 : i32
      %lt3A_1001 = arith.constant 0 : i32
      %lt3A_1002 = arith.cmpi slt, %rem3A_998, %lt3A_1001 : i32
      %lt3A_1003 = arith.constant 0 : i32
      %lt3A_1004 = arith.cmpi slt, %select_n3A_997, %lt3A_1003 : i32
      %ne3A_1005 = arith.xori %lt3A_1002, %lt3A_1004 : i1
      %and3A_1006 = arith.andi %ne3A_1005, %ne3A_1000 : i1
      %add3A_1007 = arith.addi %rem3A_998, %select_n3A_997 : i32
      %select_n3A_1008 = arith.select %and3A_1006, %add3A_1007, %rem3A_998 : i32
      %mul3A_1009 = arith.constant 32 : i32
      %mul3A_1010 = arith.muli %select_n3A_1008, %mul3A_1009 : i32
      %dma_start3A_1011 = tpu.memref_slice %arg8[%select_n3A_992, %mul3A_1010] : memref<80x128xi32, #tpu.memory_space<vmem>> -> memref<1x32xi32, #tpu.memory_space<vmem>>
      %dma_start3A_1012 = tpu.memref_squeeze %dma_start3A_1011 : memref<1x32xi32, #tpu.memory_space<vmem>> -> memref<32xi32, #tpu.memory_space<vmem>>
      %dma_start3A_1013 = arith.constant 0 : i32
      %dma_start3A_1014 = arith.constant 0 : i32
      %dma_start3A_1015 = tpu.memref_slice %arg9[%dma_start3A_1013, %dma_start3A_1014] : memref<10112x128xf32, #tpu.memory_space<vmem_shared>> -> memref<10112x128xf32, #tpu.memory_space<vmem_shared>>
      tpu.enqueue_indirect_dma source(%arg15 : memref<32x128xf32, #tpu.memory_space<vmem>>) target(%dma_start3A_1015 : memref<10112x128xf32, #tpu.memory_space<vmem_shared>>) offsets(%dma_start3A_1012 : memref<32xi32, #tpu.memory_space<vmem>>) semaphore(%arg29 : memref<!tpu.dma_semaphore, #tpu.memory_space<semaphore_mem>>) {add = true}
      %sub3A_1016 = arith.constant 1 : i32
      %sub3A_1017 = arith.subi %add3A_921, %sub3A_1016 : i32
      %jit3A_1018 = arith.constant 4 : i32
      %div3A_1019 = arith.divsi %sub3A_1017, %jit3A_1018 : i32
      %sign3A_1020 = arith.constant 0 : i32
      %sign3A_1021 = arith.cmpi sgt, %sub3A_1017, %sign3A_1020 : i32
      %sign3A_1022 = arith.extui %sign3A_1021 : i1 to i32
      %sign3A_1023 = arith.constant 0 : i32
      %sign3A_1024 = arith.cmpi slt, %sub3A_1017, %sign3A_1023 : i32
      %sign3A_1025 = arith.extui %sign3A_1024 : i1 to i32
      %sign3A_1026 = arith.subi %sign3A_1022, %sign3A_1025 : i32
      %sign3A_1027 = arith.constant 0 : i32
      %sign3A_1028 = arith.cmpi sgt, %jit3A_1018, %sign3A_1027 : i32
      %sign3A_1029 = arith.extui %sign3A_1028 : i1 to i32
      %sign3A_1030 = arith.constant 0 : i32
      %sign3A_1031 = arith.cmpi slt, %jit3A_1018, %sign3A_1030 : i32
      %sign3A_1032 = arith.extui %sign3A_1031 : i1 to i32
      %sign3A_1033 = arith.subi %sign3A_1029, %sign3A_1032 : i32
      %ne3A_1034 = arith.cmpi ne, %sign3A_1026, %sign3A_1033 : i32
      %rem3A_1035 = arith.remsi %sub3A_1017, %jit3A_1018 : i32
      %ne3A_1036 = arith.constant 0 : i32
      %ne3A_1037 = arith.cmpi ne, %rem3A_1035, %ne3A_1036 : i32
      %and3A_1038 = arith.andi %ne3A_1034, %ne3A_1037 : i1
      %sub3A_1039 = arith.constant 1 : i32
      %sub3A_1040 = arith.subi %div3A_1019, %sub3A_1039 : i32
      %select_n3A_1041 = arith.select %and3A_1038, %sub3A_1040, %div3A_1019 : i32
      %jit3A_1042 = arith.constant 4 : i32
      %eq3A_1043 = arith.constant 0 : i32
      %eq3A_1044 = arith.cmpi eq, %jit3A_1042, %eq3A_1043 : i32
      %jit3A_1045 = arith.constant 1 : i32
      %select_n3A_1046 = arith.select %eq3A_1044, %jit3A_1045, %jit3A_1042 : i32
      %rem3A_1047 = arith.remsi %sub3A_1017, %select_n3A_1046 : i32
      %ne3A_1048 = arith.constant 0 : i32
      %ne3A_1049 = arith.cmpi ne, %rem3A_1047, %ne3A_1048 : i32
      %lt3A_1050 = arith.constant 0 : i32
      %lt3A_1051 = arith.cmpi slt, %rem3A_1047, %lt3A_1050 : i32
      %lt3A_1052 = arith.constant 0 : i32
      %lt3A_1053 = arith.cmpi slt, %select_n3A_1046, %lt3A_1052 : i32
      %ne3A_1054 = arith.xori %lt3A_1051, %lt3A_1053 : i1
      %and3A_1055 = arith.andi %ne3A_1054, %ne3A_1049 : i1
      %add3A_1056 = arith.addi %rem3A_1047, %select_n3A_1046 : i32
      %select_n3A_1057 = arith.select %and3A_1055, %add3A_1056, %rem3A_1047 : i32
      %mul3A_1058 = arith.constant 32 : i32
      %mul3A_1059 = arith.muli %select_n3A_1057, %mul3A_1058 : i32
      %dma_wait3A_1060 = tpu.memref_slice %arg8[%select_n3A_1041, %mul3A_1059] : memref<80x128xi32, #tpu.memory_space<vmem>> -> memref<1x32xi32, #tpu.memory_space<vmem>>
      %dma_wait3A_1061 = tpu.memref_squeeze %dma_wait3A_1060 : memref<1x32xi32, #tpu.memory_space<vmem>> -> memref<32xi32, #tpu.memory_space<vmem>>
      %dma_wait3A_1062 = arith.constant 0 : i32
      %dma_wait3A_1063 = arith.constant 0 : i32
      %dma_wait3A_1064 = tpu.memref_slice %arg9[%dma_wait3A_1062, %dma_wait3A_1063] : memref<10112x128xf32, #tpu.memory_space<vmem_shared>> -> memref<10112x128xf32, #tpu.memory_space<vmem_shared>>
      tpu.wait_indirect_dma semaphore(%arg28 : memref<!tpu.dma_semaphore, #tpu.memory_space<semaphore_mem>>) src(%arg14 : memref<32x128xf32, #tpu.memory_space<vmem>>) dst(%dma_wait3A_1064 : memref<10112x128xf32, #tpu.memory_space<vmem_shared>>)
      %add3A_1065 = arith.constant 6 : i32
      %add3A_1066 = arith.addi %add3A_921, %add3A_1065 : i32
      %lt3A_1067 = arith.constant 320 : i32
      %lt3A_1068 = arith.cmpi slt, %add3A_1066, %lt3A_1067 : i32
      %convert_element_type3A_1069 = arith.extui %lt3A_1068 : i1 to i32
      %cond3A_1070 = arith.constant 0 : i32
      %cond3A_1071 = arith.cmpi ne, %convert_element_type3A_1069, %cond3A_1070 : i32
      scf.if %cond3A_1071 {
        %add3A_1226 = arith.constant 6 : i32
        %add3A_1227 = arith.addi %add3A_921, %add3A_1226 : i32
        %jit3A_1228 = arith.constant 4 : i32
        %div3A_1229 = arith.divsi %add3A_1227, %jit3A_1228 : i32
        %sign3A_1230 = arith.constant 0 : i32
        %sign3A_1231 = arith.cmpi sgt, %add3A_1227, %sign3A_1230 : i32
        %sign3A_1232 = arith.extui %sign3A_1231 : i1 to i32
        %sign3A_1233 = arith.constant 0 : i32
        %sign3A_1234 = arith.cmpi slt, %add3A_1227, %sign3A_1233 : i32
        %sign3A_1235 = arith.extui %sign3A_1234 : i1 to i32
        %sign3A_1236 = arith.subi %sign3A_1232, %sign3A_1235 : i32
        %sign3A_1237 = arith.constant 0 : i32
        %sign3A_1238 = arith.cmpi sgt, %jit3A_1228, %sign3A_1237 : i32
        %sign3A_1239 = arith.extui %sign3A_1238 : i1 to i32
        %sign3A_1240 = arith.constant 0 : i32
        %sign3A_1241 = arith.cmpi slt, %jit3A_1228, %sign3A_1240 : i32
        %sign3A_1242 = arith.extui %sign3A_1241 : i1 to i32
        %sign3A_1243 = arith.subi %sign3A_1239, %sign3A_1242 : i32
        %ne3A_1244 = arith.cmpi ne, %sign3A_1236, %sign3A_1243 : i32
        %rem3A_1245 = arith.remsi %add3A_1227, %jit3A_1228 : i32
        %ne3A_1246 = arith.constant 0 : i32
        %ne3A_1247 = arith.cmpi ne, %rem3A_1245, %ne3A_1246 : i32
        %and3A_1248 = arith.andi %ne3A_1244, %ne3A_1247 : i1
        %sub3A_1249 = arith.constant 1 : i32
        %sub3A_1250 = arith.subi %div3A_1229, %sub3A_1249 : i32
        %select_n3A_1251 = arith.select %and3A_1248, %sub3A_1250, %div3A_1229 : i32
        %jit3A_1252 = arith.constant 4 : i32
        %eq3A_1253 = arith.constant 0 : i32
        %eq3A_1254 = arith.cmpi eq, %jit3A_1252, %eq3A_1253 : i32
        %jit3A_1255 = arith.constant 1 : i32
        %select_n3A_1256 = arith.select %eq3A_1254, %jit3A_1255, %jit3A_1252 : i32
        %rem3A_1257 = arith.remsi %add3A_1227, %select_n3A_1256 : i32
        %ne3A_1258 = arith.constant 0 : i32
        %ne3A_1259 = arith.cmpi ne, %rem3A_1257, %ne3A_1258 : i32
        %lt3A_1260 = arith.constant 0 : i32
        %lt3A_1261 = arith.cmpi slt, %rem3A_1257, %lt3A_1260 : i32
        %lt3A_1262 = arith.constant 0 : i32
        %lt3A_1263 = arith.cmpi slt, %select_n3A_1256, %lt3A_1262 : i32
        %ne3A_1264 = arith.xori %lt3A_1261, %lt3A_1263 : i1
        %and3A_1265 = arith.andi %ne3A_1264, %ne3A_1259 : i1
        %add3A_1266 = arith.addi %rem3A_1257, %select_n3A_1256 : i32
        %select_n3A_1267 = arith.select %and3A_1265, %add3A_1266, %rem3A_1257 : i32
        %mul3A_1268 = arith.constant 32 : i32
        %mul3A_1269 = arith.muli %select_n3A_1267, %mul3A_1268 : i32
        %dma_start3A_1270 = tpu.memref_slice %arg7[%select_n3A_1251, %mul3A_1269] : memref<80x128xi32, #tpu.memory_space<vmem>> -> memref<1x32xi32, #tpu.memory_space<vmem>>
        %dma_start3A_1271 = tpu.memref_squeeze %dma_start3A_1270 : memref<1x32xi32, #tpu.memory_space<vmem>> -> memref<32xi32, #tpu.memory_space<vmem>>
        %dma_start3A_1272 = arith.constant 0 : i32
        %dma_start3A_1273 = arith.constant 0 : i32
        %dma_start3A_1274 = tpu.memref_slice %arg2[%dma_start3A_1272, %dma_start3A_1273] : memref<20000x128xf32, #tpu.memory_space<hbm>> -> memref<20000x128xf32, #tpu.memory_space<hbm>>
        tpu.enqueue_indirect_dma source(%dma_start3A_1274 : memref<20000x128xf32, #tpu.memory_space<hbm>>) target(%arg14 : memref<32x128xf32, #tpu.memory_space<vmem>>) offsets(%dma_start3A_1271 : memref<32xi32, #tpu.memory_space<vmem>>) semaphore(%arg21 : memref<!tpu.dma_semaphore, #tpu.memory_space<semaphore_mem>>)
      } else {
      }
      %mul3A_1072 = arith.constant 7 : i32
      %mul3A_1073 = arith.muli %add3A_204, %mul3A_1072 : i32
      %add3A_1074 = arith.constant 6 : i32
      %add3A_1075 = arith.addi %mul3A_1073, %add3A_1074 : i32
      %jit3A_1076 = arith.constant 4 : i32
      %div3A_1077 = arith.divsi %add3A_1075, %jit3A_1076 : i32
      %sign3A_1078 = arith.constant 0 : i32
      %sign3A_1079 = arith.cmpi sgt, %add3A_1075, %sign3A_1078 : i32
      %sign3A_1080 = arith.extui %sign3A_1079 : i1 to i32
      %sign3A_1081 = arith.constant 0 : i32
      %sign3A_1082 = arith.cmpi slt, %add3A_1075, %sign3A_1081 : i32
      %sign3A_1083 = arith.extui %sign3A_1082 : i1 to i32
      %sign3A_1084 = arith.subi %sign3A_1080, %sign3A_1083 : i32
      %sign3A_1085 = arith.constant 0 : i32
      %sign3A_1086 = arith.cmpi sgt, %jit3A_1076, %sign3A_1085 : i32
      %sign3A_1087 = arith.extui %sign3A_1086 : i1 to i32
      %sign3A_1088 = arith.constant 0 : i32
      %sign3A_1089 = arith.cmpi slt, %jit3A_1076, %sign3A_1088 : i32
      %sign3A_1090 = arith.extui %sign3A_1089 : i1 to i32
      %sign3A_1091 = arith.subi %sign3A_1087, %sign3A_1090 : i32
      %ne3A_1092 = arith.cmpi ne, %sign3A_1084, %sign3A_1091 : i32
      %rem3A_1093 = arith.remsi %add3A_1075, %jit3A_1076 : i32
      %ne3A_1094 = arith.constant 0 : i32
      %ne3A_1095 = arith.cmpi ne, %rem3A_1093, %ne3A_1094 : i32
      %and3A_1096 = arith.andi %ne3A_1092, %ne3A_1095 : i1
      %sub3A_1097 = arith.constant 1 : i32
      %sub3A_1098 = arith.subi %div3A_1077, %sub3A_1097 : i32
      %select_n3A_1099 = arith.select %and3A_1096, %sub3A_1098, %div3A_1077 : i32
      %jit3A_1100 = arith.constant 4 : i32
      %eq3A_1101 = arith.constant 0 : i32
      %eq3A_1102 = arith.cmpi eq, %jit3A_1100, %eq3A_1101 : i32
      %jit3A_1103 = arith.constant 1 : i32
      %select_n3A_1104 = arith.select %eq3A_1102, %jit3A_1103, %jit3A_1100 : i32
      %rem3A_1105 = arith.remsi %add3A_1075, %select_n3A_1104 : i32
      %ne3A_1106 = arith.constant 0 : i32
      %ne3A_1107 = arith.cmpi ne, %rem3A_1105, %ne3A_1106 : i32
      %lt3A_1108 = arith.constant 0 : i32
      %lt3A_1109 = arith.cmpi slt, %rem3A_1105, %lt3A_1108 : i32
      %lt3A_1110 = arith.constant 0 : i32
      %lt3A_1111 = arith.cmpi slt, %select_n3A_1104, %lt3A_1110 : i32
      %ne3A_1112 = arith.xori %lt3A_1109, %lt3A_1111 : i1
      %and3A_1113 = arith.andi %ne3A_1112, %ne3A_1107 : i1
      %add3A_1114 = arith.addi %rem3A_1105, %select_n3A_1104 : i32
      %select_n3A_1115 = arith.select %and3A_1113, %add3A_1114, %rem3A_1105 : i32
      %mul3A_1116 = arith.constant 32 : i32
      %mul3A_1117 = arith.muli %select_n3A_1115, %mul3A_1116 : i32
      %dma_wait3A_1118 = tpu.memref_slice %arg7[%select_n3A_1099, %mul3A_1117] : memref<80x128xi32, #tpu.memory_space<vmem>> -> memref<1x32xi32, #tpu.memory_space<vmem>>
      %dma_wait3A_1119 = tpu.memref_squeeze %dma_wait3A_1118 : memref<1x32xi32, #tpu.memory_space<vmem>> -> memref<32xi32, #tpu.memory_space<vmem>>
      %dma_wait3A_1120 = arith.constant 0 : i32
      %dma_wait3A_1121 = arith.constant 0 : i32
      %dma_wait3A_1122 = tpu.memref_slice %arg2[%dma_wait3A_1120, %dma_wait3A_1121] : memref<20000x128xf32, #tpu.memory_space<hbm>> -> memref<20000x128xf32, #tpu.memory_space<hbm>>
      tpu.wait_indirect_dma semaphore(%arg23 : memref<!tpu.dma_semaphore, #tpu.memory_space<semaphore_mem>>) src(%dma_wait3A_1122 : memref<20000x128xf32, #tpu.memory_space<hbm>>) dst(%arg16 : memref<32x128xf32, #tpu.memory_space<vmem>>)
      %jit3A_1123 = arith.constant 4 : i32
      %div3A_1124 = arith.divsi %add3A_1075, %jit3A_1123 : i32
      %sign3A_1125 = arith.constant 0 : i32
      %sign3A_1126 = arith.cmpi sgt, %add3A_1075, %sign3A_1125 : i32
      %sign3A_1127 = arith.extui %sign3A_1126 : i1 to i32
      %sign3A_1128 = arith.constant 0 : i32
      %sign3A_1129 = arith.cmpi slt, %add3A_1075, %sign3A_1128 : i32
      %sign3A_1130 = arith.extui %sign3A_1129 : i1 to i32
      %sign3A_1131 = arith.subi %sign3A_1127, %sign3A_1130 : i32
      %sign3A_1132 = arith.constant 0 : i32
      %sign3A_1133 = arith.cmpi sgt, %jit3A_1123, %sign3A_1132 : i32
      %sign3A_1134 = arith.extui %sign3A_1133 : i1 to i32
      %sign3A_1135 = arith.constant 0 : i32
      %sign3A_1136 = arith.cmpi slt, %jit3A_1123, %sign3A_1135 : i32
      %sign3A_1137 = arith.extui %sign3A_1136 : i1 to i32
      %sign3A_1138 = arith.subi %sign3A_1134, %sign3A_1137 : i32
      %ne3A_1139 = arith.cmpi ne, %sign3A_1131, %sign3A_1138 : i32
      %rem3A_1140 = arith.remsi %add3A_1075, %jit3A_1123 : i32
      %ne3A_1141 = arith.constant 0 : i32
      %ne3A_1142 = arith.cmpi ne, %rem3A_1140, %ne3A_1141 : i32
      %and3A_1143 = arith.andi %ne3A_1139, %ne3A_1142 : i1
      %sub3A_1144 = arith.constant 1 : i32
      %sub3A_1145 = arith.subi %div3A_1124, %sub3A_1144 : i32
      %select_n3A_1146 = arith.select %and3A_1143, %sub3A_1145, %div3A_1124 : i32
      %jit3A_1147 = arith.constant 4 : i32
      %eq3A_1148 = arith.constant 0 : i32
      %eq3A_1149 = arith.cmpi eq, %jit3A_1147, %eq3A_1148 : i32
      %jit3A_1150 = arith.constant 1 : i32
      %select_n3A_1151 = arith.select %eq3A_1149, %jit3A_1150, %jit3A_1147 : i32
      %rem3A_1152 = arith.remsi %add3A_1075, %select_n3A_1151 : i32
      %ne3A_1153 = arith.constant 0 : i32
      %ne3A_1154 = arith.cmpi ne, %rem3A_1152, %ne3A_1153 : i32
      %lt3A_1155 = arith.constant 0 : i32
      %lt3A_1156 = arith.cmpi slt, %rem3A_1152, %lt3A_1155 : i32
      %lt3A_1157 = arith.constant 0 : i32
      %lt3A_1158 = arith.cmpi slt, %select_n3A_1151, %lt3A_1157 : i32
      %ne3A_1159 = arith.xori %lt3A_1156, %lt3A_1158 : i1
      %and3A_1160 = arith.andi %ne3A_1159, %ne3A_1154 : i1
      %add3A_1161 = arith.addi %rem3A_1152, %select_n3A_1151 : i32
      %select_n3A_1162 = arith.select %and3A_1160, %add3A_1161, %rem3A_1152 : i32
      %mul3A_1163 = arith.constant 32 : i32
      %mul3A_1164 = arith.muli %select_n3A_1162, %mul3A_1163 : i32
      %dma_start3A_1165 = tpu.memref_slice %arg8[%select_n3A_1146, %mul3A_1164] : memref<80x128xi32, #tpu.memory_space<vmem>> -> memref<1x32xi32, #tpu.memory_space<vmem>>
      %dma_start3A_1166 = tpu.memref_squeeze %dma_start3A_1165 : memref<1x32xi32, #tpu.memory_space<vmem>> -> memref<32xi32, #tpu.memory_space<vmem>>
      %dma_start3A_1167 = arith.constant 0 : i32
      %dma_start3A_1168 = arith.constant 0 : i32
      %dma_start3A_1169 = tpu.memref_slice %arg9[%dma_start3A_1167, %dma_start3A_1168] : memref<10112x128xf32, #tpu.memory_space<vmem_shared>> -> memref<10112x128xf32, #tpu.memory_space<vmem_shared>>
      tpu.enqueue_indirect_dma source(%arg16 : memref<32x128xf32, #tpu.memory_space<vmem>>) target(%dma_start3A_1169 : memref<10112x128xf32, #tpu.memory_space<vmem_shared>>) offsets(%dma_start3A_1166 : memref<32xi32, #tpu.memory_space<vmem>>) semaphore(%arg30 : memref<!tpu.dma_semaphore, #tpu.memory_space<semaphore_mem>>) {add = true}
      %sub3A_1170 = arith.constant 1 : i32
      %sub3A_1171 = arith.subi %add3A_1075, %sub3A_1170 : i32
      %jit3A_1172 = arith.constant 4 : i32
      %div3A_1173 = arith.divsi %sub3A_1171, %jit3A_1172 : i32
      %sign3A_1174 = arith.constant 0 : i32
      %sign3A_1175 = arith.cmpi sgt, %sub3A_1171, %sign3A_1174 : i32
      %sign3A_1176 = arith.extui %sign3A_1175 : i1 to i32
      %sign3A_1177 = arith.constant 0 : i32
      %sign3A_1178 = arith.cmpi slt, %sub3A_1171, %sign3A_1177 : i32
      %sign3A_1179 = arith.extui %sign3A_1178 : i1 to i32
      %sign3A_1180 = arith.subi %sign3A_1176, %sign3A_1179 : i32
      %sign3A_1181 = arith.constant 0 : i32
      %sign3A_1182 = arith.cmpi sgt, %jit3A_1172, %sign3A_1181 : i32
      %sign3A_1183 = arith.extui %sign3A_1182 : i1 to i32
      %sign3A_1184 = arith.constant 0 : i32
      %sign3A_1185 = arith.cmpi slt, %jit3A_1172, %sign3A_1184 : i32
      %sign3A_1186 = arith.extui %sign3A_1185 : i1 to i32
      %sign3A_1187 = arith.subi %sign3A_1183, %sign3A_1186 : i32
      %ne3A_1188 = arith.cmpi ne, %sign3A_1180, %sign3A_1187 : i32
      %rem3A_1189 = arith.remsi %sub3A_1171, %jit3A_1172 : i32
      %ne3A_1190 = arith.constant 0 : i32
      %ne3A_1191 = arith.cmpi ne, %rem3A_1189, %ne3A_1190 : i32
      %and3A_1192 = arith.andi %ne3A_1188, %ne3A_1191 : i1
      %sub3A_1193 = arith.constant 1 : i32
      %sub3A_1194 = arith.subi %div3A_1173, %sub3A_1193 : i32
      %select_n3A_1195 = arith.select %and3A_1192, %sub3A_1194, %div3A_1173 : i32
      %jit3A_1196 = arith.constant 4 : i32
      %eq3A_1197 = arith.constant 0 : i32
      %eq3A_1198 = arith.cmpi eq, %jit3A_1196, %eq3A_1197 : i32
      %jit3A_1199 = arith.constant 1 : i32
      %select_n3A_1200 = arith.select %eq3A_1198, %jit3A_1199, %jit3A_1196 : i32
      %rem3A_1201 = arith.remsi %sub3A_1171, %select_n3A_1200 : i32
      %ne3A_1202 = arith.constant 0 : i32
      %ne3A_1203 = arith.cmpi ne, %rem3A_1201, %ne3A_1202 : i32
      %lt3A_1204 = arith.constant 0 : i32
      %lt3A_1205 = arith.cmpi slt, %rem3A_1201, %lt3A_1204 : i32
      %lt3A_1206 = arith.constant 0 : i32
      %lt3A_1207 = arith.cmpi slt, %select_n3A_1200, %lt3A_1206 : i32
      %ne3A_1208 = arith.xori %lt3A_1205, %lt3A_1207 : i1
      %and3A_1209 = arith.andi %ne3A_1208, %ne3A_1203 : i1
      %add3A_1210 = arith.addi %rem3A_1201, %select_n3A_1200 : i32
      %select_n3A_1211 = arith.select %and3A_1209, %add3A_1210, %rem3A_1201 : i32
      %mul3A_1212 = arith.constant 32 : i32
      %mul3A_1213 = arith.muli %select_n3A_1211, %mul3A_1212 : i32
      %dma_wait3A_1214 = tpu.memref_slice %arg8[%select_n3A_1195, %mul3A_1213] : memref<80x128xi32, #tpu.memory_space<vmem>> -> memref<1x32xi32, #tpu.memory_space<vmem>>
      %dma_wait3A_1215 = tpu.memref_squeeze %dma_wait3A_1214 : memref<1x32xi32, #tpu.memory_space<vmem>> -> memref<32xi32, #tpu.memory_space<vmem>>
      %dma_wait3A_1216 = arith.constant 0 : i32
      %dma_wait3A_1217 = arith.constant 0 : i32
      %dma_wait3A_1218 = tpu.memref_slice %arg9[%dma_wait3A_1216, %dma_wait3A_1217] : memref<10112x128xf32, #tpu.memory_space<vmem_shared>> -> memref<10112x128xf32, #tpu.memory_space<vmem_shared>>
      tpu.wait_indirect_dma semaphore(%arg29 : memref<!tpu.dma_semaphore, #tpu.memory_space<semaphore_mem>>) src(%arg15 : memref<32x128xf32, #tpu.memory_space<vmem>>) dst(%dma_wait3A_1218 : memref<10112x128xf32, #tpu.memory_space<vmem_shared>>)
      %add3A_1219 = arith.constant 6 : i32
      %add3A_1220 = arith.addi %add3A_1075, %add3A_1219 : i32
      %lt3A_1221 = arith.constant 320 : i32
      %lt3A_1222 = arith.cmpi slt, %add3A_1220, %lt3A_1221 : i32
      %convert_element_type3A_1223 = arith.extui %lt3A_1222 : i1 to i32
      %cond3A_1224 = arith.constant 0 : i32
      %cond3A_1225 = arith.cmpi ne, %convert_element_type3A_1223, %cond3A_1224 : i32
      scf.if %cond3A_1225 {
        %add3A_1226 = arith.constant 6 : i32
        %add3A_1227 = arith.addi %add3A_1075, %add3A_1226 : i32
        %jit3A_1228 = arith.constant 4 : i32
        %div3A_1229 = arith.divsi %add3A_1227, %jit3A_1228 : i32
        %sign3A_1230 = arith.constant 0 : i32
        %sign3A_1231 = arith.cmpi sgt, %add3A_1227, %sign3A_1230 : i32
        %sign3A_1232 = arith.extui %sign3A_1231 : i1 to i32
        %sign3A_1233 = arith.constant 0 : i32
        %sign3A_1234 = arith.cmpi slt, %add3A_1227, %sign3A_1233 : i32
        %sign3A_1235 = arith.extui %sign3A_1234 : i1 to i32
        %sign3A_1236 = arith.subi %sign3A_1232, %sign3A_1235 : i32
        %sign3A_1237 = arith.constant 0 : i32
        %sign3A_1238 = arith.cmpi sgt, %jit3A_1228, %sign3A_1237 : i32
        %sign3A_1239 = arith.extui %sign3A_1238 : i1 to i32
        %sign3A_1240 = arith.constant 0 : i32
        %sign3A_1241 = arith.cmpi slt, %jit3A_1228, %sign3A_1240 : i32
        %sign3A_1242 = arith.extui %sign3A_1241 : i1 to i32
        %sign3A_1243 = arith.subi %sign3A_1239, %sign3A_1242 : i32
        %ne3A_1244 = arith.cmpi ne, %sign3A_1236, %sign3A_1243 : i32
        %rem3A_1245 = arith.remsi %add3A_1227, %jit3A_1228 : i32
        %ne3A_1246 = arith.constant 0 : i32
        %ne3A_1247 = arith.cmpi ne, %rem3A_1245, %ne3A_1246 : i32
        %and3A_1248 = arith.andi %ne3A_1244, %ne3A_1247 : i1
        %sub3A_1249 = arith.constant 1 : i32
        %sub3A_1250 = arith.subi %div3A_1229, %sub3A_1249 : i32
        %select_n3A_1251 = arith.select %and3A_1248, %sub3A_1250, %div3A_1229 : i32
        %jit3A_1252 = arith.constant 4 : i32
        %eq3A_1253 = arith.constant 0 : i32
        %eq3A_1254 = arith.cmpi eq, %jit3A_1252, %eq3A_1253 : i32
        %jit3A_1255 = arith.constant 1 : i32
        %select_n3A_1256 = arith.select %eq3A_1254, %jit3A_1255, %jit3A_1252 : i32
        %rem3A_1257 = arith.remsi %add3A_1227, %select_n3A_1256 : i32
        %ne3A_1258 = arith.constant 0 : i32
        %ne3A_1259 = arith.cmpi ne, %rem3A_1257, %ne3A_1258 : i32
        %lt3A_1260 = arith.constant 0 : i32
        %lt3A_1261 = arith.cmpi slt, %rem3A_1257, %lt3A_1260 : i32
        %lt3A_1262 = arith.constant 0 : i32
        %lt3A_1263 = arith.cmpi slt, %select_n3A_1256, %lt3A_1262 : i32
        %ne3A_1264 = arith.xori %lt3A_1261, %lt3A_1263 : i1
        %and3A_1265 = arith.andi %ne3A_1264, %ne3A_1259 : i1
        %add3A_1266 = arith.addi %rem3A_1257, %select_n3A_1256 : i32
        %select_n3A_1267 = arith.select %and3A_1265, %add3A_1266, %rem3A_1257 : i32
        %mul3A_1268 = arith.constant 32 : i32
        %mul3A_1269 = arith.muli %select_n3A_1267, %mul3A_1268 : i32
        %dma_start3A_1270 = tpu.memref_slice %arg7[%select_n3A_1251, %mul3A_1269] : memref<80x128xi32, #tpu.memory_space<vmem>> -> memref<1x32xi32, #tpu.memory_space<vmem>>
        %dma_start3A_1271 = tpu.memref_squeeze %dma_start3A_1270 : memref<1x32xi32, #tpu.memory_space<vmem>> -> memref<32xi32, #tpu.memory_space<vmem>>
        %dma_start3A_1272 = arith.constant 0 : i32
        %dma_start3A_1273 = arith.constant 0 : i32
        %dma_start3A_1274 = tpu.memref_slice %arg2[%dma_start3A_1272, %dma_start3A_1273] : memref<20000x128xf32, #tpu.memory_space<hbm>> -> memref<20000x128xf32, #tpu.memory_space<hbm>>
        tpu.enqueue_indirect_dma source(%dma_start3A_1274 : memref<20000x128xf32, #tpu.memory_space<hbm>>) target(%arg15 : memref<32x128xf32, #tpu.memory_space<vmem>>) offsets(%dma_start3A_1271 : memref<32xi32, #tpu.memory_space<vmem>>) semaphore(%arg22 : memref<!tpu.dma_semaphore, #tpu.memory_space<semaphore_mem>>)
      } else {
      }
    }
    %scan3A_76 = arith.constant 45 : i32
    %dma_wait3A_77 = arith.constant 78 : i32
    %dma_wait3A_78 = arith.constant 96 : i32
    %dma_wait3A_79 = tpu.memref_slice %arg7[%dma_wait3A_77, %dma_wait3A_78] : memref<80x128xi32, #tpu.memory_space<vmem>> -> memref<1x32xi32, #tpu.memory_space<vmem>>
    %dma_wait3A_80 = tpu.memref_squeeze %dma_wait3A_79 : memref<1x32xi32, #tpu.memory_space<vmem>> -> memref<32xi32, #tpu.memory_space<vmem>>
    %dma_wait3A_81 = arith.constant 0 : i32
    %dma_wait3A_82 = arith.constant 0 : i32
    %dma_wait3A_83 = tpu.memref_slice %arg2[%dma_wait3A_81, %dma_wait3A_82] : memref<20000x128xf32, #tpu.memory_space<hbm>> -> memref<20000x128xf32, #tpu.memory_space<hbm>>
    tpu.wait_indirect_dma semaphore(%arg17 : memref<!tpu.dma_semaphore, #tpu.memory_space<semaphore_mem>>) src(%dma_wait3A_83 : memref<20000x128xf32, #tpu.memory_space<hbm>>) dst(%arg10 : memref<32x128xf32, #tpu.memory_space<vmem>>)
    %dma_start3A_84 = arith.constant 78 : i32
    %dma_start3A_85 = arith.constant 96 : i32
    %dma_start3A_86 = tpu.memref_slice %arg8[%dma_start3A_84, %dma_start3A_85] : memref<80x128xi32, #tpu.memory_space<vmem>> -> memref<1x32xi32, #tpu.memory_space<vmem>>
    %dma_start3A_87 = tpu.memref_squeeze %dma_start3A_86 : memref<1x32xi32, #tpu.memory_space<vmem>> -> memref<32xi32, #tpu.memory_space<vmem>>
    %dma_start3A_88 = arith.constant 0 : i32
    %dma_start3A_89 = arith.constant 0 : i32
    %dma_start3A_90 = tpu.memref_slice %arg9[%dma_start3A_88, %dma_start3A_89] : memref<10112x128xf32, #tpu.memory_space<vmem_shared>> -> memref<10112x128xf32, #tpu.memory_space<vmem_shared>>
    tpu.enqueue_indirect_dma source(%arg10 : memref<32x128xf32, #tpu.memory_space<vmem>>) target(%dma_start3A_90 : memref<10112x128xf32, #tpu.memory_space<vmem_shared>>) offsets(%dma_start3A_87 : memref<32xi32, #tpu.memory_space<vmem>>) semaphore(%arg24 : memref<!tpu.dma_semaphore, #tpu.memory_space<semaphore_mem>>) {add = true}
    %dma_wait3A_91 = arith.constant 78 : i32
    %dma_wait3A_92 = arith.constant 64 : i32
    %dma_wait3A_93 = tpu.memref_slice %arg8[%dma_wait3A_91, %dma_wait3A_92] : memref<80x128xi32, #tpu.memory_space<vmem>> -> memref<1x32xi32, #tpu.memory_space<vmem>>
    %dma_wait3A_94 = tpu.memref_squeeze %dma_wait3A_93 : memref<1x32xi32, #tpu.memory_space<vmem>> -> memref<32xi32, #tpu.memory_space<vmem>>
    %dma_wait3A_95 = arith.constant 0 : i32
    %dma_wait3A_96 = arith.constant 0 : i32
    %dma_wait3A_97 = tpu.memref_slice %arg9[%dma_wait3A_95, %dma_wait3A_96] : memref<10112x128xf32, #tpu.memory_space<vmem_shared>> -> memref<10112x128xf32, #tpu.memory_space<vmem_shared>>
    tpu.wait_indirect_dma semaphore(%arg30 : memref<!tpu.dma_semaphore, #tpu.memory_space<semaphore_mem>>) src(%arg16 : memref<32x128xf32, #tpu.memory_space<vmem>>) dst(%dma_wait3A_97 : memref<10112x128xf32, #tpu.memory_space<vmem_shared>>)
    %dma_wait3A_98 = arith.constant 79 : i32
    %dma_wait3A_99 = arith.constant 0 : i32
    %dma_wait3A_100 = tpu.memref_slice %arg7[%dma_wait3A_98, %dma_wait3A_99] : memref<80x128xi32, #tpu.memory_space<vmem>> -> memref<1x32xi32, #tpu.memory_space<vmem>>
    %dma_wait3A_101 = tpu.memref_squeeze %dma_wait3A_100 : memref<1x32xi32, #tpu.memory_space<vmem>> -> memref<32xi32, #tpu.memory_space<vmem>>
    %dma_wait3A_102 = arith.constant 0 : i32
    %dma_wait3A_103 = arith.constant 0 : i32
    %dma_wait3A_104 = tpu.memref_slice %arg2[%dma_wait3A_102, %dma_wait3A_103] : memref<20000x128xf32, #tpu.memory_space<hbm>> -> memref<20000x128xf32, #tpu.memory_space<hbm>>
    tpu.wait_indirect_dma semaphore(%arg18 : memref<!tpu.dma_semaphore, #tpu.memory_space<semaphore_mem>>) src(%dma_wait3A_104 : memref<20000x128xf32, #tpu.memory_space<hbm>>) dst(%arg11 : memref<32x128xf32, #tpu.memory_space<vmem>>)
    %dma_start3A_105 = arith.constant 79 : i32
    %dma_start3A_106 = arith.constant 0 : i32
    %dma_start3A_107 = tpu.memref_slice %arg8[%dma_start3A_105, %dma_start3A_106] : memref<80x128xi32, #tpu.memory_space<vmem>> -> memref<1x32xi32, #tpu.memory_space<vmem>>
    %dma_start3A_108 = tpu.memref_squeeze %dma_start3A_107 : memref<1x32xi32, #tpu.memory_space<vmem>> -> memref<32xi32, #tpu.memory_space<vmem>>
    %dma_start3A_109 = arith.constant 0 : i32
    %dma_start3A_110 = arith.constant 0 : i32
    %dma_start3A_111 = tpu.memref_slice %arg9[%dma_start3A_109, %dma_start3A_110] : memref<10112x128xf32, #tpu.memory_space<vmem_shared>> -> memref<10112x128xf32, #tpu.memory_space<vmem_shared>>
    tpu.enqueue_indirect_dma source(%arg11 : memref<32x128xf32, #tpu.memory_space<vmem>>) target(%dma_start3A_111 : memref<10112x128xf32, #tpu.memory_space<vmem_shared>>) offsets(%dma_start3A_108 : memref<32xi32, #tpu.memory_space<vmem>>) semaphore(%arg25 : memref<!tpu.dma_semaphore, #tpu.memory_space<semaphore_mem>>) {add = true}
    %dma_wait3A_112 = arith.constant 78 : i32
    %dma_wait3A_113 = arith.constant 96 : i32
    %dma_wait3A_114 = tpu.memref_slice %arg8[%dma_wait3A_112, %dma_wait3A_113] : memref<80x128xi32, #tpu.memory_space<vmem>> -> memref<1x32xi32, #tpu.memory_space<vmem>>
    %dma_wait3A_115 = tpu.memref_squeeze %dma_wait3A_114 : memref<1x32xi32, #tpu.memory_space<vmem>> -> memref<32xi32, #tpu.memory_space<vmem>>
    %dma_wait3A_116 = arith.constant 0 : i32
    %dma_wait3A_117 = arith.constant 0 : i32
    %dma_wait3A_118 = tpu.memref_slice %arg9[%dma_wait3A_116, %dma_wait3A_117] : memref<10112x128xf32, #tpu.memory_space<vmem_shared>> -> memref<10112x128xf32, #tpu.memory_space<vmem_shared>>
    tpu.wait_indirect_dma semaphore(%arg24 : memref<!tpu.dma_semaphore, #tpu.memory_space<semaphore_mem>>) src(%arg10 : memref<32x128xf32, #tpu.memory_space<vmem>>) dst(%dma_wait3A_118 : memref<10112x128xf32, #tpu.memory_space<vmem_shared>>)
    %dma_wait3A_119 = arith.constant 79 : i32
    %dma_wait3A_120 = arith.constant 32 : i32
    %dma_wait3A_121 = tpu.memref_slice %arg7[%dma_wait3A_119, %dma_wait3A_120] : memref<80x128xi32, #tpu.memory_space<vmem>> -> memref<1x32xi32, #tpu.memory_space<vmem>>
    %dma_wait3A_122 = tpu.memref_squeeze %dma_wait3A_121 : memref<1x32xi32, #tpu.memory_space<vmem>> -> memref<32xi32, #tpu.memory_space<vmem>>
    %dma_wait3A_123 = arith.constant 0 : i32
    %dma_wait3A_124 = arith.constant 0 : i32
    %dma_wait3A_125 = tpu.memref_slice %arg2[%dma_wait3A_123, %dma_wait3A_124] : memref<20000x128xf32, #tpu.memory_space<hbm>> -> memref<20000x128xf32, #tpu.memory_space<hbm>>
    tpu.wait_indirect_dma semaphore(%arg19 : memref<!tpu.dma_semaphore, #tpu.memory_space<semaphore_mem>>) src(%dma_wait3A_125 : memref<20000x128xf32, #tpu.memory_space<hbm>>) dst(%arg12 : memref<32x128xf32, #tpu.memory_space<vmem>>)
    %dma_start3A_126 = arith.constant 79 : i32
    %dma_start3A_127 = arith.constant 32 : i32
    %dma_start3A_128 = tpu.memref_slice %arg8[%dma_start3A_126, %dma_start3A_127] : memref<80x128xi32, #tpu.memory_space<vmem>> -> memref<1x32xi32, #tpu.memory_space<vmem>>
    %dma_start3A_129 = tpu.memref_squeeze %dma_start3A_128 : memref<1x32xi32, #tpu.memory_space<vmem>> -> memref<32xi32, #tpu.memory_space<vmem>>
    %dma_start3A_130 = arith.constant 0 : i32
    %dma_start3A_131 = arith.constant 0 : i32
    %dma_start3A_132 = tpu.memref_slice %arg9[%dma_start3A_130, %dma_start3A_131] : memref<10112x128xf32, #tpu.memory_space<vmem_shared>> -> memref<10112x128xf32, #tpu.memory_space<vmem_shared>>
    tpu.enqueue_indirect_dma source(%arg12 : memref<32x128xf32, #tpu.memory_space<vmem>>) target(%dma_start3A_132 : memref<10112x128xf32, #tpu.memory_space<vmem_shared>>) offsets(%dma_start3A_129 : memref<32xi32, #tpu.memory_space<vmem>>) semaphore(%arg26 : memref<!tpu.dma_semaphore, #tpu.memory_space<semaphore_mem>>) {add = true}
    %dma_wait3A_133 = arith.constant 79 : i32
    %dma_wait3A_134 = arith.constant 0 : i32
    %dma_wait3A_135 = tpu.memref_slice %arg8[%dma_wait3A_133, %dma_wait3A_134] : memref<80x128xi32, #tpu.memory_space<vmem>> -> memref<1x32xi32, #tpu.memory_space<vmem>>
    %dma_wait3A_136 = tpu.memref_squeeze %dma_wait3A_135 : memref<1x32xi32, #tpu.memory_space<vmem>> -> memref<32xi32, #tpu.memory_space<vmem>>
    %dma_wait3A_137 = arith.constant 0 : i32
    %dma_wait3A_138 = arith.constant 0 : i32
    %dma_wait3A_139 = tpu.memref_slice %arg9[%dma_wait3A_137, %dma_wait3A_138] : memref<10112x128xf32, #tpu.memory_space<vmem_shared>> -> memref<10112x128xf32, #tpu.memory_space<vmem_shared>>
    tpu.wait_indirect_dma semaphore(%arg25 : memref<!tpu.dma_semaphore, #tpu.memory_space<semaphore_mem>>) src(%arg11 : memref<32x128xf32, #tpu.memory_space<vmem>>) dst(%dma_wait3A_139 : memref<10112x128xf32, #tpu.memory_space<vmem_shared>>)
    %dma_wait3A_140 = arith.constant 79 : i32
    %dma_wait3A_141 = arith.constant 64 : i32
    %dma_wait3A_142 = tpu.memref_slice %arg7[%dma_wait3A_140, %dma_wait3A_141] : memref<80x128xi32, #tpu.memory_space<vmem>> -> memref<1x32xi32, #tpu.memory_space<vmem>>
    %dma_wait3A_143 = tpu.memref_squeeze %dma_wait3A_142 : memref<1x32xi32, #tpu.memory_space<vmem>> -> memref<32xi32, #tpu.memory_space<vmem>>
    %dma_wait3A_144 = arith.constant 0 : i32
    %dma_wait3A_145 = arith.constant 0 : i32
    %dma_wait3A_146 = tpu.memref_slice %arg2[%dma_wait3A_144, %dma_wait3A_145] : memref<20000x128xf32, #tpu.memory_space<hbm>> -> memref<20000x128xf32, #tpu.memory_space<hbm>>
    tpu.wait_indirect_dma semaphore(%arg20 : memref<!tpu.dma_semaphore, #tpu.memory_space<semaphore_mem>>) src(%dma_wait3A_146 : memref<20000x128xf32, #tpu.memory_space<hbm>>) dst(%arg13 : memref<32x128xf32, #tpu.memory_space<vmem>>)
    %dma_start3A_147 = arith.constant 79 : i32
    %dma_start3A_148 = arith.constant 64 : i32
    %dma_start3A_149 = tpu.memref_slice %arg8[%dma_start3A_147, %dma_start3A_148] : memref<80x128xi32, #tpu.memory_space<vmem>> -> memref<1x32xi32, #tpu.memory_space<vmem>>
    %dma_start3A_150 = tpu.memref_squeeze %dma_start3A_149 : memref<1x32xi32, #tpu.memory_space<vmem>> -> memref<32xi32, #tpu.memory_space<vmem>>
    %dma_start3A_151 = arith.constant 0 : i32
    %dma_start3A_152 = arith.constant 0 : i32
    %dma_start3A_153 = tpu.memref_slice %arg9[%dma_start3A_151, %dma_start3A_152] : memref<10112x128xf32, #tpu.memory_space<vmem_shared>> -> memref<10112x128xf32, #tpu.memory_space<vmem_shared>>
    tpu.enqueue_indirect_dma source(%arg13 : memref<32x128xf32, #tpu.memory_space<vmem>>) target(%dma_start3A_153 : memref<10112x128xf32, #tpu.memory_space<vmem_shared>>) offsets(%dma_start3A_150 : memref<32xi32, #tpu.memory_space<vmem>>) semaphore(%arg27 : memref<!tpu.dma_semaphore, #tpu.memory_space<semaphore_mem>>) {add = true}
    %dma_wait3A_154 = arith.constant 79 : i32
    %dma_wait3A_155 = arith.constant 32 : i32
    %dma_wait3A_156 = tpu.memref_slice %arg8[%dma_wait3A_154, %dma_wait3A_155] : memref<80x128xi32, #tpu.memory_space<vmem>> -> memref<1x32xi32, #tpu.memory_space<vmem>>
    %dma_wait3A_157 = tpu.memref_squeeze %dma_wait3A_156 : memref<1x32xi32, #tpu.memory_space<vmem>> -> memref<32xi32, #tpu.memory_space<vmem>>
    %dma_wait3A_158 = arith.constant 0 : i32
    %dma_wait3A_159 = arith.constant 0 : i32
    %dma_wait3A_160 = tpu.memref_slice %arg9[%dma_wait3A_158, %dma_wait3A_159] : memref<10112x128xf32, #tpu.memory_space<vmem_shared>> -> memref<10112x128xf32, #tpu.memory_space<vmem_shared>>
    tpu.wait_indirect_dma semaphore(%arg26 : memref<!tpu.dma_semaphore, #tpu.memory_space<semaphore_mem>>) src(%arg12 : memref<32x128xf32, #tpu.memory_space<vmem>>) dst(%dma_wait3A_160 : memref<10112x128xf32, #tpu.memory_space<vmem_shared>>)
    %dma_wait3A_161 = arith.constant 79 : i32
    %dma_wait3A_162 = arith.constant 96 : i32
    %dma_wait3A_163 = tpu.memref_slice %arg7[%dma_wait3A_161, %dma_wait3A_162] : memref<80x128xi32, #tpu.memory_space<vmem>> -> memref<1x32xi32, #tpu.memory_space<vmem>>
    %dma_wait3A_164 = tpu.memref_squeeze %dma_wait3A_163 : memref<1x32xi32, #tpu.memory_space<vmem>> -> memref<32xi32, #tpu.memory_space<vmem>>
    %dma_wait3A_165 = arith.constant 0 : i32
    %dma_wait3A_166 = arith.constant 0 : i32
    %dma_wait3A_167 = tpu.memref_slice %arg2[%dma_wait3A_165, %dma_wait3A_166] : memref<20000x128xf32, #tpu.memory_space<hbm>> -> memref<20000x128xf32, #tpu.memory_space<hbm>>
    tpu.wait_indirect_dma semaphore(%arg21 : memref<!tpu.dma_semaphore, #tpu.memory_space<semaphore_mem>>) src(%dma_wait3A_167 : memref<20000x128xf32, #tpu.memory_space<hbm>>) dst(%arg14 : memref<32x128xf32, #tpu.memory_space<vmem>>)
    %dma_start3A_168 = arith.constant 79 : i32
    %dma_start3A_169 = arith.constant 96 : i32
    %dma_start3A_170 = tpu.memref_slice %arg8[%dma_start3A_168, %dma_start3A_169] : memref<80x128xi32, #tpu.memory_space<vmem>> -> memref<1x32xi32, #tpu.memory_space<vmem>>
    %dma_start3A_171 = tpu.memref_squeeze %dma_start3A_170 : memref<1x32xi32, #tpu.memory_space<vmem>> -> memref<32xi32, #tpu.memory_space<vmem>>
    %dma_start3A_172 = arith.constant 0 : i32
    %dma_start3A_173 = arith.constant 0 : i32
    %dma_start3A_174 = tpu.memref_slice %arg9[%dma_start3A_172, %dma_start3A_173] : memref<10112x128xf32, #tpu.memory_space<vmem_shared>> -> memref<10112x128xf32, #tpu.memory_space<vmem_shared>>
    tpu.enqueue_indirect_dma source(%arg14 : memref<32x128xf32, #tpu.memory_space<vmem>>) target(%dma_start3A_174 : memref<10112x128xf32, #tpu.memory_space<vmem_shared>>) offsets(%dma_start3A_171 : memref<32xi32, #tpu.memory_space<vmem>>) semaphore(%arg28 : memref<!tpu.dma_semaphore, #tpu.memory_space<semaphore_mem>>) {add = true}
    %dma_wait3A_175 = arith.constant 79 : i32
    %dma_wait3A_176 = arith.constant 64 : i32
    %dma_wait3A_177 = tpu.memref_slice %arg8[%dma_wait3A_175, %dma_wait3A_176] : memref<80x128xi32, #tpu.memory_space<vmem>> -> memref<1x32xi32, #tpu.memory_space<vmem>>
    %dma_wait3A_178 = tpu.memref_squeeze %dma_wait3A_177 : memref<1x32xi32, #tpu.memory_space<vmem>> -> memref<32xi32, #tpu.memory_space<vmem>>
    %dma_wait3A_179 = arith.constant 0 : i32
    %dma_wait3A_180 = arith.constant 0 : i32
    %dma_wait3A_181 = tpu.memref_slice %arg9[%dma_wait3A_179, %dma_wait3A_180] : memref<10112x128xf32, #tpu.memory_space<vmem_shared>> -> memref<10112x128xf32, #tpu.memory_space<vmem_shared>>
    tpu.wait_indirect_dma semaphore(%arg27 : memref<!tpu.dma_semaphore, #tpu.memory_space<semaphore_mem>>) src(%arg13 : memref<32x128xf32, #tpu.memory_space<vmem>>) dst(%dma_wait3A_181 : memref<10112x128xf32, #tpu.memory_space<vmem_shared>>)
    %dma_wait3A_182 = arith.constant 79 : i32
    %dma_wait3A_183 = arith.constant 96 : i32
    %dma_wait3A_184 = tpu.memref_slice %arg8[%dma_wait3A_182, %dma_wait3A_183] : memref<80x128xi32, #tpu.memory_space<vmem>> -> memref<1x32xi32, #tpu.memory_space<vmem>>
    %dma_wait3A_185 = tpu.memref_squeeze %dma_wait3A_184 : memref<1x32xi32, #tpu.memory_space<vmem>> -> memref<32xi32, #tpu.memory_space<vmem>>
    %dma_wait3A_186 = arith.constant 0 : i32
    %dma_wait3A_187 = arith.constant 0 : i32
    %dma_wait3A_188 = tpu.memref_slice %arg9[%dma_wait3A_186, %dma_wait3A_187] : memref<10112x128xf32, #tpu.memory_space<vmem_shared>> -> memref<10112x128xf32, #tpu.memory_space<vmem_shared>>
    tpu.wait_indirect_dma semaphore(%arg28 : memref<!tpu.dma_semaphore, #tpu.memory_space<semaphore_mem>>) src(%arg14 : memref<32x128xf32, #tpu.memory_space<vmem>>) dst(%dma_wait3A_188 : memref<10112x128xf32, #tpu.memory_space<vmem_shared>>)
    %barrier3A_189 = arith.constant 0 : index
    tpu.barrier barrier_id(%barrier3A_189)
    %scan3A_190 = arith.constant 0 : i32
    %scan3A_191 = arith.constant 8 : i32
    %scan3A_192 = arith.addi %scan3A_190, %scan3A_191 : i32
    %scan3A_193 = arith.constant 1 : i32
    scf.for %scan3A_200 = %scan3A_190 to %scan3A_192 step %scan3A_193  : i32 {
      %mul3A_201 = arith.constant 1 : i32
      %mul3A_202 = arith.muli %scan3A_200, %mul3A_201 : i32
      %add3A_203 = arith.constant 0 : i32
      %add3A_204 = arith.addi %add3A_203, %mul3A_202 : i32
      %mul3A_205 = arith.constant 16 : i32
      %mul3A_206 = arith.muli %mul3A_205, %add3A_204 : i32
      %add3A_207 = arith.addi %arg1, %mul3A_206 : i32
      %lt3A = arith.constant 125 : i32
      %lt3A_208 = arith.cmpi slt, %add3A_207, %lt3A : i32
      %convert_element_type3A = arith.extui %lt3A_208 : i1 to i32
      %cond3A = arith.constant 0 : i32
      %cond3A_209 = arith.cmpi ne, %convert_element_type3A, %cond3A : i32
      scf.if %cond3A_209 {
        %mul3A_210 = arith.constant 80 : i32
        %mul3A_211 = arith.muli %add3A_207, %mul3A_210 : i32
        %mul3A_212 = arith.constant 10000 : i32
        %mul3A_213 = arith.muli %arg0, %mul3A_212 : i32
        %add3A_214 = arith.addi %mul3A_213, %mul3A_211 : i32
        %dma_start3A_215 = arith.constant 0 : i32
        %dma_start3A_216 = tpu.memref_slice %arg6[%add3A_214, %dma_start3A_215] : memref<20000x128xf32, #tpu.memory_space<hbm>> -> memref<80x128xf32, #tpu.memory_space<hbm>>
        %dma_start3A_217 = arith.constant 0 : i32
        %dma_start3A_218 = tpu.memref_slice %arg9[%mul3A_211, %dma_start3A_217] : memref<10112x128xf32, #tpu.memory_space<vmem_shared>> -> memref<80x128xf32, #tpu.memory_space<vmem_shared>>
        tpu.enqueue_dma source(%dma_start3A_218 : memref<80x128xf32, #tpu.memory_space<vmem_shared>>) target(%dma_start3A_216 : memref<80x128xf32, #tpu.memory_space<hbm>>) target_semaphore(%arg17 : memref<!tpu.dma_semaphore, #tpu.memory_space<semaphore_mem>>)
      } else {
      }
    }
    %scan3A_194 = arith.constant 8 : i32
    %scan3A_195 = arith.constant 0 : i32
    %scan3A_196 = arith.constant 8 : i32
    %scan3A_197 = arith.addi %scan3A_195, %scan3A_196 : i32
    %scan3A_198 = arith.constant 1 : i32
    scf.for %scan3A_200 = %scan3A_195 to %scan3A_197 step %scan3A_198  : i32 {
      %mul3A_201 = arith.constant 1 : i32
      %mul3A_202 = arith.muli %scan3A_200, %mul3A_201 : i32
      %add3A_203 = arith.constant 0 : i32
      %add3A_204 = arith.addi %add3A_203, %mul3A_202 : i32
      %mul3A_205 = arith.constant 16 : i32
      %mul3A_206 = arith.muli %mul3A_205, %add3A_204 : i32
      %add3A_207 = arith.addi %arg1, %mul3A_206 : i32
      %lt3A = arith.constant 125 : i32
      %lt3A_208 = arith.cmpi slt, %add3A_207, %lt3A : i32
      %convert_element_type3A = arith.extui %lt3A_208 : i1 to i32
      %cond3A = arith.constant 0 : i32
      %cond3A_209 = arith.cmpi ne, %convert_element_type3A, %cond3A : i32
      scf.if %cond3A_209 {
        %mul3A_210 = arith.constant 80 : i32
        %mul3A_211 = arith.muli %add3A_207, %mul3A_210 : i32
        %mul3A_212 = arith.constant 10000 : i32
        %mul3A_213 = arith.muli %arg0, %mul3A_212 : i32
        %add3A_214 = arith.addi %mul3A_213, %mul3A_211 : i32
        %dma_wait3A_215 = arith.constant 0 : i32
        %dma_wait3A_216 = tpu.memref_slice %arg6[%add3A_214, %dma_wait3A_215] : memref<20000x128xf32, #tpu.memory_space<hbm>> -> memref<80x128xf32, #tpu.memory_space<hbm>>
        %dma_wait3A_217 = arith.constant 0 : i32
        %dma_wait3A_218 = tpu.memref_slice %arg9[%mul3A_211, %dma_wait3A_217] : memref<10112x128xf32, #tpu.memory_space<vmem_shared>> -> memref<80x128xf32, #tpu.memory_space<vmem_shared>>
        tpu.wait_dma2 semaphore(%arg17 : memref<!tpu.dma_semaphore, #tpu.memory_space<semaphore_mem>>) src(%dma_wait3A_218 : memref<80x128xf32, #tpu.memory_space<vmem_shared>>) dst(%dma_wait3A_216 : memref<80x128xf32, #tpu.memory_space<hbm>>)
      } else {
      }
    }
    %scan3A_199 = arith.constant 8 : i32
    return
  }
}

#map = affine_map<(d0, d1) -> (0, 0)>
module attributes {stable_mosaic.version = 14 : i64} {
  func.func @agg(%arg0: i32, %arg1: i32, %arg2: memref<20000x128xf32, #tpu.memory_space<hbm>>, %arg3: memref<2560x128xi32, #tpu.memory_space<hbm>>, %arg4: memref<1280x128xi32, #tpu.memory_space<hbm>>, %arg5: memref<10112x128xf32, #tpu.memory_space<hbm>>, %arg6: memref<10000x256xf32, #tpu.memory_space<hbm>>, %arg7: memref<80x128xi32, #tpu.memory_space<vmem>>, %arg8: memref<80x128xi32, #tpu.memory_space<vmem>>, %arg9: memref<10112x128xf32, #tpu.memory_space<vmem_shared>>, %arg10: memref<32x128xf32, #tpu.memory_space<vmem>>, %arg11: memref<32x128xf32, #tpu.memory_space<vmem>>, %arg12: memref<32x128xf32, #tpu.memory_space<vmem>>, %arg13: memref<32x128xf32, #tpu.memory_space<vmem>>, %arg14: memref<32x128xf32, #tpu.memory_space<vmem>>, %arg15: memref<32x128xf32, #tpu.memory_space<vmem>>, %arg16: memref<32x128xf32, #tpu.memory_space<vmem>>, %arg17: memref<!tpu.dma_semaphore, #tpu.memory_space<semaphore_mem>>, %arg18: memref<!tpu.dma_semaphore, #tpu.memory_space<semaphore_mem>>, %arg19: memref<!tpu.dma_semaphore, #tpu.memory_space<semaphore_mem>>, %arg20: memref<!tpu.dma_semaphore, #tpu.memory_space<semaphore_mem>>, %arg21: memref<!tpu.dma_semaphore, #tpu.memory_space<semaphore_mem>>, %arg22: memref<!tpu.dma_semaphore, #tpu.memory_space<semaphore_mem>>, %arg23: memref<!tpu.dma_semaphore, #tpu.memory_space<semaphore_mem>>, %arg24: memref<!tpu.dma_semaphore, #tpu.memory_space<semaphore_mem>>, %arg25: memref<!tpu.dma_semaphore, #tpu.memory_space<semaphore_mem>>, %arg26: memref<!tpu.dma_semaphore, #tpu.memory_space<semaphore_mem>>, %arg27: memref<!tpu.dma_semaphore, #tpu.memory_space<semaphore_mem>>, %arg28: memref<!tpu.dma_semaphore, #tpu.memory_space<semaphore_mem>>, %arg29: memref<!tpu.dma_semaphore, #tpu.memory_space<semaphore_mem>>, %arg30: memref<!tpu.dma_semaphore, #tpu.memory_space<semaphore_mem>>) attributes {dimension_semantics = [#tpu.dimension_semantics<core_parallel>, #tpu.dimension_semantics<subcore_parallel>], iteration_bounds = array<i64: 2, 16>, scalar_prefetch = 0 : i64, scratch_operands = 24 : i64, tpu.core_type = #tpu.core_type<sc_vector_subcore>, window_params = [{transform_indices = #map}, {transform_indices = #map}, {transform_indices = #map}, {transform_indices = #map}, {transform_indices = #map}]} {
    %mul3A = arith.constant 632 : i32
    %mul3A_0 = arith.muli %arg1, %mul3A : i32
    %mul3A_1 = arith.constant 632 : i32
    %mul3A_2 = arith.muli %arg1, %mul3A_1 : i32
    %dma_start3A = arith.constant 0 : i32
    %dma_start3A_3 = tpu.memref_slice %arg9[%mul3A_2, %dma_start3A] : memref<10112x128xf32, #tpu.memory_space<vmem_shared>> -> memref<632x128xf32, #tpu.memory_space<vmem_shared>>
    %dma_start3A_4 = arith.constant 0 : i32
    %dma_start3A_5 = tpu.memref_slice %arg5[%mul3A_0, %dma_start3A_4] : memref<10112x128xf32, #tpu.memory_space<hbm>> -> memref<632x128xf32, #tpu.memory_space<hbm>>
    tpu.enqueue_dma source(%dma_start3A_5 : memref<632x128xf32, #tpu.memory_space<hbm>>) target(%dma_start3A_3 : memref<632x128xf32, #tpu.memory_space<vmem_shared>>) target_semaphore(%arg17 : memref<!tpu.dma_semaphore, #tpu.memory_space<semaphore_mem>>)
    %mul3A_6 = arith.constant 16 : i32
    %mul3A_7 = arith.muli %arg0, %mul3A_6 : i32
    %add3A = arith.addi %mul3A_7, %arg1 : i32
    %mul3A_8 = arith.constant 80 : i32
    %mul3A_9 = arith.muli %add3A, %mul3A_8 : i32
    %dma_start3A_10 = arith.constant 0 : i32
    %dma_start3A_11 = tpu.memref_slice %arg3[%mul3A_9, %dma_start3A_10] : memref<2560x128xi32, #tpu.memory_space<hbm>> -> memref<80x128xi32, #tpu.memory_space<hbm>>
    %dma_start3A_12 = arith.constant 0 : i32
    %dma_start3A_13 = tpu.memref_slice %arg3[%mul3A_9, %dma_start3A_12] : memref<2560x128xi32, #tpu.memory_space<hbm>> -> memref<80x128xi32, #tpu.memory_space<hbm>>
    tpu.enqueue_dma source(%dma_start3A_13 : memref<80x128xi32, #tpu.memory_space<hbm>>) target(%arg7 : memref<80x128xi32, #tpu.memory_space<vmem>>) target_semaphore(%arg18 : memref<!tpu.dma_semaphore, #tpu.memory_space<semaphore_mem>>)
    %mul3A_14 = arith.constant 80 : i32
    %mul3A_15 = arith.muli %arg1, %mul3A_14 : i32
    %dma_start3A_16 = arith.constant 0 : i32
    %dma_start3A_17 = tpu.memref_slice %arg4[%mul3A_15, %dma_start3A_16] : memref<1280x128xi32, #tpu.memory_space<hbm>> -> memref<80x128xi32, #tpu.memory_space<hbm>>
    %dma_start3A_18 = arith.constant 0 : i32
    %dma_start3A_19 = tpu.memref_slice %arg4[%mul3A_15, %dma_start3A_18] : memref<1280x128xi32, #tpu.memory_space<hbm>> -> memref<80x128xi32, #tpu.memory_space<hbm>>
    tpu.enqueue_dma source(%dma_start3A_19 : memref<80x128xi32, #tpu.memory_space<hbm>>) target(%arg8 : memref<80x128xi32, #tpu.memory_space<vmem>>) target_semaphore(%arg19 : memref<!tpu.dma_semaphore, #tpu.memory_space<semaphore_mem>>)
    %dma_wait3A = arith.constant 0 : i32
    %dma_wait3A_20 = tpu.memref_slice %arg9[%mul3A_2, %dma_wait3A] : memref<10112x128xf32, #tpu.memory_space<vmem_shared>> -> memref<632x128xf32, #tpu.memory_space<vmem_shared>>
    %dma_wait3A_21 = arith.constant 0 : i32
    %dma_wait3A_22 = tpu.memref_slice %arg5[%mul3A_0, %dma_wait3A_21] : memref<10112x128xf32, #tpu.memory_space<hbm>> -> memref<632x128xf32, #tpu.memory_space<hbm>>
    tpu.wait_dma2 semaphore(%arg17 : memref<!tpu.dma_semaphore, #tpu.memory_space<semaphore_mem>>) src(%dma_wait3A_22 : memref<632x128xf32, #tpu.memory_space<hbm>>) dst(%dma_wait3A_20 : memref<632x128xf32, #tpu.memory_space<vmem_shared>>)
    %dma_wait3A_23 = arith.constant 0 : i32
    %dma_wait3A_24 = tpu.memref_slice %arg3[%mul3A_9, %dma_wait3A_23] : memref<2560x128xi32, #tpu.memory_space<hbm>> -> memref<80x128xi32, #tpu.memory_space<hbm>>
    %dma_wait3A_25 = arith.constant 0 : i32
    %dma_wait3A_26 = tpu.memref_slice %arg3[%mul3A_9, %dma_wait3A_25] : memref<2560x128xi32, #tpu.memory_space<hbm>> -> memref<80x128xi32, #tpu.memory_space<hbm>>
    tpu.wait_dma2 semaphore(%arg18 : memref<!tpu.dma_semaphore, #tpu.memory_space<semaphore_mem>>) src(%dma_wait3A_26 : memref<80x128xi32, #tpu.memory_space<hbm>>) dst(%arg7 : memref<80x128xi32, #tpu.memory_space<vmem>>)
    %dma_wait3A_27 = arith.constant 0 : i32
    %dma_wait3A_28 = tpu.memref_slice %arg4[%mul3A_15, %dma_wait3A_27] : memref<1280x128xi32, #tpu.memory_space<hbm>> -> memref<80x128xi32, #tpu.memory_space<hbm>>
    %dma_wait3A_29 = arith.constant 0 : i32
    %dma_wait3A_30 = tpu.memref_slice %arg4[%mul3A_15, %dma_wait3A_29] : memref<1280x128xi32, #tpu.memory_space<hbm>> -> memref<80x128xi32, #tpu.memory_space<hbm>>
    tpu.wait_dma2 semaphore(%arg19 : memref<!tpu.dma_semaphore, #tpu.memory_space<semaphore_mem>>) src(%dma_wait3A_30 : memref<80x128xi32, #tpu.memory_space<hbm>>) dst(%arg8 : memref<80x128xi32, #tpu.memory_space<vmem>>)
    %barrier3A = arith.constant 0 : index
    tpu.barrier barrier_id(%barrier3A)
    %dma_start3A_31 = arith.constant 0 : i32
    %dma_start3A_32 = arith.constant 0 : i32
    %dma_start3A_33 = tpu.memref_slice %arg7[%dma_start3A_31, %dma_start3A_32] : memref<80x128xi32, #tpu.memory_space<vmem>> -> memref<1x32xi32, #tpu.memory_space<vmem>>
    %dma_start3A_34 = tpu.memref_squeeze %dma_start3A_33 : memref<1x32xi32, #tpu.memory_space<vmem>> -> memref<32xi32, #tpu.memory_space<vmem>>
    %dma_start3A_35 = arith.constant 0 : i32
    %dma_start3A_36 = arith.constant 0 : i32
    %dma_start3A_37 = tpu.memref_slice %arg2[%dma_start3A_35, %dma_start3A_36] : memref<20000x128xf32, #tpu.memory_space<hbm>> -> memref<20000x128xf32, #tpu.memory_space<hbm>>
    tpu.enqueue_indirect_dma source(%dma_start3A_37 : memref<20000x128xf32, #tpu.memory_space<hbm>>) target(%arg10 : memref<32x128xf32, #tpu.memory_space<vmem>>) offsets(%dma_start3A_34 : memref<32xi32, #tpu.memory_space<vmem>>) semaphore(%arg17 : memref<!tpu.dma_semaphore, #tpu.memory_space<semaphore_mem>>)
    %dma_start3A_38 = arith.constant 0 : i32
    %dma_start3A_39 = arith.constant 32 : i32
    %dma_start3A_40 = tpu.memref_slice %arg7[%dma_start3A_38, %dma_start3A_39] : memref<80x128xi32, #tpu.memory_space<vmem>> -> memref<1x32xi32, #tpu.memory_space<vmem>>
    %dma_start3A_41 = tpu.memref_squeeze %dma_start3A_40 : memref<1x32xi32, #tpu.memory_space<vmem>> -> memref<32xi32, #tpu.memory_space<vmem>>
    %dma_start3A_42 = arith.constant 0 : i32
    %dma_start3A_43 = arith.constant 0 : i32
    %dma_start3A_44 = tpu.memref_slice %arg2[%dma_start3A_42, %dma_start3A_43] : memref<20000x128xf32, #tpu.memory_space<hbm>> -> memref<20000x128xf32, #tpu.memory_space<hbm>>
    tpu.enqueue_indirect_dma source(%dma_start3A_44 : memref<20000x128xf32, #tpu.memory_space<hbm>>) target(%arg11 : memref<32x128xf32, #tpu.memory_space<vmem>>) offsets(%dma_start3A_41 : memref<32xi32, #tpu.memory_space<vmem>>) semaphore(%arg18 : memref<!tpu.dma_semaphore, #tpu.memory_space<semaphore_mem>>)
    %dma_start3A_45 = arith.constant 0 : i32
    %dma_start3A_46 = arith.constant 64 : i32
    %dma_start3A_47 = tpu.memref_slice %arg7[%dma_start3A_45, %dma_start3A_46] : memref<80x128xi32, #tpu.memory_space<vmem>> -> memref<1x32xi32, #tpu.memory_space<vmem>>
    %dma_start3A_48 = tpu.memref_squeeze %dma_start3A_47 : memref<1x32xi32, #tpu.memory_space<vmem>> -> memref<32xi32, #tpu.memory_space<vmem>>
    %dma_start3A_49 = arith.constant 0 : i32
    %dma_start3A_50 = arith.constant 0 : i32
    %dma_start3A_51 = tpu.memref_slice %arg2[%dma_start3A_49, %dma_start3A_50] : memref<20000x128xf32, #tpu.memory_space<hbm>> -> memref<20000x128xf32, #tpu.memory_space<hbm>>
    tpu.enqueue_indirect_dma source(%dma_start3A_51 : memref<20000x128xf32, #tpu.memory_space<hbm>>) target(%arg12 : memref<32x128xf32, #tpu.memory_space<vmem>>) offsets(%dma_start3A_48 : memref<32xi32, #tpu.memory_space<vmem>>) semaphore(%arg19 : memref<!tpu.dma_semaphore, #tpu.memory_space<semaphore_mem>>)
    %dma_start3A_52 = arith.constant 0 : i32
    %dma_start3A_53 = arith.constant 96 : i32
    %dma_start3A_54 = tpu.memref_slice %arg7[%dma_start3A_52, %dma_start3A_53] : memref<80x128xi32, #tpu.memory_space<vmem>> -> memref<1x32xi32, #tpu.memory_space<vmem>>
    %dma_start3A_55 = tpu.memref_squeeze %dma_start3A_54 : memref<1x32xi32, #tpu.memory_space<vmem>> -> memref<32xi32, #tpu.memory_space<vmem>>
    %dma_start3A_56 = arith.constant 0 : i32
    %dma_start3A_57 = arith.constant 0 : i32
    %dma_start3A_58 = tpu.memref_slice %arg2[%dma_start3A_56, %dma_start3A_57] : memref<20000x128xf32, #tpu.memory_space<hbm>> -> memref<20000x128xf32, #tpu.memory_space<hbm>>
    tpu.enqueue_indirect_dma source(%dma_start3A_58 : memref<20000x128xf32, #tpu.memory_space<hbm>>) target(%arg13 : memref<32x128xf32, #tpu.memory_space<vmem>>) offsets(%dma_start3A_55 : memref<32xi32, #tpu.memory_space<vmem>>) semaphore(%arg20 : memref<!tpu.dma_semaphore, #tpu.memory_space<semaphore_mem>>)
    %dma_start3A_59 = arith.constant 1 : i32
    %dma_start3A_60 = arith.constant 0 : i32
    %dma_start3A_61 = tpu.memref_slice %arg7[%dma_start3A_59, %dma_start3A_60] : memref<80x128xi32, #tpu.memory_space<vmem>> -> memref<1x32xi32, #tpu.memory_space<vmem>>
    %dma_start3A_62 = tpu.memref_squeeze %dma_start3A_61 : memref<1x32xi32, #tpu.memory_space<vmem>> -> memref<32xi32, #tpu.memory_space<vmem>>
    %dma_start3A_63 = arith.constant 0 : i32
    %dma_start3A_64 = arith.constant 0 : i32
    %dma_start3A_65 = tpu.memref_slice %arg2[%dma_start3A_63, %dma_start3A_64] : memref<20000x128xf32, #tpu.memory_space<hbm>> -> memref<20000x128xf32, #tpu.memory_space<hbm>>
    tpu.enqueue_indirect_dma source(%dma_start3A_65 : memref<20000x128xf32, #tpu.memory_space<hbm>>) target(%arg14 : memref<32x128xf32, #tpu.memory_space<vmem>>) offsets(%dma_start3A_62 : memref<32xi32, #tpu.memory_space<vmem>>) semaphore(%arg21 : memref<!tpu.dma_semaphore, #tpu.memory_space<semaphore_mem>>)
    %dma_start3A_66 = arith.constant 1 : i32
    %dma_start3A_67 = arith.constant 32 : i32
    %dma_start3A_68 = tpu.memref_slice %arg7[%dma_start3A_66, %dma_start3A_67] : memref<80x128xi32, #tpu.memory_space<vmem>> -> memref<1x32xi32, #tpu.memory_space<vmem>>
    %dma_start3A_69 = tpu.memref_squeeze %dma_start3A_68 : memref<1x32xi32, #tpu.memory_space<vmem>> -> memref<32xi32, #tpu.memory_space<vmem>>
    %dma_start3A_70 = arith.constant 0 : i32
    %dma_start3A_71 = arith.constant 0 : i32
    %dma_start3A_72 = tpu.memref_slice %arg2[%dma_start3A_70, %dma_start3A_71] : memref<20000x128xf32, #tpu.memory_space<hbm>> -> memref<20000x128xf32, #tpu.memory_space<hbm>>
    tpu.enqueue_indirect_dma source(%dma_start3A_72 : memref<20000x128xf32, #tpu.memory_space<hbm>>) target(%arg15 : memref<32x128xf32, #tpu.memory_space<vmem>>) offsets(%dma_start3A_69 : memref<32xi32, #tpu.memory_space<vmem>>) semaphore(%arg22 : memref<!tpu.dma_semaphore, #tpu.memory_space<semaphore_mem>>)
    %scan3A = arith.constant 0 : i32
    %scan3A_73 = arith.constant 45 : i32
    %scan3A_74 = arith.addi %scan3A, %scan3A_73 : i32
    %scan3A_75 = arith.constant 1 : i32
    scf.for %scan3A_200 = %scan3A to %scan3A_74 step %scan3A_75  : i32 {
      %mul3A_201 = arith.constant 1 : i32
      %mul3A_202 = arith.muli %scan3A_200, %mul3A_201 : i32
      %add3A_203 = arith.constant 0 : i32
      %add3A_204 = arith.addi %add3A_203, %mul3A_202 : i32
      %mul3A_205 = arith.constant 7 : i32
      %mul3A_206 = arith.muli %add3A_204, %mul3A_205 : i32
      %add3A_207 = arith.constant 0 : i32
      %add3A_208 = arith.addi %mul3A_206, %add3A_207 : i32
      %jit3A = arith.constant 4 : i32
      %div3A = arith.divsi %add3A_208, %jit3A : i32
      %sign3A = arith.constant 0 : i32
      %sign3A_209 = arith.cmpi sgt, %add3A_208, %sign3A : i32
      %sign3A_210 = arith.extui %sign3A_209 : i1 to i32
      %sign3A_211 = arith.constant 0 : i32
      %sign3A_212 = arith.cmpi slt, %add3A_208, %sign3A_211 : i32
      %sign3A_213 = arith.extui %sign3A_212 : i1 to i32
      %sign3A_214 = arith.subi %sign3A_210, %sign3A_213 : i32
      %sign3A_215 = arith.constant 0 : i32
      %sign3A_216 = arith.cmpi sgt, %jit3A, %sign3A_215 : i32
      %sign3A_217 = arith.extui %sign3A_216 : i1 to i32
      %sign3A_218 = arith.constant 0 : i32
      %sign3A_219 = arith.cmpi slt, %jit3A, %sign3A_218 : i32
      %sign3A_220 = arith.extui %sign3A_219 : i1 to i32
      %sign3A_221 = arith.subi %sign3A_217, %sign3A_220 : i32
      %ne3A = arith.cmpi ne, %sign3A_214, %sign3A_221 : i32
      %rem3A = arith.remsi %add3A_208, %jit3A : i32
      %ne3A_222 = arith.constant 0 : i32
      %ne3A_223 = arith.cmpi ne, %rem3A, %ne3A_222 : i32
      %and3A = arith.andi %ne3A, %ne3A_223 : i1
      %sub3A = arith.constant 1 : i32
      %sub3A_224 = arith.subi %div3A, %sub3A : i32
      %select_n3A = arith.select %and3A, %sub3A_224, %div3A : i32
      %jit3A_225 = arith.constant 4 : i32
      %eq3A = arith.constant 0 : i32
      %eq3A_226 = arith.cmpi eq, %jit3A_225, %eq3A : i32
      %jit3A_227 = arith.constant 1 : i32
      %select_n3A_228 = arith.select %eq3A_226, %jit3A_227, %jit3A_225 : i32
      %rem3A_229 = arith.remsi %add3A_208, %select_n3A_228 : i32
      %ne3A_230 = arith.constant 0 : i32
      %ne3A_231 = arith.cmpi ne, %rem3A_229, %ne3A_230 : i32
      %lt3A = arith.constant 0 : i32
      %lt3A_232 = arith.cmpi slt, %rem3A_229, %lt3A : i32
      %lt3A_233 = arith.constant 0 : i32
      %lt3A_234 = arith.cmpi slt, %select_n3A_228, %lt3A_233 : i32
      %ne3A_235 = arith.xori %lt3A_232, %lt3A_234 : i1
      %and3A_236 = arith.andi %ne3A_235, %ne3A_231 : i1
      %add3A_237 = arith.addi %rem3A_229, %select_n3A_228 : i32
      %select_n3A_238 = arith.select %and3A_236, %add3A_237, %rem3A_229 : i32
      %mul3A_239 = arith.constant 32 : i32
      %mul3A_240 = arith.muli %select_n3A_238, %mul3A_239 : i32
      %dma_wait3A_241 = tpu.memref_slice %arg7[%select_n3A, %mul3A_240] : memref<80x128xi32, #tpu.memory_space<vmem>> -> memref<1x32xi32, #tpu.memory_space<vmem>>
      %dma_wait3A_242 = tpu.memref_squeeze %dma_wait3A_241 : memref<1x32xi32, #tpu.memory_space<vmem>> -> memref<32xi32, #tpu.memory_space<vmem>>
      %dma_wait3A_243 = arith.constant 0 : i32
      %dma_wait3A_244 = arith.constant 0 : i32
      %dma_wait3A_245 = tpu.memref_slice %arg2[%dma_wait3A_243, %dma_wait3A_244] : memref<20000x128xf32, #tpu.memory_space<hbm>> -> memref<20000x128xf32, #tpu.memory_space<hbm>>
      tpu.wait_indirect_dma semaphore(%arg17 : memref<!tpu.dma_semaphore, #tpu.memory_space<semaphore_mem>>) src(%dma_wait3A_245 : memref<20000x128xf32, #tpu.memory_space<hbm>>) dst(%arg10 : memref<32x128xf32, #tpu.memory_space<vmem>>)
      %jit3A_246 = arith.constant 4 : i32
      %div3A_247 = arith.divsi %add3A_208, %jit3A_246 : i32
      %sign3A_248 = arith.constant 0 : i32
      %sign3A_249 = arith.cmpi sgt, %add3A_208, %sign3A_248 : i32
      %sign3A_250 = arith.extui %sign3A_249 : i1 to i32
      %sign3A_251 = arith.constant 0 : i32
      %sign3A_252 = arith.cmpi slt, %add3A_208, %sign3A_251 : i32
      %sign3A_253 = arith.extui %sign3A_252 : i1 to i32
      %sign3A_254 = arith.subi %sign3A_250, %sign3A_253 : i32
      %sign3A_255 = arith.constant 0 : i32
      %sign3A_256 = arith.cmpi sgt, %jit3A_246, %sign3A_255 : i32
      %sign3A_257 = arith.extui %sign3A_256 : i1 to i32
      %sign3A_258 = arith.constant 0 : i32
      %sign3A_259 = arith.cmpi slt, %jit3A_246, %sign3A_258 : i32
      %sign3A_260 = arith.extui %sign3A_259 : i1 to i32
      %sign3A_261 = arith.subi %sign3A_257, %sign3A_260 : i32
      %ne3A_262 = arith.cmpi ne, %sign3A_254, %sign3A_261 : i32
      %rem3A_263 = arith.remsi %add3A_208, %jit3A_246 : i32
      %ne3A_264 = arith.constant 0 : i32
      %ne3A_265 = arith.cmpi ne, %rem3A_263, %ne3A_264 : i32
      %and3A_266 = arith.andi %ne3A_262, %ne3A_265 : i1
      %sub3A_267 = arith.constant 1 : i32
      %sub3A_268 = arith.subi %div3A_247, %sub3A_267 : i32
      %select_n3A_269 = arith.select %and3A_266, %sub3A_268, %div3A_247 : i32
      %jit3A_270 = arith.constant 4 : i32
      %eq3A_271 = arith.constant 0 : i32
      %eq3A_272 = arith.cmpi eq, %jit3A_270, %eq3A_271 : i32
      %jit3A_273 = arith.constant 1 : i32
      %select_n3A_274 = arith.select %eq3A_272, %jit3A_273, %jit3A_270 : i32
      %rem3A_275 = arith.remsi %add3A_208, %select_n3A_274 : i32
      %ne3A_276 = arith.constant 0 : i32
      %ne3A_277 = arith.cmpi ne, %rem3A_275, %ne3A_276 : i32
      %lt3A_278 = arith.constant 0 : i32
      %lt3A_279 = arith.cmpi slt, %rem3A_275, %lt3A_278 : i32
      %lt3A_280 = arith.constant 0 : i32
      %lt3A_281 = arith.cmpi slt, %select_n3A_274, %lt3A_280 : i32
      %ne3A_282 = arith.xori %lt3A_279, %lt3A_281 : i1
      %and3A_283 = arith.andi %ne3A_282, %ne3A_277 : i1
      %add3A_284 = arith.addi %rem3A_275, %select_n3A_274 : i32
      %select_n3A_285 = arith.select %and3A_283, %add3A_284, %rem3A_275 : i32
      %mul3A_286 = arith.constant 32 : i32
      %mul3A_287 = arith.muli %select_n3A_285, %mul3A_286 : i32
      %dma_start3A_288 = tpu.memref_slice %arg8[%select_n3A_269, %mul3A_287] : memref<80x128xi32, #tpu.memory_space<vmem>> -> memref<1x32xi32, #tpu.memory_space<vmem>>
      %dma_start3A_289 = tpu.memref_squeeze %dma_start3A_288 : memref<1x32xi32, #tpu.memory_space<vmem>> -> memref<32xi32, #tpu.memory_space<vmem>>
      %dma_start3A_290 = arith.constant 0 : i32
      %dma_start3A_291 = arith.constant 0 : i32
      %dma_start3A_292 = tpu.memref_slice %arg9[%dma_start3A_290, %dma_start3A_291] : memref<10112x128xf32, #tpu.memory_space<vmem_shared>> -> memref<10112x128xf32, #tpu.memory_space<vmem_shared>>
      tpu.enqueue_indirect_dma source(%arg10 : memref<32x128xf32, #tpu.memory_space<vmem>>) target(%dma_start3A_292 : memref<10112x128xf32, #tpu.memory_space<vmem_shared>>) offsets(%dma_start3A_289 : memref<32xi32, #tpu.memory_space<vmem>>) semaphore(%arg24 : memref<!tpu.dma_semaphore, #tpu.memory_space<semaphore_mem>>) {add = true}
      %ge3A = arith.constant 1 : i32
      %ge3A_293 = arith.cmpi sge, %add3A_204, %ge3A : i32
      %convert_element_type3A = arith.extui %ge3A_293 : i1 to i32
      %cond3A = arith.constant 0 : i32
      %cond3A_294 = arith.cmpi ne, %convert_element_type3A, %cond3A : i32
      scf.if %cond3A_294 {
        %sub3A_1226 = arith.constant 1 : i32
        %sub3A_1227 = arith.subi %add3A_208, %sub3A_1226 : i32
        %jit3A_1228 = arith.constant 4 : i32
        %div3A_1229 = arith.divsi %sub3A_1227, %jit3A_1228 : i32
        %sign3A_1230 = arith.constant 0 : i32
        %sign3A_1231 = arith.cmpi sgt, %sub3A_1227, %sign3A_1230 : i32
        %sign3A_1232 = arith.extui %sign3A_1231 : i1 to i32
        %sign3A_1233 = arith.constant 0 : i32
        %sign3A_1234 = arith.cmpi slt, %sub3A_1227, %sign3A_1233 : i32
        %sign3A_1235 = arith.extui %sign3A_1234 : i1 to i32
        %sign3A_1236 = arith.subi %sign3A_1232, %sign3A_1235 : i32
        %sign3A_1237 = arith.constant 0 : i32
        %sign3A_1238 = arith.cmpi sgt, %jit3A_1228, %sign3A_1237 : i32
        %sign3A_1239 = arith.extui %sign3A_1238 : i1 to i32
        %sign3A_1240 = arith.constant 0 : i32
        %sign3A_1241 = arith.cmpi slt, %jit3A_1228, %sign3A_1240 : i32
        %sign3A_1242 = arith.extui %sign3A_1241 : i1 to i32
        %sign3A_1243 = arith.subi %sign3A_1239, %sign3A_1242 : i32
        %ne3A_1244 = arith.cmpi ne, %sign3A_1236, %sign3A_1243 : i32
        %rem3A_1245 = arith.remsi %sub3A_1227, %jit3A_1228 : i32
        %ne3A_1246 = arith.constant 0 : i32
        %ne3A_1247 = arith.cmpi ne, %rem3A_1245, %ne3A_1246 : i32
        %and3A_1248 = arith.andi %ne3A_1244, %ne3A_1247 : i1
        %sub3A_1249 = arith.constant 1 : i32
        %sub3A_1250 = arith.subi %div3A_1229, %sub3A_1249 : i32
        %select_n3A_1251 = arith.select %and3A_1248, %sub3A_1250, %div3A_1229 : i32
        %jit3A_1252 = arith.constant 4 : i32
        %eq3A_1253 = arith.constant 0 : i32
        %eq3A_1254 = arith.cmpi eq, %jit3A_1252, %eq3A_1253 : i32
        %jit3A_1255 = arith.constant 1 : i32
        %select_n3A_1256 = arith.select %eq3A_1254, %jit3A_1255, %jit3A_1252 : i32
        %rem3A_1257 = arith.remsi %sub3A_1227, %select_n3A_1256 : i32
        %ne3A_1258 = arith.constant 0 : i32
        %ne3A_1259 = arith.cmpi ne, %rem3A_1257, %ne3A_1258 : i32
        %lt3A_1260 = arith.constant 0 : i32
        %lt3A_1261 = arith.cmpi slt, %rem3A_1257, %lt3A_1260 : i32
        %lt3A_1262 = arith.constant 0 : i32
        %lt3A_1263 = arith.cmpi slt, %select_n3A_1256, %lt3A_1262 : i32
        %ne3A_1264 = arith.xori %lt3A_1261, %lt3A_1263 : i1
        %and3A_1265 = arith.andi %ne3A_1264, %ne3A_1259 : i1
        %add3A_1266 = arith.addi %rem3A_1257, %select_n3A_1256 : i32
        %select_n3A_1267 = arith.select %and3A_1265, %add3A_1266, %rem3A_1257 : i32
        %mul3A_1268 = arith.constant 32 : i32
        %mul3A_1269 = arith.muli %select_n3A_1267, %mul3A_1268 : i32
        %dma_wait3A_1270 = tpu.memref_slice %arg8[%select_n3A_1251, %mul3A_1269] : memref<80x128xi32, #tpu.memory_space<vmem>> -> memref<1x32xi32, #tpu.memory_space<vmem>>
        %dma_wait3A_1271 = tpu.memref_squeeze %dma_wait3A_1270 : memref<1x32xi32, #tpu.memory_space<vmem>> -> memref<32xi32, #tpu.memory_space<vmem>>
        %dma_wait3A_1272 = arith.constant 0 : i32
        %dma_wait3A_1273 = arith.constant 0 : i32
        %dma_wait3A_1274 = tpu.memref_slice %arg9[%dma_wait3A_1272, %dma_wait3A_1273] : memref<10112x128xf32, #tpu.memory_space<vmem_shared>> -> memref<10112x128xf32, #tpu.memory_space<vmem_shared>>
        tpu.wait_indirect_dma semaphore(%arg30 : memref<!tpu.dma_semaphore, #tpu.memory_space<semaphore_mem>>) src(%arg16 : memref<32x128xf32, #tpu.memory_space<vmem>>) dst(%dma_wait3A_1274 : memref<10112x128xf32, #tpu.memory_space<vmem_shared>>)
      } else {
      }
      %add3A_295 = arith.constant 6 : i32
      %add3A_296 = arith.addi %add3A_208, %add3A_295 : i32
      %lt3A_297 = arith.constant 320 : i32
      %lt3A_298 = arith.cmpi slt, %add3A_296, %lt3A_297 : i32
      %convert_element_type3A_299 = arith.extui %lt3A_298 : i1 to i32
      %cond3A_300 = arith.constant 0 : i32
      %cond3A_301 = arith.cmpi ne, %convert_element_type3A_299, %cond3A_300 : i32
      scf.if %cond3A_301 {
        %add3A_1226 = arith.constant 6 : i32
        %add3A_1227 = arith.addi %add3A_208, %add3A_1226 : i32
        %jit3A_1228 = arith.constant 4 : i32
        %div3A_1229 = arith.divsi %add3A_1227, %jit3A_1228 : i32
        %sign3A_1230 = arith.constant 0 : i32
        %sign3A_1231 = arith.cmpi sgt, %add3A_1227, %sign3A_1230 : i32
        %sign3A_1232 = arith.extui %sign3A_1231 : i1 to i32
        %sign3A_1233 = arith.constant 0 : i32
        %sign3A_1234 = arith.cmpi slt, %add3A_1227, %sign3A_1233 : i32
        %sign3A_1235 = arith.extui %sign3A_1234 : i1 to i32
        %sign3A_1236 = arith.subi %sign3A_1232, %sign3A_1235 : i32
        %sign3A_1237 = arith.constant 0 : i32
        %sign3A_1238 = arith.cmpi sgt, %jit3A_1228, %sign3A_1237 : i32
        %sign3A_1239 = arith.extui %sign3A_1238 : i1 to i32
        %sign3A_1240 = arith.constant 0 : i32
        %sign3A_1241 = arith.cmpi slt, %jit3A_1228, %sign3A_1240 : i32
        %sign3A_1242 = arith.extui %sign3A_1241 : i1 to i32
        %sign3A_1243 = arith.subi %sign3A_1239, %sign3A_1242 : i32
        %ne3A_1244 = arith.cmpi ne, %sign3A_1236, %sign3A_1243 : i32
        %rem3A_1245 = arith.remsi %add3A_1227, %jit3A_1228 : i32
        %ne3A_1246 = arith.constant 0 : i32
        %ne3A_1247 = arith.cmpi ne, %rem3A_1245, %ne3A_1246 : i32
        %and3A_1248 = arith.andi %ne3A_1244, %ne3A_1247 : i1
        %sub3A_1249 = arith.constant 1 : i32
        %sub3A_1250 = arith.subi %div3A_1229, %sub3A_1249 : i32
        %select_n3A_1251 = arith.select %and3A_1248, %sub3A_1250, %div3A_1229 : i32
        %jit3A_1252 = arith.constant 4 : i32
        %eq3A_1253 = arith.constant 0 : i32
        %eq3A_1254 = arith.cmpi eq, %jit3A_1252, %eq3A_1253 : i32
        %jit3A_1255 = arith.constant 1 : i32
        %select_n3A_1256 = arith.select %eq3A_1254, %jit3A_1255, %jit3A_1252 : i32
        %rem3A_1257 = arith.remsi %add3A_1227, %select_n3A_1256 : i32
        %ne3A_1258 = arith.constant 0 : i32
        %ne3A_1259 = arith.cmpi ne, %rem3A_1257, %ne3A_1258 : i32
        %lt3A_1260 = arith.constant 0 : i32
        %lt3A_1261 = arith.cmpi slt, %rem3A_1257, %lt3A_1260 : i32
        %lt3A_1262 = arith.constant 0 : i32
        %lt3A_1263 = arith.cmpi slt, %select_n3A_1256, %lt3A_1262 : i32
        %ne3A_1264 = arith.xori %lt3A_1261, %lt3A_1263 : i1
        %and3A_1265 = arith.andi %ne3A_1264, %ne3A_1259 : i1
        %add3A_1266 = arith.addi %rem3A_1257, %select_n3A_1256 : i32
        %select_n3A_1267 = arith.select %and3A_1265, %add3A_1266, %rem3A_1257 : i32
        %mul3A_1268 = arith.constant 32 : i32
        %mul3A_1269 = arith.muli %select_n3A_1267, %mul3A_1268 : i32
        %dma_start3A_1270 = tpu.memref_slice %arg7[%select_n3A_1251, %mul3A_1269] : memref<80x128xi32, #tpu.memory_space<vmem>> -> memref<1x32xi32, #tpu.memory_space<vmem>>
        %dma_start3A_1271 = tpu.memref_squeeze %dma_start3A_1270 : memref<1x32xi32, #tpu.memory_space<vmem>> -> memref<32xi32, #tpu.memory_space<vmem>>
        %dma_start3A_1272 = arith.constant 0 : i32
        %dma_start3A_1273 = arith.constant 0 : i32
        %dma_start3A_1274 = tpu.memref_slice %arg2[%dma_start3A_1272, %dma_start3A_1273] : memref<20000x128xf32, #tpu.memory_space<hbm>> -> memref<20000x128xf32, #tpu.memory_space<hbm>>
        tpu.enqueue_indirect_dma source(%dma_start3A_1274 : memref<20000x128xf32, #tpu.memory_space<hbm>>) target(%arg16 : memref<32x128xf32, #tpu.memory_space<vmem>>) offsets(%dma_start3A_1271 : memref<32xi32, #tpu.memory_space<vmem>>) semaphore(%arg23 : memref<!tpu.dma_semaphore, #tpu.memory_space<semaphore_mem>>)
      } else {
      }
      %mul3A_302 = arith.constant 7 : i32
      %mul3A_303 = arith.muli %add3A_204, %mul3A_302 : i32
      %add3A_304 = arith.constant 1 : i32
      %add3A_305 = arith.addi %mul3A_303, %add3A_304 : i32
      %jit3A_306 = arith.constant 4 : i32
      %div3A_307 = arith.divsi %add3A_305, %jit3A_306 : i32
      %sign3A_308 = arith.constant 0 : i32
      %sign3A_309 = arith.cmpi sgt, %add3A_305, %sign3A_308 : i32
      %sign3A_310 = arith.extui %sign3A_309 : i1 to i32
      %sign3A_311 = arith.constant 0 : i32
      %sign3A_312 = arith.cmpi slt, %add3A_305, %sign3A_311 : i32
      %sign3A_313 = arith.extui %sign3A_312 : i1 to i32
      %sign3A_314 = arith.subi %sign3A_310, %sign3A_313 : i32
      %sign3A_315 = arith.constant 0 : i32
      %sign3A_316 = arith.cmpi sgt, %jit3A_306, %sign3A_315 : i32
      %sign3A_317 = arith.extui %sign3A_316 : i1 to i32
      %sign3A_318 = arith.constant 0 : i32
      %sign3A_319 = arith.cmpi slt, %jit3A_306, %sign3A_318 : i32
      %sign3A_320 = arith.extui %sign3A_319 : i1 to i32
      %sign3A_321 = arith.subi %sign3A_317, %sign3A_320 : i32
      %ne3A_322 = arith.cmpi ne, %sign3A_314, %sign3A_321 : i32
      %rem3A_323 = arith.remsi %add3A_305, %jit3A_306 : i32
      %ne3A_324 = arith.constant 0 : i32
      %ne3A_325 = arith.cmpi ne, %rem3A_323, %ne3A_324 : i32
      %and3A_326 = arith.andi %ne3A_322, %ne3A_325 : i1
      %sub3A_327 = arith.constant 1 : i32
      %sub3A_328 = arith.subi %div3A_307, %sub3A_327 : i32
      %select_n3A_329 = arith.select %and3A_326, %sub3A_328, %div3A_307 : i32
      %jit3A_330 = arith.constant 4 : i32
      %eq3A_331 = arith.constant 0 : i32
      %eq3A_332 = arith.cmpi eq, %jit3A_330, %eq3A_331 : i32
      %jit3A_333 = arith.constant 1 : i32
      %select_n3A_334 = arith.select %eq3A_332, %jit3A_333, %jit3A_330 : i32
      %rem3A_335 = arith.remsi %add3A_305, %select_n3A_334 : i32
      %ne3A_336 = arith.constant 0 : i32
      %ne3A_337 = arith.cmpi ne, %rem3A_335, %ne3A_336 : i32
      %lt3A_338 = arith.constant 0 : i32
      %lt3A_339 = arith.cmpi slt, %rem3A_335, %lt3A_338 : i32
      %lt3A_340 = arith.constant 0 : i32
      %lt3A_341 = arith.cmpi slt, %select_n3A_334, %lt3A_340 : i32
      %ne3A_342 = arith.xori %lt3A_339, %lt3A_341 : i1
      %and3A_343 = arith.andi %ne3A_342, %ne3A_337 : i1
      %add3A_344 = arith.addi %rem3A_335, %select_n3A_334 : i32
      %select_n3A_345 = arith.select %and3A_343, %add3A_344, %rem3A_335 : i32
      %mul3A_346 = arith.constant 32 : i32
      %mul3A_347 = arith.muli %select_n3A_345, %mul3A_346 : i32
      %dma_wait3A_348 = tpu.memref_slice %arg7[%select_n3A_329, %mul3A_347] : memref<80x128xi32, #tpu.memory_space<vmem>> -> memref<1x32xi32, #tpu.memory_space<vmem>>
      %dma_wait3A_349 = tpu.memref_squeeze %dma_wait3A_348 : memref<1x32xi32, #tpu.memory_space<vmem>> -> memref<32xi32, #tpu.memory_space<vmem>>
      %dma_wait3A_350 = arith.constant 0 : i32
      %dma_wait3A_351 = arith.constant 0 : i32
      %dma_wait3A_352 = tpu.memref_slice %arg2[%dma_wait3A_350, %dma_wait3A_351] : memref<20000x128xf32, #tpu.memory_space<hbm>> -> memref<20000x128xf32, #tpu.memory_space<hbm>>
      tpu.wait_indirect_dma semaphore(%arg18 : memref<!tpu.dma_semaphore, #tpu.memory_space<semaphore_mem>>) src(%dma_wait3A_352 : memref<20000x128xf32, #tpu.memory_space<hbm>>) dst(%arg11 : memref<32x128xf32, #tpu.memory_space<vmem>>)
      %jit3A_353 = arith.constant 4 : i32
      %div3A_354 = arith.divsi %add3A_305, %jit3A_353 : i32
      %sign3A_355 = arith.constant 0 : i32
      %sign3A_356 = arith.cmpi sgt, %add3A_305, %sign3A_355 : i32
      %sign3A_357 = arith.extui %sign3A_356 : i1 to i32
      %sign3A_358 = arith.constant 0 : i32
      %sign3A_359 = arith.cmpi slt, %add3A_305, %sign3A_358 : i32
      %sign3A_360 = arith.extui %sign3A_359 : i1 to i32
      %sign3A_361 = arith.subi %sign3A_357, %sign3A_360 : i32
      %sign3A_362 = arith.constant 0 : i32
      %sign3A_363 = arith.cmpi sgt, %jit3A_353, %sign3A_362 : i32
      %sign3A_364 = arith.extui %sign3A_363 : i1 to i32
      %sign3A_365 = arith.constant 0 : i32
      %sign3A_366 = arith.cmpi slt, %jit3A_353, %sign3A_365 : i32
      %sign3A_367 = arith.extui %sign3A_366 : i1 to i32
      %sign3A_368 = arith.subi %sign3A_364, %sign3A_367 : i32
      %ne3A_369 = arith.cmpi ne, %sign3A_361, %sign3A_368 : i32
      %rem3A_370 = arith.remsi %add3A_305, %jit3A_353 : i32
      %ne3A_371 = arith.constant 0 : i32
      %ne3A_372 = arith.cmpi ne, %rem3A_370, %ne3A_371 : i32
      %and3A_373 = arith.andi %ne3A_369, %ne3A_372 : i1
      %sub3A_374 = arith.constant 1 : i32
      %sub3A_375 = arith.subi %div3A_354, %sub3A_374 : i32
      %select_n3A_376 = arith.select %and3A_373, %sub3A_375, %div3A_354 : i32
      %jit3A_377 = arith.constant 4 : i32
      %eq3A_378 = arith.constant 0 : i32
      %eq3A_379 = arith.cmpi eq, %jit3A_377, %eq3A_378 : i32
      %jit3A_380 = arith.constant 1 : i32
      %select_n3A_381 = arith.select %eq3A_379, %jit3A_380, %jit3A_377 : i32
      %rem3A_382 = arith.remsi %add3A_305, %select_n3A_381 : i32
      %ne3A_383 = arith.constant 0 : i32
      %ne3A_384 = arith.cmpi ne, %rem3A_382, %ne3A_383 : i32
      %lt3A_385 = arith.constant 0 : i32
      %lt3A_386 = arith.cmpi slt, %rem3A_382, %lt3A_385 : i32
      %lt3A_387 = arith.constant 0 : i32
      %lt3A_388 = arith.cmpi slt, %select_n3A_381, %lt3A_387 : i32
      %ne3A_389 = arith.xori %lt3A_386, %lt3A_388 : i1
      %and3A_390 = arith.andi %ne3A_389, %ne3A_384 : i1
      %add3A_391 = arith.addi %rem3A_382, %select_n3A_381 : i32
      %select_n3A_392 = arith.select %and3A_390, %add3A_391, %rem3A_382 : i32
      %mul3A_393 = arith.constant 32 : i32
      %mul3A_394 = arith.muli %select_n3A_392, %mul3A_393 : i32
      %dma_start3A_395 = tpu.memref_slice %arg8[%select_n3A_376, %mul3A_394] : memref<80x128xi32, #tpu.memory_space<vmem>> -> memref<1x32xi32, #tpu.memory_space<vmem>>
      %dma_start3A_396 = tpu.memref_squeeze %dma_start3A_395 : memref<1x32xi32, #tpu.memory_space<vmem>> -> memref<32xi32, #tpu.memory_space<vmem>>
      %dma_start3A_397 = arith.constant 0 : i32
      %dma_start3A_398 = arith.constant 0 : i32
      %dma_start3A_399 = tpu.memref_slice %arg9[%dma_start3A_397, %dma_start3A_398] : memref<10112x128xf32, #tpu.memory_space<vmem_shared>> -> memref<10112x128xf32, #tpu.memory_space<vmem_shared>>
      tpu.enqueue_indirect_dma source(%arg11 : memref<32x128xf32, #tpu.memory_space<vmem>>) target(%dma_start3A_399 : memref<10112x128xf32, #tpu.memory_space<vmem_shared>>) offsets(%dma_start3A_396 : memref<32xi32, #tpu.memory_space<vmem>>) semaphore(%arg25 : memref<!tpu.dma_semaphore, #tpu.memory_space<semaphore_mem>>) {add = true}
      %sub3A_400 = arith.constant 1 : i32
      %sub3A_401 = arith.subi %add3A_305, %sub3A_400 : i32
      %jit3A_402 = arith.constant 4 : i32
      %div3A_403 = arith.divsi %sub3A_401, %jit3A_402 : i32
      %sign3A_404 = arith.constant 0 : i32
      %sign3A_405 = arith.cmpi sgt, %sub3A_401, %sign3A_404 : i32
      %sign3A_406 = arith.extui %sign3A_405 : i1 to i32
      %sign3A_407 = arith.constant 0 : i32
      %sign3A_408 = arith.cmpi slt, %sub3A_401, %sign3A_407 : i32
      %sign3A_409 = arith.extui %sign3A_408 : i1 to i32
      %sign3A_410 = arith.subi %sign3A_406, %sign3A_409 : i32
      %sign3A_411 = arith.constant 0 : i32
      %sign3A_412 = arith.cmpi sgt, %jit3A_402, %sign3A_411 : i32
      %sign3A_413 = arith.extui %sign3A_412 : i1 to i32
      %sign3A_414 = arith.constant 0 : i32
      %sign3A_415 = arith.cmpi slt, %jit3A_402, %sign3A_414 : i32
      %sign3A_416 = arith.extui %sign3A_415 : i1 to i32
      %sign3A_417 = arith.subi %sign3A_413, %sign3A_416 : i32
      %ne3A_418 = arith.cmpi ne, %sign3A_410, %sign3A_417 : i32
      %rem3A_419 = arith.remsi %sub3A_401, %jit3A_402 : i32
      %ne3A_420 = arith.constant 0 : i32
      %ne3A_421 = arith.cmpi ne, %rem3A_419, %ne3A_420 : i32
      %and3A_422 = arith.andi %ne3A_418, %ne3A_421 : i1
      %sub3A_423 = arith.constant 1 : i32
      %sub3A_424 = arith.subi %div3A_403, %sub3A_423 : i32
      %select_n3A_425 = arith.select %and3A_422, %sub3A_424, %div3A_403 : i32
      %jit3A_426 = arith.constant 4 : i32
      %eq3A_427 = arith.constant 0 : i32
      %eq3A_428 = arith.cmpi eq, %jit3A_426, %eq3A_427 : i32
      %jit3A_429 = arith.constant 1 : i32
      %select_n3A_430 = arith.select %eq3A_428, %jit3A_429, %jit3A_426 : i32
      %rem3A_431 = arith.remsi %sub3A_401, %select_n3A_430 : i32
      %ne3A_432 = arith.constant 0 : i32
      %ne3A_433 = arith.cmpi ne, %rem3A_431, %ne3A_432 : i32
      %lt3A_434 = arith.constant 0 : i32
      %lt3A_435 = arith.cmpi slt, %rem3A_431, %lt3A_434 : i32
      %lt3A_436 = arith.constant 0 : i32
      %lt3A_437 = arith.cmpi slt, %select_n3A_430, %lt3A_436 : i32
      %ne3A_438 = arith.xori %lt3A_435, %lt3A_437 : i1
      %and3A_439 = arith.andi %ne3A_438, %ne3A_433 : i1
      %add3A_440 = arith.addi %rem3A_431, %select_n3A_430 : i32
      %select_n3A_441 = arith.select %and3A_439, %add3A_440, %rem3A_431 : i32
      %mul3A_442 = arith.constant 32 : i32
      %mul3A_443 = arith.muli %select_n3A_441, %mul3A_442 : i32
      %dma_wait3A_444 = tpu.memref_slice %arg8[%select_n3A_425, %mul3A_443] : memref<80x128xi32, #tpu.memory_space<vmem>> -> memref<1x32xi32, #tpu.memory_space<vmem>>
      %dma_wait3A_445 = tpu.memref_squeeze %dma_wait3A_444 : memref<1x32xi32, #tpu.memory_space<vmem>> -> memref<32xi32, #tpu.memory_space<vmem>>
      %dma_wait3A_446 = arith.constant 0 : i32
      %dma_wait3A_447 = arith.constant 0 : i32
      %dma_wait3A_448 = tpu.memref_slice %arg9[%dma_wait3A_446, %dma_wait3A_447] : memref<10112x128xf32, #tpu.memory_space<vmem_shared>> -> memref<10112x128xf32, #tpu.memory_space<vmem_shared>>
      tpu.wait_indirect_dma semaphore(%arg24 : memref<!tpu.dma_semaphore, #tpu.memory_space<semaphore_mem>>) src(%arg10 : memref<32x128xf32, #tpu.memory_space<vmem>>) dst(%dma_wait3A_448 : memref<10112x128xf32, #tpu.memory_space<vmem_shared>>)
      %add3A_449 = arith.constant 6 : i32
      %add3A_450 = arith.addi %add3A_305, %add3A_449 : i32
      %lt3A_451 = arith.constant 320 : i32
      %lt3A_452 = arith.cmpi slt, %add3A_450, %lt3A_451 : i32
      %convert_element_type3A_453 = arith.extui %lt3A_452 : i1 to i32
      %cond3A_454 = arith.constant 0 : i32
      %cond3A_455 = arith.cmpi ne, %convert_element_type3A_453, %cond3A_454 : i32
      scf.if %cond3A_455 {
        %add3A_1226 = arith.constant 6 : i32
        %add3A_1227 = arith.addi %add3A_305, %add3A_1226 : i32
        %jit3A_1228 = arith.constant 4 : i32
        %div3A_1229 = arith.divsi %add3A_1227, %jit3A_1228 : i32
        %sign3A_1230 = arith.constant 0 : i32
        %sign3A_1231 = arith.cmpi sgt, %add3A_1227, %sign3A_1230 : i32
        %sign3A_1232 = arith.extui %sign3A_1231 : i1 to i32
        %sign3A_1233 = arith.constant 0 : i32
        %sign3A_1234 = arith.cmpi slt, %add3A_1227, %sign3A_1233 : i32
        %sign3A_1235 = arith.extui %sign3A_1234 : i1 to i32
        %sign3A_1236 = arith.subi %sign3A_1232, %sign3A_1235 : i32
        %sign3A_1237 = arith.constant 0 : i32
        %sign3A_1238 = arith.cmpi sgt, %jit3A_1228, %sign3A_1237 : i32
        %sign3A_1239 = arith.extui %sign3A_1238 : i1 to i32
        %sign3A_1240 = arith.constant 0 : i32
        %sign3A_1241 = arith.cmpi slt, %jit3A_1228, %sign3A_1240 : i32
        %sign3A_1242 = arith.extui %sign3A_1241 : i1 to i32
        %sign3A_1243 = arith.subi %sign3A_1239, %sign3A_1242 : i32
        %ne3A_1244 = arith.cmpi ne, %sign3A_1236, %sign3A_1243 : i32
        %rem3A_1245 = arith.remsi %add3A_1227, %jit3A_1228 : i32
        %ne3A_1246 = arith.constant 0 : i32
        %ne3A_1247 = arith.cmpi ne, %rem3A_1245, %ne3A_1246 : i32
        %and3A_1248 = arith.andi %ne3A_1244, %ne3A_1247 : i1
        %sub3A_1249 = arith.constant 1 : i32
        %sub3A_1250 = arith.subi %div3A_1229, %sub3A_1249 : i32
        %select_n3A_1251 = arith.select %and3A_1248, %sub3A_1250, %div3A_1229 : i32
        %jit3A_1252 = arith.constant 4 : i32
        %eq3A_1253 = arith.constant 0 : i32
        %eq3A_1254 = arith.cmpi eq, %jit3A_1252, %eq3A_1253 : i32
        %jit3A_1255 = arith.constant 1 : i32
        %select_n3A_1256 = arith.select %eq3A_1254, %jit3A_1255, %jit3A_1252 : i32
        %rem3A_1257 = arith.remsi %add3A_1227, %select_n3A_1256 : i32
        %ne3A_1258 = arith.constant 0 : i32
        %ne3A_1259 = arith.cmpi ne, %rem3A_1257, %ne3A_1258 : i32
        %lt3A_1260 = arith.constant 0 : i32
        %lt3A_1261 = arith.cmpi slt, %rem3A_1257, %lt3A_1260 : i32
        %lt3A_1262 = arith.constant 0 : i32
        %lt3A_1263 = arith.cmpi slt, %select_n3A_1256, %lt3A_1262 : i32
        %ne3A_1264 = arith.xori %lt3A_1261, %lt3A_1263 : i1
        %and3A_1265 = arith.andi %ne3A_1264, %ne3A_1259 : i1
        %add3A_1266 = arith.addi %rem3A_1257, %select_n3A_1256 : i32
        %select_n3A_1267 = arith.select %and3A_1265, %add3A_1266, %rem3A_1257 : i32
        %mul3A_1268 = arith.constant 32 : i32
        %mul3A_1269 = arith.muli %select_n3A_1267, %mul3A_1268 : i32
        %dma_start3A_1270 = tpu.memref_slice %arg7[%select_n3A_1251, %mul3A_1269] : memref<80x128xi32, #tpu.memory_space<vmem>> -> memref<1x32xi32, #tpu.memory_space<vmem>>
        %dma_start3A_1271 = tpu.memref_squeeze %dma_start3A_1270 : memref<1x32xi32, #tpu.memory_space<vmem>> -> memref<32xi32, #tpu.memory_space<vmem>>
        %dma_start3A_1272 = arith.constant 0 : i32
        %dma_start3A_1273 = arith.constant 0 : i32
        %dma_start3A_1274 = tpu.memref_slice %arg2[%dma_start3A_1272, %dma_start3A_1273] : memref<20000x128xf32, #tpu.memory_space<hbm>> -> memref<20000x128xf32, #tpu.memory_space<hbm>>
        tpu.enqueue_indirect_dma source(%dma_start3A_1274 : memref<20000x128xf32, #tpu.memory_space<hbm>>) target(%arg10 : memref<32x128xf32, #tpu.memory_space<vmem>>) offsets(%dma_start3A_1271 : memref<32xi32, #tpu.memory_space<vmem>>) semaphore(%arg17 : memref<!tpu.dma_semaphore, #tpu.memory_space<semaphore_mem>>)
      } else {
      }
      %mul3A_456 = arith.constant 7 : i32
      %mul3A_457 = arith.muli %add3A_204, %mul3A_456 : i32
      %add3A_458 = arith.constant 2 : i32
      %add3A_459 = arith.addi %mul3A_457, %add3A_458 : i32
      %jit3A_460 = arith.constant 4 : i32
      %div3A_461 = arith.divsi %add3A_459, %jit3A_460 : i32
      %sign3A_462 = arith.constant 0 : i32
      %sign3A_463 = arith.cmpi sgt, %add3A_459, %sign3A_462 : i32
      %sign3A_464 = arith.extui %sign3A_463 : i1 to i32
      %sign3A_465 = arith.constant 0 : i32
      %sign3A_466 = arith.cmpi slt, %add3A_459, %sign3A_465 : i32
      %sign3A_467 = arith.extui %sign3A_466 : i1 to i32
      %sign3A_468 = arith.subi %sign3A_464, %sign3A_467 : i32
      %sign3A_469 = arith.constant 0 : i32
      %sign3A_470 = arith.cmpi sgt, %jit3A_460, %sign3A_469 : i32
      %sign3A_471 = arith.extui %sign3A_470 : i1 to i32
      %sign3A_472 = arith.constant 0 : i32
      %sign3A_473 = arith.cmpi slt, %jit3A_460, %sign3A_472 : i32
      %sign3A_474 = arith.extui %sign3A_473 : i1 to i32
      %sign3A_475 = arith.subi %sign3A_471, %sign3A_474 : i32
      %ne3A_476 = arith.cmpi ne, %sign3A_468, %sign3A_475 : i32
      %rem3A_477 = arith.remsi %add3A_459, %jit3A_460 : i32
      %ne3A_478 = arith.constant 0 : i32
      %ne3A_479 = arith.cmpi ne, %rem3A_477, %ne3A_478 : i32
      %and3A_480 = arith.andi %ne3A_476, %ne3A_479 : i1
      %sub3A_481 = arith.constant 1 : i32
      %sub3A_482 = arith.subi %div3A_461, %sub3A_481 : i32
      %select_n3A_483 = arith.select %and3A_480, %sub3A_482, %div3A_461 : i32
      %jit3A_484 = arith.constant 4 : i32
      %eq3A_485 = arith.constant 0 : i32
      %eq3A_486 = arith.cmpi eq, %jit3A_484, %eq3A_485 : i32
      %jit3A_487 = arith.constant 1 : i32
      %select_n3A_488 = arith.select %eq3A_486, %jit3A_487, %jit3A_484 : i32
      %rem3A_489 = arith.remsi %add3A_459, %select_n3A_488 : i32
      %ne3A_490 = arith.constant 0 : i32
      %ne3A_491 = arith.cmpi ne, %rem3A_489, %ne3A_490 : i32
      %lt3A_492 = arith.constant 0 : i32
      %lt3A_493 = arith.cmpi slt, %rem3A_489, %lt3A_492 : i32
      %lt3A_494 = arith.constant 0 : i32
      %lt3A_495 = arith.cmpi slt, %select_n3A_488, %lt3A_494 : i32
      %ne3A_496 = arith.xori %lt3A_493, %lt3A_495 : i1
      %and3A_497 = arith.andi %ne3A_496, %ne3A_491 : i1
      %add3A_498 = arith.addi %rem3A_489, %select_n3A_488 : i32
      %select_n3A_499 = arith.select %and3A_497, %add3A_498, %rem3A_489 : i32
      %mul3A_500 = arith.constant 32 : i32
      %mul3A_501 = arith.muli %select_n3A_499, %mul3A_500 : i32
      %dma_wait3A_502 = tpu.memref_slice %arg7[%select_n3A_483, %mul3A_501] : memref<80x128xi32, #tpu.memory_space<vmem>> -> memref<1x32xi32, #tpu.memory_space<vmem>>
      %dma_wait3A_503 = tpu.memref_squeeze %dma_wait3A_502 : memref<1x32xi32, #tpu.memory_space<vmem>> -> memref<32xi32, #tpu.memory_space<vmem>>
      %dma_wait3A_504 = arith.constant 0 : i32
      %dma_wait3A_505 = arith.constant 0 : i32
      %dma_wait3A_506 = tpu.memref_slice %arg2[%dma_wait3A_504, %dma_wait3A_505] : memref<20000x128xf32, #tpu.memory_space<hbm>> -> memref<20000x128xf32, #tpu.memory_space<hbm>>
      tpu.wait_indirect_dma semaphore(%arg19 : memref<!tpu.dma_semaphore, #tpu.memory_space<semaphore_mem>>) src(%dma_wait3A_506 : memref<20000x128xf32, #tpu.memory_space<hbm>>) dst(%arg12 : memref<32x128xf32, #tpu.memory_space<vmem>>)
      %jit3A_507 = arith.constant 4 : i32
      %div3A_508 = arith.divsi %add3A_459, %jit3A_507 : i32
      %sign3A_509 = arith.constant 0 : i32
      %sign3A_510 = arith.cmpi sgt, %add3A_459, %sign3A_509 : i32
      %sign3A_511 = arith.extui %sign3A_510 : i1 to i32
      %sign3A_512 = arith.constant 0 : i32
      %sign3A_513 = arith.cmpi slt, %add3A_459, %sign3A_512 : i32
      %sign3A_514 = arith.extui %sign3A_513 : i1 to i32
      %sign3A_515 = arith.subi %sign3A_511, %sign3A_514 : i32
      %sign3A_516 = arith.constant 0 : i32
      %sign3A_517 = arith.cmpi sgt, %jit3A_507, %sign3A_516 : i32
      %sign3A_518 = arith.extui %sign3A_517 : i1 to i32
      %sign3A_519 = arith.constant 0 : i32
      %sign3A_520 = arith.cmpi slt, %jit3A_507, %sign3A_519 : i32
      %sign3A_521 = arith.extui %sign3A_520 : i1 to i32
      %sign3A_522 = arith.subi %sign3A_518, %sign3A_521 : i32
      %ne3A_523 = arith.cmpi ne, %sign3A_515, %sign3A_522 : i32
      %rem3A_524 = arith.remsi %add3A_459, %jit3A_507 : i32
      %ne3A_525 = arith.constant 0 : i32
      %ne3A_526 = arith.cmpi ne, %rem3A_524, %ne3A_525 : i32
      %and3A_527 = arith.andi %ne3A_523, %ne3A_526 : i1
      %sub3A_528 = arith.constant 1 : i32
      %sub3A_529 = arith.subi %div3A_508, %sub3A_528 : i32
      %select_n3A_530 = arith.select %and3A_527, %sub3A_529, %div3A_508 : i32
      %jit3A_531 = arith.constant 4 : i32
      %eq3A_532 = arith.constant 0 : i32
      %eq3A_533 = arith.cmpi eq, %jit3A_531, %eq3A_532 : i32
      %jit3A_534 = arith.constant 1 : i32
      %select_n3A_535 = arith.select %eq3A_533, %jit3A_534, %jit3A_531 : i32
      %rem3A_536 = arith.remsi %add3A_459, %select_n3A_535 : i32
      %ne3A_537 = arith.constant 0 : i32
      %ne3A_538 = arith.cmpi ne, %rem3A_536, %ne3A_537 : i32
      %lt3A_539 = arith.constant 0 : i32
      %lt3A_540 = arith.cmpi slt, %rem3A_536, %lt3A_539 : i32
      %lt3A_541 = arith.constant 0 : i32
      %lt3A_542 = arith.cmpi slt, %select_n3A_535, %lt3A_541 : i32
      %ne3A_543 = arith.xori %lt3A_540, %lt3A_542 : i1
      %and3A_544 = arith.andi %ne3A_543, %ne3A_538 : i1
      %add3A_545 = arith.addi %rem3A_536, %select_n3A_535 : i32
      %select_n3A_546 = arith.select %and3A_544, %add3A_545, %rem3A_536 : i32
      %mul3A_547 = arith.constant 32 : i32
      %mul3A_548 = arith.muli %select_n3A_546, %mul3A_547 : i32
      %dma_start3A_549 = tpu.memref_slice %arg8[%select_n3A_530, %mul3A_548] : memref<80x128xi32, #tpu.memory_space<vmem>> -> memref<1x32xi32, #tpu.memory_space<vmem>>
      %dma_start3A_550 = tpu.memref_squeeze %dma_start3A_549 : memref<1x32xi32, #tpu.memory_space<vmem>> -> memref<32xi32, #tpu.memory_space<vmem>>
      %dma_start3A_551 = arith.constant 0 : i32
      %dma_start3A_552 = arith.constant 0 : i32
      %dma_start3A_553 = tpu.memref_slice %arg9[%dma_start3A_551, %dma_start3A_552] : memref<10112x128xf32, #tpu.memory_space<vmem_shared>> -> memref<10112x128xf32, #tpu.memory_space<vmem_shared>>
      tpu.enqueue_indirect_dma source(%arg12 : memref<32x128xf32, #tpu.memory_space<vmem>>) target(%dma_start3A_553 : memref<10112x128xf32, #tpu.memory_space<vmem_shared>>) offsets(%dma_start3A_550 : memref<32xi32, #tpu.memory_space<vmem>>) semaphore(%arg26 : memref<!tpu.dma_semaphore, #tpu.memory_space<semaphore_mem>>) {add = true}
      %sub3A_554 = arith.constant 1 : i32
      %sub3A_555 = arith.subi %add3A_459, %sub3A_554 : i32
      %jit3A_556 = arith.constant 4 : i32
      %div3A_557 = arith.divsi %sub3A_555, %jit3A_556 : i32
      %sign3A_558 = arith.constant 0 : i32
      %sign3A_559 = arith.cmpi sgt, %sub3A_555, %sign3A_558 : i32
      %sign3A_560 = arith.extui %sign3A_559 : i1 to i32
      %sign3A_561 = arith.constant 0 : i32
      %sign3A_562 = arith.cmpi slt, %sub3A_555, %sign3A_561 : i32
      %sign3A_563 = arith.extui %sign3A_562 : i1 to i32
      %sign3A_564 = arith.subi %sign3A_560, %sign3A_563 : i32
      %sign3A_565 = arith.constant 0 : i32
      %sign3A_566 = arith.cmpi sgt, %jit3A_556, %sign3A_565 : i32
      %sign3A_567 = arith.extui %sign3A_566 : i1 to i32
      %sign3A_568 = arith.constant 0 : i32
      %sign3A_569 = arith.cmpi slt, %jit3A_556, %sign3A_568 : i32
      %sign3A_570 = arith.extui %sign3A_569 : i1 to i32
      %sign3A_571 = arith.subi %sign3A_567, %sign3A_570 : i32
      %ne3A_572 = arith.cmpi ne, %sign3A_564, %sign3A_571 : i32
      %rem3A_573 = arith.remsi %sub3A_555, %jit3A_556 : i32
      %ne3A_574 = arith.constant 0 : i32
      %ne3A_575 = arith.cmpi ne, %rem3A_573, %ne3A_574 : i32
      %and3A_576 = arith.andi %ne3A_572, %ne3A_575 : i1
      %sub3A_577 = arith.constant 1 : i32
      %sub3A_578 = arith.subi %div3A_557, %sub3A_577 : i32
      %select_n3A_579 = arith.select %and3A_576, %sub3A_578, %div3A_557 : i32
      %jit3A_580 = arith.constant 4 : i32
      %eq3A_581 = arith.constant 0 : i32
      %eq3A_582 = arith.cmpi eq, %jit3A_580, %eq3A_581 : i32
      %jit3A_583 = arith.constant 1 : i32
      %select_n3A_584 = arith.select %eq3A_582, %jit3A_583, %jit3A_580 : i32
      %rem3A_585 = arith.remsi %sub3A_555, %select_n3A_584 : i32
      %ne3A_586 = arith.constant 0 : i32
      %ne3A_587 = arith.cmpi ne, %rem3A_585, %ne3A_586 : i32
      %lt3A_588 = arith.constant 0 : i32
      %lt3A_589 = arith.cmpi slt, %rem3A_585, %lt3A_588 : i32
      %lt3A_590 = arith.constant 0 : i32
      %lt3A_591 = arith.cmpi slt, %select_n3A_584, %lt3A_590 : i32
      %ne3A_592 = arith.xori %lt3A_589, %lt3A_591 : i1
      %and3A_593 = arith.andi %ne3A_592, %ne3A_587 : i1
      %add3A_594 = arith.addi %rem3A_585, %select_n3A_584 : i32
      %select_n3A_595 = arith.select %and3A_593, %add3A_594, %rem3A_585 : i32
      %mul3A_596 = arith.constant 32 : i32
      %mul3A_597 = arith.muli %select_n3A_595, %mul3A_596 : i32
      %dma_wait3A_598 = tpu.memref_slice %arg8[%select_n3A_579, %mul3A_597] : memref<80x128xi32, #tpu.memory_space<vmem>> -> memref<1x32xi32, #tpu.memory_space<vmem>>
      %dma_wait3A_599 = tpu.memref_squeeze %dma_wait3A_598 : memref<1x32xi32, #tpu.memory_space<vmem>> -> memref<32xi32, #tpu.memory_space<vmem>>
      %dma_wait3A_600 = arith.constant 0 : i32
      %dma_wait3A_601 = arith.constant 0 : i32
      %dma_wait3A_602 = tpu.memref_slice %arg9[%dma_wait3A_600, %dma_wait3A_601] : memref<10112x128xf32, #tpu.memory_space<vmem_shared>> -> memref<10112x128xf32, #tpu.memory_space<vmem_shared>>
      tpu.wait_indirect_dma semaphore(%arg25 : memref<!tpu.dma_semaphore, #tpu.memory_space<semaphore_mem>>) src(%arg11 : memref<32x128xf32, #tpu.memory_space<vmem>>) dst(%dma_wait3A_602 : memref<10112x128xf32, #tpu.memory_space<vmem_shared>>)
      %add3A_603 = arith.constant 6 : i32
      %add3A_604 = arith.addi %add3A_459, %add3A_603 : i32
      %lt3A_605 = arith.constant 320 : i32
      %lt3A_606 = arith.cmpi slt, %add3A_604, %lt3A_605 : i32
      %convert_element_type3A_607 = arith.extui %lt3A_606 : i1 to i32
      %cond3A_608 = arith.constant 0 : i32
      %cond3A_609 = arith.cmpi ne, %convert_element_type3A_607, %cond3A_608 : i32
      scf.if %cond3A_609 {
        %add3A_1226 = arith.constant 6 : i32
        %add3A_1227 = arith.addi %add3A_459, %add3A_1226 : i32
        %jit3A_1228 = arith.constant 4 : i32
        %div3A_1229 = arith.divsi %add3A_1227, %jit3A_1228 : i32
        %sign3A_1230 = arith.constant 0 : i32
        %sign3A_1231 = arith.cmpi sgt, %add3A_1227, %sign3A_1230 : i32
        %sign3A_1232 = arith.extui %sign3A_1231 : i1 to i32
        %sign3A_1233 = arith.constant 0 : i32
        %sign3A_1234 = arith.cmpi slt, %add3A_1227, %sign3A_1233 : i32
        %sign3A_1235 = arith.extui %sign3A_1234 : i1 to i32
        %sign3A_1236 = arith.subi %sign3A_1232, %sign3A_1235 : i32
        %sign3A_1237 = arith.constant 0 : i32
        %sign3A_1238 = arith.cmpi sgt, %jit3A_1228, %sign3A_1237 : i32
        %sign3A_1239 = arith.extui %sign3A_1238 : i1 to i32
        %sign3A_1240 = arith.constant 0 : i32
        %sign3A_1241 = arith.cmpi slt, %jit3A_1228, %sign3A_1240 : i32
        %sign3A_1242 = arith.extui %sign3A_1241 : i1 to i32
        %sign3A_1243 = arith.subi %sign3A_1239, %sign3A_1242 : i32
        %ne3A_1244 = arith.cmpi ne, %sign3A_1236, %sign3A_1243 : i32
        %rem3A_1245 = arith.remsi %add3A_1227, %jit3A_1228 : i32
        %ne3A_1246 = arith.constant 0 : i32
        %ne3A_1247 = arith.cmpi ne, %rem3A_1245, %ne3A_1246 : i32
        %and3A_1248 = arith.andi %ne3A_1244, %ne3A_1247 : i1
        %sub3A_1249 = arith.constant 1 : i32
        %sub3A_1250 = arith.subi %div3A_1229, %sub3A_1249 : i32
        %select_n3A_1251 = arith.select %and3A_1248, %sub3A_1250, %div3A_1229 : i32
        %jit3A_1252 = arith.constant 4 : i32
        %eq3A_1253 = arith.constant 0 : i32
        %eq3A_1254 = arith.cmpi eq, %jit3A_1252, %eq3A_1253 : i32
        %jit3A_1255 = arith.constant 1 : i32
        %select_n3A_1256 = arith.select %eq3A_1254, %jit3A_1255, %jit3A_1252 : i32
        %rem3A_1257 = arith.remsi %add3A_1227, %select_n3A_1256 : i32
        %ne3A_1258 = arith.constant 0 : i32
        %ne3A_1259 = arith.cmpi ne, %rem3A_1257, %ne3A_1258 : i32
        %lt3A_1260 = arith.constant 0 : i32
        %lt3A_1261 = arith.cmpi slt, %rem3A_1257, %lt3A_1260 : i32
        %lt3A_1262 = arith.constant 0 : i32
        %lt3A_1263 = arith.cmpi slt, %select_n3A_1256, %lt3A_1262 : i32
        %ne3A_1264 = arith.xori %lt3A_1261, %lt3A_1263 : i1
        %and3A_1265 = arith.andi %ne3A_1264, %ne3A_1259 : i1
        %add3A_1266 = arith.addi %rem3A_1257, %select_n3A_1256 : i32
        %select_n3A_1267 = arith.select %and3A_1265, %add3A_1266, %rem3A_1257 : i32
        %mul3A_1268 = arith.constant 32 : i32
        %mul3A_1269 = arith.muli %select_n3A_1267, %mul3A_1268 : i32
        %dma_start3A_1270 = tpu.memref_slice %arg7[%select_n3A_1251, %mul3A_1269] : memref<80x128xi32, #tpu.memory_space<vmem>> -> memref<1x32xi32, #tpu.memory_space<vmem>>
        %dma_start3A_1271 = tpu.memref_squeeze %dma_start3A_1270 : memref<1x32xi32, #tpu.memory_space<vmem>> -> memref<32xi32, #tpu.memory_space<vmem>>
        %dma_start3A_1272 = arith.constant 0 : i32
        %dma_start3A_1273 = arith.constant 0 : i32
        %dma_start3A_1274 = tpu.memref_slice %arg2[%dma_start3A_1272, %dma_start3A_1273] : memref<20000x128xf32, #tpu.memory_space<hbm>> -> memref<20000x128xf32, #tpu.memory_space<hbm>>
        tpu.enqueue_indirect_dma source(%dma_start3A_1274 : memref<20000x128xf32, #tpu.memory_space<hbm>>) target(%arg11 : memref<32x128xf32, #tpu.memory_space<vmem>>) offsets(%dma_start3A_1271 : memref<32xi32, #tpu.memory_space<vmem>>) semaphore(%arg18 : memref<!tpu.dma_semaphore, #tpu.memory_space<semaphore_mem>>)
      } else {
      }
      %mul3A_610 = arith.constant 7 : i32
      %mul3A_611 = arith.muli %add3A_204, %mul3A_610 : i32
      %add3A_612 = arith.constant 3 : i32
      %add3A_613 = arith.addi %mul3A_611, %add3A_612 : i32
      %jit3A_614 = arith.constant 4 : i32
      %div3A_615 = arith.divsi %add3A_613, %jit3A_614 : i32
      %sign3A_616 = arith.constant 0 : i32
      %sign3A_617 = arith.cmpi sgt, %add3A_613, %sign3A_616 : i32
      %sign3A_618 = arith.extui %sign3A_617 : i1 to i32
      %sign3A_619 = arith.constant 0 : i32
      %sign3A_620 = arith.cmpi slt, %add3A_613, %sign3A_619 : i32
      %sign3A_621 = arith.extui %sign3A_620 : i1 to i32
      %sign3A_622 = arith.subi %sign3A_618, %sign3A_621 : i32
      %sign3A_623 = arith.constant 0 : i32
      %sign3A_624 = arith.cmpi sgt, %jit3A_614, %sign3A_623 : i32
      %sign3A_625 = arith.extui %sign3A_624 : i1 to i32
      %sign3A_626 = arith.constant 0 : i32
      %sign3A_627 = arith.cmpi slt, %jit3A_614, %sign3A_626 : i32
      %sign3A_628 = arith.extui %sign3A_627 : i1 to i32
      %sign3A_629 = arith.subi %sign3A_625, %sign3A_628 : i32
      %ne3A_630 = arith.cmpi ne, %sign3A_622, %sign3A_629 : i32
      %rem3A_631 = arith.remsi %add3A_613, %jit3A_614 : i32
      %ne3A_632 = arith.constant 0 : i32
      %ne3A_633 = arith.cmpi ne, %rem3A_631, %ne3A_632 : i32
      %and3A_634 = arith.andi %ne3A_630, %ne3A_633 : i1
      %sub3A_635 = arith.constant 1 : i32
      %sub3A_636 = arith.subi %div3A_615, %sub3A_635 : i32
      %select_n3A_637 = arith.select %and3A_634, %sub3A_636, %div3A_615 : i32
      %jit3A_638 = arith.constant 4 : i32
      %eq3A_639 = arith.constant 0 : i32
      %eq3A_640 = arith.cmpi eq, %jit3A_638, %eq3A_639 : i32
      %jit3A_641 = arith.constant 1 : i32
      %select_n3A_642 = arith.select %eq3A_640, %jit3A_641, %jit3A_638 : i32
      %rem3A_643 = arith.remsi %add3A_613, %select_n3A_642 : i32
      %ne3A_644 = arith.constant 0 : i32
      %ne3A_645 = arith.cmpi ne, %rem3A_643, %ne3A_644 : i32
      %lt3A_646 = arith.constant 0 : i32
      %lt3A_647 = arith.cmpi slt, %rem3A_643, %lt3A_646 : i32
      %lt3A_648 = arith.constant 0 : i32
      %lt3A_649 = arith.cmpi slt, %select_n3A_642, %lt3A_648 : i32
      %ne3A_650 = arith.xori %lt3A_647, %lt3A_649 : i1
      %and3A_651 = arith.andi %ne3A_650, %ne3A_645 : i1
      %add3A_652 = arith.addi %rem3A_643, %select_n3A_642 : i32
      %select_n3A_653 = arith.select %and3A_651, %add3A_652, %rem3A_643 : i32
      %mul3A_654 = arith.constant 32 : i32
      %mul3A_655 = arith.muli %select_n3A_653, %mul3A_654 : i32
      %dma_wait3A_656 = tpu.memref_slice %arg7[%select_n3A_637, %mul3A_655] : memref<80x128xi32, #tpu.memory_space<vmem>> -> memref<1x32xi32, #tpu.memory_space<vmem>>
      %dma_wait3A_657 = tpu.memref_squeeze %dma_wait3A_656 : memref<1x32xi32, #tpu.memory_space<vmem>> -> memref<32xi32, #tpu.memory_space<vmem>>
      %dma_wait3A_658 = arith.constant 0 : i32
      %dma_wait3A_659 = arith.constant 0 : i32
      %dma_wait3A_660 = tpu.memref_slice %arg2[%dma_wait3A_658, %dma_wait3A_659] : memref<20000x128xf32, #tpu.memory_space<hbm>> -> memref<20000x128xf32, #tpu.memory_space<hbm>>
      tpu.wait_indirect_dma semaphore(%arg20 : memref<!tpu.dma_semaphore, #tpu.memory_space<semaphore_mem>>) src(%dma_wait3A_660 : memref<20000x128xf32, #tpu.memory_space<hbm>>) dst(%arg13 : memref<32x128xf32, #tpu.memory_space<vmem>>)
      %jit3A_661 = arith.constant 4 : i32
      %div3A_662 = arith.divsi %add3A_613, %jit3A_661 : i32
      %sign3A_663 = arith.constant 0 : i32
      %sign3A_664 = arith.cmpi sgt, %add3A_613, %sign3A_663 : i32
      %sign3A_665 = arith.extui %sign3A_664 : i1 to i32
      %sign3A_666 = arith.constant 0 : i32
      %sign3A_667 = arith.cmpi slt, %add3A_613, %sign3A_666 : i32
      %sign3A_668 = arith.extui %sign3A_667 : i1 to i32
      %sign3A_669 = arith.subi %sign3A_665, %sign3A_668 : i32
      %sign3A_670 = arith.constant 0 : i32
      %sign3A_671 = arith.cmpi sgt, %jit3A_661, %sign3A_670 : i32
      %sign3A_672 = arith.extui %sign3A_671 : i1 to i32
      %sign3A_673 = arith.constant 0 : i32
      %sign3A_674 = arith.cmpi slt, %jit3A_661, %sign3A_673 : i32
      %sign3A_675 = arith.extui %sign3A_674 : i1 to i32
      %sign3A_676 = arith.subi %sign3A_672, %sign3A_675 : i32
      %ne3A_677 = arith.cmpi ne, %sign3A_669, %sign3A_676 : i32
      %rem3A_678 = arith.remsi %add3A_613, %jit3A_661 : i32
      %ne3A_679 = arith.constant 0 : i32
      %ne3A_680 = arith.cmpi ne, %rem3A_678, %ne3A_679 : i32
      %and3A_681 = arith.andi %ne3A_677, %ne3A_680 : i1
      %sub3A_682 = arith.constant 1 : i32
      %sub3A_683 = arith.subi %div3A_662, %sub3A_682 : i32
      %select_n3A_684 = arith.select %and3A_681, %sub3A_683, %div3A_662 : i32
      %jit3A_685 = arith.constant 4 : i32
      %eq3A_686 = arith.constant 0 : i32
      %eq3A_687 = arith.cmpi eq, %jit3A_685, %eq3A_686 : i32
      %jit3A_688 = arith.constant 1 : i32
      %select_n3A_689 = arith.select %eq3A_687, %jit3A_688, %jit3A_685 : i32
      %rem3A_690 = arith.remsi %add3A_613, %select_n3A_689 : i32
      %ne3A_691 = arith.constant 0 : i32
      %ne3A_692 = arith.cmpi ne, %rem3A_690, %ne3A_691 : i32
      %lt3A_693 = arith.constant 0 : i32
      %lt3A_694 = arith.cmpi slt, %rem3A_690, %lt3A_693 : i32
      %lt3A_695 = arith.constant 0 : i32
      %lt3A_696 = arith.cmpi slt, %select_n3A_689, %lt3A_695 : i32
      %ne3A_697 = arith.xori %lt3A_694, %lt3A_696 : i1
      %and3A_698 = arith.andi %ne3A_697, %ne3A_692 : i1
      %add3A_699 = arith.addi %rem3A_690, %select_n3A_689 : i32
      %select_n3A_700 = arith.select %and3A_698, %add3A_699, %rem3A_690 : i32
      %mul3A_701 = arith.constant 32 : i32
      %mul3A_702 = arith.muli %select_n3A_700, %mul3A_701 : i32
      %dma_start3A_703 = tpu.memref_slice %arg8[%select_n3A_684, %mul3A_702] : memref<80x128xi32, #tpu.memory_space<vmem>> -> memref<1x32xi32, #tpu.memory_space<vmem>>
      %dma_start3A_704 = tpu.memref_squeeze %dma_start3A_703 : memref<1x32xi32, #tpu.memory_space<vmem>> -> memref<32xi32, #tpu.memory_space<vmem>>
      %dma_start3A_705 = arith.constant 0 : i32
      %dma_start3A_706 = arith.constant 0 : i32
      %dma_start3A_707 = tpu.memref_slice %arg9[%dma_start3A_705, %dma_start3A_706] : memref<10112x128xf32, #tpu.memory_space<vmem_shared>> -> memref<10112x128xf32, #tpu.memory_space<vmem_shared>>
      tpu.enqueue_indirect_dma source(%arg13 : memref<32x128xf32, #tpu.memory_space<vmem>>) target(%dma_start3A_707 : memref<10112x128xf32, #tpu.memory_space<vmem_shared>>) offsets(%dma_start3A_704 : memref<32xi32, #tpu.memory_space<vmem>>) semaphore(%arg27 : memref<!tpu.dma_semaphore, #tpu.memory_space<semaphore_mem>>) {add = true}
      %sub3A_708 = arith.constant 1 : i32
      %sub3A_709 = arith.subi %add3A_613, %sub3A_708 : i32
      %jit3A_710 = arith.constant 4 : i32
      %div3A_711 = arith.divsi %sub3A_709, %jit3A_710 : i32
      %sign3A_712 = arith.constant 0 : i32
      %sign3A_713 = arith.cmpi sgt, %sub3A_709, %sign3A_712 : i32
      %sign3A_714 = arith.extui %sign3A_713 : i1 to i32
      %sign3A_715 = arith.constant 0 : i32
      %sign3A_716 = arith.cmpi slt, %sub3A_709, %sign3A_715 : i32
      %sign3A_717 = arith.extui %sign3A_716 : i1 to i32
      %sign3A_718 = arith.subi %sign3A_714, %sign3A_717 : i32
      %sign3A_719 = arith.constant 0 : i32
      %sign3A_720 = arith.cmpi sgt, %jit3A_710, %sign3A_719 : i32
      %sign3A_721 = arith.extui %sign3A_720 : i1 to i32
      %sign3A_722 = arith.constant 0 : i32
      %sign3A_723 = arith.cmpi slt, %jit3A_710, %sign3A_722 : i32
      %sign3A_724 = arith.extui %sign3A_723 : i1 to i32
      %sign3A_725 = arith.subi %sign3A_721, %sign3A_724 : i32
      %ne3A_726 = arith.cmpi ne, %sign3A_718, %sign3A_725 : i32
      %rem3A_727 = arith.remsi %sub3A_709, %jit3A_710 : i32
      %ne3A_728 = arith.constant 0 : i32
      %ne3A_729 = arith.cmpi ne, %rem3A_727, %ne3A_728 : i32
      %and3A_730 = arith.andi %ne3A_726, %ne3A_729 : i1
      %sub3A_731 = arith.constant 1 : i32
      %sub3A_732 = arith.subi %div3A_711, %sub3A_731 : i32
      %select_n3A_733 = arith.select %and3A_730, %sub3A_732, %div3A_711 : i32
      %jit3A_734 = arith.constant 4 : i32
      %eq3A_735 = arith.constant 0 : i32
      %eq3A_736 = arith.cmpi eq, %jit3A_734, %eq3A_735 : i32
      %jit3A_737 = arith.constant 1 : i32
      %select_n3A_738 = arith.select %eq3A_736, %jit3A_737, %jit3A_734 : i32
      %rem3A_739 = arith.remsi %sub3A_709, %select_n3A_738 : i32
      %ne3A_740 = arith.constant 0 : i32
      %ne3A_741 = arith.cmpi ne, %rem3A_739, %ne3A_740 : i32
      %lt3A_742 = arith.constant 0 : i32
      %lt3A_743 = arith.cmpi slt, %rem3A_739, %lt3A_742 : i32
      %lt3A_744 = arith.constant 0 : i32
      %lt3A_745 = arith.cmpi slt, %select_n3A_738, %lt3A_744 : i32
      %ne3A_746 = arith.xori %lt3A_743, %lt3A_745 : i1
      %and3A_747 = arith.andi %ne3A_746, %ne3A_741 : i1
      %add3A_748 = arith.addi %rem3A_739, %select_n3A_738 : i32
      %select_n3A_749 = arith.select %and3A_747, %add3A_748, %rem3A_739 : i32
      %mul3A_750 = arith.constant 32 : i32
      %mul3A_751 = arith.muli %select_n3A_749, %mul3A_750 : i32
      %dma_wait3A_752 = tpu.memref_slice %arg8[%select_n3A_733, %mul3A_751] : memref<80x128xi32, #tpu.memory_space<vmem>> -> memref<1x32xi32, #tpu.memory_space<vmem>>
      %dma_wait3A_753 = tpu.memref_squeeze %dma_wait3A_752 : memref<1x32xi32, #tpu.memory_space<vmem>> -> memref<32xi32, #tpu.memory_space<vmem>>
      %dma_wait3A_754 = arith.constant 0 : i32
      %dma_wait3A_755 = arith.constant 0 : i32
      %dma_wait3A_756 = tpu.memref_slice %arg9[%dma_wait3A_754, %dma_wait3A_755] : memref<10112x128xf32, #tpu.memory_space<vmem_shared>> -> memref<10112x128xf32, #tpu.memory_space<vmem_shared>>
      tpu.wait_indirect_dma semaphore(%arg26 : memref<!tpu.dma_semaphore, #tpu.memory_space<semaphore_mem>>) src(%arg12 : memref<32x128xf32, #tpu.memory_space<vmem>>) dst(%dma_wait3A_756 : memref<10112x128xf32, #tpu.memory_space<vmem_shared>>)
      %add3A_757 = arith.constant 6 : i32
      %add3A_758 = arith.addi %add3A_613, %add3A_757 : i32
      %lt3A_759 = arith.constant 320 : i32
      %lt3A_760 = arith.cmpi slt, %add3A_758, %lt3A_759 : i32
      %convert_element_type3A_761 = arith.extui %lt3A_760 : i1 to i32
      %cond3A_762 = arith.constant 0 : i32
      %cond3A_763 = arith.cmpi ne, %convert_element_type3A_761, %cond3A_762 : i32
      scf.if %cond3A_763 {
        %add3A_1226 = arith.constant 6 : i32
        %add3A_1227 = arith.addi %add3A_613, %add3A_1226 : i32
        %jit3A_1228 = arith.constant 4 : i32
        %div3A_1229 = arith.divsi %add3A_1227, %jit3A_1228 : i32
        %sign3A_1230 = arith.constant 0 : i32
        %sign3A_1231 = arith.cmpi sgt, %add3A_1227, %sign3A_1230 : i32
        %sign3A_1232 = arith.extui %sign3A_1231 : i1 to i32
        %sign3A_1233 = arith.constant 0 : i32
        %sign3A_1234 = arith.cmpi slt, %add3A_1227, %sign3A_1233 : i32
        %sign3A_1235 = arith.extui %sign3A_1234 : i1 to i32
        %sign3A_1236 = arith.subi %sign3A_1232, %sign3A_1235 : i32
        %sign3A_1237 = arith.constant 0 : i32
        %sign3A_1238 = arith.cmpi sgt, %jit3A_1228, %sign3A_1237 : i32
        %sign3A_1239 = arith.extui %sign3A_1238 : i1 to i32
        %sign3A_1240 = arith.constant 0 : i32
        %sign3A_1241 = arith.cmpi slt, %jit3A_1228, %sign3A_1240 : i32
        %sign3A_1242 = arith.extui %sign3A_1241 : i1 to i32
        %sign3A_1243 = arith.subi %sign3A_1239, %sign3A_1242 : i32
        %ne3A_1244 = arith.cmpi ne, %sign3A_1236, %sign3A_1243 : i32
        %rem3A_1245 = arith.remsi %add3A_1227, %jit3A_1228 : i32
        %ne3A_1246 = arith.constant 0 : i32
        %ne3A_1247 = arith.cmpi ne, %rem3A_1245, %ne3A_1246 : i32
        %and3A_1248 = arith.andi %ne3A_1244, %ne3A_1247 : i1
        %sub3A_1249 = arith.constant 1 : i32
        %sub3A_1250 = arith.subi %div3A_1229, %sub3A_1249 : i32
        %select_n3A_1251 = arith.select %and3A_1248, %sub3A_1250, %div3A_1229 : i32
        %jit3A_1252 = arith.constant 4 : i32
        %eq3A_1253 = arith.constant 0 : i32
        %eq3A_1254 = arith.cmpi eq, %jit3A_1252, %eq3A_1253 : i32
        %jit3A_1255 = arith.constant 1 : i32
        %select_n3A_1256 = arith.select %eq3A_1254, %jit3A_1255, %jit3A_1252 : i32
        %rem3A_1257 = arith.remsi %add3A_1227, %select_n3A_1256 : i32
        %ne3A_1258 = arith.constant 0 : i32
        %ne3A_1259 = arith.cmpi ne, %rem3A_1257, %ne3A_1258 : i32
        %lt3A_1260 = arith.constant 0 : i32
        %lt3A_1261 = arith.cmpi slt, %rem3A_1257, %lt3A_1260 : i32
        %lt3A_1262 = arith.constant 0 : i32
        %lt3A_1263 = arith.cmpi slt, %select_n3A_1256, %lt3A_1262 : i32
        %ne3A_1264 = arith.xori %lt3A_1261, %lt3A_1263 : i1
        %and3A_1265 = arith.andi %ne3A_1264, %ne3A_1259 : i1
        %add3A_1266 = arith.addi %rem3A_1257, %select_n3A_1256 : i32
        %select_n3A_1267 = arith.select %and3A_1265, %add3A_1266, %rem3A_1257 : i32
        %mul3A_1268 = arith.constant 32 : i32
        %mul3A_1269 = arith.muli %select_n3A_1267, %mul3A_1268 : i32
        %dma_start3A_1270 = tpu.memref_slice %arg7[%select_n3A_1251, %mul3A_1269] : memref<80x128xi32, #tpu.memory_space<vmem>> -> memref<1x32xi32, #tpu.memory_space<vmem>>
        %dma_start3A_1271 = tpu.memref_squeeze %dma_start3A_1270 : memref<1x32xi32, #tpu.memory_space<vmem>> -> memref<32xi32, #tpu.memory_space<vmem>>
        %dma_start3A_1272 = arith.constant 0 : i32
        %dma_start3A_1273 = arith.constant 0 : i32
        %dma_start3A_1274 = tpu.memref_slice %arg2[%dma_start3A_1272, %dma_start3A_1273] : memref<20000x128xf32, #tpu.memory_space<hbm>> -> memref<20000x128xf32, #tpu.memory_space<hbm>>
        tpu.enqueue_indirect_dma source(%dma_start3A_1274 : memref<20000x128xf32, #tpu.memory_space<hbm>>) target(%arg12 : memref<32x128xf32, #tpu.memory_space<vmem>>) offsets(%dma_start3A_1271 : memref<32xi32, #tpu.memory_space<vmem>>) semaphore(%arg19 : memref<!tpu.dma_semaphore, #tpu.memory_space<semaphore_mem>>)
      } else {
      }
      %mul3A_764 = arith.constant 7 : i32
      %mul3A_765 = arith.muli %add3A_204, %mul3A_764 : i32
      %add3A_766 = arith.constant 4 : i32
      %add3A_767 = arith.addi %mul3A_765, %add3A_766 : i32
      %jit3A_768 = arith.constant 4 : i32
      %div3A_769 = arith.divsi %add3A_767, %jit3A_768 : i32
      %sign3A_770 = arith.constant 0 : i32
      %sign3A_771 = arith.cmpi sgt, %add3A_767, %sign3A_770 : i32
      %sign3A_772 = arith.extui %sign3A_771 : i1 to i32
      %sign3A_773 = arith.constant 0 : i32
      %sign3A_774 = arith.cmpi slt, %add3A_767, %sign3A_773 : i32
      %sign3A_775 = arith.extui %sign3A_774 : i1 to i32
      %sign3A_776 = arith.subi %sign3A_772, %sign3A_775 : i32
      %sign3A_777 = arith.constant 0 : i32
      %sign3A_778 = arith.cmpi sgt, %jit3A_768, %sign3A_777 : i32
      %sign3A_779 = arith.extui %sign3A_778 : i1 to i32
      %sign3A_780 = arith.constant 0 : i32
      %sign3A_781 = arith.cmpi slt, %jit3A_768, %sign3A_780 : i32
      %sign3A_782 = arith.extui %sign3A_781 : i1 to i32
      %sign3A_783 = arith.subi %sign3A_779, %sign3A_782 : i32
      %ne3A_784 = arith.cmpi ne, %sign3A_776, %sign3A_783 : i32
      %rem3A_785 = arith.remsi %add3A_767, %jit3A_768 : i32
      %ne3A_786 = arith.constant 0 : i32
      %ne3A_787 = arith.cmpi ne, %rem3A_785, %ne3A_786 : i32
      %and3A_788 = arith.andi %ne3A_784, %ne3A_787 : i1
      %sub3A_789 = arith.constant 1 : i32
      %sub3A_790 = arith.subi %div3A_769, %sub3A_789 : i32
      %select_n3A_791 = arith.select %and3A_788, %sub3A_790, %div3A_769 : i32
      %jit3A_792 = arith.constant 4 : i32
      %eq3A_793 = arith.constant 0 : i32
      %eq3A_794 = arith.cmpi eq, %jit3A_792, %eq3A_793 : i32
      %jit3A_795 = arith.constant 1 : i32
      %select_n3A_796 = arith.select %eq3A_794, %jit3A_795, %jit3A_792 : i32
      %rem3A_797 = arith.remsi %add3A_767, %select_n3A_796 : i32
      %ne3A_798 = arith.constant 0 : i32
      %ne3A_799 = arith.cmpi ne, %rem3A_797, %ne3A_798 : i32
      %lt3A_800 = arith.constant 0 : i32
      %lt3A_801 = arith.cmpi slt, %rem3A_797, %lt3A_800 : i32
      %lt3A_802 = arith.constant 0 : i32
      %lt3A_803 = arith.cmpi slt, %select_n3A_796, %lt3A_802 : i32
      %ne3A_804 = arith.xori %lt3A_801, %lt3A_803 : i1
      %and3A_805 = arith.andi %ne3A_804, %ne3A_799 : i1
      %add3A_806 = arith.addi %rem3A_797, %select_n3A_796 : i32
      %select_n3A_807 = arith.select %and3A_805, %add3A_806, %rem3A_797 : i32
      %mul3A_808 = arith.constant 32 : i32
      %mul3A_809 = arith.muli %select_n3A_807, %mul3A_808 : i32
      %dma_wait3A_810 = tpu.memref_slice %arg7[%select_n3A_791, %mul3A_809] : memref<80x128xi32, #tpu.memory_space<vmem>> -> memref<1x32xi32, #tpu.memory_space<vmem>>
      %dma_wait3A_811 = tpu.memref_squeeze %dma_wait3A_810 : memref<1x32xi32, #tpu.memory_space<vmem>> -> memref<32xi32, #tpu.memory_space<vmem>>
      %dma_wait3A_812 = arith.constant 0 : i32
      %dma_wait3A_813 = arith.constant 0 : i32
      %dma_wait3A_814 = tpu.memref_slice %arg2[%dma_wait3A_812, %dma_wait3A_813] : memref<20000x128xf32, #tpu.memory_space<hbm>> -> memref<20000x128xf32, #tpu.memory_space<hbm>>
      tpu.wait_indirect_dma semaphore(%arg21 : memref<!tpu.dma_semaphore, #tpu.memory_space<semaphore_mem>>) src(%dma_wait3A_814 : memref<20000x128xf32, #tpu.memory_space<hbm>>) dst(%arg14 : memref<32x128xf32, #tpu.memory_space<vmem>>)
      %jit3A_815 = arith.constant 4 : i32
      %div3A_816 = arith.divsi %add3A_767, %jit3A_815 : i32
      %sign3A_817 = arith.constant 0 : i32
      %sign3A_818 = arith.cmpi sgt, %add3A_767, %sign3A_817 : i32
      %sign3A_819 = arith.extui %sign3A_818 : i1 to i32
      %sign3A_820 = arith.constant 0 : i32
      %sign3A_821 = arith.cmpi slt, %add3A_767, %sign3A_820 : i32
      %sign3A_822 = arith.extui %sign3A_821 : i1 to i32
      %sign3A_823 = arith.subi %sign3A_819, %sign3A_822 : i32
      %sign3A_824 = arith.constant 0 : i32
      %sign3A_825 = arith.cmpi sgt, %jit3A_815, %sign3A_824 : i32
      %sign3A_826 = arith.extui %sign3A_825 : i1 to i32
      %sign3A_827 = arith.constant 0 : i32
      %sign3A_828 = arith.cmpi slt, %jit3A_815, %sign3A_827 : i32
      %sign3A_829 = arith.extui %sign3A_828 : i1 to i32
      %sign3A_830 = arith.subi %sign3A_826, %sign3A_829 : i32
      %ne3A_831 = arith.cmpi ne, %sign3A_823, %sign3A_830 : i32
      %rem3A_832 = arith.remsi %add3A_767, %jit3A_815 : i32
      %ne3A_833 = arith.constant 0 : i32
      %ne3A_834 = arith.cmpi ne, %rem3A_832, %ne3A_833 : i32
      %and3A_835 = arith.andi %ne3A_831, %ne3A_834 : i1
      %sub3A_836 = arith.constant 1 : i32
      %sub3A_837 = arith.subi %div3A_816, %sub3A_836 : i32
      %select_n3A_838 = arith.select %and3A_835, %sub3A_837, %div3A_816 : i32
      %jit3A_839 = arith.constant 4 : i32
      %eq3A_840 = arith.constant 0 : i32
      %eq3A_841 = arith.cmpi eq, %jit3A_839, %eq3A_840 : i32
      %jit3A_842 = arith.constant 1 : i32
      %select_n3A_843 = arith.select %eq3A_841, %jit3A_842, %jit3A_839 : i32
      %rem3A_844 = arith.remsi %add3A_767, %select_n3A_843 : i32
      %ne3A_845 = arith.constant 0 : i32
      %ne3A_846 = arith.cmpi ne, %rem3A_844, %ne3A_845 : i32
      %lt3A_847 = arith.constant 0 : i32
      %lt3A_848 = arith.cmpi slt, %rem3A_844, %lt3A_847 : i32
      %lt3A_849 = arith.constant 0 : i32
      %lt3A_850 = arith.cmpi slt, %select_n3A_843, %lt3A_849 : i32
      %ne3A_851 = arith.xori %lt3A_848, %lt3A_850 : i1
      %and3A_852 = arith.andi %ne3A_851, %ne3A_846 : i1
      %add3A_853 = arith.addi %rem3A_844, %select_n3A_843 : i32
      %select_n3A_854 = arith.select %and3A_852, %add3A_853, %rem3A_844 : i32
      %mul3A_855 = arith.constant 32 : i32
      %mul3A_856 = arith.muli %select_n3A_854, %mul3A_855 : i32
      %dma_start3A_857 = tpu.memref_slice %arg8[%select_n3A_838, %mul3A_856] : memref<80x128xi32, #tpu.memory_space<vmem>> -> memref<1x32xi32, #tpu.memory_space<vmem>>
      %dma_start3A_858 = tpu.memref_squeeze %dma_start3A_857 : memref<1x32xi32, #tpu.memory_space<vmem>> -> memref<32xi32, #tpu.memory_space<vmem>>
      %dma_start3A_859 = arith.constant 0 : i32
      %dma_start3A_860 = arith.constant 0 : i32
      %dma_start3A_861 = tpu.memref_slice %arg9[%dma_start3A_859, %dma_start3A_860] : memref<10112x128xf32, #tpu.memory_space<vmem_shared>> -> memref<10112x128xf32, #tpu.memory_space<vmem_shared>>
      tpu.enqueue_indirect_dma source(%arg14 : memref<32x128xf32, #tpu.memory_space<vmem>>) target(%dma_start3A_861 : memref<10112x128xf32, #tpu.memory_space<vmem_shared>>) offsets(%dma_start3A_858 : memref<32xi32, #tpu.memory_space<vmem>>) semaphore(%arg28 : memref<!tpu.dma_semaphore, #tpu.memory_space<semaphore_mem>>) {add = true}
      %sub3A_862 = arith.constant 1 : i32
      %sub3A_863 = arith.subi %add3A_767, %sub3A_862 : i32
      %jit3A_864 = arith.constant 4 : i32
      %div3A_865 = arith.divsi %sub3A_863, %jit3A_864 : i32
      %sign3A_866 = arith.constant 0 : i32
      %sign3A_867 = arith.cmpi sgt, %sub3A_863, %sign3A_866 : i32
      %sign3A_868 = arith.extui %sign3A_867 : i1 to i32
      %sign3A_869 = arith.constant 0 : i32
      %sign3A_870 = arith.cmpi slt, %sub3A_863, %sign3A_869 : i32
      %sign3A_871 = arith.extui %sign3A_870 : i1 to i32
      %sign3A_872 = arith.subi %sign3A_868, %sign3A_871 : i32
      %sign3A_873 = arith.constant 0 : i32
      %sign3A_874 = arith.cmpi sgt, %jit3A_864, %sign3A_873 : i32
      %sign3A_875 = arith.extui %sign3A_874 : i1 to i32
      %sign3A_876 = arith.constant 0 : i32
      %sign3A_877 = arith.cmpi slt, %jit3A_864, %sign3A_876 : i32
      %sign3A_878 = arith.extui %sign3A_877 : i1 to i32
      %sign3A_879 = arith.subi %sign3A_875, %sign3A_878 : i32
      %ne3A_880 = arith.cmpi ne, %sign3A_872, %sign3A_879 : i32
      %rem3A_881 = arith.remsi %sub3A_863, %jit3A_864 : i32
      %ne3A_882 = arith.constant 0 : i32
      %ne3A_883 = arith.cmpi ne, %rem3A_881, %ne3A_882 : i32
      %and3A_884 = arith.andi %ne3A_880, %ne3A_883 : i1
      %sub3A_885 = arith.constant 1 : i32
      %sub3A_886 = arith.subi %div3A_865, %sub3A_885 : i32
      %select_n3A_887 = arith.select %and3A_884, %sub3A_886, %div3A_865 : i32
      %jit3A_888 = arith.constant 4 : i32
      %eq3A_889 = arith.constant 0 : i32
      %eq3A_890 = arith.cmpi eq, %jit3A_888, %eq3A_889 : i32
      %jit3A_891 = arith.constant 1 : i32
      %select_n3A_892 = arith.select %eq3A_890, %jit3A_891, %jit3A_888 : i32
      %rem3A_893 = arith.remsi %sub3A_863, %select_n3A_892 : i32
      %ne3A_894 = arith.constant 0 : i32
      %ne3A_895 = arith.cmpi ne, %rem3A_893, %ne3A_894 : i32
      %lt3A_896 = arith.constant 0 : i32
      %lt3A_897 = arith.cmpi slt, %rem3A_893, %lt3A_896 : i32
      %lt3A_898 = arith.constant 0 : i32
      %lt3A_899 = arith.cmpi slt, %select_n3A_892, %lt3A_898 : i32
      %ne3A_900 = arith.xori %lt3A_897, %lt3A_899 : i1
      %and3A_901 = arith.andi %ne3A_900, %ne3A_895 : i1
      %add3A_902 = arith.addi %rem3A_893, %select_n3A_892 : i32
      %select_n3A_903 = arith.select %and3A_901, %add3A_902, %rem3A_893 : i32
      %mul3A_904 = arith.constant 32 : i32
      %mul3A_905 = arith.muli %select_n3A_903, %mul3A_904 : i32
      %dma_wait3A_906 = tpu.memref_slice %arg8[%select_n3A_887, %mul3A_905] : memref<80x128xi32, #tpu.memory_space<vmem>> -> memref<1x32xi32, #tpu.memory_space<vmem>>
      %dma_wait3A_907 = tpu.memref_squeeze %dma_wait3A_906 : memref<1x32xi32, #tpu.memory_space<vmem>> -> memref<32xi32, #tpu.memory_space<vmem>>
      %dma_wait3A_908 = arith.constant 0 : i32
      %dma_wait3A_909 = arith.constant 0 : i32
      %dma_wait3A_910 = tpu.memref_slice %arg9[%dma_wait3A_908, %dma_wait3A_909] : memref<10112x128xf32, #tpu.memory_space<vmem_shared>> -> memref<10112x128xf32, #tpu.memory_space<vmem_shared>>
      tpu.wait_indirect_dma semaphore(%arg27 : memref<!tpu.dma_semaphore, #tpu.memory_space<semaphore_mem>>) src(%arg13 : memref<32x128xf32, #tpu.memory_space<vmem>>) dst(%dma_wait3A_910 : memref<10112x128xf32, #tpu.memory_space<vmem_shared>>)
      %add3A_911 = arith.constant 6 : i32
      %add3A_912 = arith.addi %add3A_767, %add3A_911 : i32
      %lt3A_913 = arith.constant 320 : i32
      %lt3A_914 = arith.cmpi slt, %add3A_912, %lt3A_913 : i32
      %convert_element_type3A_915 = arith.extui %lt3A_914 : i1 to i32
      %cond3A_916 = arith.constant 0 : i32
      %cond3A_917 = arith.cmpi ne, %convert_element_type3A_915, %cond3A_916 : i32
      scf.if %cond3A_917 {
        %add3A_1226 = arith.constant 6 : i32
        %add3A_1227 = arith.addi %add3A_767, %add3A_1226 : i32
        %jit3A_1228 = arith.constant 4 : i32
        %div3A_1229 = arith.divsi %add3A_1227, %jit3A_1228 : i32
        %sign3A_1230 = arith.constant 0 : i32
        %sign3A_1231 = arith.cmpi sgt, %add3A_1227, %sign3A_1230 : i32
        %sign3A_1232 = arith.extui %sign3A_1231 : i1 to i32
        %sign3A_1233 = arith.constant 0 : i32
        %sign3A_1234 = arith.cmpi slt, %add3A_1227, %sign3A_1233 : i32
        %sign3A_1235 = arith.extui %sign3A_1234 : i1 to i32
        %sign3A_1236 = arith.subi %sign3A_1232, %sign3A_1235 : i32
        %sign3A_1237 = arith.constant 0 : i32
        %sign3A_1238 = arith.cmpi sgt, %jit3A_1228, %sign3A_1237 : i32
        %sign3A_1239 = arith.extui %sign3A_1238 : i1 to i32
        %sign3A_1240 = arith.constant 0 : i32
        %sign3A_1241 = arith.cmpi slt, %jit3A_1228, %sign3A_1240 : i32
        %sign3A_1242 = arith.extui %sign3A_1241 : i1 to i32
        %sign3A_1243 = arith.subi %sign3A_1239, %sign3A_1242 : i32
        %ne3A_1244 = arith.cmpi ne, %sign3A_1236, %sign3A_1243 : i32
        %rem3A_1245 = arith.remsi %add3A_1227, %jit3A_1228 : i32
        %ne3A_1246 = arith.constant 0 : i32
        %ne3A_1247 = arith.cmpi ne, %rem3A_1245, %ne3A_1246 : i32
        %and3A_1248 = arith.andi %ne3A_1244, %ne3A_1247 : i1
        %sub3A_1249 = arith.constant 1 : i32
        %sub3A_1250 = arith.subi %div3A_1229, %sub3A_1249 : i32
        %select_n3A_1251 = arith.select %and3A_1248, %sub3A_1250, %div3A_1229 : i32
        %jit3A_1252 = arith.constant 4 : i32
        %eq3A_1253 = arith.constant 0 : i32
        %eq3A_1254 = arith.cmpi eq, %jit3A_1252, %eq3A_1253 : i32
        %jit3A_1255 = arith.constant 1 : i32
        %select_n3A_1256 = arith.select %eq3A_1254, %jit3A_1255, %jit3A_1252 : i32
        %rem3A_1257 = arith.remsi %add3A_1227, %select_n3A_1256 : i32
        %ne3A_1258 = arith.constant 0 : i32
        %ne3A_1259 = arith.cmpi ne, %rem3A_1257, %ne3A_1258 : i32
        %lt3A_1260 = arith.constant 0 : i32
        %lt3A_1261 = arith.cmpi slt, %rem3A_1257, %lt3A_1260 : i32
        %lt3A_1262 = arith.constant 0 : i32
        %lt3A_1263 = arith.cmpi slt, %select_n3A_1256, %lt3A_1262 : i32
        %ne3A_1264 = arith.xori %lt3A_1261, %lt3A_1263 : i1
        %and3A_1265 = arith.andi %ne3A_1264, %ne3A_1259 : i1
        %add3A_1266 = arith.addi %rem3A_1257, %select_n3A_1256 : i32
        %select_n3A_1267 = arith.select %and3A_1265, %add3A_1266, %rem3A_1257 : i32
        %mul3A_1268 = arith.constant 32 : i32
        %mul3A_1269 = arith.muli %select_n3A_1267, %mul3A_1268 : i32
        %dma_start3A_1270 = tpu.memref_slice %arg7[%select_n3A_1251, %mul3A_1269] : memref<80x128xi32, #tpu.memory_space<vmem>> -> memref<1x32xi32, #tpu.memory_space<vmem>>
        %dma_start3A_1271 = tpu.memref_squeeze %dma_start3A_1270 : memref<1x32xi32, #tpu.memory_space<vmem>> -> memref<32xi32, #tpu.memory_space<vmem>>
        %dma_start3A_1272 = arith.constant 0 : i32
        %dma_start3A_1273 = arith.constant 0 : i32
        %dma_start3A_1274 = tpu.memref_slice %arg2[%dma_start3A_1272, %dma_start3A_1273] : memref<20000x128xf32, #tpu.memory_space<hbm>> -> memref<20000x128xf32, #tpu.memory_space<hbm>>
        tpu.enqueue_indirect_dma source(%dma_start3A_1274 : memref<20000x128xf32, #tpu.memory_space<hbm>>) target(%arg13 : memref<32x128xf32, #tpu.memory_space<vmem>>) offsets(%dma_start3A_1271 : memref<32xi32, #tpu.memory_space<vmem>>) semaphore(%arg20 : memref<!tpu.dma_semaphore, #tpu.memory_space<semaphore_mem>>)
      } else {
      }
      %mul3A_918 = arith.constant 7 : i32
      %mul3A_919 = arith.muli %add3A_204, %mul3A_918 : i32
      %add3A_920 = arith.constant 5 : i32
      %add3A_921 = arith.addi %mul3A_919, %add3A_920 : i32
      %jit3A_922 = arith.constant 4 : i32
      %div3A_923 = arith.divsi %add3A_921, %jit3A_922 : i32
      %sign3A_924 = arith.constant 0 : i32
      %sign3A_925 = arith.cmpi sgt, %add3A_921, %sign3A_924 : i32
      %sign3A_926 = arith.extui %sign3A_925 : i1 to i32
      %sign3A_927 = arith.constant 0 : i32
      %sign3A_928 = arith.cmpi slt, %add3A_921, %sign3A_927 : i32
      %sign3A_929 = arith.extui %sign3A_928 : i1 to i32
      %sign3A_930 = arith.subi %sign3A_926, %sign3A_929 : i32
      %sign3A_931 = arith.constant 0 : i32
      %sign3A_932 = arith.cmpi sgt, %jit3A_922, %sign3A_931 : i32
      %sign3A_933 = arith.extui %sign3A_932 : i1 to i32
      %sign3A_934 = arith.constant 0 : i32
      %sign3A_935 = arith.cmpi slt, %jit3A_922, %sign3A_934 : i32
      %sign3A_936 = arith.extui %sign3A_935 : i1 to i32
      %sign3A_937 = arith.subi %sign3A_933, %sign3A_936 : i32
      %ne3A_938 = arith.cmpi ne, %sign3A_930, %sign3A_937 : i32
      %rem3A_939 = arith.remsi %add3A_921, %jit3A_922 : i32
      %ne3A_940 = arith.constant 0 : i32
      %ne3A_941 = arith.cmpi ne, %rem3A_939, %ne3A_940 : i32
      %and3A_942 = arith.andi %ne3A_938, %ne3A_941 : i1
      %sub3A_943 = arith.constant 1 : i32
      %sub3A_944 = arith.subi %div3A_923, %sub3A_943 : i32
      %select_n3A_945 = arith.select %and3A_942, %sub3A_944, %div3A_923 : i32
      %jit3A_946 = arith.constant 4 : i32
      %eq3A_947 = arith.constant 0 : i32
      %eq3A_948 = arith.cmpi eq, %jit3A_946, %eq3A_947 : i32
      %jit3A_949 = arith.constant 1 : i32
      %select_n3A_950 = arith.select %eq3A_948, %jit3A_949, %jit3A_946 : i32
      %rem3A_951 = arith.remsi %add3A_921, %select_n3A_950 : i32
      %ne3A_952 = arith.constant 0 : i32
      %ne3A_953 = arith.cmpi ne, %rem3A_951, %ne3A_952 : i32
      %lt3A_954 = arith.constant 0 : i32
      %lt3A_955 = arith.cmpi slt, %rem3A_951, %lt3A_954 : i32
      %lt3A_956 = arith.constant 0 : i32
      %lt3A_957 = arith.cmpi slt, %select_n3A_950, %lt3A_956 : i32
      %ne3A_958 = arith.xori %lt3A_955, %lt3A_957 : i1
      %and3A_959 = arith.andi %ne3A_958, %ne3A_953 : i1
      %add3A_960 = arith.addi %rem3A_951, %select_n3A_950 : i32
      %select_n3A_961 = arith.select %and3A_959, %add3A_960, %rem3A_951 : i32
      %mul3A_962 = arith.constant 32 : i32
      %mul3A_963 = arith.muli %select_n3A_961, %mul3A_962 : i32
      %dma_wait3A_964 = tpu.memref_slice %arg7[%select_n3A_945, %mul3A_963] : memref<80x128xi32, #tpu.memory_space<vmem>> -> memref<1x32xi32, #tpu.memory_space<vmem>>
      %dma_wait3A_965 = tpu.memref_squeeze %dma_wait3A_964 : memref<1x32xi32, #tpu.memory_space<vmem>> -> memref<32xi32, #tpu.memory_space<vmem>>
      %dma_wait3A_966 = arith.constant 0 : i32
      %dma_wait3A_967 = arith.constant 0 : i32
      %dma_wait3A_968 = tpu.memref_slice %arg2[%dma_wait3A_966, %dma_wait3A_967] : memref<20000x128xf32, #tpu.memory_space<hbm>> -> memref<20000x128xf32, #tpu.memory_space<hbm>>
      tpu.wait_indirect_dma semaphore(%arg22 : memref<!tpu.dma_semaphore, #tpu.memory_space<semaphore_mem>>) src(%dma_wait3A_968 : memref<20000x128xf32, #tpu.memory_space<hbm>>) dst(%arg15 : memref<32x128xf32, #tpu.memory_space<vmem>>)
      %jit3A_969 = arith.constant 4 : i32
      %div3A_970 = arith.divsi %add3A_921, %jit3A_969 : i32
      %sign3A_971 = arith.constant 0 : i32
      %sign3A_972 = arith.cmpi sgt, %add3A_921, %sign3A_971 : i32
      %sign3A_973 = arith.extui %sign3A_972 : i1 to i32
      %sign3A_974 = arith.constant 0 : i32
      %sign3A_975 = arith.cmpi slt, %add3A_921, %sign3A_974 : i32
      %sign3A_976 = arith.extui %sign3A_975 : i1 to i32
      %sign3A_977 = arith.subi %sign3A_973, %sign3A_976 : i32
      %sign3A_978 = arith.constant 0 : i32
      %sign3A_979 = arith.cmpi sgt, %jit3A_969, %sign3A_978 : i32
      %sign3A_980 = arith.extui %sign3A_979 : i1 to i32
      %sign3A_981 = arith.constant 0 : i32
      %sign3A_982 = arith.cmpi slt, %jit3A_969, %sign3A_981 : i32
      %sign3A_983 = arith.extui %sign3A_982 : i1 to i32
      %sign3A_984 = arith.subi %sign3A_980, %sign3A_983 : i32
      %ne3A_985 = arith.cmpi ne, %sign3A_977, %sign3A_984 : i32
      %rem3A_986 = arith.remsi %add3A_921, %jit3A_969 : i32
      %ne3A_987 = arith.constant 0 : i32
      %ne3A_988 = arith.cmpi ne, %rem3A_986, %ne3A_987 : i32
      %and3A_989 = arith.andi %ne3A_985, %ne3A_988 : i1
      %sub3A_990 = arith.constant 1 : i32
      %sub3A_991 = arith.subi %div3A_970, %sub3A_990 : i32
      %select_n3A_992 = arith.select %and3A_989, %sub3A_991, %div3A_970 : i32
      %jit3A_993 = arith.constant 4 : i32
      %eq3A_994 = arith.constant 0 : i32
      %eq3A_995 = arith.cmpi eq, %jit3A_993, %eq3A_994 : i32
      %jit3A_996 = arith.constant 1 : i32
      %select_n3A_997 = arith.select %eq3A_995, %jit3A_996, %jit3A_993 : i32
      %rem3A_998 = arith.remsi %add3A_921, %select_n3A_997 : i32
      %ne3A_999 = arith.constant 0 : i32
      %ne3A_1000 = arith.cmpi ne, %rem3A_998, %ne3A_999 : i32
      %lt3A_1001 = arith.constant 0 : i32
      %lt3A_1002 = arith.cmpi slt, %rem3A_998, %lt3A_1001 : i32
      %lt3A_1003 = arith.constant 0 : i32
      %lt3A_1004 = arith.cmpi slt, %select_n3A_997, %lt3A_1003 : i32
      %ne3A_1005 = arith.xori %lt3A_1002, %lt3A_1004 : i1
      %and3A_1006 = arith.andi %ne3A_1005, %ne3A_1000 : i1
      %add3A_1007 = arith.addi %rem3A_998, %select_n3A_997 : i32
      %select_n3A_1008 = arith.select %and3A_1006, %add3A_1007, %rem3A_998 : i32
      %mul3A_1009 = arith.constant 32 : i32
      %mul3A_1010 = arith.muli %select_n3A_1008, %mul3A_1009 : i32
      %dma_start3A_1011 = tpu.memref_slice %arg8[%select_n3A_992, %mul3A_1010] : memref<80x128xi32, #tpu.memory_space<vmem>> -> memref<1x32xi32, #tpu.memory_space<vmem>>
      %dma_start3A_1012 = tpu.memref_squeeze %dma_start3A_1011 : memref<1x32xi32, #tpu.memory_space<vmem>> -> memref<32xi32, #tpu.memory_space<vmem>>
      %dma_start3A_1013 = arith.constant 0 : i32
      %dma_start3A_1014 = arith.constant 0 : i32
      %dma_start3A_1015 = tpu.memref_slice %arg9[%dma_start3A_1013, %dma_start3A_1014] : memref<10112x128xf32, #tpu.memory_space<vmem_shared>> -> memref<10112x128xf32, #tpu.memory_space<vmem_shared>>
      tpu.enqueue_indirect_dma source(%arg15 : memref<32x128xf32, #tpu.memory_space<vmem>>) target(%dma_start3A_1015 : memref<10112x128xf32, #tpu.memory_space<vmem_shared>>) offsets(%dma_start3A_1012 : memref<32xi32, #tpu.memory_space<vmem>>) semaphore(%arg29 : memref<!tpu.dma_semaphore, #tpu.memory_space<semaphore_mem>>) {add = true}
      %sub3A_1016 = arith.constant 1 : i32
      %sub3A_1017 = arith.subi %add3A_921, %sub3A_1016 : i32
      %jit3A_1018 = arith.constant 4 : i32
      %div3A_1019 = arith.divsi %sub3A_1017, %jit3A_1018 : i32
      %sign3A_1020 = arith.constant 0 : i32
      %sign3A_1021 = arith.cmpi sgt, %sub3A_1017, %sign3A_1020 : i32
      %sign3A_1022 = arith.extui %sign3A_1021 : i1 to i32
      %sign3A_1023 = arith.constant 0 : i32
      %sign3A_1024 = arith.cmpi slt, %sub3A_1017, %sign3A_1023 : i32
      %sign3A_1025 = arith.extui %sign3A_1024 : i1 to i32
      %sign3A_1026 = arith.subi %sign3A_1022, %sign3A_1025 : i32
      %sign3A_1027 = arith.constant 0 : i32
      %sign3A_1028 = arith.cmpi sgt, %jit3A_1018, %sign3A_1027 : i32
      %sign3A_1029 = arith.extui %sign3A_1028 : i1 to i32
      %sign3A_1030 = arith.constant 0 : i32
      %sign3A_1031 = arith.cmpi slt, %jit3A_1018, %sign3A_1030 : i32
      %sign3A_1032 = arith.extui %sign3A_1031 : i1 to i32
      %sign3A_1033 = arith.subi %sign3A_1029, %sign3A_1032 : i32
      %ne3A_1034 = arith.cmpi ne, %sign3A_1026, %sign3A_1033 : i32
      %rem3A_1035 = arith.remsi %sub3A_1017, %jit3A_1018 : i32
      %ne3A_1036 = arith.constant 0 : i32
      %ne3A_1037 = arith.cmpi ne, %rem3A_1035, %ne3A_1036 : i32
      %and3A_1038 = arith.andi %ne3A_1034, %ne3A_1037 : i1
      %sub3A_1039 = arith.constant 1 : i32
      %sub3A_1040 = arith.subi %div3A_1019, %sub3A_1039 : i32
      %select_n3A_1041 = arith.select %and3A_1038, %sub3A_1040, %div3A_1019 : i32
      %jit3A_1042 = arith.constant 4 : i32
      %eq3A_1043 = arith.constant 0 : i32
      %eq3A_1044 = arith.cmpi eq, %jit3A_1042, %eq3A_1043 : i32
      %jit3A_1045 = arith.constant 1 : i32
      %select_n3A_1046 = arith.select %eq3A_1044, %jit3A_1045, %jit3A_1042 : i32
      %rem3A_1047 = arith.remsi %sub3A_1017, %select_n3A_1046 : i32
      %ne3A_1048 = arith.constant 0 : i32
      %ne3A_1049 = arith.cmpi ne, %rem3A_1047, %ne3A_1048 : i32
      %lt3A_1050 = arith.constant 0 : i32
      %lt3A_1051 = arith.cmpi slt, %rem3A_1047, %lt3A_1050 : i32
      %lt3A_1052 = arith.constant 0 : i32
      %lt3A_1053 = arith.cmpi slt, %select_n3A_1046, %lt3A_1052 : i32
      %ne3A_1054 = arith.xori %lt3A_1051, %lt3A_1053 : i1
      %and3A_1055 = arith.andi %ne3A_1054, %ne3A_1049 : i1
      %add3A_1056 = arith.addi %rem3A_1047, %select_n3A_1046 : i32
      %select_n3A_1057 = arith.select %and3A_1055, %add3A_1056, %rem3A_1047 : i32
      %mul3A_1058 = arith.constant 32 : i32
      %mul3A_1059 = arith.muli %select_n3A_1057, %mul3A_1058 : i32
      %dma_wait3A_1060 = tpu.memref_slice %arg8[%select_n3A_1041, %mul3A_1059] : memref<80x128xi32, #tpu.memory_space<vmem>> -> memref<1x32xi32, #tpu.memory_space<vmem>>
      %dma_wait3A_1061 = tpu.memref_squeeze %dma_wait3A_1060 : memref<1x32xi32, #tpu.memory_space<vmem>> -> memref<32xi32, #tpu.memory_space<vmem>>
      %dma_wait3A_1062 = arith.constant 0 : i32
      %dma_wait3A_1063 = arith.constant 0 : i32
      %dma_wait3A_1064 = tpu.memref_slice %arg9[%dma_wait3A_1062, %dma_wait3A_1063] : memref<10112x128xf32, #tpu.memory_space<vmem_shared>> -> memref<10112x128xf32, #tpu.memory_space<vmem_shared>>
      tpu.wait_indirect_dma semaphore(%arg28 : memref<!tpu.dma_semaphore, #tpu.memory_space<semaphore_mem>>) src(%arg14 : memref<32x128xf32, #tpu.memory_space<vmem>>) dst(%dma_wait3A_1064 : memref<10112x128xf32, #tpu.memory_space<vmem_shared>>)
      %add3A_1065 = arith.constant 6 : i32
      %add3A_1066 = arith.addi %add3A_921, %add3A_1065 : i32
      %lt3A_1067 = arith.constant 320 : i32
      %lt3A_1068 = arith.cmpi slt, %add3A_1066, %lt3A_1067 : i32
      %convert_element_type3A_1069 = arith.extui %lt3A_1068 : i1 to i32
      %cond3A_1070 = arith.constant 0 : i32
      %cond3A_1071 = arith.cmpi ne, %convert_element_type3A_1069, %cond3A_1070 : i32
      scf.if %cond3A_1071 {
        %add3A_1226 = arith.constant 6 : i32
        %add3A_1227 = arith.addi %add3A_921, %add3A_1226 : i32
        %jit3A_1228 = arith.constant 4 : i32
        %div3A_1229 = arith.divsi %add3A_1227, %jit3A_1228 : i32
        %sign3A_1230 = arith.constant 0 : i32
        %sign3A_1231 = arith.cmpi sgt, %add3A_1227, %sign3A_1230 : i32
        %sign3A_1232 = arith.extui %sign3A_1231 : i1 to i32
        %sign3A_1233 = arith.constant 0 : i32
        %sign3A_1234 = arith.cmpi slt, %add3A_1227, %sign3A_1233 : i32
        %sign3A_1235 = arith.extui %sign3A_1234 : i1 to i32
        %sign3A_1236 = arith.subi %sign3A_1232, %sign3A_1235 : i32
        %sign3A_1237 = arith.constant 0 : i32
        %sign3A_1238 = arith.cmpi sgt, %jit3A_1228, %sign3A_1237 : i32
        %sign3A_1239 = arith.extui %sign3A_1238 : i1 to i32
        %sign3A_1240 = arith.constant 0 : i32
        %sign3A_1241 = arith.cmpi slt, %jit3A_1228, %sign3A_1240 : i32
        %sign3A_1242 = arith.extui %sign3A_1241 : i1 to i32
        %sign3A_1243 = arith.subi %sign3A_1239, %sign3A_1242 : i32
        %ne3A_1244 = arith.cmpi ne, %sign3A_1236, %sign3A_1243 : i32
        %rem3A_1245 = arith.remsi %add3A_1227, %jit3A_1228 : i32
        %ne3A_1246 = arith.constant 0 : i32
        %ne3A_1247 = arith.cmpi ne, %rem3A_1245, %ne3A_1246 : i32
        %and3A_1248 = arith.andi %ne3A_1244, %ne3A_1247 : i1
        %sub3A_1249 = arith.constant 1 : i32
        %sub3A_1250 = arith.subi %div3A_1229, %sub3A_1249 : i32
        %select_n3A_1251 = arith.select %and3A_1248, %sub3A_1250, %div3A_1229 : i32
        %jit3A_1252 = arith.constant 4 : i32
        %eq3A_1253 = arith.constant 0 : i32
        %eq3A_1254 = arith.cmpi eq, %jit3A_1252, %eq3A_1253 : i32
        %jit3A_1255 = arith.constant 1 : i32
        %select_n3A_1256 = arith.select %eq3A_1254, %jit3A_1255, %jit3A_1252 : i32
        %rem3A_1257 = arith.remsi %add3A_1227, %select_n3A_1256 : i32
        %ne3A_1258 = arith.constant 0 : i32
        %ne3A_1259 = arith.cmpi ne, %rem3A_1257, %ne3A_1258 : i32
        %lt3A_1260 = arith.constant 0 : i32
        %lt3A_1261 = arith.cmpi slt, %rem3A_1257, %lt3A_1260 : i32
        %lt3A_1262 = arith.constant 0 : i32
        %lt3A_1263 = arith.cmpi slt, %select_n3A_1256, %lt3A_1262 : i32
        %ne3A_1264 = arith.xori %lt3A_1261, %lt3A_1263 : i1
        %and3A_1265 = arith.andi %ne3A_1264, %ne3A_1259 : i1
        %add3A_1266 = arith.addi %rem3A_1257, %select_n3A_1256 : i32
        %select_n3A_1267 = arith.select %and3A_1265, %add3A_1266, %rem3A_1257 : i32
        %mul3A_1268 = arith.constant 32 : i32
        %mul3A_1269 = arith.muli %select_n3A_1267, %mul3A_1268 : i32
        %dma_start3A_1270 = tpu.memref_slice %arg7[%select_n3A_1251, %mul3A_1269] : memref<80x128xi32, #tpu.memory_space<vmem>> -> memref<1x32xi32, #tpu.memory_space<vmem>>
        %dma_start3A_1271 = tpu.memref_squeeze %dma_start3A_1270 : memref<1x32xi32, #tpu.memory_space<vmem>> -> memref<32xi32, #tpu.memory_space<vmem>>
        %dma_start3A_1272 = arith.constant 0 : i32
        %dma_start3A_1273 = arith.constant 0 : i32
        %dma_start3A_1274 = tpu.memref_slice %arg2[%dma_start3A_1272, %dma_start3A_1273] : memref<20000x128xf32, #tpu.memory_space<hbm>> -> memref<20000x128xf32, #tpu.memory_space<hbm>>
        tpu.enqueue_indirect_dma source(%dma_start3A_1274 : memref<20000x128xf32, #tpu.memory_space<hbm>>) target(%arg14 : memref<32x128xf32, #tpu.memory_space<vmem>>) offsets(%dma_start3A_1271 : memref<32xi32, #tpu.memory_space<vmem>>) semaphore(%arg21 : memref<!tpu.dma_semaphore, #tpu.memory_space<semaphore_mem>>)
      } else {
      }
      %mul3A_1072 = arith.constant 7 : i32
      %mul3A_1073 = arith.muli %add3A_204, %mul3A_1072 : i32
      %add3A_1074 = arith.constant 6 : i32
      %add3A_1075 = arith.addi %mul3A_1073, %add3A_1074 : i32
      %jit3A_1076 = arith.constant 4 : i32
      %div3A_1077 = arith.divsi %add3A_1075, %jit3A_1076 : i32
      %sign3A_1078 = arith.constant 0 : i32
      %sign3A_1079 = arith.cmpi sgt, %add3A_1075, %sign3A_1078 : i32
      %sign3A_1080 = arith.extui %sign3A_1079 : i1 to i32
      %sign3A_1081 = arith.constant 0 : i32
      %sign3A_1082 = arith.cmpi slt, %add3A_1075, %sign3A_1081 : i32
      %sign3A_1083 = arith.extui %sign3A_1082 : i1 to i32
      %sign3A_1084 = arith.subi %sign3A_1080, %sign3A_1083 : i32
      %sign3A_1085 = arith.constant 0 : i32
      %sign3A_1086 = arith.cmpi sgt, %jit3A_1076, %sign3A_1085 : i32
      %sign3A_1087 = arith.extui %sign3A_1086 : i1 to i32
      %sign3A_1088 = arith.constant 0 : i32
      %sign3A_1089 = arith.cmpi slt, %jit3A_1076, %sign3A_1088 : i32
      %sign3A_1090 = arith.extui %sign3A_1089 : i1 to i32
      %sign3A_1091 = arith.subi %sign3A_1087, %sign3A_1090 : i32
      %ne3A_1092 = arith.cmpi ne, %sign3A_1084, %sign3A_1091 : i32
      %rem3A_1093 = arith.remsi %add3A_1075, %jit3A_1076 : i32
      %ne3A_1094 = arith.constant 0 : i32
      %ne3A_1095 = arith.cmpi ne, %rem3A_1093, %ne3A_1094 : i32
      %and3A_1096 = arith.andi %ne3A_1092, %ne3A_1095 : i1
      %sub3A_1097 = arith.constant 1 : i32
      %sub3A_1098 = arith.subi %div3A_1077, %sub3A_1097 : i32
      %select_n3A_1099 = arith.select %and3A_1096, %sub3A_1098, %div3A_1077 : i32
      %jit3A_1100 = arith.constant 4 : i32
      %eq3A_1101 = arith.constant 0 : i32
      %eq3A_1102 = arith.cmpi eq, %jit3A_1100, %eq3A_1101 : i32
      %jit3A_1103 = arith.constant 1 : i32
      %select_n3A_1104 = arith.select %eq3A_1102, %jit3A_1103, %jit3A_1100 : i32
      %rem3A_1105 = arith.remsi %add3A_1075, %select_n3A_1104 : i32
      %ne3A_1106 = arith.constant 0 : i32
      %ne3A_1107 = arith.cmpi ne, %rem3A_1105, %ne3A_1106 : i32
      %lt3A_1108 = arith.constant 0 : i32
      %lt3A_1109 = arith.cmpi slt, %rem3A_1105, %lt3A_1108 : i32
      %lt3A_1110 = arith.constant 0 : i32
      %lt3A_1111 = arith.cmpi slt, %select_n3A_1104, %lt3A_1110 : i32
      %ne3A_1112 = arith.xori %lt3A_1109, %lt3A_1111 : i1
      %and3A_1113 = arith.andi %ne3A_1112, %ne3A_1107 : i1
      %add3A_1114 = arith.addi %rem3A_1105, %select_n3A_1104 : i32
      %select_n3A_1115 = arith.select %and3A_1113, %add3A_1114, %rem3A_1105 : i32
      %mul3A_1116 = arith.constant 32 : i32
      %mul3A_1117 = arith.muli %select_n3A_1115, %mul3A_1116 : i32
      %dma_wait3A_1118 = tpu.memref_slice %arg7[%select_n3A_1099, %mul3A_1117] : memref<80x128xi32, #tpu.memory_space<vmem>> -> memref<1x32xi32, #tpu.memory_space<vmem>>
      %dma_wait3A_1119 = tpu.memref_squeeze %dma_wait3A_1118 : memref<1x32xi32, #tpu.memory_space<vmem>> -> memref<32xi32, #tpu.memory_space<vmem>>
      %dma_wait3A_1120 = arith.constant 0 : i32
      %dma_wait3A_1121 = arith.constant 0 : i32
      %dma_wait3A_1122 = tpu.memref_slice %arg2[%dma_wait3A_1120, %dma_wait3A_1121] : memref<20000x128xf32, #tpu.memory_space<hbm>> -> memref<20000x128xf32, #tpu.memory_space<hbm>>
      tpu.wait_indirect_dma semaphore(%arg23 : memref<!tpu.dma_semaphore, #tpu.memory_space<semaphore_mem>>) src(%dma_wait3A_1122 : memref<20000x128xf32, #tpu.memory_space<hbm>>) dst(%arg16 : memref<32x128xf32, #tpu.memory_space<vmem>>)
      %jit3A_1123 = arith.constant 4 : i32
      %div3A_1124 = arith.divsi %add3A_1075, %jit3A_1123 : i32
      %sign3A_1125 = arith.constant 0 : i32
      %sign3A_1126 = arith.cmpi sgt, %add3A_1075, %sign3A_1125 : i32
      %sign3A_1127 = arith.extui %sign3A_1126 : i1 to i32
      %sign3A_1128 = arith.constant 0 : i32
      %sign3A_1129 = arith.cmpi slt, %add3A_1075, %sign3A_1128 : i32
      %sign3A_1130 = arith.extui %sign3A_1129 : i1 to i32
      %sign3A_1131 = arith.subi %sign3A_1127, %sign3A_1130 : i32
      %sign3A_1132 = arith.constant 0 : i32
      %sign3A_1133 = arith.cmpi sgt, %jit3A_1123, %sign3A_1132 : i32
      %sign3A_1134 = arith.extui %sign3A_1133 : i1 to i32
      %sign3A_1135 = arith.constant 0 : i32
      %sign3A_1136 = arith.cmpi slt, %jit3A_1123, %sign3A_1135 : i32
      %sign3A_1137 = arith.extui %sign3A_1136 : i1 to i32
      %sign3A_1138 = arith.subi %sign3A_1134, %sign3A_1137 : i32
      %ne3A_1139 = arith.cmpi ne, %sign3A_1131, %sign3A_1138 : i32
      %rem3A_1140 = arith.remsi %add3A_1075, %jit3A_1123 : i32
      %ne3A_1141 = arith.constant 0 : i32
      %ne3A_1142 = arith.cmpi ne, %rem3A_1140, %ne3A_1141 : i32
      %and3A_1143 = arith.andi %ne3A_1139, %ne3A_1142 : i1
      %sub3A_1144 = arith.constant 1 : i32
      %sub3A_1145 = arith.subi %div3A_1124, %sub3A_1144 : i32
      %select_n3A_1146 = arith.select %and3A_1143, %sub3A_1145, %div3A_1124 : i32
      %jit3A_1147 = arith.constant 4 : i32
      %eq3A_1148 = arith.constant 0 : i32
      %eq3A_1149 = arith.cmpi eq, %jit3A_1147, %eq3A_1148 : i32
      %jit3A_1150 = arith.constant 1 : i32
      %select_n3A_1151 = arith.select %eq3A_1149, %jit3A_1150, %jit3A_1147 : i32
      %rem3A_1152 = arith.remsi %add3A_1075, %select_n3A_1151 : i32
      %ne3A_1153 = arith.constant 0 : i32
      %ne3A_1154 = arith.cmpi ne, %rem3A_1152, %ne3A_1153 : i32
      %lt3A_1155 = arith.constant 0 : i32
      %lt3A_1156 = arith.cmpi slt, %rem3A_1152, %lt3A_1155 : i32
      %lt3A_1157 = arith.constant 0 : i32
      %lt3A_1158 = arith.cmpi slt, %select_n3A_1151, %lt3A_1157 : i32
      %ne3A_1159 = arith.xori %lt3A_1156, %lt3A_1158 : i1
      %and3A_1160 = arith.andi %ne3A_1159, %ne3A_1154 : i1
      %add3A_1161 = arith.addi %rem3A_1152, %select_n3A_1151 : i32
      %select_n3A_1162 = arith.select %and3A_1160, %add3A_1161, %rem3A_1152 : i32
      %mul3A_1163 = arith.constant 32 : i32
      %mul3A_1164 = arith.muli %select_n3A_1162, %mul3A_1163 : i32
      %dma_start3A_1165 = tpu.memref_slice %arg8[%select_n3A_1146, %mul3A_1164] : memref<80x128xi32, #tpu.memory_space<vmem>> -> memref<1x32xi32, #tpu.memory_space<vmem>>
      %dma_start3A_1166 = tpu.memref_squeeze %dma_start3A_1165 : memref<1x32xi32, #tpu.memory_space<vmem>> -> memref<32xi32, #tpu.memory_space<vmem>>
      %dma_start3A_1167 = arith.constant 0 : i32
      %dma_start3A_1168 = arith.constant 0 : i32
      %dma_start3A_1169 = tpu.memref_slice %arg9[%dma_start3A_1167, %dma_start3A_1168] : memref<10112x128xf32, #tpu.memory_space<vmem_shared>> -> memref<10112x128xf32, #tpu.memory_space<vmem_shared>>
      tpu.enqueue_indirect_dma source(%arg16 : memref<32x128xf32, #tpu.memory_space<vmem>>) target(%dma_start3A_1169 : memref<10112x128xf32, #tpu.memory_space<vmem_shared>>) offsets(%dma_start3A_1166 : memref<32xi32, #tpu.memory_space<vmem>>) semaphore(%arg30 : memref<!tpu.dma_semaphore, #tpu.memory_space<semaphore_mem>>) {add = true}
      %sub3A_1170 = arith.constant 1 : i32
      %sub3A_1171 = arith.subi %add3A_1075, %sub3A_1170 : i32
      %jit3A_1172 = arith.constant 4 : i32
      %div3A_1173 = arith.divsi %sub3A_1171, %jit3A_1172 : i32
      %sign3A_1174 = arith.constant 0 : i32
      %sign3A_1175 = arith.cmpi sgt, %sub3A_1171, %sign3A_1174 : i32
      %sign3A_1176 = arith.extui %sign3A_1175 : i1 to i32
      %sign3A_1177 = arith.constant 0 : i32
      %sign3A_1178 = arith.cmpi slt, %sub3A_1171, %sign3A_1177 : i32
      %sign3A_1179 = arith.extui %sign3A_1178 : i1 to i32
      %sign3A_1180 = arith.subi %sign3A_1176, %sign3A_1179 : i32
      %sign3A_1181 = arith.constant 0 : i32
      %sign3A_1182 = arith.cmpi sgt, %jit3A_1172, %sign3A_1181 : i32
      %sign3A_1183 = arith.extui %sign3A_1182 : i1 to i32
      %sign3A_1184 = arith.constant 0 : i32
      %sign3A_1185 = arith.cmpi slt, %jit3A_1172, %sign3A_1184 : i32
      %sign3A_1186 = arith.extui %sign3A_1185 : i1 to i32
      %sign3A_1187 = arith.subi %sign3A_1183, %sign3A_1186 : i32
      %ne3A_1188 = arith.cmpi ne, %sign3A_1180, %sign3A_1187 : i32
      %rem3A_1189 = arith.remsi %sub3A_1171, %jit3A_1172 : i32
      %ne3A_1190 = arith.constant 0 : i32
      %ne3A_1191 = arith.cmpi ne, %rem3A_1189, %ne3A_1190 : i32
      %and3A_1192 = arith.andi %ne3A_1188, %ne3A_1191 : i1
      %sub3A_1193 = arith.constant 1 : i32
      %sub3A_1194 = arith.subi %div3A_1173, %sub3A_1193 : i32
      %select_n3A_1195 = arith.select %and3A_1192, %sub3A_1194, %div3A_1173 : i32
      %jit3A_1196 = arith.constant 4 : i32
      %eq3A_1197 = arith.constant 0 : i32
      %eq3A_1198 = arith.cmpi eq, %jit3A_1196, %eq3A_1197 : i32
      %jit3A_1199 = arith.constant 1 : i32
      %select_n3A_1200 = arith.select %eq3A_1198, %jit3A_1199, %jit3A_1196 : i32
      %rem3A_1201 = arith.remsi %sub3A_1171, %select_n3A_1200 : i32
      %ne3A_1202 = arith.constant 0 : i32
      %ne3A_1203 = arith.cmpi ne, %rem3A_1201, %ne3A_1202 : i32
      %lt3A_1204 = arith.constant 0 : i32
      %lt3A_1205 = arith.cmpi slt, %rem3A_1201, %lt3A_1204 : i32
      %lt3A_1206 = arith.constant 0 : i32
      %lt3A_1207 = arith.cmpi slt, %select_n3A_1200, %lt3A_1206 : i32
      %ne3A_1208 = arith.xori %lt3A_1205, %lt3A_1207 : i1
      %and3A_1209 = arith.andi %ne3A_1208, %ne3A_1203 : i1
      %add3A_1210 = arith.addi %rem3A_1201, %select_n3A_1200 : i32
      %select_n3A_1211 = arith.select %and3A_1209, %add3A_1210, %rem3A_1201 : i32
      %mul3A_1212 = arith.constant 32 : i32
      %mul3A_1213 = arith.muli %select_n3A_1211, %mul3A_1212 : i32
      %dma_wait3A_1214 = tpu.memref_slice %arg8[%select_n3A_1195, %mul3A_1213] : memref<80x128xi32, #tpu.memory_space<vmem>> -> memref<1x32xi32, #tpu.memory_space<vmem>>
      %dma_wait3A_1215 = tpu.memref_squeeze %dma_wait3A_1214 : memref<1x32xi32, #tpu.memory_space<vmem>> -> memref<32xi32, #tpu.memory_space<vmem>>
      %dma_wait3A_1216 = arith.constant 0 : i32
      %dma_wait3A_1217 = arith.constant 0 : i32
      %dma_wait3A_1218 = tpu.memref_slice %arg9[%dma_wait3A_1216, %dma_wait3A_1217] : memref<10112x128xf32, #tpu.memory_space<vmem_shared>> -> memref<10112x128xf32, #tpu.memory_space<vmem_shared>>
      tpu.wait_indirect_dma semaphore(%arg29 : memref<!tpu.dma_semaphore, #tpu.memory_space<semaphore_mem>>) src(%arg15 : memref<32x128xf32, #tpu.memory_space<vmem>>) dst(%dma_wait3A_1218 : memref<10112x128xf32, #tpu.memory_space<vmem_shared>>)
      %add3A_1219 = arith.constant 6 : i32
      %add3A_1220 = arith.addi %add3A_1075, %add3A_1219 : i32
      %lt3A_1221 = arith.constant 320 : i32
      %lt3A_1222 = arith.cmpi slt, %add3A_1220, %lt3A_1221 : i32
      %convert_element_type3A_1223 = arith.extui %lt3A_1222 : i1 to i32
      %cond3A_1224 = arith.constant 0 : i32
      %cond3A_1225 = arith.cmpi ne, %convert_element_type3A_1223, %cond3A_1224 : i32
      scf.if %cond3A_1225 {
        %add3A_1226 = arith.constant 6 : i32
        %add3A_1227 = arith.addi %add3A_1075, %add3A_1226 : i32
        %jit3A_1228 = arith.constant 4 : i32
        %div3A_1229 = arith.divsi %add3A_1227, %jit3A_1228 : i32
        %sign3A_1230 = arith.constant 0 : i32
        %sign3A_1231 = arith.cmpi sgt, %add3A_1227, %sign3A_1230 : i32
        %sign3A_1232 = arith.extui %sign3A_1231 : i1 to i32
        %sign3A_1233 = arith.constant 0 : i32
        %sign3A_1234 = arith.cmpi slt, %add3A_1227, %sign3A_1233 : i32
        %sign3A_1235 = arith.extui %sign3A_1234 : i1 to i32
        %sign3A_1236 = arith.subi %sign3A_1232, %sign3A_1235 : i32
        %sign3A_1237 = arith.constant 0 : i32
        %sign3A_1238 = arith.cmpi sgt, %jit3A_1228, %sign3A_1237 : i32
        %sign3A_1239 = arith.extui %sign3A_1238 : i1 to i32
        %sign3A_1240 = arith.constant 0 : i32
        %sign3A_1241 = arith.cmpi slt, %jit3A_1228, %sign3A_1240 : i32
        %sign3A_1242 = arith.extui %sign3A_1241 : i1 to i32
        %sign3A_1243 = arith.subi %sign3A_1239, %sign3A_1242 : i32
        %ne3A_1244 = arith.cmpi ne, %sign3A_1236, %sign3A_1243 : i32
        %rem3A_1245 = arith.remsi %add3A_1227, %jit3A_1228 : i32
        %ne3A_1246 = arith.constant 0 : i32
        %ne3A_1247 = arith.cmpi ne, %rem3A_1245, %ne3A_1246 : i32
        %and3A_1248 = arith.andi %ne3A_1244, %ne3A_1247 : i1
        %sub3A_1249 = arith.constant 1 : i32
        %sub3A_1250 = arith.subi %div3A_1229, %sub3A_1249 : i32
        %select_n3A_1251 = arith.select %and3A_1248, %sub3A_1250, %div3A_1229 : i32
        %jit3A_1252 = arith.constant 4 : i32
        %eq3A_1253 = arith.constant 0 : i32
        %eq3A_1254 = arith.cmpi eq, %jit3A_1252, %eq3A_1253 : i32
        %jit3A_1255 = arith.constant 1 : i32
        %select_n3A_1256 = arith.select %eq3A_1254, %jit3A_1255, %jit3A_1252 : i32
        %rem3A_1257 = arith.remsi %add3A_1227, %select_n3A_1256 : i32
        %ne3A_1258 = arith.constant 0 : i32
        %ne3A_1259 = arith.cmpi ne, %rem3A_1257, %ne3A_1258 : i32
        %lt3A_1260 = arith.constant 0 : i32
        %lt3A_1261 = arith.cmpi slt, %rem3A_1257, %lt3A_1260 : i32
        %lt3A_1262 = arith.constant 0 : i32
        %lt3A_1263 = arith.cmpi slt, %select_n3A_1256, %lt3A_1262 : i32
        %ne3A_1264 = arith.xori %lt3A_1261, %lt3A_1263 : i1
        %and3A_1265 = arith.andi %ne3A_1264, %ne3A_1259 : i1
        %add3A_1266 = arith.addi %rem3A_1257, %select_n3A_1256 : i32
        %select_n3A_1267 = arith.select %and3A_1265, %add3A_1266, %rem3A_1257 : i32
        %mul3A_1268 = arith.constant 32 : i32
        %mul3A_1269 = arith.muli %select_n3A_1267, %mul3A_1268 : i32
        %dma_start3A_1270 = tpu.memref_slice %arg7[%select_n3A_1251, %mul3A_1269] : memref<80x128xi32, #tpu.memory_space<vmem>> -> memref<1x32xi32, #tpu.memory_space<vmem>>
        %dma_start3A_1271 = tpu.memref_squeeze %dma_start3A_1270 : memref<1x32xi32, #tpu.memory_space<vmem>> -> memref<32xi32, #tpu.memory_space<vmem>>
        %dma_start3A_1272 = arith.constant 0 : i32
        %dma_start3A_1273 = arith.constant 0 : i32
        %dma_start3A_1274 = tpu.memref_slice %arg2[%dma_start3A_1272, %dma_start3A_1273] : memref<20000x128xf32, #tpu.memory_space<hbm>> -> memref<20000x128xf32, #tpu.memory_space<hbm>>
        tpu.enqueue_indirect_dma source(%dma_start3A_1274 : memref<20000x128xf32, #tpu.memory_space<hbm>>) target(%arg15 : memref<32x128xf32, #tpu.memory_space<vmem>>) offsets(%dma_start3A_1271 : memref<32xi32, #tpu.memory_space<vmem>>) semaphore(%arg22 : memref<!tpu.dma_semaphore, #tpu.memory_space<semaphore_mem>>)
      } else {
      }
    }
    %scan3A_76 = arith.constant 45 : i32
    %dma_wait3A_77 = arith.constant 78 : i32
    %dma_wait3A_78 = arith.constant 96 : i32
    %dma_wait3A_79 = tpu.memref_slice %arg7[%dma_wait3A_77, %dma_wait3A_78] : memref<80x128xi32, #tpu.memory_space<vmem>> -> memref<1x32xi32, #tpu.memory_space<vmem>>
    %dma_wait3A_80 = tpu.memref_squeeze %dma_wait3A_79 : memref<1x32xi32, #tpu.memory_space<vmem>> -> memref<32xi32, #tpu.memory_space<vmem>>
    %dma_wait3A_81 = arith.constant 0 : i32
    %dma_wait3A_82 = arith.constant 0 : i32
    %dma_wait3A_83 = tpu.memref_slice %arg2[%dma_wait3A_81, %dma_wait3A_82] : memref<20000x128xf32, #tpu.memory_space<hbm>> -> memref<20000x128xf32, #tpu.memory_space<hbm>>
    tpu.wait_indirect_dma semaphore(%arg17 : memref<!tpu.dma_semaphore, #tpu.memory_space<semaphore_mem>>) src(%dma_wait3A_83 : memref<20000x128xf32, #tpu.memory_space<hbm>>) dst(%arg10 : memref<32x128xf32, #tpu.memory_space<vmem>>)
    %dma_start3A_84 = arith.constant 78 : i32
    %dma_start3A_85 = arith.constant 96 : i32
    %dma_start3A_86 = tpu.memref_slice %arg8[%dma_start3A_84, %dma_start3A_85] : memref<80x128xi32, #tpu.memory_space<vmem>> -> memref<1x32xi32, #tpu.memory_space<vmem>>
    %dma_start3A_87 = tpu.memref_squeeze %dma_start3A_86 : memref<1x32xi32, #tpu.memory_space<vmem>> -> memref<32xi32, #tpu.memory_space<vmem>>
    %dma_start3A_88 = arith.constant 0 : i32
    %dma_start3A_89 = arith.constant 0 : i32
    %dma_start3A_90 = tpu.memref_slice %arg9[%dma_start3A_88, %dma_start3A_89] : memref<10112x128xf32, #tpu.memory_space<vmem_shared>> -> memref<10112x128xf32, #tpu.memory_space<vmem_shared>>
    tpu.enqueue_indirect_dma source(%arg10 : memref<32x128xf32, #tpu.memory_space<vmem>>) target(%dma_start3A_90 : memref<10112x128xf32, #tpu.memory_space<vmem_shared>>) offsets(%dma_start3A_87 : memref<32xi32, #tpu.memory_space<vmem>>) semaphore(%arg24 : memref<!tpu.dma_semaphore, #tpu.memory_space<semaphore_mem>>) {add = true}
    %dma_wait3A_91 = arith.constant 78 : i32
    %dma_wait3A_92 = arith.constant 64 : i32
    %dma_wait3A_93 = tpu.memref_slice %arg8[%dma_wait3A_91, %dma_wait3A_92] : memref<80x128xi32, #tpu.memory_space<vmem>> -> memref<1x32xi32, #tpu.memory_space<vmem>>
    %dma_wait3A_94 = tpu.memref_squeeze %dma_wait3A_93 : memref<1x32xi32, #tpu.memory_space<vmem>> -> memref<32xi32, #tpu.memory_space<vmem>>
    %dma_wait3A_95 = arith.constant 0 : i32
    %dma_wait3A_96 = arith.constant 0 : i32
    %dma_wait3A_97 = tpu.memref_slice %arg9[%dma_wait3A_95, %dma_wait3A_96] : memref<10112x128xf32, #tpu.memory_space<vmem_shared>> -> memref<10112x128xf32, #tpu.memory_space<vmem_shared>>
    tpu.wait_indirect_dma semaphore(%arg30 : memref<!tpu.dma_semaphore, #tpu.memory_space<semaphore_mem>>) src(%arg16 : memref<32x128xf32, #tpu.memory_space<vmem>>) dst(%dma_wait3A_97 : memref<10112x128xf32, #tpu.memory_space<vmem_shared>>)
    %dma_wait3A_98 = arith.constant 79 : i32
    %dma_wait3A_99 = arith.constant 0 : i32
    %dma_wait3A_100 = tpu.memref_slice %arg7[%dma_wait3A_98, %dma_wait3A_99] : memref<80x128xi32, #tpu.memory_space<vmem>> -> memref<1x32xi32, #tpu.memory_space<vmem>>
    %dma_wait3A_101 = tpu.memref_squeeze %dma_wait3A_100 : memref<1x32xi32, #tpu.memory_space<vmem>> -> memref<32xi32, #tpu.memory_space<vmem>>
    %dma_wait3A_102 = arith.constant 0 : i32
    %dma_wait3A_103 = arith.constant 0 : i32
    %dma_wait3A_104 = tpu.memref_slice %arg2[%dma_wait3A_102, %dma_wait3A_103] : memref<20000x128xf32, #tpu.memory_space<hbm>> -> memref<20000x128xf32, #tpu.memory_space<hbm>>
    tpu.wait_indirect_dma semaphore(%arg18 : memref<!tpu.dma_semaphore, #tpu.memory_space<semaphore_mem>>) src(%dma_wait3A_104 : memref<20000x128xf32, #tpu.memory_space<hbm>>) dst(%arg11 : memref<32x128xf32, #tpu.memory_space<vmem>>)
    %dma_start3A_105 = arith.constant 79 : i32
    %dma_start3A_106 = arith.constant 0 : i32
    %dma_start3A_107 = tpu.memref_slice %arg8[%dma_start3A_105, %dma_start3A_106] : memref<80x128xi32, #tpu.memory_space<vmem>> -> memref<1x32xi32, #tpu.memory_space<vmem>>
    %dma_start3A_108 = tpu.memref_squeeze %dma_start3A_107 : memref<1x32xi32, #tpu.memory_space<vmem>> -> memref<32xi32, #tpu.memory_space<vmem>>
    %dma_start3A_109 = arith.constant 0 : i32
    %dma_start3A_110 = arith.constant 0 : i32
    %dma_start3A_111 = tpu.memref_slice %arg9[%dma_start3A_109, %dma_start3A_110] : memref<10112x128xf32, #tpu.memory_space<vmem_shared>> -> memref<10112x128xf32, #tpu.memory_space<vmem_shared>>
    tpu.enqueue_indirect_dma source(%arg11 : memref<32x128xf32, #tpu.memory_space<vmem>>) target(%dma_start3A_111 : memref<10112x128xf32, #tpu.memory_space<vmem_shared>>) offsets(%dma_start3A_108 : memref<32xi32, #tpu.memory_space<vmem>>) semaphore(%arg25 : memref<!tpu.dma_semaphore, #tpu.memory_space<semaphore_mem>>) {add = true}
    %dma_wait3A_112 = arith.constant 78 : i32
    %dma_wait3A_113 = arith.constant 96 : i32
    %dma_wait3A_114 = tpu.memref_slice %arg8[%dma_wait3A_112, %dma_wait3A_113] : memref<80x128xi32, #tpu.memory_space<vmem>> -> memref<1x32xi32, #tpu.memory_space<vmem>>
    %dma_wait3A_115 = tpu.memref_squeeze %dma_wait3A_114 : memref<1x32xi32, #tpu.memory_space<vmem>> -> memref<32xi32, #tpu.memory_space<vmem>>
    %dma_wait3A_116 = arith.constant 0 : i32
    %dma_wait3A_117 = arith.constant 0 : i32
    %dma_wait3A_118 = tpu.memref_slice %arg9[%dma_wait3A_116, %dma_wait3A_117] : memref<10112x128xf32, #tpu.memory_space<vmem_shared>> -> memref<10112x128xf32, #tpu.memory_space<vmem_shared>>
    tpu.wait_indirect_dma semaphore(%arg24 : memref<!tpu.dma_semaphore, #tpu.memory_space<semaphore_mem>>) src(%arg10 : memref<32x128xf32, #tpu.memory_space<vmem>>) dst(%dma_wait3A_118 : memref<10112x128xf32, #tpu.memory_space<vmem_shared>>)
    %dma_wait3A_119 = arith.constant 79 : i32
    %dma_wait3A_120 = arith.constant 32 : i32
    %dma_wait3A_121 = tpu.memref_slice %arg7[%dma_wait3A_119, %dma_wait3A_120] : memref<80x128xi32, #tpu.memory_space<vmem>> -> memref<1x32xi32, #tpu.memory_space<vmem>>
    %dma_wait3A_122 = tpu.memref_squeeze %dma_wait3A_121 : memref<1x32xi32, #tpu.memory_space<vmem>> -> memref<32xi32, #tpu.memory_space<vmem>>
    %dma_wait3A_123 = arith.constant 0 : i32
    %dma_wait3A_124 = arith.constant 0 : i32
    %dma_wait3A_125 = tpu.memref_slice %arg2[%dma_wait3A_123, %dma_wait3A_124] : memref<20000x128xf32, #tpu.memory_space<hbm>> -> memref<20000x128xf32, #tpu.memory_space<hbm>>
    tpu.wait_indirect_dma semaphore(%arg19 : memref<!tpu.dma_semaphore, #tpu.memory_space<semaphore_mem>>) src(%dma_wait3A_125 : memref<20000x128xf32, #tpu.memory_space<hbm>>) dst(%arg12 : memref<32x128xf32, #tpu.memory_space<vmem>>)
    %dma_start3A_126 = arith.constant 79 : i32
    %dma_start3A_127 = arith.constant 32 : i32
    %dma_start3A_128 = tpu.memref_slice %arg8[%dma_start3A_126, %dma_start3A_127] : memref<80x128xi32, #tpu.memory_space<vmem>> -> memref<1x32xi32, #tpu.memory_space<vmem>>
    %dma_start3A_129 = tpu.memref_squeeze %dma_start3A_128 : memref<1x32xi32, #tpu.memory_space<vmem>> -> memref<32xi32, #tpu.memory_space<vmem>>
    %dma_start3A_130 = arith.constant 0 : i32
    %dma_start3A_131 = arith.constant 0 : i32
    %dma_start3A_132 = tpu.memref_slice %arg9[%dma_start3A_130, %dma_start3A_131] : memref<10112x128xf32, #tpu.memory_space<vmem_shared>> -> memref<10112x128xf32, #tpu.memory_space<vmem_shared>>
    tpu.enqueue_indirect_dma source(%arg12 : memref<32x128xf32, #tpu.memory_space<vmem>>) target(%dma_start3A_132 : memref<10112x128xf32, #tpu.memory_space<vmem_shared>>) offsets(%dma_start3A_129 : memref<32xi32, #tpu.memory_space<vmem>>) semaphore(%arg26 : memref<!tpu.dma_semaphore, #tpu.memory_space<semaphore_mem>>) {add = true}
    %dma_wait3A_133 = arith.constant 79 : i32
    %dma_wait3A_134 = arith.constant 0 : i32
    %dma_wait3A_135 = tpu.memref_slice %arg8[%dma_wait3A_133, %dma_wait3A_134] : memref<80x128xi32, #tpu.memory_space<vmem>> -> memref<1x32xi32, #tpu.memory_space<vmem>>
    %dma_wait3A_136 = tpu.memref_squeeze %dma_wait3A_135 : memref<1x32xi32, #tpu.memory_space<vmem>> -> memref<32xi32, #tpu.memory_space<vmem>>
    %dma_wait3A_137 = arith.constant 0 : i32
    %dma_wait3A_138 = arith.constant 0 : i32
    %dma_wait3A_139 = tpu.memref_slice %arg9[%dma_wait3A_137, %dma_wait3A_138] : memref<10112x128xf32, #tpu.memory_space<vmem_shared>> -> memref<10112x128xf32, #tpu.memory_space<vmem_shared>>
    tpu.wait_indirect_dma semaphore(%arg25 : memref<!tpu.dma_semaphore, #tpu.memory_space<semaphore_mem>>) src(%arg11 : memref<32x128xf32, #tpu.memory_space<vmem>>) dst(%dma_wait3A_139 : memref<10112x128xf32, #tpu.memory_space<vmem_shared>>)
    %dma_wait3A_140 = arith.constant 79 : i32
    %dma_wait3A_141 = arith.constant 64 : i32
    %dma_wait3A_142 = tpu.memref_slice %arg7[%dma_wait3A_140, %dma_wait3A_141] : memref<80x128xi32, #tpu.memory_space<vmem>> -> memref<1x32xi32, #tpu.memory_space<vmem>>
    %dma_wait3A_143 = tpu.memref_squeeze %dma_wait3A_142 : memref<1x32xi32, #tpu.memory_space<vmem>> -> memref<32xi32, #tpu.memory_space<vmem>>
    %dma_wait3A_144 = arith.constant 0 : i32
    %dma_wait3A_145 = arith.constant 0 : i32
    %dma_wait3A_146 = tpu.memref_slice %arg2[%dma_wait3A_144, %dma_wait3A_145] : memref<20000x128xf32, #tpu.memory_space<hbm>> -> memref<20000x128xf32, #tpu.memory_space<hbm>>
    tpu.wait_indirect_dma semaphore(%arg20 : memref<!tpu.dma_semaphore, #tpu.memory_space<semaphore_mem>>) src(%dma_wait3A_146 : memref<20000x128xf32, #tpu.memory_space<hbm>>) dst(%arg13 : memref<32x128xf32, #tpu.memory_space<vmem>>)
    %dma_start3A_147 = arith.constant 79 : i32
    %dma_start3A_148 = arith.constant 64 : i32
    %dma_start3A_149 = tpu.memref_slice %arg8[%dma_start3A_147, %dma_start3A_148] : memref<80x128xi32, #tpu.memory_space<vmem>> -> memref<1x32xi32, #tpu.memory_space<vmem>>
    %dma_start3A_150 = tpu.memref_squeeze %dma_start3A_149 : memref<1x32xi32, #tpu.memory_space<vmem>> -> memref<32xi32, #tpu.memory_space<vmem>>
    %dma_start3A_151 = arith.constant 0 : i32
    %dma_start3A_152 = arith.constant 0 : i32
    %dma_start3A_153 = tpu.memref_slice %arg9[%dma_start3A_151, %dma_start3A_152] : memref<10112x128xf32, #tpu.memory_space<vmem_shared>> -> memref<10112x128xf32, #tpu.memory_space<vmem_shared>>
    tpu.enqueue_indirect_dma source(%arg13 : memref<32x128xf32, #tpu.memory_space<vmem>>) target(%dma_start3A_153 : memref<10112x128xf32, #tpu.memory_space<vmem_shared>>) offsets(%dma_start3A_150 : memref<32xi32, #tpu.memory_space<vmem>>) semaphore(%arg27 : memref<!tpu.dma_semaphore, #tpu.memory_space<semaphore_mem>>) {add = true}
    %dma_wait3A_154 = arith.constant 79 : i32
    %dma_wait3A_155 = arith.constant 32 : i32
    %dma_wait3A_156 = tpu.memref_slice %arg8[%dma_wait3A_154, %dma_wait3A_155] : memref<80x128xi32, #tpu.memory_space<vmem>> -> memref<1x32xi32, #tpu.memory_space<vmem>>
    %dma_wait3A_157 = tpu.memref_squeeze %dma_wait3A_156 : memref<1x32xi32, #tpu.memory_space<vmem>> -> memref<32xi32, #tpu.memory_space<vmem>>
    %dma_wait3A_158 = arith.constant 0 : i32
    %dma_wait3A_159 = arith.constant 0 : i32
    %dma_wait3A_160 = tpu.memref_slice %arg9[%dma_wait3A_158, %dma_wait3A_159] : memref<10112x128xf32, #tpu.memory_space<vmem_shared>> -> memref<10112x128xf32, #tpu.memory_space<vmem_shared>>
    tpu.wait_indirect_dma semaphore(%arg26 : memref<!tpu.dma_semaphore, #tpu.memory_space<semaphore_mem>>) src(%arg12 : memref<32x128xf32, #tpu.memory_space<vmem>>) dst(%dma_wait3A_160 : memref<10112x128xf32, #tpu.memory_space<vmem_shared>>)
    %dma_wait3A_161 = arith.constant 79 : i32
    %dma_wait3A_162 = arith.constant 96 : i32
    %dma_wait3A_163 = tpu.memref_slice %arg7[%dma_wait3A_161, %dma_wait3A_162] : memref<80x128xi32, #tpu.memory_space<vmem>> -> memref<1x32xi32, #tpu.memory_space<vmem>>
    %dma_wait3A_164 = tpu.memref_squeeze %dma_wait3A_163 : memref<1x32xi32, #tpu.memory_space<vmem>> -> memref<32xi32, #tpu.memory_space<vmem>>
    %dma_wait3A_165 = arith.constant 0 : i32
    %dma_wait3A_166 = arith.constant 0 : i32
    %dma_wait3A_167 = tpu.memref_slice %arg2[%dma_wait3A_165, %dma_wait3A_166] : memref<20000x128xf32, #tpu.memory_space<hbm>> -> memref<20000x128xf32, #tpu.memory_space<hbm>>
    tpu.wait_indirect_dma semaphore(%arg21 : memref<!tpu.dma_semaphore, #tpu.memory_space<semaphore_mem>>) src(%dma_wait3A_167 : memref<20000x128xf32, #tpu.memory_space<hbm>>) dst(%arg14 : memref<32x128xf32, #tpu.memory_space<vmem>>)
    %dma_start3A_168 = arith.constant 79 : i32
    %dma_start3A_169 = arith.constant 96 : i32
    %dma_start3A_170 = tpu.memref_slice %arg8[%dma_start3A_168, %dma_start3A_169] : memref<80x128xi32, #tpu.memory_space<vmem>> -> memref<1x32xi32, #tpu.memory_space<vmem>>
    %dma_start3A_171 = tpu.memref_squeeze %dma_start3A_170 : memref<1x32xi32, #tpu.memory_space<vmem>> -> memref<32xi32, #tpu.memory_space<vmem>>
    %dma_start3A_172 = arith.constant 0 : i32
    %dma_start3A_173 = arith.constant 0 : i32
    %dma_start3A_174 = tpu.memref_slice %arg9[%dma_start3A_172, %dma_start3A_173] : memref<10112x128xf32, #tpu.memory_space<vmem_shared>> -> memref<10112x128xf32, #tpu.memory_space<vmem_shared>>
    tpu.enqueue_indirect_dma source(%arg14 : memref<32x128xf32, #tpu.memory_space<vmem>>) target(%dma_start3A_174 : memref<10112x128xf32, #tpu.memory_space<vmem_shared>>) offsets(%dma_start3A_171 : memref<32xi32, #tpu.memory_space<vmem>>) semaphore(%arg28 : memref<!tpu.dma_semaphore, #tpu.memory_space<semaphore_mem>>) {add = true}
    %dma_wait3A_175 = arith.constant 79 : i32
    %dma_wait3A_176 = arith.constant 64 : i32
    %dma_wait3A_177 = tpu.memref_slice %arg8[%dma_wait3A_175, %dma_wait3A_176] : memref<80x128xi32, #tpu.memory_space<vmem>> -> memref<1x32xi32, #tpu.memory_space<vmem>>
    %dma_wait3A_178 = tpu.memref_squeeze %dma_wait3A_177 : memref<1x32xi32, #tpu.memory_space<vmem>> -> memref<32xi32, #tpu.memory_space<vmem>>
    %dma_wait3A_179 = arith.constant 0 : i32
    %dma_wait3A_180 = arith.constant 0 : i32
    %dma_wait3A_181 = tpu.memref_slice %arg9[%dma_wait3A_179, %dma_wait3A_180] : memref<10112x128xf32, #tpu.memory_space<vmem_shared>> -> memref<10112x128xf32, #tpu.memory_space<vmem_shared>>
    tpu.wait_indirect_dma semaphore(%arg27 : memref<!tpu.dma_semaphore, #tpu.memory_space<semaphore_mem>>) src(%arg13 : memref<32x128xf32, #tpu.memory_space<vmem>>) dst(%dma_wait3A_181 : memref<10112x128xf32, #tpu.memory_space<vmem_shared>>)
    %dma_wait3A_182 = arith.constant 79 : i32
    %dma_wait3A_183 = arith.constant 96 : i32
    %dma_wait3A_184 = tpu.memref_slice %arg8[%dma_wait3A_182, %dma_wait3A_183] : memref<80x128xi32, #tpu.memory_space<vmem>> -> memref<1x32xi32, #tpu.memory_space<vmem>>
    %dma_wait3A_185 = tpu.memref_squeeze %dma_wait3A_184 : memref<1x32xi32, #tpu.memory_space<vmem>> -> memref<32xi32, #tpu.memory_space<vmem>>
    %dma_wait3A_186 = arith.constant 0 : i32
    %dma_wait3A_187 = arith.constant 0 : i32
    %dma_wait3A_188 = tpu.memref_slice %arg9[%dma_wait3A_186, %dma_wait3A_187] : memref<10112x128xf32, #tpu.memory_space<vmem_shared>> -> memref<10112x128xf32, #tpu.memory_space<vmem_shared>>
    tpu.wait_indirect_dma semaphore(%arg28 : memref<!tpu.dma_semaphore, #tpu.memory_space<semaphore_mem>>) src(%arg14 : memref<32x128xf32, #tpu.memory_space<vmem>>) dst(%dma_wait3A_188 : memref<10112x128xf32, #tpu.memory_space<vmem_shared>>)
    %barrier3A_189 = arith.constant 0 : index
    tpu.barrier barrier_id(%barrier3A_189)
    %scan3A_190 = arith.constant 0 : i32
    %scan3A_191 = arith.constant 8 : i32
    %scan3A_192 = arith.addi %scan3A_190, %scan3A_191 : i32
    %scan3A_193 = arith.constant 1 : i32
    scf.for %scan3A_200 = %scan3A_190 to %scan3A_192 step %scan3A_193  : i32 {
      %mul3A_201 = arith.constant 1 : i32
      %mul3A_202 = arith.muli %scan3A_200, %mul3A_201 : i32
      %add3A_203 = arith.constant 0 : i32
      %add3A_204 = arith.addi %add3A_203, %mul3A_202 : i32
      %mul3A_205 = arith.constant 16 : i32
      %mul3A_206 = arith.muli %mul3A_205, %add3A_204 : i32
      %add3A_207 = arith.addi %arg1, %mul3A_206 : i32
      %lt3A = arith.constant 125 : i32
      %lt3A_208 = arith.cmpi slt, %add3A_207, %lt3A : i32
      %convert_element_type3A = arith.extui %lt3A_208 : i1 to i32
      %cond3A = arith.constant 0 : i32
      %cond3A_209 = arith.cmpi ne, %convert_element_type3A, %cond3A : i32
      scf.if %cond3A_209 {
        %mul3A_210 = arith.constant 80 : i32
        %mul3A_211 = arith.muli %add3A_207, %mul3A_210 : i32
        %mul3A_212 = arith.constant 128 : i32
        %mul3A_213 = arith.muli %arg0, %mul3A_212 : i32
        %dma_start3A_214 = tpu.memref_slice %arg6[%mul3A_211, %mul3A_213] : memref<10000x256xf32, #tpu.memory_space<hbm>> -> memref<80x128xf32, #tpu.memory_space<hbm>>
        %dma_start3A_215 = arith.constant 0 : i32
        %dma_start3A_216 = tpu.memref_slice %arg9[%mul3A_211, %dma_start3A_215] : memref<10112x128xf32, #tpu.memory_space<vmem_shared>> -> memref<80x128xf32, #tpu.memory_space<vmem_shared>>
        tpu.enqueue_dma source(%dma_start3A_216 : memref<80x128xf32, #tpu.memory_space<vmem_shared>>) target(%dma_start3A_214 : memref<80x128xf32, #tpu.memory_space<hbm>>) target_semaphore(%arg17 : memref<!tpu.dma_semaphore, #tpu.memory_space<semaphore_mem>>)
      } else {
      }
    }
    %scan3A_194 = arith.constant 8 : i32
    %scan3A_195 = arith.constant 0 : i32
    %scan3A_196 = arith.constant 8 : i32
    %scan3A_197 = arith.addi %scan3A_195, %scan3A_196 : i32
    %scan3A_198 = arith.constant 1 : i32
    scf.for %scan3A_200 = %scan3A_195 to %scan3A_197 step %scan3A_198  : i32 {
      %mul3A_201 = arith.constant 1 : i32
      %mul3A_202 = arith.muli %scan3A_200, %mul3A_201 : i32
      %add3A_203 = arith.constant 0 : i32
      %add3A_204 = arith.addi %add3A_203, %mul3A_202 : i32
      %mul3A_205 = arith.constant 16 : i32
      %mul3A_206 = arith.muli %mul3A_205, %add3A_204 : i32
      %add3A_207 = arith.addi %arg1, %mul3A_206 : i32
      %lt3A = arith.constant 125 : i32
      %lt3A_208 = arith.cmpi slt, %add3A_207, %lt3A : i32
      %convert_element_type3A = arith.extui %lt3A_208 : i1 to i32
      %cond3A = arith.constant 0 : i32
      %cond3A_209 = arith.cmpi ne, %convert_element_type3A, %cond3A : i32
      scf.if %cond3A_209 {
        %mul3A_210 = arith.constant 80 : i32
        %mul3A_211 = arith.muli %add3A_207, %mul3A_210 : i32
        %mul3A_212 = arith.constant 128 : i32
        %mul3A_213 = arith.muli %arg0, %mul3A_212 : i32
        %dma_wait3A_214 = tpu.memref_slice %arg6[%mul3A_211, %mul3A_213] : memref<10000x256xf32, #tpu.memory_space<hbm>> -> memref<80x128xf32, #tpu.memory_space<hbm>>
        %dma_wait3A_215 = arith.constant 0 : i32
        %dma_wait3A_216 = tpu.memref_slice %arg9[%mul3A_211, %dma_wait3A_215] : memref<10112x128xf32, #tpu.memory_space<vmem_shared>> -> memref<80x128xf32, #tpu.memory_space<vmem_shared>>
        tpu.wait_dma2 semaphore(%arg17 : memref<!tpu.dma_semaphore, #tpu.memory_space<semaphore_mem>>) src(%dma_wait3A_216 : memref<80x128xf32, #tpu.memory_space<vmem_shared>>) dst(%dma_wait3A_214 : memref<80x128xf32, #tpu.memory_space<hbm>>)
      } else {
      }
    }
    %scan3A_199 = arith.constant 8 : i32
    return
  }
}

module attributes {stable_mosaic.version = 14 : i64} {
  func.func @_mm1_body(%arg0: i32, %arg1: i32, %arg2: memref<2000x256xf32, #tpu.memory_space<vmem>>, %arg3: memref<256x128xf32, #tpu.memory_space<vmem>>, %arg4: memref<2000x128xf32, #tpu.memory_space<vmem>>) attributes {dimension_semantics = [#tpu.dimension_semantics<arbitrary>, #tpu.dimension_semantics<arbitrary>], iteration_bounds = array<i64: 5, 2>, scalar_prefetch = 0 : i64, scratch_operands = 0 : i64, tpu.core_type = #tpu.core_type<tc>, window_params = [{transform_indices = @transform_0, window_bounds = array<i64: 2000, 256>}, {transform_indices = @transform_1, window_bounds = array<i64: 256, 128>}, {transform_indices = @transform_2, window_bounds = array<i64: 2000, 128>}]} {
    %get3A = arith.constant 0 : index
    %get3A_0 = arith.constant 0 : index
    %get3A_1 = vector.load %arg2[%get3A, %get3A_0] : memref<2000x256xf32, #tpu.memory_space<vmem>>, vector<2000x256xf32>
    %get3A_2 = arith.constant 0 : index
    %get3A_3 = arith.constant 0 : index
    %get3A_4 = vector.load %arg3[%get3A_2, %get3A_3] : memref<256x128xf32, #tpu.memory_space<vmem>>, vector<256x128xf32>
    %dot_general3A = arith.constant dense<0.000000e+00> : vector<2000x128xf32>
    %dot_general3A_5 = tpu.matmul %get3A_1, %get3A_4, %dot_general3A {dimension_numbers = #tpu.dot_dimension_numbers<[1], [0], [0], [1], [0, 0, 1, 1], [], []>, precision = #tpu.contract_precision<fp32>, transpose_lhs_hint = false} : vector<2000x256xf32>, vector<256x128xf32>, vector<2000x128xf32> -> vector<2000x128xf32>
    %swap3A = arith.constant 0 : index
    %swap3A_6 = arith.constant 0 : index
    %swap3A_7 = vector.load %arg4[%swap3A, %swap3A_6] : memref<2000x128xf32, #tpu.memory_space<vmem>>, vector<2000x128xf32>
    tpu.vector_store %arg4[%swap3A, %swap3A_6], %dot_general3A_5 {strides = array<i32>} : memref<2000x128xf32, #tpu.memory_space<vmem>>, vector<2000x128xf32>,
    return
  }
  func.func @transform_0(%arg0: i32, %arg1: i32) -> (i32, i32) {
    %c0_i32 = arith.constant 0 : i32
    %c0_i32_0 = arith.constant 0 : i32
    return %arg0, %c0_i32 : i32, i32
  }
  func.func @transform_1(%arg0: i32, %arg1: i32) -> (i32, i32) {
    %c0_i32 = arith.constant 0 : i32
    %c0_i32_0 = arith.constant 0 : i32
    return %c0_i32, %arg1 : i32, i32
  }
  func.func @transform_2(%arg0: i32, %arg1: i32) -> (i32, i32) {
    %mul3A = arith.constant 5 : i32
    %mul3A_0 = arith.muli %arg1, %mul3A : i32
    %add3A = arith.addi %mul3A_0, %arg0 : i32
    %c0_i32 = arith.constant 0 : i32
    %c0_i32_1 = arith.constant 0 : i32
    return %add3A, %c0_i32 : i32, i32
  }
}

module attributes {stable_mosaic.version = 14 : i64} {
  func.func @_mm2_body(%arg0: i32, %arg1: i32, %arg2: memref<2000x128xf32, #tpu.memory_space<vmem>>, %arg3: memref<2000x128xf32, #tpu.memory_space<vmem>>, %arg4: memref<256x128xf32, #tpu.memory_space<vmem>>, %arg5: memref<2000x128xf32, #tpu.memory_space<vmem>>) attributes {dimension_semantics = [#tpu.dimension_semantics<arbitrary>, #tpu.dimension_semantics<arbitrary>], iteration_bounds = array<i64: 5, 2>, scalar_prefetch = 0 : i64, scratch_operands = 0 : i64, tpu.core_type = #tpu.core_type<tc>, window_params = [{transform_indices = @transform_0, window_bounds = array<i64: 2000, 128>}, {transform_indices = @transform_1, window_bounds = array<i64: 2000, 128>}, {transform_indices = @transform_2, window_bounds = array<i64: 256, 128>}, {transform_indices = @transform_3, window_bounds = array<i64: 2000, 128>}]} {
    %get3A = arith.constant 0 : index
    %get3A_0 = arith.constant 0 : index
    %get3A_1 = vector.load %arg2[%get3A, %get3A_0] : memref<2000x128xf32, #tpu.memory_space<vmem>>, vector<2000x128xf32>
    %max3A = arith.constant 0.000000e+00 : f32
    %max3A_2 = vector.broadcast %max3A : f32 to vector<2000x128xf32>
    %max3A_3 = arith.maximumf %get3A_1, %max3A_2 : vector<2000x128xf32>
    %get3A_4 = arith.constant 0 : index
    %get3A_5 = arith.constant 0 : index
    %get3A_6 = vector.load %arg3[%get3A_4, %get3A_5] : memref<2000x128xf32, #tpu.memory_space<vmem>>, vector<2000x128xf32>
    %max3A_7 = arith.constant 0.000000e+00 : f32
    %max3A_8 = vector.broadcast %max3A_7 : f32 to vector<2000x128xf32>
    %max3A_9 = arith.maximumf %get3A_6, %max3A_8 : vector<2000x128xf32>
    %get3A_10 = arith.constant 0 : index
    %get3A_11 = arith.constant 0 : index
    %get3A_12 = vector.load %arg4[%get3A_10, %get3A_11] : memref<256x128xf32, #tpu.memory_space<vmem>>, vector<128x128xf32>
    %dot_general3A = arith.constant dense<0.000000e+00> : vector<2000x128xf32>
    %dot_general3A_13 = tpu.matmul %max3A_3, %get3A_12, %dot_general3A {dimension_numbers = #tpu.dot_dimension_numbers<[1], [0], [0], [1], [0, 0, 1, 1], [], []>, precision = #tpu.contract_precision<fp32>, transpose_lhs_hint = false} : vector<2000x128xf32>, vector<128x128xf32>, vector<2000x128xf32> -> vector<2000x128xf32>
    %get3A_14 = arith.constant 128 : index
    %get3A_15 = arith.constant 0 : index
    %get3A_16 = vector.load %arg4[%get3A_14, %get3A_15] : memref<256x128xf32, #tpu.memory_space<vmem>>, vector<128x128xf32>
    %dot_general3A_17 = arith.constant dense<0.000000e+00> : vector<2000x128xf32>
    %dot_general3A_18 = tpu.matmul %max3A_9, %get3A_16, %dot_general3A_17 {dimension_numbers = #tpu.dot_dimension_numbers<[1], [0], [0], [1], [0, 0, 1, 1], [], []>, precision = #tpu.contract_precision<fp32>, transpose_lhs_hint = false} : vector<2000x128xf32>, vector<128x128xf32>, vector<2000x128xf32> -> vector<2000x128xf32>
    %add3A = arith.addf %dot_general3A_13, %dot_general3A_18 : vector<2000x128xf32>
    %swap3A = arith.constant 0 : index
    %swap3A_19 = arith.constant 0 : index
    %swap3A_20 = vector.load %arg5[%swap3A, %swap3A_19] : memref<2000x128xf32, #tpu.memory_space<vmem>>, vector<2000x128xf32>
    tpu.vector_store %arg5[%swap3A, %swap3A_19], %add3A {strides = array<i32>} : memref<2000x128xf32, #tpu.memory_space<vmem>>, vector<2000x128xf32>,
    return
  }
  func.func @transform_0(%arg0: i32, %arg1: i32) -> (i32, i32) {
    %c0_i32 = arith.constant 0 : i32
    %c0_i32_0 = arith.constant 0 : i32
    return %arg0, %c0_i32 : i32, i32
  }
  func.func @transform_1(%arg0: i32, %arg1: i32) -> (i32, i32) {
    %add3A = arith.constant 5 : i32
    %add3A_0 = arith.addi %add3A, %arg0 : i32
    %c0_i32 = arith.constant 0 : i32
    %c0_i32_1 = arith.constant 0 : i32
    return %add3A_0, %c0_i32 : i32, i32
  }
  func.func @transform_2(%arg0: i32, %arg1: i32) -> (i32, i32) {
    %c0_i32 = arith.constant 0 : i32
    %c0_i32_0 = arith.constant 0 : i32
    return %c0_i32, %arg1 : i32, i32
  }
  func.func @transform_3(%arg0: i32, %arg1: i32) -> (i32, i32) {
    %mul3A = arith.constant 5 : i32
    %mul3A_0 = arith.muli %arg1, %mul3A : i32
    %add3A = arith.addi %mul3A_0, %arg0 : i32
    %c0_i32 = arith.constant 0 : i32
    %c0_i32_1 = arith.constant 0 : i32
    return %add3A, %c0_i32 : i32, i32
  }
}

</mosaic_0001>

<sc_bundles>
// kernel: kernel.6.cloned.1.call-start
scs
__scs_entry_jumppad:
0x0: {  	(pc) =	sbr.rel $0x88, $3  }
0x1: {  	(tag) =	ssettag $0x0;
	lr =	simm.s32 $0x1  }
0x2: {  	[smem:$0x3F9D] =	sst lr;
	_ =	strace $0xD0000000  }
0x3: {  	_ = 	snop  }
0x4: {  	_ = 	snop  }
0x5: {  	_ = 	snop  }
0x6: {  	_ = 	snop  }
0x7: {  	_ = 	snop  }
__scs_overlays_trampoline_lowered:
0x8: {  	[smem:$0x3FAC] =	sst s0  }
0x9: {  	[smem:$0x3FAD] =	sst s1  }
0xa: {  	[smem:$0x3FAE] =	sst s2  }
0xb: {  	[smem:$0x3FAF] =	sst s3  }
0xc: {  	[smem:$0x3FB0] =	sst s4  }
0xd: {  	[smem:$0x3FB1] =	sst s5  }
0xe: {  	[smem:$0x3FB2] =	sst s6  }
0xf: {  	[smem:$0x3FB3] =	sst s7  }
0x10: {  	[smem:$0x3FB4] =	sst s8  }
0x11: {  	[smem:$0x3FB5] =	sst s9;
	s0 =	simm.s32 @!p0 $0x0  }
0x12: {  	s1 =	sld [smem:$0x3F9B];
	s0 =	simm.s32 @p0 $0x1  }
0x13: {  	[smem:$0x3FB6] =	sst s0;
	s0 =	simm.s32 @!p1 $0x0  }
0x14: {  	s2 =	sld [smem:$0x3F9A];
	s0 =	simm.s32 @p1 $0x1  }
0x15: {  	[smem:$0x3FB7] =	sst s0;
	s0 =	simm.s32 @!p2 $0x0  }
0x16: {  	s3 =	sld [smem:$0x3FDB];
	s0 =	simm.s32 @p2 $0x1  }
0x17: {  	s4 =	simm.s32 $0x1BF5;
	[smem:$0x3FB9] =	sst s0  }
0x18: {  	s0 =	sld [smem:$0x3F9C];
	_ =	swait.ge [sflag:s4], $0x0  }
0x19: {  	s7 =	sld [smem:$0x3F9D]  }
0x1a: {  	s8 =	sadd.s32 $0xFFFFE003, lr  }
0x1b: {  	s9 =	sadd.s32 $0xFFFFFEF7, lr;
	s5 =	simm.s32 $0xFFFFFFFF;
	p2 =	slt.u32 s8, $0xFFFFF086  }
0x1c: {  	p1 =	slt.u32 s9, $0xF7A;
	s5 =	simm.s32 @!p2 $0x0  }
0x1d: {  	s5 =	simm.s32 @p1 $0x1;
	p0 =	seq.s32 s7, s2  }
0x1e: {  	s7 =	smul.u32 @!p0 $0xF7A, s2;
	p2 =	seq.s32 @!p0 s5, $0x0  }
0x1f: {  	s9 =	smul.u32 $0xF7A, s1;
	s8 =	simm.s32 @!p0 $0x1BF5;
	p2 =	por !p2, p0  }
0x20: {  	[sflag:s8] =	ssyncset.s32 @!p0 $0xFFFFF086;
	s6 =	sadd.s32 @!p0 s3, s7;
	s7 =	simm.s32 @!p0 $0x108  }
0x21: {  	s3 =	sadd.s32 s3, s9;
	s6 =	sadd.s32 @!p0 $0x88, s6;
	s7 =	simm.s32 @p2 $0x1082  }
0x22: {  	[simem:s7], [sflag:s8] =	dma.local @!p0 [hbm:s6], $0xF7A  }
0x23: {  	s9 =	sor.u32 $0xD0000000, s2;
	s6 =	simm.s32 $0x108;
	_ =	swait.ge @!p0 [sflag:s8], $0x0  }
0x24: {  	s3 =	sadd.s32 $0x88, s3;
	s6 =	simm.s32 @!p1 $0x1082;
	[sflag:s4] =	ssyncset.s32 $0xFFFFF086  }
0x25: {  	[simem:s6], [sflag:s4] =	dma.local [hbm:s3], $0xF7A  }
0x26: {  	[smem:$0x3F9D] =	sst s1;
	(tag) =	ssettag s2;
	_ =	strace s9  }
0x27: {  	s1 =	sld [smem:$0x3FAD]  }
0x28: {  	s2 =	sld [smem:$0x3FAE]  }
0x29: {  	s4 =	sld [smem:$0x3FB0]  }
0x2a: {  	p0 =	seq.s32 s5, $0x0;
	s5 =	sld [smem:$0x3FB1]  }
0x2b: {  	s6 =	sld [smem:$0x3FB2]  }
0x2c: {  	s7 =	sld [smem:$0x3FB3]  }
0x2d: {  	s3 =	simm.s32 $0x108;
	s8 =	sld [smem:$0x3FB4]  }
0x2e: {  	s3 =	simm.s32 @!p0 $0x1082;
	s9 =	sld [smem:$0x3FB5]  }
0x2f: {  	lr =	sadd.s32 s0, s3;
	s0 =	sld [smem:$0x3FAC]  }
0x30: {  	s3 =	sld [smem:$0x3FAF]  }
0x31: {  	[smem:$0x3FB8] =	sst s10  }
0x32: {  	s10 =	sld [smem:$0x3FB6];
	_ =	sdelay $0x3  }
0x33: {  	p0 =	seq.s32 s10, $0x1;
	s10 =	sld [smem:$0x3FB8];
	_ =	sdelay $0x3  }
0x34: {  	[smem:$0x3FB8] =	sst s10  }
0x35: {  	s10 =	sld [smem:$0x3FB7];
	_ =	sdelay $0x3  }
0x36: {  	p1 =	seq.s32 s10, $0x1;
	s10 =	sld [smem:$0x3FB8];
	_ =	sdelay $0x3  }
0x37: {  	[smem:$0x3FB8] =	sst s10  }
0x38: {  	s10 =	sld [smem:$0x3FB9]  }
0x39: {  	_ = 	snop;
	(pc) =	sbr.ind lr, $3  }
0x3a: {  	_ = 	snop  }
0x3b: {  	_ = 	snop  }
0x3c: {  	p2 =	seq.s32 s10, $0x1;
	s10 =	sld [smem:$0x3FB8]  }
0x3d: {  	_ =	shalt  }
0x3e: {  	_ =	shalt  }
0x3f: {  	_ =	shalt  }
0x40: {  	_ =	shalt  }
0x41: {  	_ =	shalt  }
0x42: {  	_ =	shalt  }
0x43: {  	_ =	shalt  }
0x44: {  	_ =	shalt  }
0x45: {  	_ =	shalt  }
0x46: {  	_ =	shalt  }
0x47: {  	_ =	shalt  }
0x48: {  	_ =	shalt  }
0x49: {  	_ =	shalt  }
0x4a: {  	_ =	shalt  }
0x4b: {  	_ =	shalt  }
0x4c: {  	_ =	shalt  }
0x4d: {  	_ =	shalt  }
0x4e: {  	_ =	shalt  }
0x4f: {  	_ =	shalt  }
0x50: {  	_ =	shalt  }
0x51: {  	_ =	shalt  }
0x52: {  	_ =	shalt  }
0x53: {  	_ =	shalt  }
0x54: {  	_ =	shalt  }
0x55: {  	_ =	shalt  }
0x56: {  	_ =	shalt  }
0x57: {  	_ =	shalt  }
0x58: {  	_ =	shalt  }
0x59: {  	_ =	shalt  }
0x5a: {  	_ =	shalt  }
0x5b: {  	_ =	shalt  }
0x5c: {  	_ =	shalt  }
0x5d: {  	_ =	shalt  }
0x5e: {  	_ =	shalt  }
0x5f: {  	_ =	shalt  }
0x60: {  	_ =	shalt  }
0x61: {  	_ =	shalt  }
0x62: {  	_ =	shalt  }
0x63: {  	_ =	shalt  }
0x64: {  	_ =	shalt  }
0x65: {  	_ =	shalt  }
0x66: {  	_ =	shalt  }
0x67: {  	_ =	shalt  }
0x68: {  	_ =	shalt  }
0x69: {  	_ =	shalt  }
0x6a: {  	_ =	shalt  }
0x6b: {  	_ =	shalt  }
0x6c: {  	_ =	shalt  }
0x6d: {  	_ =	shalt  }
0x6e: {  	_ =	shalt  }
0x6f: {  	_ =	shalt  }
0x70: {  	_ =	shalt  }
0x71: {  	_ =	shalt  }
0x72: {  	_ =	shalt  }
0x73: {  	_ =	shalt  }
0x74: {  	_ =	shalt  }
0x75: {  	_ =	shalt  }
0x76: {  	_ =	shalt  }
0x77: {  	_ =	shalt  }
0x78: {  	_ =	shalt  }
0x79: {  	_ =	shalt  }
0x7a: {  	_ =	shalt  }
0x7b: {  	_ =	shalt  }
0x7c: {  	_ =	shalt  }
0x7d: {  	_ =	shalt  }
0x7e: {  	_ =	shalt  }
0x7f: {  	_ =	shalt  }
0x80: {  	_ =	shalt  }
0x81: {  	_ =	shalt  }
0x82: {  	_ =	shalt  }
0x83: {  	_ =	shalt  }
0x84: {  	_ =	shalt  }
0x85: {  	_ =	shalt  }
0x86: {  	_ =	shalt  }
0x87: {  	_ =	shalt  }
.Lfunc_end0:
.L_simem_size_0:
called_computation_lowered:
.L_overlay_start_0:
0x88: {  	s2 =	sld [smem:$0x3FD9]  }
0x89: {  	s3 =	sld [smem:$0x3FFE];
	_ =	sdelay $0x1  }
0x8a: {  	s1 =	srdreg.scid  }
0x8b: {  	s0 =	sand.u32 $0x1, s1  }
0x8c: {  	s17 =	sshll.u32 s0, $0xA;
	s2 =	sadd.s32 s3, s2  }
0x8d: {  	s2 =	sadd.s32 s2, s17  }
0x8e: {  	[smem:$0x3FC4] =	sst s2  }
0x8f: {  	_ = 	snop  }
0x90: {  	s2 =	sld [smem:$0x3FD0];
	(tm) =	ssettm $0x1  }
0x91: {  	s18 =	sld [smem:$0x3FFB];
	_ =	sdelay $0x3  }
0x92: {  	_ =	strace s18  }
0x93: {  	s3 =	sld [smem:$0x3FFC];
	_ =	sdelay $0x3  }
0x94: {  	_ =	strace s3  }
0x95: {  	s3 =	sld [smem:$0x3FFD];
	_ =	sdelay $0x3  }
0x96: {  	_ =	strace s3  }
0x97: {  	_ =	strace $0x8FFFFFFF  }
0x98: {  	s19 =	sld [smem:$0x3FDB];
	_ =	sdelay $0x1  }
0x99: {  	s4 =	simm.s32 $_scs_section_size  }
0x9a: {  	s5 =	simm.s32 $_size__tile_overlayer_lowered;
	s6 =	simm.s32 $_tile_overlayer_lowered  }
0x9b: {  	s22 =	simm.s32 $0x1BFF;
	s21 =	sshll.u32 s6, $0x1;
	s3 =	sadd.s32 s4, s19  }
0x9c: {  	s7 =	simm.s32 $0x0;
	s20 =	sshll.u32 s5, $0x1;
	s5 =	sadd.s32 s21, s3  }
0x9d: {  	[timem:s7], [sflag:s22] =	dma.local [hbm:s5], s20  }
0x9e: {  	_ =	swait.ge [sflag:s22], s20  }
0x9f: {  	s4 =	ssub.s32 $0x0, s20;
	[sflag:s22] =	ssyncset.done $0x0  }
0xa0: {  	[sflag:s22] =	ssyncadd.s32 s4;
	_ =	sdelay $0x1  }
0xa1: {  	s23 =	simm.s32 $0x1B8B  }
0xa2: {  	_ =	swait.ge [sflag:s23], $0x1  }
0xa3: {  	[sflag:s23] =	ssyncset.done $0x0  }
0xa4: {  	s25 =	simm.s32 $0x1B8E;
	s24 =	sld [smem:$0x3FFE];
	[sflag:s23] =	ssyncadd.s32 $0xFFFFFFFF  }
0xa5: {  	s26 =	simm.s32 $execute0_lowered;
	[smem:$0x3FD2] =	sst s25  }
0xa6: {  	s5 =	sshll.u32 s26, $0x1;
	_ =	strace $0x80000046;
	[dreg:$0x1] =	wrdreg $0xFFFFFFFF  }
0xa7: {  	s28 =	simm.s32 $_size_execute0_lowered;
	s3 =	sadd.s32 s3, s5;
	[dreg:$0x0] =	wrdreg $0x0  }
0xa8: {  	s5 =	sshll.u32 s28, $0x1;
	[dreg:$0x2] =	wrdreg s3  }
0xa9: {  	[dreg:$0x3] =	wrdreg s5  }
0xaa: {  	[dreg:$0x4] =	wrdreg $0xC0  }
0xab: {  	_ =	task [dreg:s7], $0x5FFFF  }
0xac: {  	[dreg:$0x1] =	wrdreg $0xFFFFFFFF  }
0xad: {  	[dreg:$0x0] =	wrdreg $0x60  }
0xae: {  	[dreg:$0x2] =	wrdreg s2  }
0xaf: {  	[dreg:$0x3] =	wrdreg s24  }
0xb0: {  	[dreg:$0x4] =	wrdreg $0x50000  }
0xb1: {  	[dreg:$0x5] =	wrdreg $0x9  }
0xb2: {  	_ =	task.clear_ibuf [dreg:s7], $0x6FFFF;
	_ =	strace $0x90000046  }
0xb3: {  	s29 =	simm.s32 $0x9;
	_ =	strace $0x80000048  }
0xb4: {  	_ =	swait.ge [sflag:s29], $0x1  }
0xb5: {  	[sflag:s29] =	ssyncadd.s32 $0xFFFFFFFF  }
0xb6: {  	_ =	strace $0x90000048  }
0xb7: {  	_ =	sfence  }
0xb8: {  	s30 =	sld [smem:$0x0];
	_ =	sdelay $0x2  }
0xb9: {  	s31 =	sshll.u32 s1, $0xD;
	s1 =	sshrl.u32 s1, $0x2  }
0xba: {  	s3 =	sand.u32 $0x4000, s31;
	s1 =	sadd.s32 s1, s30  }
0xbb: {  	s0 =	sor.u32 s3, s0;
	s1 =	sshll.u32 s1, $0x11  }
0xbc: {  	s0 =	sor.u32 s1, s0  }
0xbd: {  	s0 =	sadd.s32 $0x8F2B, s0  }
0xbe: {  	[sflag:s0] =	ssyncadd.remote.s32 $0x1  }
0xbf: {  	_ =	sfence.sel $0xFFFF  }
0xc0: {  	[dreg:$0x0] =	wrdreg $0xFFFFFFFF;
	(pc) =	sbr.abs _section_cstart, $3  }
0xc1: {  	[dreg:$0x1] =	wrdreg $0xFFFFFFFF  }
0xc2: {  	_ =	task.clear_ibuf [dreg:s7], $0x2FFFF;
	_ =	strace $0x9FFFFFFF  }
0xc3: {  	(tm) =	ssettm $0x7FFFFFFF  }
tec
execute0_lowered:
.L_overlay_start_1:
0x0: {  	(tag) =	ssettag $0x1  }
0x1: {  	s20 =	stileid.u32  }
0x2: {  	s5 =	smul.u32 $0x500, s20  }
0x3: {  	s0 =	srdreg.scid;
	s6 =	smul.u32 $0x2780, s20  }
0x4: {  	s0 =	sand.u32 $0x1, s0;
	s9 =	smul.u32 $0x4F000, s20  }
0x5: {  	s10 =	sor.u32 $0x10, s20;
	s22 =	smul.u32 $0x27100, s0  }
0x6: {  	s11 =	sor.u32 $0x20, s20;
	s24 =	smul.u32 $0x500, s10  }
0x7: {  	s2 =	rddreg [dreg:$0x0];
	s13 =	sor.u32 $0x30, s20;
	s12 =	smul.u32 $0x500, s11  }
0x8: {  	s4 =	rddreg [dreg:$0x1];
	s15 =	sor.u32 $0x40, s20;
	s14 =	smul.u32 $0x500, s13  }
0x9: {  	s3 =	rddreg [dreg:$0x2];
	s17 =	sor.u32 $0x50, s20;
	s16 =	smul.u32 $0x500, s15  }
0xa: {  	s7 =	simm.s32 $0x0;
	s18 =	sor.u32 $0x60, s20;
	s25 =	smul.u32 $0x500, s17  }
0xb: {  	s29 =	simm.s32 $0x1;
	s30 =	simm.s32 $0x2;
	s26 =	smul.u32 $0x500, s18  }
0xc: {  	s31 =	simm.s32 $0x3;
	s28 =	simm.s32 $0x19C00;
	s11 =	smul.u32 $0xA000, s11  }
0xd: {  	[smem:$0x7FF] =	sst s7;
	s19 =	sor.u32 $0x70, s20;
	s13 =	smul.u32 $0xA000, s13  }
0xe: {  	p1 =	sgt.u32 s20, $0xC;
	s1 =	sshll.u32 s0, $0x4;
	s17 =	smul.u32 $0xA000, s17  }
0xf: {  	_ =	strace $0x80000047;
	s0 =	ssub.s32 $0x2, s0;
	s18 =	smul.u32 $0xA000, s18  }
0x10: {  	p0 =	sgt.u32 s19, $0x7C;
	s1 =	sor.u32 s20, s1;
	s8 =	sadd.s32 s5, s4  }
0x11: {  	s6 =	sadd.s32 s6, s4;
	s23 =	sshrl.u32 s0, $0x1;
	s9 =	sshrl.u32 s9, $0x2  }
0x12: {  	s1 =	smul.u32 $0x500, s1;
	s0 =	ssub.s32 s0, s23;
	s6 =	sadd.s32 $0xFC00, s6  }
0x13: {  	s9 =	sadd.s32 s9, s3;
	[dreg:$0xc] =	wrdreg s6;
	s0 =	smax.u32 s0, $0x1  }
0x14: {  	s1 =	sadd.s32 s1, s4;
	s4 =	sadd.s32 s22, s4;
	s22 =	smul.u32 $0x500, s19  }
0x15: {  	s9 =	sshrl.u32 s9, $0x3;
	[dreg:$0xf] =	wrdreg s0;
	s19 =	smul.u32 $0xA000, s19  }
0x16: {  	[dreg:$0x10] =	wrdreg s9;
	s9 =	simm.s32 $0x1EC00;
	s4 =	sadd.s32 $0x37400, s4  }
0x17: {  	s1 =	sadd.s32 $0x5C00, s1;
	s5 =	sadd.s32 s4, s5;
	s7 =	sadd.s32 s4, s24  }
0x18: {  	s12 =	sadd.s32 s4, s12;
	s21 =	sadd.s32 s4, s14;
	[dreg:$0xd] =	wrdreg s1  }
0x19: {  	s23 =	sadd.s32 s4, s16;
	s24 =	sadd.s32 s4, s26;
	[dreg:$0x4] =	wrdreg s5  }
0x1a: {  	s26 =	smul.u32 $0xA000, s10;
	s10 =	sadd.s32 $0xC00, s8;
	[dreg:$0x5] =	wrdreg s7  }
0x1b: {  	s16 =	smul.u32 $0xA000, s15;
	s1 =	sshrl.u32 s11, $0x2;
	[dreg:$0x6] =	wrdreg s12  }
0x1c: {  	s8 =	sshrl.u32 s18, $0x2;
	s11 =	simm.s32 $0x9;
	[dreg:$0x7] =	wrdreg s21  }
0x1d: {  	s15 =	simm.s32 $0x5;
	s18 =	simm.s32 $0xC;
	[dreg:$0x8] =	wrdreg s23  }
0x1e: {  	s5 =	sadd.s32 s4, s25;
	[dreg:$0xa] =	wrdreg s24;
	s4 =	sadd.s32 s4, s22  }
0x1f: {  	s25 =	sshll.u32 s20, $0x6;
	s7 =	smul.u32 $0xA000, s20;
	[dreg:$0xe] =	wrdreg s10  }
0x20: {  	s1 =	sadd.s32 s1, s3;
	s10 =	sshrl.u32 s19, $0x2;
	s8 =	sadd.s32 s8, s3  }
0x21: {  	s19 =	simm.s32 $0x7;
	s20 =	simm.s32 $0xD;
	[dreg:$0x9] =	wrdreg s5  }
0x22: {  	[dreg:$0xb] =	wrdreg s4;
	s14 =	sor.u32 $0x1C01, s25;
	s5 =	sshrl.u32 s26, $0x2  }
0x23: {  	s4 =	sshrl.u32 s13, $0x2;
	s6 =	sshrl.u32 s16, $0x2;
	s10 =	sadd.s32 s10, s3  }
0x24: {  	s22 =	sshrl.u32 s1, $0x3;
	s26 =	sshrl.u32 s8, $0x3;
	s1 =	simm.s32 $0x20  }
0x25: {  	s8 =	simm.s32 $0x1DC00;
	s13 =	simm.s32 $0xA;
	s16 =	simm.s32 $0xB  }
0x26: {  	s12 =	sshrl.u32 s7, $0x2;
	s5 =	sadd.s32 s5, s3;
	s4 =	sadd.s32 s4, s3  }
0x27: {  	s6 =	sadd.s32 s6, s3;
	s7 =	sshrl.u32 s17, $0x2;
	[dreg:$0x13] =	wrdreg s22  }
0x28: {  	[dreg:$0x17] =	wrdreg s26;
	s17 =	simm.s32 $0x6;
	s22 =	simm.s32 $0x0  }
0x29: {  	s0 =	sadd.s32 s12, s3;
	s7 =	sadd.s32 s7, s3;
	s21 =	sshrl.u32 s5, $0x3  }
0x2a: {  	s23 =	sshrl.u32 s4, $0x3;
	s24 =	sshrl.u32 s6, $0x3;
	[dreg:$0x12] =	wrdreg s21  }
.Ltmp0:
0x2b: {  	s5 =	simm.s32 $0x1AC00;
	[dreg:$0x14] =	wrdreg s23;
	(pc) =	sbr.rel .LBB2_1-.Ltmp0, $4  }
0x2c: {  	s6 =	simm.s32 $0x1BC00;
	s0 =	sshrl.u32 s0, $0x3;
	[dreg:$0x15] =	wrdreg s24  }
0x2d: {  	s12 =	simm.s32 $0x4;
	s25 =	sshrl.u32 s7, $0x3;
	[dreg:$0x11] =	wrdreg s0  }
0x2e: {  	s7 =	simm.s32 $0x1CC00;
	[dreg:$0x16] =	wrdreg s25;
	s0 =	sshrl.u32 @!p0 s10, $0x3  }
0x2f: {  	s10 =	simm.s32 $0x8;
	[dreg:$0x18] =	wrdreg s0;
	s0 =	simm.s32 $0x18C00  }
.LBB2_4:
0x30: {  	_ =	swait.ge [sflag:s29], $0x1000  }
0x31: {  	[sflag:s29] =	ssyncset.done $0x0  }
0x32: {  	s4 =	simm.s32 $0x4F60;
	s26 =	simm.s32 $0xE;
	[sflag:s29] =	ssyncadd.s32 $0xFFFFF000  }
0x33: {  	[spmem:s3] =	stream.indirect.scatter.add.f32 [tilespmem:s0], [sflag:$0x8], $0x80, s4, s1, $0xb8;
	[tilespmem:$0x1FC00] =	vst v63  }
0x34: {  	_ =	swait.ge [sflag:s26], $0x1000  }
0x35: {  	[sflag:s26] =	ssyncset.done $0x0  }
0x36: {  	[sflag:s26] =	ssyncadd.s32 $0xFFFFF000  }
0x37: {  	_ =	swait.ge [sflag:s30], $0x1000  }
0x38: {  	[sflag:s30] =	ssyncset.done $0x0  }
0x39: {  	s21 =	simm.s32 $0x4F80;
	[sflag:s30] =	ssyncadd.s32 $0xFFFFF000  }
0x3a: {  	[spmem:s3] =	stream.indirect.scatter.add.f32 [tilespmem:s28], [sflag:$0x9], $0x80, s21, s1, $0xb8;
	[tilespmem:$0x1FC00] =	vst v63  }
0x3b: {  	_ =	swait.ge [sflag:s10], $0x1000  }
0x3c: {  	[sflag:s10] =	ssyncset.done $0x0  }
0x3d: {  	[sflag:s10] =	ssyncadd.s32 $0xFFFFF000  }
0x3e: {  	_ =	swait.ge [sflag:s31], $0x1000  }
0x3f: {  	[sflag:s31] =	ssyncset.done $0x0  }
0x40: {  	s22 =	simm.s32 $0x4FA0;
	[sflag:s31] =	ssyncadd.s32 $0xFFFFF000  }
0x41: {  	[spmem:s3] =	stream.indirect.scatter.add.f32 [tilespmem:s5], [sflag:$0xA], $0x80, s22, s1, $0xb8;
	[tilespmem:$0x1FC00] =	vst v63  }
0x42: {  	_ =	swait.ge [sflag:s11], $0x1000  }
0x43: {  	[sflag:s11] =	ssyncset.done $0x0  }
0x44: {  	[sflag:s11] =	ssyncadd.s32 $0xFFFFF000  }
0x45: {  	_ =	swait.ge [sflag:s12], $0x1000  }
0x46: {  	[sflag:s12] =	ssyncset.done $0x0  }
0x47: {  	s23 =	simm.s32 $0x4FC0;
	[sflag:s12] =	ssyncadd.s32 $0xFFFFF000  }
0x48: {  	[spmem:s3] =	stream.indirect.scatter.add.f32 [tilespmem:s6], [sflag:$0xB], $0x80, s23, s1, $0xb8;
	[tilespmem:$0x1FC00] =	vst v63  }
0x49: {  	_ =	swait.ge [sflag:s13], $0x1000  }
0x4a: {  	[sflag:s13] =	ssyncset.done $0x0  }
0x4b: {  	[sflag:s13] =	ssyncadd.s32 $0xFFFFF000  }
0x4c: {  	_ =	swait.ge [sflag:s15], $0x1000  }
0x4d: {  	[sflag:s15] =	ssyncset.done $0x0  }
0x4e: {  	s24 =	simm.s32 $0x4FE0;
	[sflag:s15] =	ssyncadd.s32 $0xFFFFF000  }
0x4f: {  	[spmem:s3] =	stream.indirect.scatter.add.f32 [tilespmem:s7], [sflag:$0xC], $0x80, s24, s1, $0xb8;
	[tilespmem:$0x1FC00] =	vst v63  }
0x50: {  	_ =	swait.ge [sflag:s16], $0x1000  }
0x51: {  	[sflag:s16] =	ssyncset.done $0x0  }
0x52: {  	[sflag:s16] =	ssyncadd.s32 $0xFFFFF000  }
0x53: {  	_ =	swait.ge [sflag:s18], $0x1000  }
0x54: {  	[sflag:s18] =	ssyncset.done $0x0  }
0x55: {  	[sflag:s18] =	ssyncadd.s32 $0xFFFFF000  }
0x56: {  	[bflag:$0x0] =	sbarrier.arrive $0xFFFF  }
0x57: {  	s25 =	rddreg [dreg:$0x4]  }
0x58: {  	s21 =	rddreg [dreg:$0x11]  }
0x59: {  	[hbm:s25], [sflag:s14] =	dma.local [spmem:s21], $0x500  }
0x5a: {  	s4 =	rddreg [dreg:$0x5]  }
0x5b: {  	s21 =	rddreg [dreg:$0x12]  }
0x5c: {  	[hbm:s4], [sflag:s14] =	dma.local [spmem:s21], $0x500  }
0x5d: {  	s4 =	rddreg [dreg:$0x6]  }
0x5e: {  	s21 =	rddreg [dreg:$0x13]  }
0x5f: {  	[hbm:s4], [sflag:s14] =	dma.local [spmem:s21], $0x500  }
0x60: {  	s4 =	rddreg [dreg:$0x7]  }
0x61: {  	s21 =	rddreg [dreg:$0x14]  }
0x62: {  	[hbm:s4], [sflag:s14] =	dma.local [spmem:s21], $0x500  }
0x63: {  	s4 =	rddreg [dreg:$0x8]  }
0x64: {  	s21 =	rddreg [dreg:$0x15]  }
0x65: {  	[hbm:s4], [sflag:s14] =	dma.local [spmem:s21], $0x500  }
0x66: {  	s4 =	rddreg [dreg:$0x9]  }
0x67: {  	s21 =	rddreg [dreg:$0x16]  }
0x68: {  	[hbm:s4], [sflag:s14] =	dma.local [spmem:s21], $0x500  }
0x69: {  	s4 =	rddreg [dreg:$0xa]  }
0x6a: {  	s21 =	rddreg [dreg:$0x17]  }
0x6b: {  	[hbm:s4], [sflag:s14] =	dma.local [spmem:s21], $0x500  }
0x6c: {  	s4 =	rddreg [dreg:$0xb]  }
0x6d: {  	s21 =	rddreg [dreg:$0x18]  }
0x6e: {  	[hbm:s4], [sflag:s14] =	dma.local @!p0 [spmem:s21], $0x500  }
0x6f: {  	_ =	swait.ge [sflag:s29], $0x500  }
0x70: {  	[sflag:s29] =	ssyncset.done $0x0  }
0x71: {  	[sflag:s29] =	ssyncadd.s32 $0xFFFFFB00  }
0x72: {  	_ =	swait.ge [sflag:s29], $0x500  }
0x73: {  	[sflag:s29] =	ssyncset.done $0x0  }
0x74: {  	[sflag:s29] =	ssyncadd.s32 $0xFFFFFB00  }
0x75: {  	_ =	swait.ge [sflag:s29], $0x500  }
0x76: {  	[sflag:s29] =	ssyncset.done $0x0  }
0x77: {  	[sflag:s29] =	ssyncadd.s32 $0xFFFFFB00  }
0x78: {  	_ =	swait.ge [sflag:s29], $0x500  }
0x79: {  	[sflag:s29] =	ssyncset.done $0x0  }
0x7a: {  	[sflag:s29] =	ssyncadd.s32 $0xFFFFFB00  }
0x7b: {  	_ =	swait.ge [sflag:s29], $0x500  }
0x7c: {  	[sflag:s29] =	ssyncset.done $0x0  }
0x7d: {  	[sflag:s29] =	ssyncadd.s32 $0xFFFFFB00  }
0x7e: {  	_ =	swait.ge [sflag:s29], $0x500  }
0x7f: {  	[sflag:s29] =	ssyncset.done $0x0  }
0x80: {  	[sflag:s29] =	ssyncadd.s32 $0xFFFFFB00  }
0x81: {  	_ =	swait.ge [sflag:s29], $0x500  }
0x82: {  	[sflag:s29] =	ssyncset.done $0x0  }
0x83: {  	s4 =	simm.s32 @!p1 $0x1;
	[sflag:s29] =	ssyncadd.s32 $0xFFFFFB00  }
0x84: {  	_ =	swait.ge @!p1 [sflag:s4], $0x500  }
0x85: {  	s22 =	rddreg [dreg:$0x19]  }
0x86: {  	s26 =	rddreg [dreg:$0xf];
	s22 =	sadd.s32 $0x1, s22  }
0x87: {  	p2 =	sne.s32 s22, s26  }
.Ltmp1:
0x88: {  	_ = 	snop;
	(pc) =	sbr.rel @!p2 .LBB2_5-.Ltmp1, $3  }
0x89: {  	_ =	sdelay $0x1  }
0x8a: {  	[sflag:s4] =	ssyncset.done @!p1 $0x0  }
0x8b: {  	[sflag:s4] =	ssyncadd.s32 @!p1 $0xFFFFFB00  }
.LBB2_1:
0x8c: {  	[dreg:$0x19] =	wrdreg s22  }
0x8d: {  	s4 =	rddreg [dreg:$0xc]  }
0x8e: {  	s21 =	rddreg [dreg:$0x10]  }
0x8f: {  	[spmem:s21], [sflag:s14] =	dma.local [hbm:s4], $0x2780  }
0x90: {  	s24 =	simm.s32 $0x0;
	s21 =	rddreg [dreg:$0xd]  }
0x91: {  	[tilespmem:s24], [sflag:$0x2] =	stream.linear.gather [hbm4b:s21+s24], $0x2800, $0x38;
	[tilespmem:$0x1FC00] =	vst v63  }
0x92: {  	s26 =	simm.s32 $0x2800;
	s25 =	rddreg [dreg:$0xe]  }
0x93: {  	[tilespmem:s26], [sflag:$0x3] =	stream.linear.gather [hbm4b:s25+s24], $0x2800, $0x38;
	[tilespmem:$0x1FC00] =	vst v63  }
0x94: {  	_ =	swait.ge [sflag:s29], $0x2780  }
0x95: {  	[sflag:s29] =	ssyncset.done $0x0  }
0x96: {  	[sflag:s29] =	ssyncadd.s32 $0xFFFFD880  }
0x97: {  	_ =	swait.ge [sflag:s30], $0x2800  }
0x98: {  	[sflag:s30] =	ssyncset.done $0x0  }
0x99: {  	[sflag:s30] =	ssyncadd.s32 $0xFFFFD800  }
0x9a: {  	_ =	swait.ge [sflag:s31], $0x2800  }
0x9b: {  	[sflag:s31] =	ssyncset.done $0x0  }
0x9c: {  	[sflag:s31] =	ssyncadd.s32 $0xFFFFD800  }
0x9d: {  	[bflag:$0x0] =	sbarrier.arrive $0xFFFF  }
0x9e: {  	[tilespmem:s0], [sflag:$0x1] =	stream.indirect.gather [hbm4b:s2+s1], $0x80, s24, s1, $0xb8;
	[tilespmem:$0x1FC00] =	vst v63  }
0x9f: {  	_ = 	snop  }
0xa0: {  	[tilespmem:s28], [sflag:$0x2] =	stream.indirect.gather [hbm4b:s2+s1], $0x80, s1, s1, $0xb8;
	[tilespmem:$0x1FC00] =	vst v63  }
0xa1: {  	s23 =	simm.s32 $0x40  }
0xa2: {  	[tilespmem:s5], [sflag:$0x3] =	stream.indirect.gather [hbm4b:s2+s1], $0x80, s23, s1, $0xb8;
	[tilespmem:$0x1FC00] =	vst v63  }
0xa3: {  	s24 =	simm.s32 $0x60  }
0xa4: {  	[tilespmem:s6], [sflag:$0x4] =	stream.indirect.gather [hbm4b:s2+s1], $0x80, s24, s1, $0xb8;
	[tilespmem:$0x1FC00] =	vst v63  }
0xa5: {  	s25 =	simm.s32 $0x80;
	s26 =	simm.s32 $0xA0  }
0xa6: {  	[tilespmem:s7], [sflag:$0x5] =	stream.indirect.gather [hbm4b:s2+s1], $0x80, s25, s1, $0xb8;
	[tilespmem:$0x1FC00] =	vst v63  }
0xa7: {  	s23 =	simm.s32 $0x600;
	s24 =	simm.s32 $0x160;
	s25 =	simm.s32 $0x0  }
0xa8: {  	[tilespmem:s8], [sflag:$0x6] =	stream.indirect.gather [hbm4b:s2+s1], $0x80, s26, s1, $0xb8;
	[tilespmem:$0x1FC00] =	vst v63  }
.LBB2_2:
0xa9: {  	s4 =	sadd.s32 $0xFFFFFA00, s23  }
0xaa: {  	s4 =	sand.u32 $0xFE00, s4  }
0xab: {  	_ =	swait.ge [sflag:s29], $0x1000;
	s26 =	sand.u32 $0x60, s25;
	s4 =	sshrl.u32 s4, $0x2  }
0xac: {  	[sflag:s29] =	ssyncset.done $0x0;
	s4 =	sor.u32 s26, s4  }
0xad: {  	p2 =	seq.s32 s23, $0x600;
	[sflag:s29] =	ssyncadd.s32 $0xFFFFF000;
	s4 =	sadd.s32 $0x2800, s4  }
0xae: {  	[spmem:s3] =	stream.indirect.scatter.add.f32 [tilespmem:s0], [sflag:$0x8], $0x80, s4, s1, $0xb8;
	[tilespmem:$0x1FC00] =	vst v63  }
0xaf: {  	s21 =	sadd.s32 $0xFFFFFD00, s23;
	s4 =	simm.s32 @!p2 $0xE  }
0xb0: {  	s22 =	sadd.s32 $0xFFFFFF60, s24;
	s21 =	sand.u32 $0x1FE00, s21;
	_ =	swait.ge @!p2 [sflag:s4], $0x1000  }
0xb1: {  	s22 =	sand.u32 $0x60, s22;
	s21 =	sshrl.u32 s21, $0x2;
	[sflag:s4] =	ssyncset.done @!p2 $0x0  }
0xb2: {  	[sflag:s4] =	ssyncadd.s32 @!p2 $0xFFFFF000;
	s4 =	sor.u32 s22, s21;
	s21 =	sadd.s32 $0xFFFFFA80, s23  }
0xb3: {  	[tilespmem:s9], [sflag:$0x7] =	stream.indirect.gather [hbm4b:s2+s1], $0x80, s4, s1, $0xb8;
	[tilespmem:$0x1FC00] =	vst v63  }
0xb4: {  	s22 =	sadd.s32 $0xFFFFFEC0, s24;
	s21 =	sand.u32 $0x1FE00, s21  }
0xb5: {  	s22 =	sand.u32 $0x60, s22;
	_ =	swait.ge [sflag:s30], $0x1000;
	s21 =	sshrl.u32 s21, $0x2  }
0xb6: {  	[sflag:s30] =	ssyncset.done $0x0;
	s21 =	sor.u32 s22, s21  }
0xb7: {  	[sflag:s30] =	ssyncadd.s32 $0xFFFFF000;
	s21 =	sadd.s32 $0x2800, s21  }
0xb8: {  	[spmem:s3] =	stream.indirect.scatter.add.f32 [tilespmem:s28], [sflag:$0x9], $0x80, s21, s1, $0xb8;
	[tilespmem:$0x1FC00] =	vst v63  }
0xb9: {  	s21 =	sadd.s32 $0xFFFFFD80, s23  }
0xba: {  	s22 =	sadd.s32 $0xFFFFFF80, s24;
	_ =	swait.ge [sflag:s10], $0x1000;
	s21 =	sand.u32 $0x1FE00, s21  }
0xbb: {  	s22 =	sand.u32 $0x60, s22;
	[sflag:s10] =	ssyncset.done $0x0;
	s21 =	sshrl.u32 s21, $0x2  }
0xbc: {  	[sflag:s10] =	ssyncadd.s32 $0xFFFFF000;
	s21 =	sor.u32 s22, s21  }
0xbd: {  	[tilespmem:s0], [sflag:$0x1] =	stream.indirect.gather [hbm4b:s2+s1], $0x80, s21, s1, $0xb8;
	[tilespmem:$0x1FC00] =	vst v63  }
0xbe: {  	s21 =	sadd.s32 $0xFFFFFB00, s23  }
0xbf: {  	s22 =	sadd.s32 $0xFFFFFEE0, s24;
	s21 =	sand.u32 $0x1FE00, s21  }
0xc0: {  	s22 =	sand.u32 $0x60, s22;
	_ =	swait.ge [sflag:s31], $0x1000;
	s21 =	sshrl.u32 s21, $0x2  }
0xc1: {  	[sflag:s31] =	ssyncset.done $0x0;
	s21 =	sor.u32 s22, s21  }
0xc2: {  	[sflag:s31] =	ssyncadd.s32 $0xFFFFF000;
	s22 =	sadd.s32 $0xFFFFFE00, s23;
	s21 =	sadd.s32 $0x2800, s21  }
0xc3: {  	[spmem:s3] =	stream.indirect.scatter.add.f32 [tilespmem:s5], [sflag:$0xA], $0x80, s21, s1, $0xb8;
	[tilespmem:$0x1FC00] =	vst v63  }
0xc4: {  	s21 =	sand.u32 $0x1FE00, s22;
	_ =	swait.ge [sflag:s11], $0x1000  }
0xc5: {  	s21 =	sshrl.u32 s21, $0x2;
	[sflag:s11] =	ssyncset.done $0x0  }
0xc6: {  	s21 =	sor.u32 s26, s21;
	[sflag:s11] =	ssyncadd.s32 $0xFFFFF000  }
0xc7: {  	[tilespmem:s28], [sflag:$0x2] =	stream.indirect.gather [hbm4b:s2+s1], $0x80, s21, s1, $0xb8;
	[tilespmem:$0x1FC00] =	vst v63  }
0xc8: {  	s21 =	sadd.s32 $0xFFFFFB80, s23  }
0xc9: {  	s22 =	sadd.s32 $0xFFFFFF00, s24;
	s21 =	sand.u32 $0x1FE00, s21  }
0xca: {  	s22 =	sand.u32 $0x60, s22;
	_ =	swait.ge [sflag:s12], $0x1000;
	s21 =	sshrl.u32 s21, $0x2  }
0xcb: {  	[sflag:s12] =	ssyncset.done $0x0;
	s21 =	sor.u32 s22, s21  }
0xcc: {  	[sflag:s12] =	ssyncadd.s32 $0xFFFFF000;
	s21 =	sadd.s32 $0x2800, s21  }
0xcd: {  	[spmem:s3] =	stream.indirect.scatter.add.f32 [tilespmem:s6], [sflag:$0xB], $0x80, s21, s1, $0xb8;
	[tilespmem:$0x1FC00] =	vst v63  }
0xce: {  	s21 =	sadd.s32 $0xFFFFFE80, s23  }
0xcf: {  	s22 =	sadd.s32 $0xFFFFFFC0, s24;
	_ =	swait.ge [sflag:s13], $0x1000;
	s21 =	sand.u32 $0x1FE00, s21  }
0xd0: {  	s22 =	sand.u32 $0x60, s22;
	[sflag:s13] =	ssyncset.done $0x0;
	s21 =	sshrl.u32 s21, $0x2  }
0xd1: {  	[sflag:s13] =	ssyncadd.s32 $0xFFFFF000;
	s21 =	sor.u32 s22, s21;
	s22 =	sadd.s32 $0xFFFFFC00, s23  }
0xd2: {  	[tilespmem:s5], [sflag:$0x3] =	stream.indirect.gather [hbm4b:s2+s1], $0x80, s21, s1, $0xb8;
	[tilespmem:$0x1FC00] =	vst v63  }
0xd3: {  	s21 =	sand.u32 $0x1FE00, s22  }
0xd4: {  	_ =	swait.ge [sflag:s15], $0x1000;
	s21 =	sshrl.u32 s21, $0x2  }
0xd5: {  	[sflag:s15] =	ssyncset.done $0x0;
	s21 =	sor.u32 s26, s21  }
0xd6: {  	[sflag:s15] =	ssyncadd.s32 $0xFFFFF000;
	s21 =	sadd.s32 $0x2800, s21  }
0xd7: {  	[spmem:s3] =	stream.indirect.scatter.add.f32 [tilespmem:s7], [sflag:$0xC], $0x80, s21, s1, $0xb8;
	[tilespmem:$0x1FC00] =	vst v63  }
0xd8: {  	s21 =	sadd.s32 $0xFFFFFF00, s23  }
0xd9: {  	s22 =	sadd.s32 $0xFFFFFFE0, s24;
	_ =	swait.ge [sflag:s16], $0x1000;
	s21 =	sand.u32 $0x1FE00, s21  }
0xda: {  	s22 =	sand.u32 $0x60, s22;
	[sflag:s16] =	ssyncset.done $0x0;
	s21 =	sshrl.u32 s21, $0x2  }
0xdb: {  	[sflag:s16] =	ssyncadd.s32 $0xFFFFF000;
	s21 =	sor.u32 s22, s21  }
0xdc: {  	[tilespmem:s6], [sflag:$0x4] =	stream.indirect.gather [hbm4b:s2+s1], $0x80, s21, s1, $0xb8;
	[tilespmem:$0x1FC00] =	vst v63  }
0xdd: {  	s21 =	sadd.s32 $0xFFFFFC80, s23  }
0xde: {  	s22 =	sadd.s32 $0xFFFFFF40, s24;
	s21 =	sand.u32 $0x1FE00, s21  }
0xdf: {  	s22 =	sand.u32 $0x60, s22;
	_ =	swait.ge [sflag:s17], $0x1000;
	s21 =	sshrl.u32 s21, $0x2  }
0xe0: {  	[sflag:s17] =	ssyncset.done $0x0;
	s21 =	sor.u32 s22, s21  }
0xe1: {  	[sflag:s17] =	ssyncadd.s32 $0xFFFFF000;
	s22 =	sadd.s32 $0xFFFFFF80, s23;
	s21 =	sadd.s32 $0x2800, s21  }
0xe2: {  	[spmem:s3] =	stream.indirect.scatter.add.f32 [tilespmem:s8], [sflag:$0xD], $0x80, s21, s1, $0xb8;
	[tilespmem:$0x1FC00] =	vst v63  }
0xe3: {  	s21 =	sand.u32 $0x1FE00, s22;
	_ =	swait.ge [sflag:s18], $0x1000  }
0xe4: {  	s22 =	sand.u32 $0x60, s24;
	s21 =	sshrl.u32 s21, $0x2;
	[sflag:s18] =	ssyncset.done $0x0  }
0xe5: {  	s21 =	sor.u32 s22, s21;
	[sflag:s18] =	ssyncadd.s32 $0xFFFFF000  }
0xe6: {  	[tilespmem:s7], [sflag:$0x5] =	stream.indirect.gather [hbm4b:s2+s1], $0x80, s21, s1, $0xb8;
	[tilespmem:$0x1FC00] =	vst v63  }
0xe7: {  	_ =	swait.ge [sflag:s19], $0x1000  }
0xe8: {  	p2 =	seq.s32 s23, $0xA000;
	[sflag:s19] =	ssyncset.done $0x0  }
.Ltmp2:
0xe9: {  	s4 =	sadd.s32 $0x2800, s4;
	[sflag:s19] =	ssyncadd.s32 $0xFFFFF000;
	(pc) =	sbr.rel @p2 .LBB2_4-.Ltmp2, $4  }
0xea: {  	[spmem:s3] =	stream.indirect.scatter.add.f32 [tilespmem:s9], [sflag:$0xE], $0x80, s4, s1, $0xb8;
	[tilespmem:$0x1FC00] =	vst v63  }
0xeb: {  	_ =	swait.ge [sflag:s20], $0x1000  }
0xec: {  	[sflag:s20] =	ssyncset.done $0x0  }
0xed: {  	[sflag:s20] =	ssyncadd.s32 $0xFFFFF000  }
.Ltmp3:
0xee: {  	(pc) =	sbr.rel .LBB2_2-.Ltmp3, $4  }
0xef: {  	s4 =	sand.u32 $0x1FE00, s23  }
0xf0: {  	s23 =	sadd.s32 $0x380, s23;
	s4 =	sshrl.u32 s4, $0x2  }
0xf1: {  	s24 =	sadd.s32 $0xE0, s24;
	s25 =	sadd.s32 $0x60, s25;
	s4 =	sor.u32 s26, s4  }
0xf2: {  	[tilespmem:s8], [sflag:$0x6] =	stream.indirect.gather [hbm4b:s2+s1], $0x80, s4, s1, $0xb8;
	[tilespmem:$0x1FC00] =	vst v63  }
.LBB2_5:
0xf3: {  	_ =	sfence.sel $0x180000  }
0xf4: {  	[bflag:$0x0] =	sbarrier.arrive $0xFFFF  }
0xf5: {  	_ =	strace $0x90000047  }
0xf6: {  	s0 =	stileid.u32;
	[bflag:$0x2] =	sbarrier.arrive $0xFFFF  }
0xf7: {  	p0 =	sne.s32 s0, $0x0;
	s0 =	rddreg [dreg:$0x3]  }
0xf8: {  	s0 =	sadd.s32 @!p0 $0x100000, s0  }
0xf9: {  	[sflag:s0] =	ssyncadd.tile.s32 @!p0 $0x1;
	_ =	shalt  }
.Lfunc_end2:
_tile_overlayer_lowered:
.L_overlay_start_2:
0xfa: {  	(tag) =	ssettag $0x2  }
0xfb: {  	s0 =	rddreg [dreg:$0x0];
	s2 =	stileid.u32  }
0xfc: {  	s1 =	rddreg [dreg:$0x1];
	p0 =	sne.s32 s2, $0x0  }
0xfd: {  	s3 =	rddreg [dreg:$0x2];
	[bflag:$0x3] =	sbarrier.arrive $0xFFFF;
	s2 =	simm.s32 @!p0 $0x1C0F  }
0xfe: {  	[timem:s3], [sflag:s2] =	dma.local @!p0 [hbm:s0], s1  }
0xff: {  	s0 =	simm.s32 @!p0 $0xF  }
0x100: {  	_ =	swait.ge @!p0 [sflag:s0], s1  }
0x101: {  	s1 =	ssub.s32 @!p0 $0x0, s1;
	[sflag:s0] =	ssyncset.done @!p0 $0x0  }
0x102: {  	[sflag:s0] =	ssyncadd.s32 @!p0 s1  }
0x103: {  	[bflag:$0x3] =	sbarrier.arrive $0xFFFF  }
0x104: {  	_ =	shalt  }

// kernel: kernel.9.cloned.1.call-start
scs
__scs_entry_jumppad:
0x0: {  	(pc) =	sbr.rel $0x88, $3  }
0x1: {  	(tag) =	ssettag $0x0;
	lr =	simm.s32 $0x1  }
0x2: {  	[smem:$0x3F9D] =	sst lr;
	_ =	strace $0xD0000000  }
0x3: {  	_ = 	snop  }
0x4: {  	_ = 	snop  }
0x5: {  	_ = 	snop  }
0x6: {  	_ = 	snop  }
0x7: {  	_ = 	snop  }
__scs_overlays_trampoline_lowered:
0x8: {  	[smem:$0x3FAC] =	sst s0  }
0x9: {  	[smem:$0x3FAD] =	sst s1  }
0xa: {  	[smem:$0x3FAE] =	sst s2  }
0xb: {  	[smem:$0x3FAF] =	sst s3  }
0xc: {  	[smem:$0x3FB0] =	sst s4  }
0xd: {  	[smem:$0x3FB1] =	sst s5  }
0xe: {  	[smem:$0x3FB2] =	sst s6  }
0xf: {  	[smem:$0x3FB3] =	sst s7  }
0x10: {  	[smem:$0x3FB4] =	sst s8  }
0x11: {  	[smem:$0x3FB5] =	sst s9;
	s0 =	simm.s32 @!p0 $0x0  }
0x12: {  	s1 =	sld [smem:$0x3F9B];
	s0 =	simm.s32 @p0 $0x1  }
0x13: {  	[smem:$0x3FB6] =	sst s0;
	s0 =	simm.s32 @!p1 $0x0  }
0x14: {  	s2 =	sld [smem:$0x3F9A];
	s0 =	simm.s32 @p1 $0x1  }
0x15: {  	[smem:$0x3FB7] =	sst s0;
	s0 =	simm.s32 @!p2 $0x0  }
0x16: {  	s3 =	sld [smem:$0x3FDB];
	s0 =	simm.s32 @p2 $0x1  }
0x17: {  	s4 =	simm.s32 $0x1BF5;
	[smem:$0x3FB9] =	sst s0  }
0x18: {  	s0 =	sld [smem:$0x3F9C];
	_ =	swait.ge [sflag:s4], $0x0  }
0x19: {  	s7 =	sld [smem:$0x3F9D]  }
0x1a: {  	s8 =	sadd.s32 $0xFFFFE003, lr  }
0x1b: {  	s9 =	sadd.s32 $0xFFFFFEF7, lr;
	s5 =	simm.s32 $0xFFFFFFFF;
	p2 =	slt.u32 s8, $0xFFFFF086  }
0x1c: {  	p1 =	slt.u32 s9, $0xF7A;
	s5 =	simm.s32 @!p2 $0x0  }
0x1d: {  	s5 =	simm.s32 @p1 $0x1;
	p0 =	seq.s32 s7, s2  }
0x1e: {  	s7 =	smul.u32 @!p0 $0xF7A, s2;
	p2 =	seq.s32 @!p0 s5, $0x0  }
0x1f: {  	s9 =	smul.u32 $0xF7A, s1;
	s8 =	simm.s32 @!p0 $0x1BF5;
	p2 =	por !p2, p0  }
0x20: {  	[sflag:s8] =	ssyncset.s32 @!p0 $0xFFFFF086;
	s6 =	sadd.s32 @!p0 s3, s7;
	s7 =	simm.s32 @!p0 $0x108  }
0x21: {  	s3 =	sadd.s32 s3, s9;
	s6 =	sadd.s32 @!p0 $0x88, s6;
	s7 =	simm.s32 @p2 $0x1082  }
0x22: {  	[simem:s7], [sflag:s8] =	dma.local @!p0 [hbm:s6], $0xF7A  }
0x23: {  	s9 =	sor.u32 $0xD0000000, s2;
	s6 =	simm.s32 $0x108;
	_ =	swait.ge @!p0 [sflag:s8], $0x0  }
0x24: {  	s3 =	sadd.s32 $0x88, s3;
	s6 =	simm.s32 @!p1 $0x1082;
	[sflag:s4] =	ssyncset.s32 $0xFFFFF086  }
0x25: {  	[simem:s6], [sflag:s4] =	dma.local [hbm:s3], $0xF7A  }
0x26: {  	[smem:$0x3F9D] =	sst s1;
	(tag) =	ssettag s2;
	_ =	strace s9  }
0x27: {  	s1 =	sld [smem:$0x3FAD]  }
0x28: {  	s2 =	sld [smem:$0x3FAE]  }
0x29: {  	s4 =	sld [smem:$0x3FB0]  }
0x2a: {  	p0 =	seq.s32 s5, $0x0;
	s5 =	sld [smem:$0x3FB1]  }
0x2b: {  	s6 =	sld [smem:$0x3FB2]  }
0x2c: {  	s7 =	sld [smem:$0x3FB3]  }
0x2d: {  	s3 =	simm.s32 $0x108;
	s8 =	sld [smem:$0x3FB4]  }
0x2e: {  	s3 =	simm.s32 @!p0 $0x1082;
	s9 =	sld [smem:$0x3FB5]  }
0x2f: {  	lr =	sadd.s32 s0, s3;
	s0 =	sld [smem:$0x3FAC]  }
0x30: {  	s3 =	sld [smem:$0x3FAF]  }
0x31: {  	[smem:$0x3FB8] =	sst s10  }
0x32: {  	s10 =	sld [smem:$0x3FB6];
	_ =	sdelay $0x3  }
0x33: {  	p0 =	seq.s32 s10, $0x1;
	s10 =	sld [smem:$0x3FB8];
	_ =	sdelay $0x3  }
0x34: {  	[smem:$0x3FB8] =	sst s10  }
0x35: {  	s10 =	sld [smem:$0x3FB7];
	_ =	sdelay $0x3  }
0x36: {  	p1 =	seq.s32 s10, $0x1;
	s10 =	sld [smem:$0x3FB8];
	_ =	sdelay $0x3  }
0x37: {  	[smem:$0x3FB8] =	sst s10  }
0x38: {  	s10 =	sld [smem:$0x3FB9]  }
0x39: {  	_ = 	snop;
	(pc) =	sbr.ind lr, $3  }
0x3a: {  	_ = 	snop  }
0x3b: {  	_ = 	snop  }
0x3c: {  	p2 =	seq.s32 s10, $0x1;
	s10 =	sld [smem:$0x3FB8]  }
0x3d: {  	_ =	shalt  }
0x3e: {  	_ =	shalt  }
0x3f: {  	_ =	shalt  }
0x40: {  	_ =	shalt  }
0x41: {  	_ =	shalt  }
0x42: {  	_ =	shalt  }
0x43: {  	_ =	shalt  }
0x44: {  	_ =	shalt  }
0x45: {  	_ =	shalt  }
0x46: {  	_ =	shalt  }
0x47: {  	_ =	shalt  }
0x48: {  	_ =	shalt  }
0x49: {  	_ =	shalt  }
0x4a: {  	_ =	shalt  }
0x4b: {  	_ =	shalt  }
0x4c: {  	_ =	shalt  }
0x4d: {  	_ =	shalt  }
0x4e: {  	_ =	shalt  }
0x4f: {  	_ =	shalt  }
0x50: {  	_ =	shalt  }
0x51: {  	_ =	shalt  }
0x52: {  	_ =	shalt  }
0x53: {  	_ =	shalt  }
0x54: {  	_ =	shalt  }
0x55: {  	_ =	shalt  }
0x56: {  	_ =	shalt  }
0x57: {  	_ =	shalt  }
0x58: {  	_ =	shalt  }
0x59: {  	_ =	shalt  }
0x5a: {  	_ =	shalt  }
0x5b: {  	_ =	shalt  }
0x5c: {  	_ =	shalt  }
0x5d: {  	_ =	shalt  }
0x5e: {  	_ =	shalt  }
0x5f: {  	_ =	shalt  }
0x60: {  	_ =	shalt  }
0x61: {  	_ =	shalt  }
0x62: {  	_ =	shalt  }
0x63: {  	_ =	shalt  }
0x64: {  	_ =	shalt  }
0x65: {  	_ =	shalt  }
0x66: {  	_ =	shalt  }
0x67: {  	_ =	shalt  }
0x68: {  	_ =	shalt  }
0x69: {  	_ =	shalt  }
0x6a: {  	_ =	shalt  }
0x6b: {  	_ =	shalt  }
0x6c: {  	_ =	shalt  }
0x6d: {  	_ =	shalt  }
0x6e: {  	_ =	shalt  }
0x6f: {  	_ =	shalt  }
0x70: {  	_ =	shalt  }
0x71: {  	_ =	shalt  }
0x72: {  	_ =	shalt  }
0x73: {  	_ =	shalt  }
0x74: {  	_ =	shalt  }
0x75: {  	_ =	shalt  }
0x76: {  	_ =	shalt  }
0x77: {  	_ =	shalt  }
0x78: {  	_ =	shalt  }
0x79: {  	_ =	shalt  }
0x7a: {  	_ =	shalt  }
0x7b: {  	_ =	shalt  }
0x7c: {  	_ =	shalt  }
0x7d: {  	_ =	shalt  }
0x7e: {  	_ =	shalt  }
0x7f: {  	_ =	shalt  }
0x80: {  	_ =	shalt  }
0x81: {  	_ =	shalt  }
0x82: {  	_ =	shalt  }
0x83: {  	_ =	shalt  }
0x84: {  	_ =	shalt  }
0x85: {  	_ =	shalt  }
0x86: {  	_ =	shalt  }
0x87: {  	_ =	shalt  }
.Lfunc_end0:
.L_simem_size_0:
called_computation.1_lowered:
.L_overlay_start_0:
0x88: {  	s2 =	sld [smem:$0x3FD9]  }
0x89: {  	s3 =	sld [smem:$0x3FFE];
	_ =	sdelay $0x1  }
0x8a: {  	s1 =	srdreg.scid  }
0x8b: {  	s0 =	sand.u32 $0x1, s1  }
0x8c: {  	s17 =	sshll.u32 s0, $0xA;
	s2 =	sadd.s32 s3, s2  }
0x8d: {  	s2 =	sadd.s32 s2, s17  }
0x8e: {  	[smem:$0x3FC4] =	sst s2  }
0x8f: {  	_ = 	snop  }
0x90: {  	s2 =	sld [smem:$0x3FD0];
	(tm) =	ssettm $0x1  }
0x91: {  	s18 =	sld [smem:$0x3FFB];
	_ =	sdelay $0x3  }
0x92: {  	_ =	strace s18  }
0x93: {  	s3 =	sld [smem:$0x3FFC];
	_ =	sdelay $0x3  }
0x94: {  	_ =	strace s3  }
0x95: {  	s3 =	sld [smem:$0x3FFD];
	_ =	sdelay $0x3  }
0x96: {  	_ =	strace s3  }
0x97: {  	_ =	strace $0x8FFFFFFF  }
0x98: {  	s19 =	sld [smem:$0x3FDB];
	_ =	sdelay $0x1  }
0x99: {  	s4 =	simm.s32 $_scs_section_size  }
0x9a: {  	s5 =	simm.s32 $_size__tile_overlayer_lowered;
	s6 =	simm.s32 $_tile_overlayer_lowered  }
0x9b: {  	s22 =	simm.s32 $0x1BFF;
	s21 =	sshll.u32 s6, $0x1;
	s3 =	sadd.s32 s4, s19  }
0x9c: {  	s7 =	simm.s32 $0x0;
	s20 =	sshll.u32 s5, $0x1;
	s5 =	sadd.s32 s21, s3  }
0x9d: {  	[timem:s7], [sflag:s22] =	dma.local [hbm:s5], s20  }
0x9e: {  	_ =	swait.ge [sflag:s22], s20  }
0x9f: {  	s4 =	ssub.s32 $0x0, s20;
	[sflag:s22] =	ssyncset.done $0x0  }
0xa0: {  	[sflag:s22] =	ssyncadd.s32 s4;
	_ =	sdelay $0x1  }
0xa1: {  	s23 =	simm.s32 $0x1B8B  }
0xa2: {  	_ =	swait.ge [sflag:s23], $0x1  }
0xa3: {  	[sflag:s23] =	ssyncset.done $0x0  }
0xa4: {  	s25 =	simm.s32 $0x1B8E;
	s24 =	sld [smem:$0x3FFE];
	[sflag:s23] =	ssyncadd.s32 $0xFFFFFFFF  }
0xa5: {  	s26 =	simm.s32 $execute0_lowered;
	[smem:$0x3FD2] =	sst s25  }
0xa6: {  	s5 =	sshll.u32 s26, $0x1;
	_ =	strace $0x80000049;
	[dreg:$0x1] =	wrdreg $0xFFFFFFFF  }
0xa7: {  	s28 =	simm.s32 $_size_execute0_lowered;
	s3 =	sadd.s32 s3, s5;
	[dreg:$0x0] =	wrdreg $0x0  }
0xa8: {  	s5 =	sshll.u32 s28, $0x1;
	[dreg:$0x2] =	wrdreg s3  }
0xa9: {  	[dreg:$0x3] =	wrdreg s5  }
0xaa: {  	[dreg:$0x4] =	wrdreg $0xC0  }
0xab: {  	_ =	task [dreg:s7], $0x5FFFF  }
0xac: {  	[dreg:$0x1] =	wrdreg $0xFFFFFFFF  }
0xad: {  	[dreg:$0x0] =	wrdreg $0x60  }
0xae: {  	[dreg:$0x2] =	wrdreg s24  }
0xaf: {  	[dreg:$0x3] =	wrdreg s2  }
0xb0: {  	[dreg:$0x4] =	wrdreg $0x50000  }
0xb1: {  	[dreg:$0x5] =	wrdreg $0x9  }
0xb2: {  	_ =	task.clear_ibuf [dreg:s7], $0x6FFFF;
	_ =	strace $0x90000049  }
0xb3: {  	s29 =	simm.s32 $0x9;
	_ =	strace $0x8000004B  }
0xb4: {  	_ =	swait.ge [sflag:s29], $0x1  }
0xb5: {  	[sflag:s29] =	ssyncadd.s32 $0xFFFFFFFF  }
0xb6: {  	_ =	strace $0x9000004B  }
0xb7: {  	_ =	sfence  }
0xb8: {  	s30 =	sld [smem:$0x0];
	_ =	sdelay $0x2  }
0xb9: {  	s31 =	sshll.u32 s1, $0xD;
	s1 =	sshrl.u32 s1, $0x2  }
0xba: {  	s3 =	sand.u32 $0x4000, s31;
	s1 =	sadd.s32 s1, s30  }
0xbb: {  	s0 =	sor.u32 s3, s0;
	s1 =	sshll.u32 s1, $0x11  }
0xbc: {  	s0 =	sor.u32 s1, s0  }
0xbd: {  	s0 =	sadd.s32 $0x8F2B, s0  }
0xbe: {  	[sflag:s0] =	ssyncadd.remote.s32 $0x1  }
0xbf: {  	_ =	sfence.sel $0xFFFF  }
0xc0: {  	[dreg:$0x0] =	wrdreg $0xFFFFFFFF;
	(pc) =	sbr.abs _section_cstart, $3  }
0xc1: {  	[dreg:$0x1] =	wrdreg $0xFFFFFFFF  }
0xc2: {  	_ =	task.clear_ibuf [dreg:s7], $0x2FFFF;
	_ =	strace $0x9FFFFFFF  }
0xc3: {  	(tm) =	ssettm $0x7FFFFFFF  }
tec
execute0_lowered:
.L_overlay_start_1:
0x0: {  	(tag) =	ssettag $0x1  }
0x1: {  	s24 =	stileid.u32  }
0x2: {  	s5 =	smul.u32 $0x500, s24  }
0x3: {  	s26 =	smul.u32 $0x2780, s24  }
0x4: {  	s8 =	smul.u32 $0x5000, s24  }
0x5: {  	s9 =	sor.u32 $0x10, s24;
	s23 =	smul.u32 $0x4F000, s24  }
0x6: {  	s0 =	srdreg.scid;
	s12 =	sor.u32 $0x20, s24;
	s11 =	smul.u32 $0x5000, s9  }
0x7: {  	s1 =	rddreg [dreg:$0x0];
	s13 =	sor.u32 $0x30, s24;
	s25 =	smul.u32 $0x5000, s12  }
0x8: {  	s3 =	rddreg [dreg:$0x1];
	s15 =	sor.u32 $0x40, s24;
	s14 =	smul.u32 $0x5000, s13  }
0x9: {  	s6 =	simm.s32 $0x0;
	s17 =	sor.u32 $0x50, s24;
	s16 =	smul.u32 $0x5000, s15  }
0xa: {  	s29 =	simm.s32 $0x1;
	s19 =	sor.u32 $0x60, s24;
	s18 =	smul.u32 $0x5000, s17  }
0xb: {  	s30 =	simm.s32 $0x2;
	s21 =	sor.u32 $0x70, s24;
	s20 =	smul.u32 $0x5000, s19  }
0xc: {  	s31 =	simm.s32 $0x3;
	s28 =	simm.s32 $0x19C00;
	s22 =	smul.u32 $0x5000, s21  }
0xd: {  	s0 =	sand.u32 $0x1, s0;
	[smem:$0x7FF] =	sst s6;
	s12 =	smul.u32 $0xA000, s12  }
0xe: {  	p1 =	sgt.u32 s24, $0xC;
	s2 =	sshll.u32 s0, $0x4;
	s13 =	smul.u32 $0xA000, s13  }
0xf: {  	s7 =	ssub.s32 $0x2, s0;
	s0 =	sshll.u32 s0, $0xA;
	s17 =	smul.u32 $0xA000, s17  }
0x10: {  	p0 =	sgt.u32 s21, $0x7C;
	s4 =	sor.u32 s24, s2;
	s2 =	rddreg [dreg:$0x2]  }
0x11: {  	s10 =	sshrl.u32 s7, $0x1;
	s8 =	sor.u32 s0, s8;
	_ =	strace $0x8000004A  }
0x12: {  	s5 =	sadd.s32 s5, s1;
	s6 =	sadd.s32 s26, s1;
	s23 =	sshrl.u32 s23, $0x2  }
0x13: {  	s4 =	smul.u32 $0x500, s4;
	s7 =	ssub.s32 s7, s10;
	s11 =	sor.u32 s0, s11  }
0x14: {  	s10 =	sor.u32 s0, s25;
	s14 =	sor.u32 s0, s14;
	s16 =	sor.u32 s0, s16  }
0x15: {  	s18 =	sor.u32 s0, s18;
	s20 =	sor.u32 s0, s20;
	s0 =	sor.u32 s0, s22  }
0x16: {  	s8 =	sshrl.u32 s8, $0x3;
	s6 =	sadd.s32 $0xFC00, s6;
	s5 =	sadd.s32 $0xC00, s5  }
0x17: {  	[dreg:$0x4] =	wrdreg s6;
	s26 =	sadd.s32 s3, s8;
	s8 =	sshrl.u32 s11, $0x3  }
0x18: {  	s10 =	sshrl.u32 s10, $0x3;
	s11 =	sshrl.u32 s14, $0x3;
	s16 =	sshrl.u32 s16, $0x3  }
0x19: {  	s25 =	sshrl.u32 s20, $0x3;
	s0 =	sshrl.u32 s0, $0x3;
	[dreg:$0xe] =	wrdreg s5  }
0x1a: {  	s5 =	sshrl.u32 s12, $0x2;
	s12 =	simm.s32 $0x9;
	s22 =	sadd.s32 s4, s1  }
0x1b: {  	s4 =	sadd.s32 $0x37400, s1;
	s1 =	sadd.s32 s23, s2;
	[dreg:$0x5] =	wrdreg s26  }
0x1c: {  	s6 =	sadd.s32 s3, s8;
	s14 =	sadd.s32 s3, s11;
	s23 =	sshrl.u32 s18, $0x3  }
0x1d: {  	s26 =	sadd.s32 s3, s25;
	s0 =	sadd.s32 s3, s0;
	[dreg:$0x6] =	wrdreg s6  }
0x1e: {  	s8 =	smul.u32 $0xA000, s9;
	s11 =	smax.u32 s7, $0x1;
	[dreg:$0x8] =	wrdreg s14  }
0x1f: {  	s5 =	sadd.s32 s5, s2;
	s18 =	smul.u32 $0xA000, s19;
	[dreg:$0xb] =	wrdreg s26  }
0x20: {  	s19 =	smul.u32 $0xA000, s21;
	s6 =	sadd.s32 s3, s10;
	[dreg:$0xc] =	wrdreg s0  }
0x21: {  	s9 =	sadd.s32 $0x5C00, s22;
	s10 =	smul.u32 $0xA000, s24;
	[dreg:$0xf] =	wrdreg s11  }
0x22: {  	s1 =	sshrl.u32 s1, $0x3;
	s21 =	sshrl.u32 s5, $0x3;
	[dreg:$0x7] =	wrdreg s6  }
0x23: {  	s5 =	simm.s32 $0x1AC00;
	s11 =	simm.s32 $0x8;
	[dreg:$0xd] =	wrdreg s9  }
0x24: {  	s6 =	sadd.s32 s3, s16;
	s16 =	smul.u32 $0xA000, s15;
	[dreg:$0x10] =	wrdreg s1  }
0x25: {  	s9 =	sshrl.u32 s18, $0x2;
	[dreg:$0x13] =	wrdreg s21;
	s1 =	simm.s32 $0x20  }
0x26: {  	s15 =	simm.s32 $0xA;
	s18 =	simm.s32 $0x6;
	s21 =	simm.s32 $0xD  }
0x27: {  	[dreg:$0x9] =	wrdreg s6;
	s6 =	sadd.s32 s3, s23;
	s0 =	sshrl.u32 s10, $0x2  }
0x28: {  	s3 =	sshrl.u32 s8, $0x2;
	s8 =	sshrl.u32 s17, $0x2;
	s9 =	sadd.s32 s9, s2  }
0x29: {  	s10 =	sshrl.u32 s19, $0x2;
	s17 =	simm.s32 $0xB;
	s19 =	simm.s32 $0xC  }
0x2a: {  	[dreg:$0xa] =	wrdreg s6;
	s6 =	sshll.u32 s24, $0x6;
	s0 =	sadd.s32 s0, s2  }
0x2b: {  	s3 =	sadd.s32 s3, s2;
	s7 =	sshrl.u32 s16, $0x2;
	s8 =	sadd.s32 s8, s2  }
0x2c: {  	s10 =	sadd.s32 s10, s2;
	s26 =	sshrl.u32 s9, $0x3;
	s9 =	simm.s32 $0x1DC00  }
0x2d: {  	s16 =	simm.s32 $0x5;
	s14 =	sor.u32 $0x1C01, s6;
	s6 =	sshrl.u32 s13, $0x2  }
0x2e: {  	s7 =	sadd.s32 s7, s2;
	s0 =	sshrl.u32 s0, $0x3;
	s20 =	sshrl.u32 s3, $0x3  }
0x2f: {  	s25 =	sshrl.u32 s8, $0x3;
	[dreg:$0x17] =	wrdreg s26;
	s8 =	simm.s32 $0x1CC00  }
0x30: {  	s13 =	simm.s32 $0x4;
	s6 =	sadd.s32 s6, s2;
	[dreg:$0x11] =	wrdreg s0  }
.Ltmp0:
0x31: {  	[dreg:$0x12] =	wrdreg s20;
	s23 =	sshrl.u32 s7, $0x3;
	(pc) =	sbr.rel .LBB2_1-.Ltmp0, $4  }
0x32: {  	[dreg:$0x16] =	wrdreg s25;
	s0 =	sshrl.u32 @!p0 s10, $0x3;
	s25 =	simm.s32 $0x80  }
0x33: {  	s10 =	simm.s32 $0x1EC00;
	s20 =	simm.s32 $0x7;
	[dreg:$0x15] =	wrdreg s23  }
0x34: {  	s22 =	sshrl.u32 s6, $0x3;
	[dreg:$0x18] =	wrdreg s0;
	s0 =	simm.s32 $0x18C00  }
0x35: {  	s6 =	simm.s32 $0x1BC00;
	[dreg:$0x14] =	wrdreg s22;
	s22 =	simm.s32 $0x0  }
.LBB2_4:
0x36: {  	_ =	swait.ge [sflag:s29], $0x1000  }
0x37: {  	[sflag:s29] =	ssyncset.done $0x0  }
0x38: {  	s3 =	simm.s32 $0x4F60;
	s24 =	simm.s32 $0xE;
	[sflag:s29] =	ssyncadd.s32 $0xFFFFF000  }
0x39: {  	[spmem:s2] =	stream.indirect.scatter.add.f32 [tilespmem:s0], [sflag:$0x8], $0x80, s3, s1, $0xb8;
	[tilespmem:$0x1FC00] =	vst v63  }
0x3a: {  	_ =	swait.ge [sflag:s24], $0x1000  }
0x3b: {  	[sflag:s24] =	ssyncset.done $0x0  }
0x3c: {  	[sflag:s24] =	ssyncadd.s32 $0xFFFFF000  }
0x3d: {  	_ =	swait.ge [sflag:s30], $0x1000  }
0x3e: {  	[sflag:s30] =	ssyncset.done $0x0  }
0x3f: {  	s25 =	simm.s32 $0x4F80;
	[sflag:s30] =	ssyncadd.s32 $0xFFFFF000  }
0x40: {  	[spmem:s2] =	stream.indirect.scatter.add.f32 [tilespmem:s28], [sflag:$0x9], $0x80, s25, s1, $0xb8;
	[tilespmem:$0x1FC00] =	vst v63  }
0x41: {  	_ =	swait.ge [sflag:s11], $0x1000  }
0x42: {  	[sflag:s11] =	ssyncset.done $0x0  }
0x43: {  	[sflag:s11] =	ssyncadd.s32 $0xFFFFF000  }
0x44: {  	_ =	swait.ge [sflag:s31], $0x1000  }
0x45: {  	[sflag:s31] =	ssyncset.done $0x0  }
0x46: {  	s26 =	simm.s32 $0x4FA0;
	[sflag:s31] =	ssyncadd.s32 $0xFFFFF000  }
0x47: {  	[spmem:s2] =	stream.indirect.scatter.add.f32 [tilespmem:s5], [sflag:$0xA], $0x80, s26, s1, $0xb8;
	[tilespmem:$0x1FC00] =	vst v63  }
0x48: {  	_ =	swait.ge [sflag:s12], $0x1000  }
0x49: {  	[sflag:s12] =	ssyncset.done $0x0  }
0x4a: {  	[sflag:s12] =	ssyncadd.s32 $0xFFFFF000  }
0x4b: {  	_ =	swait.ge [sflag:s13], $0x1000  }
0x4c: {  	[sflag:s13] =	ssyncset.done $0x0  }
0x4d: {  	s7 =	simm.s32 $0x4FC0;
	[sflag:s13] =	ssyncadd.s32 $0xFFFFF000  }
0x4e: {  	[spmem:s2] =	stream.indirect.scatter.add.f32 [tilespmem:s6], [sflag:$0xB], $0x80, s7, s1, $0xb8;
	[tilespmem:$0x1FC00] =	vst v63  }
0x4f: {  	_ =	swait.ge [sflag:s15], $0x1000  }
0x50: {  	[sflag:s15] =	ssyncset.done $0x0  }
0x51: {  	[sflag:s15] =	ssyncadd.s32 $0xFFFFF000  }
0x52: {  	_ =	swait.ge [sflag:s16], $0x1000  }
0x53: {  	[sflag:s16] =	ssyncset.done $0x0  }
0x54: {  	s22 =	simm.s32 $0x4FE0;
	[sflag:s16] =	ssyncadd.s32 $0xFFFFF000  }
0x55: {  	[spmem:s2] =	stream.indirect.scatter.add.f32 [tilespmem:s8], [sflag:$0xC], $0x80, s22, s1, $0xb8;
	[tilespmem:$0x1FC00] =	vst v63  }
0x56: {  	_ =	swait.ge [sflag:s17], $0x1000  }
0x57: {  	[sflag:s17] =	ssyncset.done $0x0  }
0x58: {  	[sflag:s17] =	ssyncadd.s32 $0xFFFFF000  }
0x59: {  	_ =	swait.ge [sflag:s19], $0x1000  }
0x5a: {  	[sflag:s19] =	ssyncset.done $0x0  }
0x5b: {  	[sflag:s19] =	ssyncadd.s32 $0xFFFFF000  }
0x5c: {  	[bflag:$0x0] =	sbarrier.arrive $0xFFFF  }
0x5d: {  	s23 =	rddreg [dreg:$0x5]  }
0x5e: {  	s25 =	simm.s32 $0x80;
	s22 =	simm.s32 $0x100;
	s7 =	rddreg [dreg:$0x11]  }
0x5f: {  	[hbm:s23@s22], [sflag:s14] =	dma.strided [spmem:s7@s25], $0x500, s11, $0x10   }
0x60: {  	s3 =	rddreg [dreg:$0x6]  }
0x61: {  	s7 =	rddreg [dreg:$0x12]  }
0x62: {  	[hbm:s3@s22], [sflag:s14] =	dma.strided [spmem:s7@s25], $0x500, s11, $0x10   }
0x63: {  	s3 =	rddreg [dreg:$0x7]  }
0x64: {  	s7 =	rddreg [dreg:$0x13]  }
0x65: {  	[hbm:s3@s22], [sflag:s14] =	dma.strided [spmem:s7@s25], $0x500, s11, $0x10   }
0x66: {  	s3 =	rddreg [dreg:$0x8]  }
0x67: {  	s7 =	rddreg [dreg:$0x14]  }
0x68: {  	[hbm:s3@s22], [sflag:s14] =	dma.strided [spmem:s7@s25], $0x500, s11, $0x10   }
0x69: {  	s3 =	rddreg [dreg:$0x9]  }
0x6a: {  	s7 =	rddreg [dreg:$0x15]  }
0x6b: {  	[hbm:s3@s22], [sflag:s14] =	dma.strided [spmem:s7@s25], $0x500, s11, $0x10   }
0x6c: {  	s3 =	rddreg [dreg:$0xa]  }
0x6d: {  	s7 =	rddreg [dreg:$0x16]  }
0x6e: {  	[hbm:s3@s22], [sflag:s14] =	dma.strided [spmem:s7@s25], $0x500, s11, $0x10   }
0x6f: {  	s3 =	rddreg [dreg:$0xb]  }
0x70: {  	s7 =	rddreg [dreg:$0x17]  }
0x71: {  	[hbm:s3@s22], [sflag:s14] =	dma.strided [spmem:s7@s25], $0x500, s11, $0x10   }
0x72: {  	s3 =	simm.s32 @!p0 $0x8;
	s23 =	rddreg [dreg:$0xc]  }
0x73: {  	s7 =	simm.s32 @!p0 $0x100;
	s22 =	simm.s32 @!p0 $0x80;
	s24 =	rddreg [dreg:$0x18]  }
0x74: {  	[hbm:s23@s7], [sflag:s14] =	dma.strided @!p0 [spmem:s24@s22], $0x500, s3, $0x10   }
0x75: {  	_ =	swait.ge [sflag:s29], $0x500  }
0x76: {  	[sflag:s29] =	ssyncset.done $0x0  }
0x77: {  	[sflag:s29] =	ssyncadd.s32 $0xFFFFFB00  }
0x78: {  	_ =	swait.ge [sflag:s29], $0x500  }
0x79: {  	[sflag:s29] =	ssyncset.done $0x0  }
0x7a: {  	[sflag:s29] =	ssyncadd.s32 $0xFFFFFB00  }
0x7b: {  	_ =	swait.ge [sflag:s29], $0x500  }
0x7c: {  	[sflag:s29] =	ssyncset.done $0x0  }
0x7d: {  	[sflag:s29] =	ssyncadd.s32 $0xFFFFFB00  }
0x7e: {  	_ =	swait.ge [sflag:s29], $0x500  }
0x7f: {  	[sflag:s29] =	ssyncset.done $0x0  }
0x80: {  	[sflag:s29] =	ssyncadd.s32 $0xFFFFFB00  }
0x81: {  	_ =	swait.ge [sflag:s29], $0x500  }
0x82: {  	[sflag:s29] =	ssyncset.done $0x0  }
0x83: {  	[sflag:s29] =	ssyncadd.s32 $0xFFFFFB00  }
0x84: {  	_ =	swait.ge [sflag:s29], $0x500  }
0x85: {  	[sflag:s29] =	ssyncset.done $0x0  }
0x86: {  	[sflag:s29] =	ssyncadd.s32 $0xFFFFFB00  }
0x87: {  	_ =	swait.ge [sflag:s29], $0x500  }
0x88: {  	[sflag:s29] =	ssyncset.done $0x0  }
0x89: {  	s3 =	simm.s32 @!p1 $0x1;
	[sflag:s29] =	ssyncadd.s32 $0xFFFFFB00  }
0x8a: {  	_ =	swait.ge @!p1 [sflag:s3], $0x500  }
0x8b: {  	s24 =	rddreg [dreg:$0x19]  }
0x8c: {  	s26 =	rddreg [dreg:$0xf];
	s22 =	sadd.s32 $0x1, s24  }
0x8d: {  	p2 =	sne.s32 s22, s26  }
.Ltmp1:
0x8e: {  	_ = 	snop;
	(pc) =	sbr.rel @!p2 .LBB2_5-.Ltmp1, $3  }
0x8f: {  	_ =	sdelay $0x1  }
0x90: {  	[sflag:s3] =	ssyncset.done @!p1 $0x0  }
0x91: {  	[sflag:s3] =	ssyncadd.s32 @!p1 $0xFFFFFB00  }
.LBB2_1:
0x92: {  	[dreg:$0x19] =	wrdreg s22  }
0x93: {  	s3 =	rddreg [dreg:$0x4]  }
0x94: {  	s7 =	rddreg [dreg:$0x10]  }
0x95: {  	[spmem:s7], [sflag:s14] =	dma.local [hbm:s3], $0x2780  }
0x96: {  	s23 =	simm.s32 $0x0;
	s7 =	rddreg [dreg:$0xd]  }
0x97: {  	[tilespmem:s23], [sflag:$0x2] =	stream.linear.gather [hbm4b:s7+s23], $0x2800, $0x38;
	[tilespmem:$0x1FC00] =	vst v63  }
0x98: {  	s26 =	simm.s32 $0x2800;
	s24 =	rddreg [dreg:$0xe]  }
0x99: {  	[tilespmem:s26], [sflag:$0x3] =	stream.linear.gather [hbm4b:s24+s23], $0x2800, $0x38;
	[tilespmem:$0x1FC00] =	vst v63  }
0x9a: {  	_ =	swait.ge [sflag:s29], $0x2780  }
0x9b: {  	[sflag:s29] =	ssyncset.done $0x0  }
0x9c: {  	[sflag:s29] =	ssyncadd.s32 $0xFFFFD880  }
0x9d: {  	_ =	swait.ge [sflag:s30], $0x2800  }
0x9e: {  	[sflag:s30] =	ssyncset.done $0x0  }
0x9f: {  	[sflag:s30] =	ssyncadd.s32 $0xFFFFD800  }
0xa0: {  	_ =	swait.ge [sflag:s31], $0x2800  }
0xa1: {  	[sflag:s31] =	ssyncset.done $0x0  }
0xa2: {  	[sflag:s31] =	ssyncadd.s32 $0xFFFFD800  }
0xa3: {  	[bflag:$0x0] =	sbarrier.arrive $0xFFFF  }
0xa4: {  	[tilespmem:s0], [sflag:$0x1] =	stream.indirect.gather [hbm4b:s4+s1], $0x80, s23, s1, $0xb8;
	[tilespmem:$0x1FC00] =	vst v63  }
0xa5: {  	_ = 	snop  }
0xa6: {  	[tilespmem:s28], [sflag:$0x2] =	stream.indirect.gather [hbm4b:s4+s1], $0x80, s1, s1, $0xb8;
	[tilespmem:$0x1FC00] =	vst v63  }
0xa7: {  	s23 =	simm.s32 $0x40  }
0xa8: {  	[tilespmem:s5], [sflag:$0x3] =	stream.indirect.gather [hbm4b:s4+s1], $0x80, s23, s1, $0xb8;
	[tilespmem:$0x1FC00] =	vst v63  }
0xa9: {  	s24 =	simm.s32 $0x60  }
0xaa: {  	[tilespmem:s6], [sflag:$0x4] =	stream.indirect.gather [hbm4b:s4+s1], $0x80, s24, s1, $0xb8;
	[tilespmem:$0x1FC00] =	vst v63  }
0xab: {  	_ = 	snop  }
0xac: {  	[tilespmem:s8], [sflag:$0x5] =	stream.indirect.gather [hbm4b:s4+s1], $0x80, s25, s1, $0xb8;
	[tilespmem:$0x1FC00] =	vst v63  }
0xad: {  	s26 =	simm.s32 $0xA0  }
0xae: {  	[tilespmem:s9], [sflag:$0x6] =	stream.indirect.gather [hbm4b:s4+s1], $0x80, s26, s1, $0xb8;
	[tilespmem:$0x1FC00] =	vst v63  }
0xaf: {  	s3 =	simm.s32 $0x0;
	s25 =	simm.s32 $0x600;
	s26 =	simm.s32 $0x160  }
.LBB2_2:
0xb0: {  	s22 =	sadd.s32 $0xFFFFFA00, s25  }
0xb1: {  	s23 =	sand.u32 $0xFE00, s22  }
0xb2: {  	_ =	swait.ge [sflag:s29], $0x1000;
	s22 =	sand.u32 $0x60, s3;
	s23 =	sshrl.u32 s23, $0x2  }
0xb3: {  	[sflag:s29] =	ssyncset.done $0x0;
	s23 =	sor.u32 s22, s23  }
0xb4: {  	p2 =	seq.s32 s25, $0x600;
	[sflag:s29] =	ssyncadd.s32 $0xFFFFF000;
	s23 =	sadd.s32 $0x2800, s23  }
0xb5: {  	[spmem:s2] =	stream.indirect.scatter.add.f32 [tilespmem:s0], [sflag:$0x8], $0x80, s23, s1, $0xb8;
	[tilespmem:$0x1FC00] =	vst v63  }
0xb6: {  	s7 =	sadd.s32 $0xFFFFFD00, s25;
	s23 =	simm.s32 @!p2 $0xE  }
0xb7: {  	s24 =	sadd.s32 $0xFFFFFF60, s26;
	s7 =	sand.u32 $0x1FE00, s7;
	_ =	swait.ge @!p2 [sflag:s23], $0x1000  }
0xb8: {  	s24 =	sand.u32 $0x60, s24;
	s7 =	sshrl.u32 s7, $0x2;
	[sflag:s23] =	ssyncset.done @!p2 $0x0  }
0xb9: {  	[sflag:s23] =	ssyncadd.s32 @!p2 $0xFFFFF000;
	s23 =	sor.u32 s24, s7;
	s7 =	sadd.s32 $0xFFFFFA80, s25  }
0xba: {  	[tilespmem:s10], [sflag:$0x7] =	stream.indirect.gather [hbm4b:s4+s1], $0x80, s23, s1, $0xb8;
	[tilespmem:$0x1FC00] =	vst v63  }
0xbb: {  	s24 =	sadd.s32 $0xFFFFFEC0, s26;
	s7 =	sand.u32 $0x1FE00, s7  }
0xbc: {  	s24 =	sand.u32 $0x60, s24;
	_ =	swait.ge [sflag:s30], $0x1000;
	s7 =	sshrl.u32 s7, $0x2  }
0xbd: {  	[sflag:s30] =	ssyncset.done $0x0;
	s7 =	sor.u32 s24, s7  }
0xbe: {  	[sflag:s30] =	ssyncadd.s32 $0xFFFFF000;
	s7 =	sadd.s32 $0x2800, s7  }
0xbf: {  	[spmem:s2] =	stream.indirect.scatter.add.f32 [tilespmem:s28], [sflag:$0x9], $0x80, s7, s1, $0xb8;
	[tilespmem:$0x1FC00] =	vst v63  }
0xc0: {  	s7 =	sadd.s32 $0xFFFFFD80, s25  }
0xc1: {  	s24 =	sadd.s32 $0xFFFFFF80, s26;
	_ =	swait.ge [sflag:s11], $0x1000;
	s7 =	sand.u32 $0x1FE00, s7  }
0xc2: {  	s24 =	sand.u32 $0x60, s24;
	[sflag:s11] =	ssyncset.done $0x0;
	s7 =	sshrl.u32 s7, $0x2  }
0xc3: {  	[sflag:s11] =	ssyncadd.s32 $0xFFFFF000;
	s7 =	sor.u32 s24, s7  }
0xc4: {  	[tilespmem:s0], [sflag:$0x1] =	stream.indirect.gather [hbm4b:s4+s1], $0x80, s7, s1, $0xb8;
	[tilespmem:$0x1FC00] =	vst v63  }
0xc5: {  	s7 =	sadd.s32 $0xFFFFFB00, s25  }
0xc6: {  	s24 =	sadd.s32 $0xFFFFFEE0, s26;
	s7 =	sand.u32 $0x1FE00, s7  }
0xc7: {  	s24 =	sand.u32 $0x60, s24;
	_ =	swait.ge [sflag:s31], $0x1000;
	s7 =	sshrl.u32 s7, $0x2  }
0xc8: {  	[sflag:s31] =	ssyncset.done $0x0;
	s7 =	sor.u32 s24, s7  }
0xc9: {  	[sflag:s31] =	ssyncadd.s32 $0xFFFFF000;
	s24 =	sadd.s32 $0xFFFFFE00, s25;
	s7 =	sadd.s32 $0x2800, s7  }
0xca: {  	[spmem:s2] =	stream.indirect.scatter.add.f32 [tilespmem:s5], [sflag:$0xA], $0x80, s7, s1, $0xb8;
	[tilespmem:$0x1FC00] =	vst v63  }
0xcb: {  	s7 =	sand.u32 $0x1FE00, s24;
	_ =	swait.ge [sflag:s12], $0x1000  }
0xcc: {  	s7 =	sshrl.u32 s7, $0x2;
	[sflag:s12] =	ssyncset.done $0x0  }
0xcd: {  	s7 =	sor.u32 s22, s7;
	[sflag:s12] =	ssyncadd.s32 $0xFFFFF000  }
0xce: {  	[tilespmem:s28], [sflag:$0x2] =	stream.indirect.gather [hbm4b:s4+s1], $0x80, s7, s1, $0xb8;
	[tilespmem:$0x1FC00] =	vst v63  }
0xcf: {  	s7 =	sadd.s32 $0xFFFFFB80, s25  }
0xd0: {  	s24 =	sadd.s32 $0xFFFFFF00, s26;
	s7 =	sand.u32 $0x1FE00, s7  }
0xd1: {  	s24 =	sand.u32 $0x60, s24;
	_ =	swait.ge [sflag:s13], $0x1000;
	s7 =	sshrl.u32 s7, $0x2  }
0xd2: {  	[sflag:s13] =	ssyncset.done $0x0;
	s7 =	sor.u32 s24, s7  }
0xd3: {  	[sflag:s13] =	ssyncadd.s32 $0xFFFFF000;
	s7 =	sadd.s32 $0x2800, s7  }
0xd4: {  	[spmem:s2] =	stream.indirect.scatter.add.f32 [tilespmem:s6], [sflag:$0xB], $0x80, s7, s1, $0xb8;
	[tilespmem:$0x1FC00] =	vst v63  }
0xd5: {  	s7 =	sadd.s32 $0xFFFFFE80, s25  }
0xd6: {  	s24 =	sadd.s32 $0xFFFFFFC0, s26;
	_ =	swait.ge [sflag:s15], $0x1000;
	s7 =	sand.u32 $0x1FE00, s7  }
0xd7: {  	s24 =	sand.u32 $0x60, s24;
	[sflag:s15] =	ssyncset.done $0x0;
	s7 =	sshrl.u32 s7, $0x2  }
0xd8: {  	[sflag:s15] =	ssyncadd.s32 $0xFFFFF000;
	s7 =	sor.u32 s24, s7;
	s24 =	sadd.s32 $0xFFFFFC00, s25  }
0xd9: {  	[tilespmem:s5], [sflag:$0x3] =	stream.indirect.gather [hbm4b:s4+s1], $0x80, s7, s1, $0xb8;
	[tilespmem:$0x1FC00] =	vst v63  }
0xda: {  	s7 =	sand.u32 $0x1FE00, s24  }
0xdb: {  	_ =	swait.ge [sflag:s16], $0x1000;
	s7 =	sshrl.u32 s7, $0x2  }
0xdc: {  	[sflag:s16] =	ssyncset.done $0x0;
	s7 =	sor.u32 s22, s7  }
0xdd: {  	[sflag:s16] =	ssyncadd.s32 $0xFFFFF000;
	s7 =	sadd.s32 $0x2800, s7  }
0xde: {  	[spmem:s2] =	stream.indirect.scatter.add.f32 [tilespmem:s8], [sflag:$0xC], $0x80, s7, s1, $0xb8;
	[tilespmem:$0x1FC00] =	vst v63  }
0xdf: {  	s7 =	sadd.s32 $0xFFFFFF00, s25  }
0xe0: {  	s24 =	sadd.s32 $0xFFFFFFE0, s26;
	_ =	swait.ge [sflag:s17], $0x1000;
	s7 =	sand.u32 $0x1FE00, s7  }
0xe1: {  	s24 =	sand.u32 $0x60, s24;
	[sflag:s17] =	ssyncset.done $0x0;
	s7 =	sshrl.u32 s7, $0x2  }
0xe2: {  	[sflag:s17] =	ssyncadd.s32 $0xFFFFF000;
	s7 =	sor.u32 s24, s7  }
0xe3: {  	[tilespmem:s6], [sflag:$0x4] =	stream.indirect.gather [hbm4b:s4+s1], $0x80, s7, s1, $0xb8;
	[tilespmem:$0x1FC00] =	vst v63  }
0xe4: {  	s7 =	sadd.s32 $0xFFFFFC80, s25  }
0xe5: {  	s24 =	sadd.s32 $0xFFFFFF40, s26;
	s7 =	sand.u32 $0x1FE00, s7  }
0xe6: {  	s24 =	sand.u32 $0x60, s24;
	_ =	swait.ge [sflag:s18], $0x1000;
	s7 =	sshrl.u32 s7, $0x2  }
0xe7: {  	[sflag:s18] =	ssyncset.done $0x0;
	s7 =	sor.u32 s24, s7  }
0xe8: {  	[sflag:s18] =	ssyncadd.s32 $0xFFFFF000;
	s24 =	sadd.s32 $0xFFFFFF80, s25;
	s7 =	sadd.s32 $0x2800, s7  }
0xe9: {  	[spmem:s2] =	stream.indirect.scatter.add.f32 [tilespmem:s9], [sflag:$0xD], $0x80, s7, s1, $0xb8;
	[tilespmem:$0x1FC00] =	vst v63  }
0xea: {  	s7 =	sand.u32 $0x1FE00, s24;
	_ =	swait.ge [sflag:s19], $0x1000  }
0xeb: {  	s24 =	sand.u32 $0x60, s26;
	s7 =	sshrl.u32 s7, $0x2;
	[sflag:s19] =	ssyncset.done $0x0  }
0xec: {  	s7 =	sor.u32 s24, s7;
	[sflag:s19] =	ssyncadd.s32 $0xFFFFF000  }
0xed: {  	[tilespmem:s8], [sflag:$0x5] =	stream.indirect.gather [hbm4b:s4+s1], $0x80, s7, s1, $0xb8;
	[tilespmem:$0x1FC00] =	vst v63  }
0xee: {  	_ =	swait.ge [sflag:s20], $0x1000  }
0xef: {  	p2 =	seq.s32 s25, $0xA000;
	[sflag:s20] =	ssyncset.done $0x0  }
.Ltmp2:
0xf0: {  	s24 =	sadd.s32 $0x2800, s23;
	[sflag:s20] =	ssyncadd.s32 $0xFFFFF000;
	(pc) =	sbr.rel @p2 .LBB2_4-.Ltmp2, $4  }
0xf1: {  	[spmem:s2] =	stream.indirect.scatter.add.f32 [tilespmem:s10], [sflag:$0xE], $0x80, s24, s1, $0xb8;
	[tilespmem:$0x1FC00] =	vst v63  }
0xf2: {  	_ =	swait.ge [sflag:s21], $0x1000  }
0xf3: {  	[sflag:s21] =	ssyncset.done $0x0  }
0xf4: {  	[sflag:s21] =	ssyncadd.s32 $0xFFFFF000  }
.Ltmp3:
0xf5: {  	(pc) =	sbr.rel .LBB2_2-.Ltmp3, $4  }
0xf6: {  	s7 =	sand.u32 $0x1FE00, s25  }
0xf7: {  	s25 =	sadd.s32 $0x380, s25;
	s7 =	sshrl.u32 s7, $0x2  }
0xf8: {  	s26 =	sadd.s32 $0xE0, s26;
	s3 =	sadd.s32 $0x60, s3;
	s7 =	sor.u32 s22, s7  }
0xf9: {  	[tilespmem:s9], [sflag:$0x6] =	stream.indirect.gather [hbm4b:s4+s1], $0x80, s7, s1, $0xb8;
	[tilespmem:$0x1FC00] =	vst v63  }
.LBB2_5:
0xfa: {  	_ =	sfence.sel $0x180000  }
0xfb: {  	[bflag:$0x0] =	sbarrier.arrive $0xFFFF  }
0xfc: {  	_ =	strace $0x9000004A  }
0xfd: {  	s0 =	stileid.u32;
	[bflag:$0x2] =	sbarrier.arrive $0xFFFF  }
0xfe: {  	p0 =	sne.s32 s0, $0x0;
	s0 =	rddreg [dreg:$0x3]  }
0xff: {  	s0 =	sadd.s32 @!p0 $0x100000, s0  }
0x100: {  	[sflag:s0] =	ssyncadd.tile.s32 @!p0 $0x1;
	_ =	shalt  }
.Lfunc_end2:
_tile_overlayer_lowered:
.L_overlay_start_2:
0x101: {  	(tag) =	ssettag $0x2  }
0x102: {  	s0 =	rddreg [dreg:$0x0];
	s2 =	stileid.u32  }
0x103: {  	s1 =	rddreg [dreg:$0x1];
	p0 =	sne.s32 s2, $0x0  }
0x104: {  	s3 =	rddreg [dreg:$0x2];
	[bflag:$0x3] =	sbarrier.arrive $0xFFFF;
	s2 =	simm.s32 @!p0 $0x1C0F  }
0x105: {  	[timem:s3], [sflag:s2] =	dma.local @!p0 [hbm:s0], s1  }
0x106: {  	s0 =	simm.s32 @!p0 $0xF  }
0x107: {  	_ =	swait.ge @!p0 [sflag:s0], s1  }
0x108: {  	s1 =	ssub.s32 @!p0 $0x0, s1;
	[sflag:s0] =	ssyncset.done @!p0 $0x0  }
0x109: {  	[sflag:s0] =	ssyncadd.s32 @!p0 s1  }
0x10a: {  	[bflag:$0x3] =	sbarrier.arrive $0xFFFF  }
0x10b: {  	_ =	shalt  }

</sc_bundles>
